<compile_context>
chip_gen: v7x
topology: tpu7x:2x2x1
jax: 0.10.2.dev20260603
libtpu: 0.0.44.dev20260713+nightly
codegen_flags: <defaults>
</compile_context>

<pallas_src>
import functools

import jax
import jax.numpy as jnp
from jax import lax
from jax.experimental import pallas as pl
from jax.experimental.pallas import tpu as pltpu
from jax.experimental.pallas import tpu_sc as plsc

_LANES = 16
_CHUNK = 32


def _retile_body(in_ref, out_ref):
    npc = in_ref.shape[0]
    v = out_ref.shape[1]
    for c2 in range(npc):
        x = in_ref[c2, 0, :, :]
        xt = jnp.transpose(x)
        n = min(128, v - c2 * 128)
        out_ref[0, c2 * 128:c2 * 128 + n, :] = xt[:n, :]


def _retile(x4, v, tt_full, t0, prev=None):
    npc, ttq, bb = x4.shape[0], x4.shape[1], x4.shape[2]
    out_shape = jax.ShapeDtypeStruct((tt_full, v, bb), jnp.float32)
    x4_spec = pl.BlockSpec((npc, 1, bb, 128), lambda tq: (0, tq, 0, 0))
    out_spec = pl.BlockSpec((1, v, bb), lambda tq: (t0 + tq, 0, 0))
    cost = pl.CostEstimate(
        flops=0, transcendentals=0,
        bytes_accessed=2 * npc * ttq * bb * 128 * 4)
    if prev is None:
        return pl.pallas_call(
            _retile_body,
            grid=(ttq,),
            in_specs=[x4_spec],
            out_specs=out_spec,
            out_shape=out_shape,
            cost_estimate=cost,
        )(x4)

    def body(_, in_ref, out_ref):
        _retile_body(in_ref, out_ref)

    return pl.pallas_call(
        body,
        grid=(ttq,),
        in_specs=[pl.BlockSpec(memory_space=pl.ANY), x4_spec],
        out_specs=out_spec,
        out_shape=out_shape,
        input_output_aliases={0: 0},
        cost_estimate=cost,
    )(prev, x4)


def _lse_body(table_ref, lse_ref):
    t = table_ref[...]
    m = jnp.max(t, axis=1, keepdims=True)
    s = jnp.sum(jnp.exp(t - m), axis=1, keepdims=True)
    lse_ref[...] = jnp.log(s) + m


def _row_lse(table):
    v = table.shape[0]
    return pl.pallas_call(
        _lse_body,
        out_shape=jax.ShapeDtypeStruct((v, 1), jnp.float32),
    )(table)


@functools.lru_cache(maxsize=None)
def _make_sc_kernel(nt, v, d, dp, nc, ns):
    nw = nc * ns
    per_w = nt // nw
    assert per_w * nw == nt
    n_chunks = per_w // _CHUNK
    assert n_chunks * _CHUNK == per_w and n_chunks % 2 == 0 and n_chunks >= 4
    npc = dp // 128

    mesh = plsc.VectorSubcoreMesh(core_axis_name="c", subcore_axis_name="s")

    @functools.partial(
        pl.kernel,
        mesh=mesh,
        compiler_params=pltpu.CompilerParams(use_tc_tiling_on_sc=False),
        out_type=[
            jax.ShapeDtypeStruct((npc * nt, 128), jnp.float32),
            jax.ShapeDtypeStruct((nw * _LANES,), jnp.float32),
        ],
        scratch_types=[
            pltpu.VMEM((per_w,), jnp.int32),
            pltpu.VMEM((per_w,), jnp.int32),
            pltpu.VMEM((per_w,), jnp.float32),
            pltpu.VMEM((per_w,), jnp.float32),
            pltpu.VMEM((_CHUNK, dp), jnp.float32),
            pltpu.VMEM((_CHUNK, dp), jnp.float32),
            pltpu.VMEM((_LANES,), jnp.float32),
            pltpu.SemaphoreType.DMA,
            pltpu.SemaphoreType.DMA,
            pltpu.SemaphoreType.DMA,
            pltpu.SemaphoreType.DMA,
            pltpu.SemaphoreType.DMA,
        ],
    )
    def sc_kernel(table_hbm, cat_hbm, idx_hbm, fidx_hbm,
                  out_hbm, part_hbm,
                  idx_v, fidx_v, picked_v, lsetok_v, buf0, buf1, acc_v,
                  gsem0, gsem1, osem0, osem1, psem):
        wid = lax.axis_index("s") * nc + lax.axis_index("c")
        base = wid * per_w
        pltpu.sync_copy(idx_hbm.at[pl.ds(base, per_w)], idx_v)
        pltpu.sync_copy(fidx_hbm.at[pl.ds(base, per_w)], fidx_v)

        def elem_gathers():
            for k in range(per_w // 128):
                s = pl.ds(k * 128, 128)
                yield pltpu.make_async_copy(
                    cat_hbm.at[fidx_v.at[s]], picked_v.at[s], psem)
                yield pltpu.make_async_copy(
                    cat_hbm.at[idx_v.at[s]], lsetok_v.at[s], psem)

        for eg in elem_gathers():
            eg.start()

        bufs = (buf0, buf1)
        gsems = (gsem0, gsem1)
        osems = (osem0, osem1)

        def gather(g, b):
            idx_slice = idx_v.at[pl.ds(g * _CHUNK, _CHUNK)]
            return pltpu.make_async_copy(
                table_hbm.at[idx_slice], bufs[b], gsems[b])

        def piece_copies(g, b):
            for c2 in range(npc):
                yield pltpu.make_async_copy(
                    bufs[b].at[:, pl.ds(c2 * 128, 128)],
                    out_hbm.at[pl.ds(c2 * nt + base + g * _CHUNK, _CHUNK)],
                    osems[b])

        def outcopy_start(g, b):
            for cp in piece_copies(g, b):
                cp.start()

        def outcopy_wait(g, b):
            for cp in piece_copies(g, b):
                cp.wait()

        gather(0, 0).start()
        gather(1, 1).start()

        def pair_body(p, carry):
            for b in range(2):
                g = 2 * p + b
                gather(g, b).wait()
                outcopy_start(g, b)

                @pl.when(g + 2 < n_chunks)
                def _():
                    outcopy_wait(g, b)
                    gather(g + 2, b).start()
            return carry

        lax.fori_loop(0, n_chunks // 2, pair_body, 0)
        outcopy_wait(n_chunks - 2, 0)
        outcopy_wait(n_chunks - 1, 1)

        for eg in elem_gathers():
            eg.wait()
        acc_v[...] = jnp.zeros((_LANES,), jnp.float32)

        def loss_body(i, carry):
            o = i * _LANES
            acc_v[...] = acc_v[...] + (
                lsetok_v[pl.ds(o, _LANES)] - picked_v[pl.ds(o, _LANES)])
            return carry

        lax.fori_loop(0, per_w // _LANES, loss_body, 0)
        pltpu.sync_copy(acc_v, part_hbm.at[pl.ds(wid * _LANES, _LANES)])

    return sc_kernel


def kernel(idx, targets, table):
    b, t = idx.shape
    v, d = table.shape
    nt = b * t
    dp = 1024
    lse = _row_lse(table).reshape(v)
    idx_f = jnp.transpose(idx).reshape(nt).astype(jnp.int32)
    fidx = v + idx_f * d + jnp.transpose(targets).reshape(nt).astype(
        jnp.int32)
    cat = jnp.concatenate([lse, table.reshape(v * d)])
    table_p = jnp.pad(table, ((0, 0), (0, dp - d)))
    info = plsc.get_sparse_core_info()
    nq = 2
    ntq = nt // nq
    ttq = t // nq
    sck = _make_sc_kernel(ntq, v, d, dp, info.num_cores, info.num_subcores)
    npc = dp // 128
    out_t = None
    loss_sum = 0.0
    for q in range(nq):
        pieces, parts = sck(table_p, cat, idx_f[q * ntq:(q + 1) * ntq],
                            fidx[q * ntq:(q + 1) * ntq])
        loss_sum = loss_sum + jnp.sum(parts)
        x4 = pieces.reshape(npc, ttq, b, 128)
        out_t = _retile(x4, v, t, q * ttq, prev=out_t)
    loss = loss_sum / nt
    return jnp.transpose(out_t, (2, 0, 1)), loss

# --- scband reference (transcript-rebuilt; emitter-appended) ---
"""Pipeline reference for scband-bigram-language-model-13503377179020 (READ-ONLY COPY).

The authoritative reference and input builder live on the scoring server;
editing this copy changes nothing except your own understanding.
"""

import jax, jax.numpy as jnp
import numpy as np

VOCAB = 1000
B = 1024
T = 200


def setup_inputs(seed: int = 0) -> dict:
    key = jax.random.key(seed)
    k1, k2, k3 = jax.random.split(key, 3)
    idx = jax.random.randint(k1, (B, T), 0, VOCAB)
    targets = jax.random.randint(k2, (B, T), 0, VOCAB)
    table = jax.random.normal(k3, (VOCAB, VOCAB), dtype=jnp.float32) * 0.02
    return {"idx": idx, "targets": targets, "table": table}


def reference(idx, targets, table):
    # logits = self.embeddings(idx)  -> gather rows of the vocab x vocab table
    logits = jnp.take(table, idx, axis=0)  # [B, T, VOCAB]
    Bv, Tv, C = logits.shape
    flat = logits.reshape(Bv * Tv, C)
    t = targets.reshape(Bv * Tv)
    # cross_entropy(flat, t) with mean reduction
    lse = jax.scipy.special.logsumexp(flat, axis=-1)
    picked = jnp.take_along_axis(flat, t[:, None], axis=1)[:, 0]
    loss = jnp.mean(lse - picked)
    return (logits, loss)

if __name__ == "__main__":
    import jax
    _d = setup_inputs()
    print(jax.jit(kernel)(*tuple(_d.values())))

</pallas_src>

<mosaic_0001>
#map = affine_map<(d0, d1) -> (0, 0)>
#map1 = affine_map<(d0, d1) -> (0)>
module attributes {stable_mosaic.version = 14 : i64} {
  func.func @sc_kernel(%arg0: i32, %arg1: i32, %arg2: memref<1000x1024xf32, #tpu.memory_space<hbm>>, %arg3: memref<1001000xf32, #tpu.memory_space<hbm>>, %arg4: memref<102400xi32, #tpu.memory_space<hbm>>, %arg5: memref<102400xi32, #tpu.memory_space<hbm>>, %arg6: memref<819200x128xf32, #tpu.memory_space<hbm>>, %arg7: memref<512xf32, #tpu.memory_space<hbm>>, %arg8: memref<3200xi32, #tpu.memory_space<vmem>>, %arg9: memref<3200xi32, #tpu.memory_space<vmem>>, %arg10: memref<3200xf32, #tpu.memory_space<vmem>>, %arg11: memref<3200xf32, #tpu.memory_space<vmem>>, %arg12: memref<32x1024xf32, #tpu.memory_space<vmem>>, %arg13: memref<32x1024xf32, #tpu.memory_space<vmem>>, %arg14: memref<16xf32, #tpu.memory_space<vmem>>, %arg15: memref<!tpu.dma_semaphore, #tpu.memory_space<semaphore_mem>>, %arg16: memref<!tpu.dma_semaphore, #tpu.memory_space<semaphore_mem>>, %arg17: memref<!tpu.dma_semaphore, #tpu.memory_space<semaphore_mem>>, %arg18: memref<!tpu.dma_semaphore, #tpu.memory_space<semaphore_mem>>, %arg19: memref<!tpu.dma_semaphore, #tpu.memory_space<semaphore_mem>>) attributes {dimension_semantics = [#tpu.dimension_semantics<core_parallel>, #tpu.dimension_semantics<subcore_parallel>], iteration_bounds = array<i64: 2, 16>, scalar_prefetch = 0 : i64, scratch_operands = 12 : i64, tpu.core_type = #tpu.core_type<sc_vector_subcore>, window_params = [{transform_indices = #map}, {transform_indices = #map1}, {transform_indices = #map1}, {transform_indices = #map1}, {transform_indices = #map}, {transform_indices = #map1}]} {
    %mul3A = arith.constant 2 : i32
    %mul3A_0 = arith.muli %arg1, %mul3A : i32
    %add3A = arith.addi %mul3A_0, %arg0 : i32
    %mul3A_1 = arith.constant 3200 : i32
    %mul3A_2 = arith.muli %add3A, %mul3A_1 : i32
    "tpu.region"() ({
      %run_scoped3A = tpu.sem_alloc : memref<!tpu.dma_semaphore, #tpu.memory_space<semaphore_mem>>
      %dma_start3A_852 = tpu.memref_slice %arg4[%mul3A_2] : memref<102400xi32, #tpu.memory_space<hbm>> -> memref<3200xi32, #tpu.memory_space<hbm>>
      %dma_start3A_853 = tpu.memref_slice %arg4[%mul3A_2] : memref<102400xi32, #tpu.memory_space<hbm>> -> memref<3200xi32, #tpu.memory_space<hbm>>
      tpu.enqueue_dma source(%dma_start3A_853 : memref<3200xi32, #tpu.memory_space<hbm>>) target(%arg8 : memref<3200xi32, #tpu.memory_space<vmem>>) target_semaphore(%run_scoped3A : memref<!tpu.dma_semaphore, #tpu.memory_space<semaphore_mem>>)
      %dma_wait3A_854 = tpu.memref_slice %arg4[%mul3A_2] : memref<102400xi32, #tpu.memory_space<hbm>> -> memref<3200xi32, #tpu.memory_space<hbm>>
      %dma_wait3A_855 = tpu.memref_slice %arg4[%mul3A_2] : memref<102400xi32, #tpu.memory_space<hbm>> -> memref<3200xi32, #tpu.memory_space<hbm>>
      tpu.wait_dma2 semaphore(%run_scoped3A : memref<!tpu.dma_semaphore, #tpu.memory_space<semaphore_mem>>) src(%dma_wait3A_855 : memref<3200xi32, #tpu.memory_space<hbm>>) dst(%arg8 : memref<3200xi32, #tpu.memory_space<vmem>>)
      tpu.yield
    }) : () -> ()
    "tpu.region"() ({
      %run_scoped3A = tpu.sem_alloc : memref<!tpu.dma_semaphore, #tpu.memory_space<semaphore_mem>>
      %dma_start3A_852 = tpu.memref_slice %arg5[%mul3A_2] : memref<102400xi32, #tpu.memory_space<hbm>> -> memref<3200xi32, #tpu.memory_space<hbm>>
      %dma_start3A_853 = tpu.memref_slice %arg5[%mul3A_2] : memref<102400xi32, #tpu.memory_space<hbm>> -> memref<3200xi32, #tpu.memory_space<hbm>>
      tpu.enqueue_dma source(%dma_start3A_853 : memref<3200xi32, #tpu.memory_space<hbm>>) target(%arg9 : memref<3200xi32, #tpu.memory_space<vmem>>) target_semaphore(%run_scoped3A : memref<!tpu.dma_semaphore, #tpu.memory_space<semaphore_mem>>)
      %dma_wait3A_854 = tpu.memref_slice %arg5[%mul3A_2] : memref<102400xi32, #tpu.memory_space<hbm>> -> memref<3200xi32, #tpu.memory_space<hbm>>
      %dma_wait3A_855 = tpu.memref_slice %arg5[%mul3A_2] : memref<102400xi32, #tpu.memory_space<hbm>> -> memref<3200xi32, #tpu.memory_space<hbm>>
      tpu.wait_dma2 semaphore(%run_scoped3A : memref<!tpu.dma_semaphore, #tpu.memory_space<semaphore_mem>>) src(%dma_wait3A_855 : memref<3200xi32, #tpu.memory_space<hbm>>) dst(%arg9 : memref<3200xi32, #tpu.memory_space<vmem>>)
      tpu.yield
    }) : () -> ()
    %dma_start3A = arith.constant 0 : i32
    %dma_start3A_3 = tpu.memref_slice %arg10[%dma_start3A] : memref<3200xf32, #tpu.memory_space<vmem>> -> memref<128xf32, #tpu.memory_space<vmem>>
    %dma_start3A_4 = arith.constant 0 : i32
    %dma_start3A_5 = tpu.memref_slice %arg9[%dma_start3A_4] : memref<3200xi32, #tpu.memory_space<vmem>> -> memref<128xi32, #tpu.memory_space<vmem>>
    %dma_start3A_6 = arith.constant 0 : i32
    %dma_start3A_7 = tpu.memref_slice %arg3[%dma_start3A_6] : memref<1001000xf32, #tpu.memory_space<hbm>> -> memref<1001000xf32, #tpu.memory_space<hbm>>
    tpu.enqueue_indirect_dma source(%dma_start3A_7 : memref<1001000xf32, #tpu.memory_space<hbm>>) target(%dma_start3A_3 : memref<128xf32, #tpu.memory_space<vmem>>) offsets(%dma_start3A_5 : memref<128xi32, #tpu.memory_space<vmem>>) semaphore(%arg19 : memref<!tpu.dma_semaphore, #tpu.memory_space<semaphore_mem>>)
    %dma_start3A_8 = arith.constant 0 : i32
    %dma_start3A_9 = tpu.memref_slice %arg11[%dma_start3A_8] : memref<3200xf32, #tpu.memory_space<vmem>> -> memref<128xf32, #tpu.memory_space<vmem>>
    %dma_start3A_10 = arith.constant 0 : i32
    %dma_start3A_11 = tpu.memref_slice %arg8[%dma_start3A_10] : memref<3200xi32, #tpu.memory_space<vmem>> -> memref<128xi32, #tpu.memory_space<vmem>>
    %dma_start3A_12 = arith.constant 0 : i32
    %dma_start3A_13 = tpu.memref_slice %arg3[%dma_start3A_12] : memref<1001000xf32, #tpu.memory_space<hbm>> -> memref<1001000xf32, #tpu.memory_space<hbm>>
    tpu.enqueue_indirect_dma source(%dma_start3A_13 : memref<1001000xf32, #tpu.memory_space<hbm>>) target(%dma_start3A_9 : memref<128xf32, #tpu.memory_space<vmem>>) offsets(%dma_start3A_11 : memref<128xi32, #tpu.memory_space<vmem>>) semaphore(%arg19 : memref<!tpu.dma_semaphore, #tpu.memory_space<semaphore_mem>>)
    %dma_start3A_14 = arith.constant 128 : i32
    %dma_start3A_15 = tpu.memref_slice %arg10[%dma_start3A_14] : memref<3200xf32, #tpu.memory_space<vmem>> -> memref<128xf32, #tpu.memory_space<vmem>>
    %dma_start3A_16 = arith.constant 128 : i32
    %dma_start3A_17 = tpu.memref_slice %arg9[%dma_start3A_16] : memref<3200xi32, #tpu.memory_space<vmem>> -> memref<128xi32, #tpu.memory_space<vmem>>
    %dma_start3A_18 = arith.constant 0 : i32
    %dma_start3A_19 = tpu.memref_slice %arg3[%dma_start3A_18] : memref<1001000xf32, #tpu.memory_space<hbm>> -> memref<1001000xf32, #tpu.memory_space<hbm>>
    tpu.enqueue_indirect_dma source(%dma_start3A_19 : memref<1001000xf32, #tpu.memory_space<hbm>>) target(%dma_start3A_15 : memref<128xf32, #tpu.memory_space<vmem>>) offsets(%dma_start3A_17 : memref<128xi32, #tpu.memory_space<vmem>>) semaphore(%arg19 : memref<!tpu.dma_semaphore, #tpu.memory_space<semaphore_mem>>)
    %dma_start3A_20 = arith.constant 128 : i32
    %dma_start3A_21 = tpu.memref_slice %arg11[%dma_start3A_20] : memref<3200xf32, #tpu.memory_space<vmem>> -> memref<128xf32, #tpu.memory_space<vmem>>
    %dma_start3A_22 = arith.constant 128 : i32
    %dma_start3A_23 = tpu.memref_slice %arg8[%dma_start3A_22] : memref<3200xi32, #tpu.memory_space<vmem>> -> memref<128xi32, #tpu.memory_space<vmem>>
    %dma_start3A_24 = arith.constant 0 : i32
    %dma_start3A_25 = tpu.memref_slice %arg3[%dma_start3A_24] : memref<1001000xf32, #tpu.memory_space<hbm>> -> memref<1001000xf32, #tpu.memory_space<hbm>>
    tpu.enqueue_indirect_dma source(%dma_start3A_25 : memref<1001000xf32, #tpu.memory_space<hbm>>) target(%dma_start3A_21 : memref<128xf32, #tpu.memory_space<vmem>>) offsets(%dma_start3A_23 : memref<128xi32, #tpu.memory_space<vmem>>) semaphore(%arg19 : memref<!tpu.dma_semaphore, #tpu.memory_space<semaphore_mem>>)
    %dma_start3A_26 = arith.constant 256 : i32
    %dma_start3A_27 = tpu.memref_slice %arg10[%dma_start3A_26] : memref<3200xf32, #tpu.memory_space<vmem>> -> memref<128xf32, #tpu.memory_space<vmem>>
    %dma_start3A_28 = arith.constant 256 : i32
    %dma_start3A_29 = tpu.memref_slice %arg9[%dma_start3A_28] : memref<3200xi32, #tpu.memory_space<vmem>> -> memref<128xi32, #tpu.memory_space<vmem>>
    %dma_start3A_30 = arith.constant 0 : i32
    %dma_start3A_31 = tpu.memref_slice %arg3[%dma_start3A_30] : memref<1001000xf32, #tpu.memory_space<hbm>> -> memref<1001000xf32, #tpu.memory_space<hbm>>
    tpu.enqueue_indirect_dma source(%dma_start3A_31 : memref<1001000xf32, #tpu.memory_space<hbm>>) target(%dma_start3A_27 : memref<128xf32, #tpu.memory_space<vmem>>) offsets(%dma_start3A_29 : memref<128xi32, #tpu.memory_space<vmem>>) semaphore(%arg19 : memref<!tpu.dma_semaphore, #tpu.memory_space<semaphore_mem>>)
    %dma_start3A_32 = arith.constant 256 : i32
    %dma_start3A_33 = tpu.memref_slice %arg11[%dma_start3A_32] : memref<3200xf32, #tpu.memory_space<vmem>> -> memref<128xf32, #tpu.memory_space<vmem>>
    %dma_start3A_34 = arith.constant 256 : i32
    %dma_start3A_35 = tpu.memref_slice %arg8[%dma_start3A_34] : memref<3200xi32, #tpu.memory_space<vmem>> -> memref<128xi32, #tpu.memory_space<vmem>>
    %dma_start3A_36 = arith.constant 0 : i32
    %dma_start3A_37 = tpu.memref_slice %arg3[%dma_start3A_36] : memref<1001000xf32, #tpu.memory_space<hbm>> -> memref<1001000xf32, #tpu.memory_space<hbm>>
    tpu.enqueue_indirect_dma source(%dma_start3A_37 : memref<1001000xf32, #tpu.memory_space<hbm>>) target(%dma_start3A_33 : memref<128xf32, #tpu.memory_space<vmem>>) offsets(%dma_start3A_35 : memref<128xi32, #tpu.memory_space<vmem>>) semaphore(%arg19 : memref<!tpu.dma_semaphore, #tpu.memory_space<semaphore_mem>>)
    %dma_start3A_38 = arith.constant 384 : i32
    %dma_start3A_39 = tpu.memref_slice %arg10[%dma_start3A_38] : memref<3200xf32, #tpu.memory_space<vmem>> -> memref<128xf32, #tpu.memory_space<vmem>>
    %dma_start3A_40 = arith.constant 384 : i32
    %dma_start3A_41 = tpu.memref_slice %arg9[%dma_start3A_40] : memref<3200xi32, #tpu.memory_space<vmem>> -> memref<128xi32, #tpu.memory_space<vmem>>
    %dma_start3A_42 = arith.constant 0 : i32
    %dma_start3A_43 = tpu.memref_slice %arg3[%dma_start3A_42] : memref<1001000xf32, #tpu.memory_space<hbm>> -> memref<1001000xf32, #tpu.memory_space<hbm>>
    tpu.enqueue_indirect_dma source(%dma_start3A_43 : memref<1001000xf32, #tpu.memory_space<hbm>>) target(%dma_start3A_39 : memref<128xf32, #tpu.memory_space<vmem>>) offsets(%dma_start3A_41 : memref<128xi32, #tpu.memory_space<vmem>>) semaphore(%arg19 : memref<!tpu.dma_semaphore, #tpu.memory_space<semaphore_mem>>)
    %dma_start3A_44 = arith.constant 384 : i32
    %dma_start3A_45 = tpu.memref_slice %arg11[%dma_start3A_44] : memref<3200xf32, #tpu.memory_space<vmem>> -> memref<128xf32, #tpu.memory_space<vmem>>
    %dma_start3A_46 = arith.constant 384 : i32
    %dma_start3A_47 = tpu.memref_slice %arg8[%dma_start3A_46] : memref<3200xi32, #tpu.memory_space<vmem>> -> memref<128xi32, #tpu.memory_space<vmem>>
    %dma_start3A_48 = arith.constant 0 : i32
    %dma_start3A_49 = tpu.memref_slice %arg3[%dma_start3A_48] : memref<1001000xf32, #tpu.memory_space<hbm>> -> memref<1001000xf32, #tpu.memory_space<hbm>>
    tpu.enqueue_indirect_dma source(%dma_start3A_49 : memref<1001000xf32, #tpu.memory_space<hbm>>) target(%dma_start3A_45 : memref<128xf32, #tpu.memory_space<vmem>>) offsets(%dma_start3A_47 : memref<128xi32, #tpu.memory_space<vmem>>) semaphore(%arg19 : memref<!tpu.dma_semaphore, #tpu.memory_space<semaphore_mem>>)
    %dma_start3A_50 = arith.constant 512 : i32
    %dma_start3A_51 = tpu.memref_slice %arg10[%dma_start3A_50] : memref<3200xf32, #tpu.memory_space<vmem>> -> memref<128xf32, #tpu.memory_space<vmem>>
    %dma_start3A_52 = arith.constant 512 : i32
    %dma_start3A_53 = tpu.memref_slice %arg9[%dma_start3A_52] : memref<3200xi32, #tpu.memory_space<vmem>> -> memref<128xi32, #tpu.memory_space<vmem>>
    %dma_start3A_54 = arith.constant 0 : i32
    %dma_start3A_55 = tpu.memref_slice %arg3[%dma_start3A_54] : memref<1001000xf32, #tpu.memory_space<hbm>> -> memref<1001000xf32, #tpu.memory_space<hbm>>
    tpu.enqueue_indirect_dma source(%dma_start3A_55 : memref<1001000xf32, #tpu.memory_space<hbm>>) target(%dma_start3A_51 : memref<128xf32, #tpu.memory_space<vmem>>) offsets(%dma_start3A_53 : memref<128xi32, #tpu.memory_space<vmem>>) semaphore(%arg19 : memref<!tpu.dma_semaphore, #tpu.memory_space<semaphore_mem>>)
    %dma_start3A_56 = arith.constant 512 : i32
    %dma_start3A_57 = tpu.memref_slice %arg11[%dma_start3A_56] : memref<3200xf32, #tpu.memory_space<vmem>> -> memref<128xf32, #tpu.memory_space<vmem>>
    %dma_start3A_58 = arith.constant 512 : i32
    %dma_start3A_59 = tpu.memref_slice %arg8[%dma_start3A_58] : memref<3200xi32, #tpu.memory_space<vmem>> -> memref<128xi32, #tpu.memory_space<vmem>>
    %dma_start3A_60 = arith.constant 0 : i32
    %dma_start3A_61 = tpu.memref_slice %arg3[%dma_start3A_60] : memref<1001000xf32, #tpu.memory_space<hbm>> -> memref<1001000xf32, #tpu.memory_space<hbm>>
    tpu.enqueue_indirect_dma source(%dma_start3A_61 : memref<1001000xf32, #tpu.memory_space<hbm>>) target(%dma_start3A_57 : memref<128xf32, #tpu.memory_space<vmem>>) offsets(%dma_start3A_59 : memref<128xi32, #tpu.memory_space<vmem>>) semaphore(%arg19 : memref<!tpu.dma_semaphore, #tpu.memory_space<semaphore_mem>>)
    %dma_start3A_62 = arith.constant 640 : i32
    %dma_start3A_63 = tpu.memref_slice %arg10[%dma_start3A_62] : memref<3200xf32, #tpu.memory_space<vmem>> -> memref<128xf32, #tpu.memory_space<vmem>>
    %dma_start3A_64 = arith.constant 640 : i32
    %dma_start3A_65 = tpu.memref_slice %arg9[%dma_start3A_64] : memref<3200xi32, #tpu.memory_space<vmem>> -> memref<128xi32, #tpu.memory_space<vmem>>
    %dma_start3A_66 = arith.constant 0 : i32
    %dma_start3A_67 = tpu.memref_slice %arg3[%dma_start3A_66] : memref<1001000xf32, #tpu.memory_space<hbm>> -> memref<1001000xf32, #tpu.memory_space<hbm>>
    tpu.enqueue_indirect_dma source(%dma_start3A_67 : memref<1001000xf32, #tpu.memory_space<hbm>>) target(%dma_start3A_63 : memref<128xf32, #tpu.memory_space<vmem>>) offsets(%dma_start3A_65 : memref<128xi32, #tpu.memory_space<vmem>>) semaphore(%arg19 : memref<!tpu.dma_semaphore, #tpu.memory_space<semaphore_mem>>)
    %dma_start3A_68 = arith.constant 640 : i32
    %dma_start3A_69 = tpu.memref_slice %arg11[%dma_start3A_68] : memref<3200xf32, #tpu.memory_space<vmem>> -> memref<128xf32, #tpu.memory_space<vmem>>
    %dma_start3A_70 = arith.constant 640 : i32
    %dma_start3A_71 = tpu.memref_slice %arg8[%dma_start3A_70] : memref<3200xi32, #tpu.memory_space<vmem>> -> memref<128xi32, #tpu.memory_space<vmem>>
    %dma_start3A_72 = arith.constant 0 : i32
    %dma_start3A_73 = tpu.memref_slice %arg3[%dma_start3A_72] : memref<1001000xf32, #tpu.memory_space<hbm>> -> memref<1001000xf32, #tpu.memory_space<hbm>>
    tpu.enqueue_indirect_dma source(%dma_start3A_73 : memref<1001000xf32, #tpu.memory_space<hbm>>) target(%dma_start3A_69 : memref<128xf32, #tpu.memory_space<vmem>>) offsets(%dma_start3A_71 : memref<128xi32, #tpu.memory_space<vmem>>) semaphore(%arg19 : memref<!tpu.dma_semaphore, #tpu.memory_space<semaphore_mem>>)
    %dma_start3A_74 = arith.constant 768 : i32
    %dma_start3A_75 = tpu.memref_slice %arg10[%dma_start3A_74] : memref<3200xf32, #tpu.memory_space<vmem>> -> memref<128xf32, #tpu.memory_space<vmem>>
    %dma_start3A_76 = arith.constant 768 : i32
    %dma_start3A_77 = tpu.memref_slice %arg9[%dma_start3A_76] : memref<3200xi32, #tpu.memory_space<vmem>> -> memref<128xi32, #tpu.memory_space<vmem>>
    %dma_start3A_78 = arith.constant 0 : i32
    %dma_start3A_79 = tpu.memref_slice %arg3[%dma_start3A_78] : memref<1001000xf32, #tpu.memory_space<hbm>> -> memref<1001000xf32, #tpu.memory_space<hbm>>
    tpu.enqueue_indirect_dma source(%dma_start3A_79 : memref<1001000xf32, #tpu.memory_space<hbm>>) target(%dma_start3A_75 : memref<128xf32, #tpu.memory_space<vmem>>) offsets(%dma_start3A_77 : memref<128xi32, #tpu.memory_space<vmem>>) semaphore(%arg19 : memref<!tpu.dma_semaphore, #tpu.memory_space<semaphore_mem>>)
    %dma_start3A_80 = arith.constant 768 : i32
    %dma_start3A_81 = tpu.memref_slice %arg11[%dma_start3A_80] : memref<3200xf32, #tpu.memory_space<vmem>> -> memref<128xf32, #tpu.memory_space<vmem>>
    %dma_start3A_82 = arith.constant 768 : i32
    %dma_start3A_83 = tpu.memref_slice %arg8[%dma_start3A_82] : memref<3200xi32, #tpu.memory_space<vmem>> -> memref<128xi32, #tpu.memory_space<vmem>>
    %dma_start3A_84 = arith.constant 0 : i32
    %dma_start3A_85 = tpu.memref_slice %arg3[%dma_start3A_84] : memref<1001000xf32, #tpu.memory_space<hbm>> -> memref<1001000xf32, #tpu.memory_space<hbm>>
    tpu.enqueue_indirect_dma source(%dma_start3A_85 : memref<1001000xf32, #tpu.memory_space<hbm>>) target(%dma_start3A_81 : memref<128xf32, #tpu.memory_space<vmem>>) offsets(%dma_start3A_83 : memref<128xi32, #tpu.memory_space<vmem>>) semaphore(%arg19 : memref<!tpu.dma_semaphore, #tpu.memory_space<semaphore_mem>>)
    %dma_start3A_86 = arith.constant 896 : i32
    %dma_start3A_87 = tpu.memref_slice %arg10[%dma_start3A_86] : memref<3200xf32, #tpu.memory_space<vmem>> -> memref<128xf32, #tpu.memory_space<vmem>>
    %dma_start3A_88 = arith.constant 896 : i32
    %dma_start3A_89 = tpu.memref_slice %arg9[%dma_start3A_88] : memref<3200xi32, #tpu.memory_space<vmem>> -> memref<128xi32, #tpu.memory_space<vmem>>
    %dma_start3A_90 = arith.constant 0 : i32
    %dma_start3A_91 = tpu.memref_slice %arg3[%dma_start3A_90] : memref<1001000xf32, #tpu.memory_space<hbm>> -> memref<1001000xf32, #tpu.memory_space<hbm>>
    tpu.enqueue_indirect_dma source(%dma_start3A_91 : memref<1001000xf32, #tpu.memory_space<hbm>>) target(%dma_start3A_87 : memref<128xf32, #tpu.memory_space<vmem>>) offsets(%dma_start3A_89 : memref<128xi32, #tpu.memory_space<vmem>>) semaphore(%arg19 : memref<!tpu.dma_semaphore, #tpu.memory_space<semaphore_mem>>)
    %dma_start3A_92 = arith.constant 896 : i32
    %dma_start3A_93 = tpu.memref_slice %arg11[%dma_start3A_92] : memref<3200xf32, #tpu.memory_space<vmem>> -> memref<128xf32, #tpu.memory_space<vmem>>
    %dma_start3A_94 = arith.constant 896 : i32
    %dma_start3A_95 = tpu.memref_slice %arg8[%dma_start3A_94] : memref<3200xi32, #tpu.memory_space<vmem>> -> memref<128xi32, #tpu.memory_space<vmem>>
    %dma_start3A_96 = arith.constant 0 : i32
    %dma_start3A_97 = tpu.memref_slice %arg3[%dma_start3A_96] : memref<1001000xf32, #tpu.memory_space<hbm>> -> memref<1001000xf32, #tpu.memory_space<hbm>>
    tpu.enqueue_indirect_dma source(%dma_start3A_97 : memref<1001000xf32, #tpu.memory_space<hbm>>) target(%dma_start3A_93 : memref<128xf32, #tpu.memory_space<vmem>>) offsets(%dma_start3A_95 : memref<128xi32, #tpu.memory_space<vmem>>) semaphore(%arg19 : memref<!tpu.dma_semaphore, #tpu.memory_space<semaphore_mem>>)
    %dma_start3A_98 = arith.constant 1024 : i32
    %dma_start3A_99 = tpu.memref_slice %arg10[%dma_start3A_98] : memref<3200xf32, #tpu.memory_space<vmem>> -> memref<128xf32, #tpu.memory_space<vmem>>
    %dma_start3A_100 = arith.constant 1024 : i32
    %dma_start3A_101 = tpu.memref_slice %arg9[%dma_start3A_100] : memref<3200xi32, #tpu.memory_space<vmem>> -> memref<128xi32, #tpu.memory_space<vmem>>
    %dma_start3A_102 = arith.constant 0 : i32
    %dma_start3A_103 = tpu.memref_slice %arg3[%dma_start3A_102] : memref<1001000xf32, #tpu.memory_space<hbm>> -> memref<1001000xf32, #tpu.memory_space<hbm>>
    tpu.enqueue_indirect_dma source(%dma_start3A_103 : memref<1001000xf32, #tpu.memory_space<hbm>>) target(%dma_start3A_99 : memref<128xf32, #tpu.memory_space<vmem>>) offsets(%dma_start3A_101 : memref<128xi32, #tpu.memory_space<vmem>>) semaphore(%arg19 : memref<!tpu.dma_semaphore, #tpu.memory_space<semaphore_mem>>)
    %dma_start3A_104 = arith.constant 1024 : i32
    %dma_start3A_105 = tpu.memref_slice %arg11[%dma_start3A_104] : memref<3200xf32, #tpu.memory_space<vmem>> -> memref<128xf32, #tpu.memory_space<vmem>>
    %dma_start3A_106 = arith.constant 1024 : i32
    %dma_start3A_107 = tpu.memref_slice %arg8[%dma_start3A_106] : memref<3200xi32, #tpu.memory_space<vmem>> -> memref<128xi32, #tpu.memory_space<vmem>>
    %dma_start3A_108 = arith.constant 0 : i32
    %dma_start3A_109 = tpu.memref_slice %arg3[%dma_start3A_108] : memref<1001000xf32, #tpu.memory_space<hbm>> -> memref<1001000xf32, #tpu.memory_space<hbm>>
    tpu.enqueue_indirect_dma source(%dma_start3A_109 : memref<1001000xf32, #tpu.memory_space<hbm>>) target(%dma_start3A_105 : memref<128xf32, #tpu.memory_space<vmem>>) offsets(%dma_start3A_107 : memref<128xi32, #tpu.memory_space<vmem>>) semaphore(%arg19 : memref<!tpu.dma_semaphore, #tpu.memory_space<semaphore_mem>>)
    %dma_start3A_110 = arith.constant 1152 : i32
    %dma_start3A_111 = tpu.memref_slice %arg10[%dma_start3A_110] : memref<3200xf32, #tpu.memory_space<vmem>> -> memref<128xf32, #tpu.memory_space<vmem>>
    %dma_start3A_112 = arith.constant 1152 : i32
    %dma_start3A_113 = tpu.memref_slice %arg9[%dma_start3A_112] : memref<3200xi32, #tpu.memory_space<vmem>> -> memref<128xi32, #tpu.memory_space<vmem>>
    %dma_start3A_114 = arith.constant 0 : i32
    %dma_start3A_115 = tpu.memref_slice %arg3[%dma_start3A_114] : memref<1001000xf32, #tpu.memory_space<hbm>> -> memref<1001000xf32, #tpu.memory_space<hbm>>
    tpu.enqueue_indirect_dma source(%dma_start3A_115 : memref<1001000xf32, #tpu.memory_space<hbm>>) target(%dma_start3A_111 : memref<128xf32, #tpu.memory_space<vmem>>) offsets(%dma_start3A_113 : memref<128xi32, #tpu.memory_space<vmem>>) semaphore(%arg19 : memref<!tpu.dma_semaphore, #tpu.memory_space<semaphore_mem>>)
    %dma_start3A_116 = arith.constant 1152 : i32
    %dma_start3A_117 = tpu.memref_slice %arg11[%dma_start3A_116] : memref<3200xf32, #tpu.memory_space<vmem>> -> memref<128xf32, #tpu.memory_space<vmem>>
    %dma_start3A_118 = arith.constant 1152 : i32
    %dma_start3A_119 = tpu.memref_slice %arg8[%dma_start3A_118] : memref<3200xi32, #tpu.memory_space<vmem>> -> memref<128xi32, #tpu.memory_space<vmem>>
    %dma_start3A_120 = arith.constant 0 : i32
    %dma_start3A_121 = tpu.memref_slice %arg3[%dma_start3A_120] : memref<1001000xf32, #tpu.memory_space<hbm>> -> memref<1001000xf32, #tpu.memory_space<hbm>>
    tpu.enqueue_indirect_dma source(%dma_start3A_121 : memref<1001000xf32, #tpu.memory_space<hbm>>) target(%dma_start3A_117 : memref<128xf32, #tpu.memory_space<vmem>>) offsets(%dma_start3A_119 : memref<128xi32, #tpu.memory_space<vmem>>) semaphore(%arg19 : memref<!tpu.dma_semaphore, #tpu.memory_space<semaphore_mem>>)
    %dma_start3A_122 = arith.constant 1280 : i32
    %dma_start3A_123 = tpu.memref_slice %arg10[%dma_start3A_122] : memref<3200xf32, #tpu.memory_space<vmem>> -> memref<128xf32, #tpu.memory_space<vmem>>
    %dma_start3A_124 = arith.constant 1280 : i32
    %dma_start3A_125 = tpu.memref_slice %arg9[%dma_start3A_124] : memref<3200xi32, #tpu.memory_space<vmem>> -> memref<128xi32, #tpu.memory_space<vmem>>
    %dma_start3A_126 = arith.constant 0 : i32
    %dma_start3A_127 = tpu.memref_slice %arg3[%dma_start3A_126] : memref<1001000xf32, #tpu.memory_space<hbm>> -> memref<1001000xf32, #tpu.memory_space<hbm>>
    tpu.enqueue_indirect_dma source(%dma_start3A_127 : memref<1001000xf32, #tpu.memory_space<hbm>>) target(%dma_start3A_123 : memref<128xf32, #tpu.memory_space<vmem>>) offsets(%dma_start3A_125 : memref<128xi32, #tpu.memory_space<vmem>>) semaphore(%arg19 : memref<!tpu.dma_semaphore, #tpu.memory_space<semaphore_mem>>)
    %dma_start3A_128 = arith.constant 1280 : i32
    %dma_start3A_129 = tpu.memref_slice %arg11[%dma_start3A_128] : memref<3200xf32, #tpu.memory_space<vmem>> -> memref<128xf32, #tpu.memory_space<vmem>>
    %dma_start3A_130 = arith.constant 1280 : i32
    %dma_start3A_131 = tpu.memref_slice %arg8[%dma_start3A_130] : memref<3200xi32, #tpu.memory_space<vmem>> -> memref<128xi32, #tpu.memory_space<vmem>>
    %dma_start3A_132 = arith.constant 0 : i32
    %dma_start3A_133 = tpu.memref_slice %arg3[%dma_start3A_132] : memref<1001000xf32, #tpu.memory_space<hbm>> -> memref<1001000xf32, #tpu.memory_space<hbm>>
    tpu.enqueue_indirect_dma source(%dma_start3A_133 : memref<1001000xf32, #tpu.memory_space<hbm>>) target(%dma_start3A_129 : memref<128xf32, #tpu.memory_space<vmem>>) offsets(%dma_start3A_131 : memref<128xi32, #tpu.memory_space<vmem>>) semaphore(%arg19 : memref<!tpu.dma_semaphore, #tpu.memory_space<semaphore_mem>>)
    %dma_start3A_134 = arith.constant 1408 : i32
    %dma_start3A_135 = tpu.memref_slice %arg10[%dma_start3A_134] : memref<3200xf32, #tpu.memory_space<vmem>> -> memref<128xf32, #tpu.memory_space<vmem>>
    %dma_start3A_136 = arith.constant 1408 : i32
    %dma_start3A_137 = tpu.memref_slice %arg9[%dma_start3A_136] : memref<3200xi32, #tpu.memory_space<vmem>> -> memref<128xi32, #tpu.memory_space<vmem>>
    %dma_start3A_138 = arith.constant 0 : i32
    %dma_start3A_139 = tpu.memref_slice %arg3[%dma_start3A_138] : memref<1001000xf32, #tpu.memory_space<hbm>> -> memref<1001000xf32, #tpu.memory_space<hbm>>
    tpu.enqueue_indirect_dma source(%dma_start3A_139 : memref<1001000xf32, #tpu.memory_space<hbm>>) target(%dma_start3A_135 : memref<128xf32, #tpu.memory_space<vmem>>) offsets(%dma_start3A_137 : memref<128xi32, #tpu.memory_space<vmem>>) semaphore(%arg19 : memref<!tpu.dma_semaphore, #tpu.memory_space<semaphore_mem>>)
    %dma_start3A_140 = arith.constant 1408 : i32
    %dma_start3A_141 = tpu.memref_slice %arg11[%dma_start3A_140] : memref<3200xf32, #tpu.memory_space<vmem>> -> memref<128xf32, #tpu.memory_space<vmem>>
    %dma_start3A_142 = arith.constant 1408 : i32
    %dma_start3A_143 = tpu.memref_slice %arg8[%dma_start3A_142] : memref<3200xi32, #tpu.memory_space<vmem>> -> memref<128xi32, #tpu.memory_space<vmem>>
    %dma_start3A_144 = arith.constant 0 : i32
    %dma_start3A_145 = tpu.memref_slice %arg3[%dma_start3A_144] : memref<1001000xf32, #tpu.memory_space<hbm>> -> memref<1001000xf32, #tpu.memory_space<hbm>>
    tpu.enqueue_indirect_dma source(%dma_start3A_145 : memref<1001000xf32, #tpu.memory_space<hbm>>) target(%dma_start3A_141 : memref<128xf32, #tpu.memory_space<vmem>>) offsets(%dma_start3A_143 : memref<128xi32, #tpu.memory_space<vmem>>) semaphore(%arg19 : memref<!tpu.dma_semaphore, #tpu.memory_space<semaphore_mem>>)
    %dma_start3A_146 = arith.constant 1536 : i32
    %dma_start3A_147 = tpu.memref_slice %arg10[%dma_start3A_146] : memref<3200xf32, #tpu.memory_space<vmem>> -> memref<128xf32, #tpu.memory_space<vmem>>
    %dma_start3A_148 = arith.constant 1536 : i32
    %dma_start3A_149 = tpu.memref_slice %arg9[%dma_start3A_148] : memref<3200xi32, #tpu.memory_space<vmem>> -> memref<128xi32, #tpu.memory_space<vmem>>
    %dma_start3A_150 = arith.constant 0 : i32
    %dma_start3A_151 = tpu.memref_slice %arg3[%dma_start3A_150] : memref<1001000xf32, #tpu.memory_space<hbm>> -> memref<1001000xf32, #tpu.memory_space<hbm>>
    tpu.enqueue_indirect_dma source(%dma_start3A_151 : memref<1001000xf32, #tpu.memory_space<hbm>>) target(%dma_start3A_147 : memref<128xf32, #tpu.memory_space<vmem>>) offsets(%dma_start3A_149 : memref<128xi32, #tpu.memory_space<vmem>>) semaphore(%arg19 : memref<!tpu.dma_semaphore, #tpu.memory_space<semaphore_mem>>)
    %dma_start3A_152 = arith.constant 1536 : i32
    %dma_start3A_153 = tpu.memref_slice %arg11[%dma_start3A_152] : memref<3200xf32, #tpu.memory_space<vmem>> -> memref<128xf32, #tpu.memory_space<vmem>>
    %dma_start3A_154 = arith.constant 1536 : i32
    %dma_start3A_155 = tpu.memref_slice %arg8[%dma_start3A_154] : memref<3200xi32, #tpu.memory_space<vmem>> -> memref<128xi32, #tpu.memory_space<vmem>>
    %dma_start3A_156 = arith.constant 0 : i32
    %dma_start3A_157 = tpu.memref_slice %arg3[%dma_start3A_156] : memref<1001000xf32, #tpu.memory_space<hbm>> -> memref<1001000xf32, #tpu.memory_space<hbm>>
    tpu.enqueue_indirect_dma source(%dma_start3A_157 : memref<1001000xf32, #tpu.memory_space<hbm>>) target(%dma_start3A_153 : memref<128xf32, #tpu.memory_space<vmem>>) offsets(%dma_start3A_155 : memref<128xi32, #tpu.memory_space<vmem>>) semaphore(%arg19 : memref<!tpu.dma_semaphore, #tpu.memory_space<semaphore_mem>>)
    %dma_start3A_158 = arith.constant 1664 : i32
    %dma_start3A_159 = tpu.memref_slice %arg10[%dma_start3A_158] : memref<3200xf32, #tpu.memory_space<vmem>> -> memref<128xf32, #tpu.memory_space<vmem>>
    %dma_start3A_160 = arith.constant 1664 : i32
    %dma_start3A_161 = tpu.memref_slice %arg9[%dma_start3A_160] : memref<3200xi32, #tpu.memory_space<vmem>> -> memref<128xi32, #tpu.memory_space<vmem>>
    %dma_start3A_162 = arith.constant 0 : i32
    %dma_start3A_163 = tpu.memref_slice %arg3[%dma_start3A_162] : memref<1001000xf32, #tpu.memory_space<hbm>> -> memref<1001000xf32, #tpu.memory_space<hbm>>
    tpu.enqueue_indirect_dma source(%dma_start3A_163 : memref<1001000xf32, #tpu.memory_space<hbm>>) target(%dma_start3A_159 : memref<128xf32, #tpu.memory_space<vmem>>) offsets(%dma_start3A_161 : memref<128xi32, #tpu.memory_space<vmem>>) semaphore(%arg19 : memref<!tpu.dma_semaphore, #tpu.memory_space<semaphore_mem>>)
    %dma_start3A_164 = arith.constant 1664 : i32
    %dma_start3A_165 = tpu.memref_slice %arg11[%dma_start3A_164] : memref<3200xf32, #tpu.memory_space<vmem>> -> memref<128xf32, #tpu.memory_space<vmem>>
    %dma_start3A_166 = arith.constant 1664 : i32
    %dma_start3A_167 = tpu.memref_slice %arg8[%dma_start3A_166] : memref<3200xi32, #tpu.memory_space<vmem>> -> memref<128xi32, #tpu.memory_space<vmem>>
    %dma_start3A_168 = arith.constant 0 : i32
    %dma_start3A_169 = tpu.memref_slice %arg3[%dma_start3A_168] : memref<1001000xf32, #tpu.memory_space<hbm>> -> memref<1001000xf32, #tpu.memory_space<hbm>>
    tpu.enqueue_indirect_dma source(%dma_start3A_169 : memref<1001000xf32, #tpu.memory_space<hbm>>) target(%dma_start3A_165 : memref<128xf32, #tpu.memory_space<vmem>>) offsets(%dma_start3A_167 : memref<128xi32, #tpu.memory_space<vmem>>) semaphore(%arg19 : memref<!tpu.dma_semaphore, #tpu.memory_space<semaphore_mem>>)
    %dma_start3A_170 = arith.constant 1792 : i32
    %dma_start3A_171 = tpu.memref_slice %arg10[%dma_start3A_170] : memref<3200xf32, #tpu.memory_space<vmem>> -> memref<128xf32, #tpu.memory_space<vmem>>
    %dma_start3A_172 = arith.constant 1792 : i32
    %dma_start3A_173 = tpu.memref_slice %arg9[%dma_start3A_172] : memref<3200xi32, #tpu.memory_space<vmem>> -> memref<128xi32, #tpu.memory_space<vmem>>
    %dma_start3A_174 = arith.constant 0 : i32
    %dma_start3A_175 = tpu.memref_slice %arg3[%dma_start3A_174] : memref<1001000xf32, #tpu.memory_space<hbm>> -> memref<1001000xf32, #tpu.memory_space<hbm>>
    tpu.enqueue_indirect_dma source(%dma_start3A_175 : memref<1001000xf32, #tpu.memory_space<hbm>>) target(%dma_start3A_171 : memref<128xf32, #tpu.memory_space<vmem>>) offsets(%dma_start3A_173 : memref<128xi32, #tpu.memory_space<vmem>>) semaphore(%arg19 : memref<!tpu.dma_semaphore, #tpu.memory_space<semaphore_mem>>)
    %dma_start3A_176 = arith.constant 1792 : i32
    %dma_start3A_177 = tpu.memref_slice %arg11[%dma_start3A_176] : memref<3200xf32, #tpu.memory_space<vmem>> -> memref<128xf32, #tpu.memory_space<vmem>>
    %dma_start3A_178 = arith.constant 1792 : i32
    %dma_start3A_179 = tpu.memref_slice %arg8[%dma_start3A_178] : memref<3200xi32, #tpu.memory_space<vmem>> -> memref<128xi32, #tpu.memory_space<vmem>>
    %dma_start3A_180 = arith.constant 0 : i32
    %dma_start3A_181 = tpu.memref_slice %arg3[%dma_start3A_180] : memref<1001000xf32, #tpu.memory_space<hbm>> -> memref<1001000xf32, #tpu.memory_space<hbm>>
    tpu.enqueue_indirect_dma source(%dma_start3A_181 : memref<1001000xf32, #tpu.memory_space<hbm>>) target(%dma_start3A_177 : memref<128xf32, #tpu.memory_space<vmem>>) offsets(%dma_start3A_179 : memref<128xi32, #tpu.memory_space<vmem>>) semaphore(%arg19 : memref<!tpu.dma_semaphore, #tpu.memory_space<semaphore_mem>>)
    %dma_start3A_182 = arith.constant 1920 : i32
    %dma_start3A_183 = tpu.memref_slice %arg10[%dma_start3A_182] : memref<3200xf32, #tpu.memory_space<vmem>> -> memref<128xf32, #tpu.memory_space<vmem>>
    %dma_start3A_184 = arith.constant 1920 : i32
    %dma_start3A_185 = tpu.memref_slice %arg9[%dma_start3A_184] : memref<3200xi32, #tpu.memory_space<vmem>> -> memref<128xi32, #tpu.memory_space<vmem>>
    %dma_start3A_186 = arith.constant 0 : i32
    %dma_start3A_187 = tpu.memref_slice %arg3[%dma_start3A_186] : memref<1001000xf32, #tpu.memory_space<hbm>> -> memref<1001000xf32, #tpu.memory_space<hbm>>
    tpu.enqueue_indirect_dma source(%dma_start3A_187 : memref<1001000xf32, #tpu.memory_space<hbm>>) target(%dma_start3A_183 : memref<128xf32, #tpu.memory_space<vmem>>) offsets(%dma_start3A_185 : memref<128xi32, #tpu.memory_space<vmem>>) semaphore(%arg19 : memref<!tpu.dma_semaphore, #tpu.memory_space<semaphore_mem>>)
    %dma_start3A_188 = arith.constant 1920 : i32
    %dma_start3A_189 = tpu.memref_slice %arg11[%dma_start3A_188] : memref<3200xf32, #tpu.memory_space<vmem>> -> memref<128xf32, #tpu.memory_space<vmem>>
    %dma_start3A_190 = arith.constant 1920 : i32
    %dma_start3A_191 = tpu.memref_slice %arg8[%dma_start3A_190] : memref<3200xi32, #tpu.memory_space<vmem>> -> memref<128xi32, #tpu.memory_space<vmem>>
    %dma_start3A_192 = arith.constant 0 : i32
    %dma_start3A_193 = tpu.memref_slice %arg3[%dma_start3A_192] : memref<1001000xf32, #tpu.memory_space<hbm>> -> memref<1001000xf32, #tpu.memory_space<hbm>>
    tpu.enqueue_indirect_dma source(%dma_start3A_193 : memref<1001000xf32, #tpu.memory_space<hbm>>) target(%dma_start3A_189 : memref<128xf32, #tpu.memory_space<vmem>>) offsets(%dma_start3A_191 : memref<128xi32, #tpu.memory_space<vmem>>) semaphore(%arg19 : memref<!tpu.dma_semaphore, #tpu.memory_space<semaphore_mem>>)
    %dma_start3A_194 = arith.constant 2048 : i32
    %dma_start3A_195 = tpu.memref_slice %arg10[%dma_start3A_194] : memref<3200xf32, #tpu.memory_space<vmem>> -> memref<128xf32, #tpu.memory_space<vmem>>
    %dma_start3A_196 = arith.constant 2048 : i32
    %dma_start3A_197 = tpu.memref_slice %arg9[%dma_start3A_196] : memref<3200xi32, #tpu.memory_space<vmem>> -> memref<128xi32, #tpu.memory_space<vmem>>
    %dma_start3A_198 = arith.constant 0 : i32
    %dma_start3A_199 = tpu.memref_slice %arg3[%dma_start3A_198] : memref<1001000xf32, #tpu.memory_space<hbm>> -> memref<1001000xf32, #tpu.memory_space<hbm>>
    tpu.enqueue_indirect_dma source(%dma_start3A_199 : memref<1001000xf32, #tpu.memory_space<hbm>>) target(%dma_start3A_195 : memref<128xf32, #tpu.memory_space<vmem>>) offsets(%dma_start3A_197 : memref<128xi32, #tpu.memory_space<vmem>>) semaphore(%arg19 : memref<!tpu.dma_semaphore, #tpu.memory_space<semaphore_mem>>)
    %dma_start3A_200 = arith.constant 2048 : i32
    %dma_start3A_201 = tpu.memref_slice %arg11[%dma_start3A_200] : memref<3200xf32, #tpu.memory_space<vmem>> -> memref<128xf32, #tpu.memory_space<vmem>>
    %dma_start3A_202 = arith.constant 2048 : i32
    %dma_start3A_203 = tpu.memref_slice %arg8[%dma_start3A_202] : memref<3200xi32, #tpu.memory_space<vmem>> -> memref<128xi32, #tpu.memory_space<vmem>>
    %dma_start3A_204 = arith.constant 0 : i32
    %dma_start3A_205 = tpu.memref_slice %arg3[%dma_start3A_204] : memref<1001000xf32, #tpu.memory_space<hbm>> -> memref<1001000xf32, #tpu.memory_space<hbm>>
    tpu.enqueue_indirect_dma source(%dma_start3A_205 : memref<1001000xf32, #tpu.memory_space<hbm>>) target(%dma_start3A_201 : memref<128xf32, #tpu.memory_space<vmem>>) offsets(%dma_start3A_203 : memref<128xi32, #tpu.memory_space<vmem>>) semaphore(%arg19 : memref<!tpu.dma_semaphore, #tpu.memory_space<semaphore_mem>>)
    %dma_start3A_206 = arith.constant 2176 : i32
    %dma_start3A_207 = tpu.memref_slice %arg10[%dma_start3A_206] : memref<3200xf32, #tpu.memory_space<vmem>> -> memref<128xf32, #tpu.memory_space<vmem>>
    %dma_start3A_208 = arith.constant 2176 : i32
    %dma_start3A_209 = tpu.memref_slice %arg9[%dma_start3A_208] : memref<3200xi32, #tpu.memory_space<vmem>> -> memref<128xi32, #tpu.memory_space<vmem>>
    %dma_start3A_210 = arith.constant 0 : i32
    %dma_start3A_211 = tpu.memref_slice %arg3[%dma_start3A_210] : memref<1001000xf32, #tpu.memory_space<hbm>> -> memref<1001000xf32, #tpu.memory_space<hbm>>
    tpu.enqueue_indirect_dma source(%dma_start3A_211 : memref<1001000xf32, #tpu.memory_space<hbm>>) target(%dma_start3A_207 : memref<128xf32, #tpu.memory_space<vmem>>) offsets(%dma_start3A_209 : memref<128xi32, #tpu.memory_space<vmem>>) semaphore(%arg19 : memref<!tpu.dma_semaphore, #tpu.memory_space<semaphore_mem>>)
    %dma_start3A_212 = arith.constant 2176 : i32
    %dma_start3A_213 = tpu.memref_slice %arg11[%dma_start3A_212] : memref<3200xf32, #tpu.memory_space<vmem>> -> memref<128xf32, #tpu.memory_space<vmem>>
    %dma_start3A_214 = arith.constant 2176 : i32
    %dma_start3A_215 = tpu.memref_slice %arg8[%dma_start3A_214] : memref<3200xi32, #tpu.memory_space<vmem>> -> memref<128xi32, #tpu.memory_space<vmem>>
    %dma_start3A_216 = arith.constant 0 : i32
    %dma_start3A_217 = tpu.memref_slice %arg3[%dma_start3A_216] : memref<1001000xf32, #tpu.memory_space<hbm>> -> memref<1001000xf32, #tpu.memory_space<hbm>>
    tpu.enqueue_indirect_dma source(%dma_start3A_217 : memref<1001000xf32, #tpu.memory_space<hbm>>) target(%dma_start3A_213 : memref<128xf32, #tpu.memory_space<vmem>>) offsets(%dma_start3A_215 : memref<128xi32, #tpu.memory_space<vmem>>) semaphore(%arg19 : memref<!tpu.dma_semaphore, #tpu.memory_space<semaphore_mem>>)
    %dma_start3A_218 = arith.constant 2304 : i32
    %dma_start3A_219 = tpu.memref_slice %arg10[%dma_start3A_218] : memref<3200xf32, #tpu.memory_space<vmem>> -> memref<128xf32, #tpu.memory_space<vmem>>
    %dma_start3A_220 = arith.constant 2304 : i32
    %dma_start3A_221 = tpu.memref_slice %arg9[%dma_start3A_220] : memref<3200xi32, #tpu.memory_space<vmem>> -> memref<128xi32, #tpu.memory_space<vmem>>
    %dma_start3A_222 = arith.constant 0 : i32
    %dma_start3A_223 = tpu.memref_slice %arg3[%dma_start3A_222] : memref<1001000xf32, #tpu.memory_space<hbm>> -> memref<1001000xf32, #tpu.memory_space<hbm>>
    tpu.enqueue_indirect_dma source(%dma_start3A_223 : memref<1001000xf32, #tpu.memory_space<hbm>>) target(%dma_start3A_219 : memref<128xf32, #tpu.memory_space<vmem>>) offsets(%dma_start3A_221 : memref<128xi32, #tpu.memory_space<vmem>>) semaphore(%arg19 : memref<!tpu.dma_semaphore, #tpu.memory_space<semaphore_mem>>)
    %dma_start3A_224 = arith.constant 2304 : i32
    %dma_start3A_225 = tpu.memref_slice %arg11[%dma_start3A_224] : memref<3200xf32, #tpu.memory_space<vmem>> -> memref<128xf32, #tpu.memory_space<vmem>>
    %dma_start3A_226 = arith.constant 2304 : i32
    %dma_start3A_227 = tpu.memref_slice %arg8[%dma_start3A_226] : memref<3200xi32, #tpu.memory_space<vmem>> -> memref<128xi32, #tpu.memory_space<vmem>>
    %dma_start3A_228 = arith.constant 0 : i32
    %dma_start3A_229 = tpu.memref_slice %arg3[%dma_start3A_228] : memref<1001000xf32, #tpu.memory_space<hbm>> -> memref<1001000xf32, #tpu.memory_space<hbm>>
    tpu.enqueue_indirect_dma source(%dma_start3A_229 : memref<1001000xf32, #tpu.memory_space<hbm>>) target(%dma_start3A_225 : memref<128xf32, #tpu.memory_space<vmem>>) offsets(%dma_start3A_227 : memref<128xi32, #tpu.memory_space<vmem>>) semaphore(%arg19 : memref<!tpu.dma_semaphore, #tpu.memory_space<semaphore_mem>>)
    %dma_start3A_230 = arith.constant 2432 : i32
    %dma_start3A_231 = tpu.memref_slice %arg10[%dma_start3A_230] : memref<3200xf32, #tpu.memory_space<vmem>> -> memref<128xf32, #tpu.memory_space<vmem>>
    %dma_start3A_232 = arith.constant 2432 : i32
    %dma_start3A_233 = tpu.memref_slice %arg9[%dma_start3A_232] : memref<3200xi32, #tpu.memory_space<vmem>> -> memref<128xi32, #tpu.memory_space<vmem>>
    %dma_start3A_234 = arith.constant 0 : i32
    %dma_start3A_235 = tpu.memref_slice %arg3[%dma_start3A_234] : memref<1001000xf32, #tpu.memory_space<hbm>> -> memref<1001000xf32, #tpu.memory_space<hbm>>
    tpu.enqueue_indirect_dma source(%dma_start3A_235 : memref<1001000xf32, #tpu.memory_space<hbm>>) target(%dma_start3A_231 : memref<128xf32, #tpu.memory_space<vmem>>) offsets(%dma_start3A_233 : memref<128xi32, #tpu.memory_space<vmem>>) semaphore(%arg19 : memref<!tpu.dma_semaphore, #tpu.memory_space<semaphore_mem>>)
    %dma_start3A_236 = arith.constant 2432 : i32
    %dma_start3A_237 = tpu.memref_slice %arg11[%dma_start3A_236] : memref<3200xf32, #tpu.memory_space<vmem>> -> memref<128xf32, #tpu.memory_space<vmem>>
    %dma_start3A_238 = arith.constant 2432 : i32
    %dma_start3A_239 = tpu.memref_slice %arg8[%dma_start3A_238] : memref<3200xi32, #tpu.memory_space<vmem>> -> memref<128xi32, #tpu.memory_space<vmem>>
    %dma_start3A_240 = arith.constant 0 : i32
    %dma_start3A_241 = tpu.memref_slice %arg3[%dma_start3A_240] : memref<1001000xf32, #tpu.memory_space<hbm>> -> memref<1001000xf32, #tpu.memory_space<hbm>>
    tpu.enqueue_indirect_dma source(%dma_start3A_241 : memref<1001000xf32, #tpu.memory_space<hbm>>) target(%dma_start3A_237 : memref<128xf32, #tpu.memory_space<vmem>>) offsets(%dma_start3A_239 : memref<128xi32, #tpu.memory_space<vmem>>) semaphore(%arg19 : memref<!tpu.dma_semaphore, #tpu.memory_space<semaphore_mem>>)
    %dma_start3A_242 = arith.constant 2560 : i32
    %dma_start3A_243 = tpu.memref_slice %arg10[%dma_start3A_242] : memref<3200xf32, #tpu.memory_space<vmem>> -> memref<128xf32, #tpu.memory_space<vmem>>
    %dma_start3A_244 = arith.constant 2560 : i32
    %dma_start3A_245 = tpu.memref_slice %arg9[%dma_start3A_244] : memref<3200xi32, #tpu.memory_space<vmem>> -> memref<128xi32, #tpu.memory_space<vmem>>
    %dma_start3A_246 = arith.constant 0 : i32
    %dma_start3A_247 = tpu.memref_slice %arg3[%dma_start3A_246] : memref<1001000xf32, #tpu.memory_space<hbm>> -> memref<1001000xf32, #tpu.memory_space<hbm>>
    tpu.enqueue_indirect_dma source(%dma_start3A_247 : memref<1001000xf32, #tpu.memory_space<hbm>>) target(%dma_start3A_243 : memref<128xf32, #tpu.memory_space<vmem>>) offsets(%dma_start3A_245 : memref<128xi32, #tpu.memory_space<vmem>>) semaphore(%arg19 : memref<!tpu.dma_semaphore, #tpu.memory_space<semaphore_mem>>)
    %dma_start3A_248 = arith.constant 2560 : i32
    %dma_start3A_249 = tpu.memref_slice %arg11[%dma_start3A_248] : memref<3200xf32, #tpu.memory_space<vmem>> -> memref<128xf32, #tpu.memory_space<vmem>>
    %dma_start3A_250 = arith.constant 2560 : i32
    %dma_start3A_251 = tpu.memref_slice %arg8[%dma_start3A_250] : memref<3200xi32, #tpu.memory_space<vmem>> -> memref<128xi32, #tpu.memory_space<vmem>>
    %dma_start3A_252 = arith.constant 0 : i32
    %dma_start3A_253 = tpu.memref_slice %arg3[%dma_start3A_252] : memref<1001000xf32, #tpu.memory_space<hbm>> -> memref<1001000xf32, #tpu.memory_space<hbm>>
    tpu.enqueue_indirect_dma source(%dma_start3A_253 : memref<1001000xf32, #tpu.memory_space<hbm>>) target(%dma_start3A_249 : memref<128xf32, #tpu.memory_space<vmem>>) offsets(%dma_start3A_251 : memref<128xi32, #tpu.memory_space<vmem>>) semaphore(%arg19 : memref<!tpu.dma_semaphore, #tpu.memory_space<semaphore_mem>>)
    %dma_start3A_254 = arith.constant 2688 : i32
    %dma_start3A_255 = tpu.memref_slice %arg10[%dma_start3A_254] : memref<3200xf32, #tpu.memory_space<vmem>> -> memref<128xf32, #tpu.memory_space<vmem>>
    %dma_start3A_256 = arith.constant 2688 : i32
    %dma_start3A_257 = tpu.memref_slice %arg9[%dma_start3A_256] : memref<3200xi32, #tpu.memory_space<vmem>> -> memref<128xi32, #tpu.memory_space<vmem>>
    %dma_start3A_258 = arith.constant 0 : i32
    %dma_start3A_259 = tpu.memref_slice %arg3[%dma_start3A_258] : memref<1001000xf32, #tpu.memory_space<hbm>> -> memref<1001000xf32, #tpu.memory_space<hbm>>
    tpu.enqueue_indirect_dma source(%dma_start3A_259 : memref<1001000xf32, #tpu.memory_space<hbm>>) target(%dma_start3A_255 : memref<128xf32, #tpu.memory_space<vmem>>) offsets(%dma_start3A_257 : memref<128xi32, #tpu.memory_space<vmem>>) semaphore(%arg19 : memref<!tpu.dma_semaphore, #tpu.memory_space<semaphore_mem>>)
    %dma_start3A_260 = arith.constant 2688 : i32
    %dma_start3A_261 = tpu.memref_slice %arg11[%dma_start3A_260] : memref<3200xf32, #tpu.memory_space<vmem>> -> memref<128xf32, #tpu.memory_space<vmem>>
    %dma_start3A_262 = arith.constant 2688 : i32
    %dma_start3A_263 = tpu.memref_slice %arg8[%dma_start3A_262] : memref<3200xi32, #tpu.memory_space<vmem>> -> memref<128xi32, #tpu.memory_space<vmem>>
    %dma_start3A_264 = arith.constant 0 : i32
    %dma_start3A_265 = tpu.memref_slice %arg3[%dma_start3A_264] : memref<1001000xf32, #tpu.memory_space<hbm>> -> memref<1001000xf32, #tpu.memory_space<hbm>>
    tpu.enqueue_indirect_dma source(%dma_start3A_265 : memref<1001000xf32, #tpu.memory_space<hbm>>) target(%dma_start3A_261 : memref<128xf32, #tpu.memory_space<vmem>>) offsets(%dma_start3A_263 : memref<128xi32, #tpu.memory_space<vmem>>) semaphore(%arg19 : memref<!tpu.dma_semaphore, #tpu.memory_space<semaphore_mem>>)
    %dma_start3A_266 = arith.constant 2816 : i32
    %dma_start3A_267 = tpu.memref_slice %arg10[%dma_start3A_266] : memref<3200xf32, #tpu.memory_space<vmem>> -> memref<128xf32, #tpu.memory_space<vmem>>
    %dma_start3A_268 = arith.constant 2816 : i32
    %dma_start3A_269 = tpu.memref_slice %arg9[%dma_start3A_268] : memref<3200xi32, #tpu.memory_space<vmem>> -> memref<128xi32, #tpu.memory_space<vmem>>
    %dma_start3A_270 = arith.constant 0 : i32
    %dma_start3A_271 = tpu.memref_slice %arg3[%dma_start3A_270] : memref<1001000xf32, #tpu.memory_space<hbm>> -> memref<1001000xf32, #tpu.memory_space<hbm>>
    tpu.enqueue_indirect_dma source(%dma_start3A_271 : memref<1001000xf32, #tpu.memory_space<hbm>>) target(%dma_start3A_267 : memref<128xf32, #tpu.memory_space<vmem>>) offsets(%dma_start3A_269 : memref<128xi32, #tpu.memory_space<vmem>>) semaphore(%arg19 : memref<!tpu.dma_semaphore, #tpu.memory_space<semaphore_mem>>)
    %dma_start3A_272 = arith.constant 2816 : i32
    %dma_start3A_273 = tpu.memref_slice %arg11[%dma_start3A_272] : memref<3200xf32, #tpu.memory_space<vmem>> -> memref<128xf32, #tpu.memory_space<vmem>>
    %dma_start3A_274 = arith.constant 2816 : i32
    %dma_start3A_275 = tpu.memref_slice %arg8[%dma_start3A_274] : memref<3200xi32, #tpu.memory_space<vmem>> -> memref<128xi32, #tpu.memory_space<vmem>>
    %dma_start3A_276 = arith.constant 0 : i32
    %dma_start3A_277 = tpu.memref_slice %arg3[%dma_start3A_276] : memref<1001000xf32, #tpu.memory_space<hbm>> -> memref<1001000xf32, #tpu.memory_space<hbm>>
    tpu.enqueue_indirect_dma source(%dma_start3A_277 : memref<1001000xf32, #tpu.memory_space<hbm>>) target(%dma_start3A_273 : memref<128xf32, #tpu.memory_space<vmem>>) offsets(%dma_start3A_275 : memref<128xi32, #tpu.memory_space<vmem>>) semaphore(%arg19 : memref<!tpu.dma_semaphore, #tpu.memory_space<semaphore_mem>>)
    %dma_start3A_278 = arith.constant 2944 : i32
    %dma_start3A_279 = tpu.memref_slice %arg10[%dma_start3A_278] : memref<3200xf32, #tpu.memory_space<vmem>> -> memref<128xf32, #tpu.memory_space<vmem>>
    %dma_start3A_280 = arith.constant 2944 : i32
    %dma_start3A_281 = tpu.memref_slice %arg9[%dma_start3A_280] : memref<3200xi32, #tpu.memory_space<vmem>> -> memref<128xi32, #tpu.memory_space<vmem>>
    %dma_start3A_282 = arith.constant 0 : i32
    %dma_start3A_283 = tpu.memref_slice %arg3[%dma_start3A_282] : memref<1001000xf32, #tpu.memory_space<hbm>> -> memref<1001000xf32, #tpu.memory_space<hbm>>
    tpu.enqueue_indirect_dma source(%dma_start3A_283 : memref<1001000xf32, #tpu.memory_space<hbm>>) target(%dma_start3A_279 : memref<128xf32, #tpu.memory_space<vmem>>) offsets(%dma_start3A_281 : memref<128xi32, #tpu.memory_space<vmem>>) semaphore(%arg19 : memref<!tpu.dma_semaphore, #tpu.memory_space<semaphore_mem>>)
    %dma_start3A_284 = arith.constant 2944 : i32
    %dma_start3A_285 = tpu.memref_slice %arg11[%dma_start3A_284] : memref<3200xf32, #tpu.memory_space<vmem>> -> memref<128xf32, #tpu.memory_space<vmem>>
    %dma_start3A_286 = arith.constant 2944 : i32
    %dma_start3A_287 = tpu.memref_slice %arg8[%dma_start3A_286] : memref<3200xi32, #tpu.memory_space<vmem>> -> memref<128xi32, #tpu.memory_space<vmem>>
    %dma_start3A_288 = arith.constant 0 : i32
    %dma_start3A_289 = tpu.memref_slice %arg3[%dma_start3A_288] : memref<1001000xf32, #tpu.memory_space<hbm>> -> memref<1001000xf32, #tpu.memory_space<hbm>>
    tpu.enqueue_indirect_dma source(%dma_start3A_289 : memref<1001000xf32, #tpu.memory_space<hbm>>) target(%dma_start3A_285 : memref<128xf32, #tpu.memory_space<vmem>>) offsets(%dma_start3A_287 : memref<128xi32, #tpu.memory_space<vmem>>) semaphore(%arg19 : memref<!tpu.dma_semaphore, #tpu.memory_space<semaphore_mem>>)
    %dma_start3A_290 = arith.constant 3072 : i32
    %dma_start3A_291 = tpu.memref_slice %arg10[%dma_start3A_290] : memref<3200xf32, #tpu.memory_space<vmem>> -> memref<128xf32, #tpu.memory_space<vmem>>
    %dma_start3A_292 = arith.constant 3072 : i32
    %dma_start3A_293 = tpu.memref_slice %arg9[%dma_start3A_292] : memref<3200xi32, #tpu.memory_space<vmem>> -> memref<128xi32, #tpu.memory_space<vmem>>
    %dma_start3A_294 = arith.constant 0 : i32
    %dma_start3A_295 = tpu.memref_slice %arg3[%dma_start3A_294] : memref<1001000xf32, #tpu.memory_space<hbm>> -> memref<1001000xf32, #tpu.memory_space<hbm>>
    tpu.enqueue_indirect_dma source(%dma_start3A_295 : memref<1001000xf32, #tpu.memory_space<hbm>>) target(%dma_start3A_291 : memref<128xf32, #tpu.memory_space<vmem>>) offsets(%dma_start3A_293 : memref<128xi32, #tpu.memory_space<vmem>>) semaphore(%arg19 : memref<!tpu.dma_semaphore, #tpu.memory_space<semaphore_mem>>)
    %dma_start3A_296 = arith.constant 3072 : i32
    %dma_start3A_297 = tpu.memref_slice %arg11[%dma_start3A_296] : memref<3200xf32, #tpu.memory_space<vmem>> -> memref<128xf32, #tpu.memory_space<vmem>>
    %dma_start3A_298 = arith.constant 3072 : i32
    %dma_start3A_299 = tpu.memref_slice %arg8[%dma_start3A_298] : memref<3200xi32, #tpu.memory_space<vmem>> -> memref<128xi32, #tpu.memory_space<vmem>>
    %dma_start3A_300 = arith.constant 0 : i32
    %dma_start3A_301 = tpu.memref_slice %arg3[%dma_start3A_300] : memref<1001000xf32, #tpu.memory_space<hbm>> -> memref<1001000xf32, #tpu.memory_space<hbm>>
    tpu.enqueue_indirect_dma source(%dma_start3A_301 : memref<1001000xf32, #tpu.memory_space<hbm>>) target(%dma_start3A_297 : memref<128xf32, #tpu.memory_space<vmem>>) offsets(%dma_start3A_299 : memref<128xi32, #tpu.memory_space<vmem>>) semaphore(%arg19 : memref<!tpu.dma_semaphore, #tpu.memory_space<semaphore_mem>>)
    %dma_start3A_302 = arith.constant 0 : i32
    %dma_start3A_303 = tpu.memref_slice %arg8[%dma_start3A_302] : memref<3200xi32, #tpu.memory_space<vmem>> -> memref<32xi32, #tpu.memory_space<vmem>>
    %dma_start3A_304 = arith.constant 0 : i32
    %dma_start3A_305 = arith.constant 0 : i32
    %dma_start3A_306 = tpu.memref_slice %arg2[%dma_start3A_304, %dma_start3A_305] : memref<1000x1024xf32, #tpu.memory_space<hbm>> -> memref<1000x1024xf32, #tpu.memory_space<hbm>>
    tpu.enqueue_indirect_dma source(%dma_start3A_306 : memref<1000x1024xf32, #tpu.memory_space<hbm>>) target(%arg12 : memref<32x1024xf32, #tpu.memory_space<vmem>>) offsets(%dma_start3A_303 : memref<32xi32, #tpu.memory_space<vmem>>) semaphore(%arg15 : memref<!tpu.dma_semaphore, #tpu.memory_space<semaphore_mem>>)
    %dma_start3A_307 = arith.constant 32 : i32
    %dma_start3A_308 = tpu.memref_slice %arg8[%dma_start3A_307] : memref<3200xi32, #tpu.memory_space<vmem>> -> memref<32xi32, #tpu.memory_space<vmem>>
    %dma_start3A_309 = arith.constant 0 : i32
    %dma_start3A_310 = arith.constant 0 : i32
    %dma_start3A_311 = tpu.memref_slice %arg2[%dma_start3A_309, %dma_start3A_310] : memref<1000x1024xf32, #tpu.memory_space<hbm>> -> memref<1000x1024xf32, #tpu.memory_space<hbm>>
    tpu.enqueue_indirect_dma source(%dma_start3A_311 : memref<1000x1024xf32, #tpu.memory_space<hbm>>) target(%arg13 : memref<32x1024xf32, #tpu.memory_space<vmem>>) offsets(%dma_start3A_308 : memref<32xi32, #tpu.memory_space<vmem>>) semaphore(%arg16 : memref<!tpu.dma_semaphore, #tpu.memory_space<semaphore_mem>>)
    %scan3A = arith.constant 0 : i32
    %scan3A_312 = arith.constant 0 : i32
    %scan3A_313 = arith.constant 50 : i32
    %scan3A_314 = arith.addi %scan3A_312, %scan3A_313 : i32
    %scan3A_315 = arith.constant 1 : i32
    scf.for %scan3A_852 = %scan3A_312 to %scan3A_314 step %scan3A_315  : i32 {
      %mul3A_853 = arith.constant 2 : i32
      %mul3A_854 = arith.muli %mul3A_853, %scan3A_852 : i32
      %add3A_855 = arith.constant 0 : i32
      %add3A_856 = arith.addi %mul3A_854, %add3A_855 : i32
      %mul3A_857 = arith.constant 32 : i32
      %mul3A_858 = arith.muli %add3A_856, %mul3A_857 : i32
      %dma_wait3A_859 = tpu.memref_slice %arg8[%mul3A_858] : memref<3200xi32, #tpu.memory_space<vmem>> -> memref<32xi32, #tpu.memory_space<vmem>>
      %dma_wait3A_860 = arith.constant 0 : i32
      %dma_wait3A_861 = arith.constant 0 : i32
      %dma_wait3A_862 = tpu.memref_slice %arg2[%dma_wait3A_860, %dma_wait3A_861] : memref<1000x1024xf32, #tpu.memory_space<hbm>> -> memref<1000x1024xf32, #tpu.memory_space<hbm>>
      tpu.wait_indirect_dma semaphore(%arg15 : memref<!tpu.dma_semaphore, #tpu.memory_space<semaphore_mem>>) src(%dma_wait3A_862 : memref<1000x1024xf32, #tpu.memory_space<hbm>>) dst(%arg12 : memref<32x1024xf32, #tpu.memory_space<vmem>>)
      %add3A_863 = arith.constant 0 : i32
      %add3A_864 = arith.addi %add3A_863, %mul3A_2 : i32
      %mul3A_865 = arith.constant 32 : i32
      %mul3A_866 = arith.muli %add3A_856, %mul3A_865 : i32
      %add3A_867 = arith.addi %add3A_864, %mul3A_866 : i32
      %dma_start3A_868 = arith.constant 0 : i32
      %dma_start3A_869 = arith.constant 0 : i32
      %dma_start3A_870 = tpu.memref_slice %arg12[%dma_start3A_868, %dma_start3A_869] : memref<32x1024xf32, #tpu.memory_space<vmem>> -> memref<32x128xf32, #tpu.memory_space<vmem>>
      %dma_start3A_871 = arith.constant 0 : i32
      %dma_start3A_872 = tpu.memref_slice %arg6[%add3A_867, %dma_start3A_871] : memref<819200x128xf32, #tpu.memory_space<hbm>> -> memref<32x128xf32, #tpu.memory_space<hbm>>
      %dma_start3A_873 = arith.constant 0 : i32
      %dma_start3A_874 = tpu.memref_slice %arg6[%add3A_867, %dma_start3A_873] : memref<819200x128xf32, #tpu.memory_space<hbm>> -> memref<32x128xf32, #tpu.memory_space<hbm>>
      %dma_start3A_875 = arith.constant 0 : i32
      %dma_start3A_876 = arith.constant 0 : i32
      %dma_start3A_877 = tpu.memref_slice %arg12[%dma_start3A_875, %dma_start3A_876] : memref<32x1024xf32, #tpu.memory_space<vmem>> -> memref<32x128xf32, #tpu.memory_space<vmem>>
      tpu.enqueue_dma source(%dma_start3A_877 : memref<32x128xf32, #tpu.memory_space<vmem>>) target(%dma_start3A_874 : memref<32x128xf32, #tpu.memory_space<hbm>>) target_semaphore(%arg17 : memref<!tpu.dma_semaphore, #tpu.memory_space<semaphore_mem>>)
      %add3A_878 = arith.constant 102400 : i32
      %add3A_879 = arith.addi %add3A_878, %mul3A_2 : i32
      %mul3A_880 = arith.constant 32 : i32
      %mul3A_881 = arith.muli %add3A_856, %mul3A_880 : i32
      %add3A_882 = arith.addi %add3A_879, %mul3A_881 : i32
      %dma_start3A_883 = arith.constant 0 : i32
      %dma_start3A_884 = arith.constant 128 : i32
      %dma_start3A_885 = tpu.memref_slice %arg12[%dma_start3A_883, %dma_start3A_884] : memref<32x1024xf32, #tpu.memory_space<vmem>> -> memref<32x128xf32, #tpu.memory_space<vmem>>
      %dma_start3A_886 = arith.constant 0 : i32
      %dma_start3A_887 = tpu.memref_slice %arg6[%add3A_882, %dma_start3A_886] : memref<819200x128xf32, #tpu.memory_space<hbm>> -> memref<32x128xf32, #tpu.memory_space<hbm>>
      %dma_start3A_888 = arith.constant 0 : i32
      %dma_start3A_889 = tpu.memref_slice %arg6[%add3A_882, %dma_start3A_888] : memref<819200x128xf32, #tpu.memory_space<hbm>> -> memref<32x128xf32, #tpu.memory_space<hbm>>
      %dma_start3A_890 = arith.constant 0 : i32
      %dma_start3A_891 = arith.constant 128 : i32
      %dma_start3A_892 = tpu.memref_slice %arg12[%dma_start3A_890, %dma_start3A_891] : memref<32x1024xf32, #tpu.memory_space<vmem>> -> memref<32x128xf32, #tpu.memory_space<vmem>>
      tpu.enqueue_dma source(%dma_start3A_892 : memref<32x128xf32, #tpu.memory_space<vmem>>) target(%dma_start3A_889 : memref<32x128xf32, #tpu.memory_space<hbm>>) target_semaphore(%arg17 : memref<!tpu.dma_semaphore, #tpu.memory_space<semaphore_mem>>)
      %add3A_893 = arith.constant 204800 : i32
      %add3A_894 = arith.addi %add3A_893, %mul3A_2 : i32
      %mul3A_895 = arith.constant 32 : i32
      %mul3A_896 = arith.muli %add3A_856, %mul3A_895 : i32
      %add3A_897 = arith.addi %add3A_894, %mul3A_896 : i32
      %dma_start3A_898 = arith.constant 0 : i32
      %dma_start3A_899 = arith.constant 256 : i32
      %dma_start3A_900 = tpu.memref_slice %arg12[%dma_start3A_898, %dma_start3A_899] : memref<32x1024xf32, #tpu.memory_space<vmem>> -> memref<32x128xf32, #tpu.memory_space<vmem>>
      %dma_start3A_901 = arith.constant 0 : i32
      %dma_start3A_902 = tpu.memref_slice %arg6[%add3A_897, %dma_start3A_901] : memref<819200x128xf32, #tpu.memory_space<hbm>> -> memref<32x128xf32, #tpu.memory_space<hbm>>
      %dma_start3A_903 = arith.constant 0 : i32
      %dma_start3A_904 = tpu.memref_slice %arg6[%add3A_897, %dma_start3A_903] : memref<819200x128xf32, #tpu.memory_space<hbm>> -> memref<32x128xf32, #tpu.memory_space<hbm>>
      %dma_start3A_905 = arith.constant 0 : i32
      %dma_start3A_906 = arith.constant 256 : i32
      %dma_start3A_907 = tpu.memref_slice %arg12[%dma_start3A_905, %dma_start3A_906] : memref<32x1024xf32, #tpu.memory_space<vmem>> -> memref<32x128xf32, #tpu.memory_space<vmem>>
      tpu.enqueue_dma source(%dma_start3A_907 : memref<32x128xf32, #tpu.memory_space<vmem>>) target(%dma_start3A_904 : memref<32x128xf32, #tpu.memory_space<hbm>>) target_semaphore(%arg17 : memref<!tpu.dma_semaphore, #tpu.memory_space<semaphore_mem>>)
      %add3A_908 = arith.constant 307200 : i32
      %add3A_909 = arith.addi %add3A_908, %mul3A_2 : i32
      %mul3A_910 = arith.constant 32 : i32
      %mul3A_911 = arith.muli %add3A_856, %mul3A_910 : i32
      %add3A_912 = arith.addi %add3A_909, %mul3A_911 : i32
      %dma_start3A_913 = arith.constant 0 : i32
      %dma_start3A_914 = arith.constant 384 : i32
      %dma_start3A_915 = tpu.memref_slice %arg12[%dma_start3A_913, %dma_start3A_914] : memref<32x1024xf32, #tpu.memory_space<vmem>> -> memref<32x128xf32, #tpu.memory_space<vmem>>
      %dma_start3A_916 = arith.constant 0 : i32
      %dma_start3A_917 = tpu.memref_slice %arg6[%add3A_912, %dma_start3A_916] : memref<819200x128xf32, #tpu.memory_space<hbm>> -> memref<32x128xf32, #tpu.memory_space<hbm>>
      %dma_start3A_918 = arith.constant 0 : i32
      %dma_start3A_919 = tpu.memref_slice %arg6[%add3A_912, %dma_start3A_918] : memref<819200x128xf32, #tpu.memory_space<hbm>> -> memref<32x128xf32, #tpu.memory_space<hbm>>
      %dma_start3A_920 = arith.constant 0 : i32
      %dma_start3A_921 = arith.constant 384 : i32
      %dma_start3A_922 = tpu.memref_slice %arg12[%dma_start3A_920, %dma_start3A_921] : memref<32x1024xf32, #tpu.memory_space<vmem>> -> memref<32x128xf32, #tpu.memory_space<vmem>>
      tpu.enqueue_dma source(%dma_start3A_922 : memref<32x128xf32, #tpu.memory_space<vmem>>) target(%dma_start3A_919 : memref<32x128xf32, #tpu.memory_space<hbm>>) target_semaphore(%arg17 : memref<!tpu.dma_semaphore, #tpu.memory_space<semaphore_mem>>)
      %add3A_923 = arith.constant 409600 : i32
      %add3A_924 = arith.addi %add3A_923, %mul3A_2 : i32
      %mul3A_925 = arith.constant 32 : i32
      %mul3A_926 = arith.muli %add3A_856, %mul3A_925 : i32
      %add3A_927 = arith.addi %add3A_924, %mul3A_926 : i32
      %dma_start3A_928 = arith.constant 0 : i32
      %dma_start3A_929 = arith.constant 512 : i32
      %dma_start3A_930 = tpu.memref_slice %arg12[%dma_start3A_928, %dma_start3A_929] : memref<32x1024xf32, #tpu.memory_space<vmem>> -> memref<32x128xf32, #tpu.memory_space<vmem>>
      %dma_start3A_931 = arith.constant 0 : i32
      %dma_start3A_932 = tpu.memref_slice %arg6[%add3A_927, %dma_start3A_931] : memref<819200x128xf32, #tpu.memory_space<hbm>> -> memref<32x128xf32, #tpu.memory_space<hbm>>
      %dma_start3A_933 = arith.constant 0 : i32
      %dma_start3A_934 = tpu.memref_slice %arg6[%add3A_927, %dma_start3A_933] : memref<819200x128xf32, #tpu.memory_space<hbm>> -> memref<32x128xf32, #tpu.memory_space<hbm>>
      %dma_start3A_935 = arith.constant 0 : i32
      %dma_start3A_936 = arith.constant 512 : i32
      %dma_start3A_937 = tpu.memref_slice %arg12[%dma_start3A_935, %dma_start3A_936] : memref<32x1024xf32, #tpu.memory_space<vmem>> -> memref<32x128xf32, #tpu.memory_space<vmem>>
      tpu.enqueue_dma source(%dma_start3A_937 : memref<32x128xf32, #tpu.memory_space<vmem>>) target(%dma_start3A_934 : memref<32x128xf32, #tpu.memory_space<hbm>>) target_semaphore(%arg17 : memref<!tpu.dma_semaphore, #tpu.memory_space<semaphore_mem>>)
      %add3A_938 = arith.constant 512000 : i32
      %add3A_939 = arith.addi %add3A_938, %mul3A_2 : i32
      %mul3A_940 = arith.constant 32 : i32
      %mul3A_941 = arith.muli %add3A_856, %mul3A_940 : i32
      %add3A_942 = arith.addi %add3A_939, %mul3A_941 : i32
      %dma_start3A_943 = arith.constant 0 : i32
      %dma_start3A_944 = arith.constant 640 : i32
      %dma_start3A_945 = tpu.memref_slice %arg12[%dma_start3A_943, %dma_start3A_944] : memref<32x1024xf32, #tpu.memory_space<vmem>> -> memref<32x128xf32, #tpu.memory_space<vmem>>
      %dma_start3A_946 = arith.constant 0 : i32
      %dma_start3A_947 = tpu.memref_slice %arg6[%add3A_942, %dma_start3A_946] : memref<819200x128xf32, #tpu.memory_space<hbm>> -> memref<32x128xf32, #tpu.memory_space<hbm>>
      %dma_start3A_948 = arith.constant 0 : i32
      %dma_start3A_949 = tpu.memref_slice %arg6[%add3A_942, %dma_start3A_948] : memref<819200x128xf32, #tpu.memory_space<hbm>> -> memref<32x128xf32, #tpu.memory_space<hbm>>
      %dma_start3A_950 = arith.constant 0 : i32
      %dma_start3A_951 = arith.constant 640 : i32
      %dma_start3A_952 = tpu.memref_slice %arg12[%dma_start3A_950, %dma_start3A_951] : memref<32x1024xf32, #tpu.memory_space<vmem>> -> memref<32x128xf32, #tpu.memory_space<vmem>>
      tpu.enqueue_dma source(%dma_start3A_952 : memref<32x128xf32, #tpu.memory_space<vmem>>) target(%dma_start3A_949 : memref<32x128xf32, #tpu.memory_space<hbm>>) target_semaphore(%arg17 : memref<!tpu.dma_semaphore, #tpu.memory_space<semaphore_mem>>)
      %add3A_953 = arith.constant 614400 : i32
      %add3A_954 = arith.addi %add3A_953, %mul3A_2 : i32
      %mul3A_955 = arith.constant 32 : i32
      %mul3A_956 = arith.muli %add3A_856, %mul3A_955 : i32
      %add3A_957 = arith.addi %add3A_954, %mul3A_956 : i32
      %dma_start3A_958 = arith.constant 0 : i32
      %dma_start3A_959 = arith.constant 768 : i32
      %dma_start3A_960 = tpu.memref_slice %arg12[%dma_start3A_958, %dma_start3A_959] : memref<32x1024xf32, #tpu.memory_space<vmem>> -> memref<32x128xf32, #tpu.memory_space<vmem>>
      %dma_start3A_961 = arith.constant 0 : i32
      %dma_start3A_962 = tpu.memref_slice %arg6[%add3A_957, %dma_start3A_961] : memref<819200x128xf32, #tpu.memory_space<hbm>> -> memref<32x128xf32, #tpu.memory_space<hbm>>
      %dma_start3A_963 = arith.constant 0 : i32
      %dma_start3A_964 = tpu.memref_slice %arg6[%add3A_957, %dma_start3A_963] : memref<819200x128xf32, #tpu.memory_space<hbm>> -> memref<32x128xf32, #tpu.memory_space<hbm>>
      %dma_start3A_965 = arith.constant 0 : i32
      %dma_start3A_966 = arith.constant 768 : i32
      %dma_start3A_967 = tpu.memref_slice %arg12[%dma_start3A_965, %dma_start3A_966] : memref<32x1024xf32, #tpu.memory_space<vmem>> -> memref<32x128xf32, #tpu.memory_space<vmem>>
      tpu.enqueue_dma source(%dma_start3A_967 : memref<32x128xf32, #tpu.memory_space<vmem>>) target(%dma_start3A_964 : memref<32x128xf32, #tpu.memory_space<hbm>>) target_semaphore(%arg17 : memref<!tpu.dma_semaphore, #tpu.memory_space<semaphore_mem>>)
      %add3A_968 = arith.constant 716800 : i32
      %add3A_969 = arith.addi %add3A_968, %mul3A_2 : i32
      %mul3A_970 = arith.constant 32 : i32
      %mul3A_971 = arith.muli %add3A_856, %mul3A_970 : i32
      %add3A_972 = arith.addi %add3A_969, %mul3A_971 : i32
      %dma_start3A_973 = arith.constant 0 : i32
      %dma_start3A_974 = arith.constant 896 : i32
      %dma_start3A_975 = tpu.memref_slice %arg12[%dma_start3A_973, %dma_start3A_974] : memref<32x1024xf32, #tpu.memory_space<vmem>> -> memref<32x128xf32, #tpu.memory_space<vmem>>
      %dma_start3A_976 = arith.constant 0 : i32
      %dma_start3A_977 = tpu.memref_slice %arg6[%add3A_972, %dma_start3A_976] : memref<819200x128xf32, #tpu.memory_space<hbm>> -> memref<32x128xf32, #tpu.memory_space<hbm>>
      %dma_start3A_978 = arith.constant 0 : i32
      %dma_start3A_979 = tpu.memref_slice %arg6[%add3A_972, %dma_start3A_978] : memref<819200x128xf32, #tpu.memory_space<hbm>> -> memref<32x128xf32, #tpu.memory_space<hbm>>
      %dma_start3A_980 = arith.constant 0 : i32
      %dma_start3A_981 = arith.constant 896 : i32
      %dma_start3A_982 = tpu.memref_slice %arg12[%dma_start3A_980, %dma_start3A_981] : memref<32x1024xf32, #tpu.memory_space<vmem>> -> memref<32x128xf32, #tpu.memory_space<vmem>>
      tpu.enqueue_dma source(%dma_start3A_982 : memref<32x128xf32, #tpu.memory_space<vmem>>) target(%dma_start3A_979 : memref<32x128xf32, #tpu.memory_space<hbm>>) target_semaphore(%arg17 : memref<!tpu.dma_semaphore, #tpu.memory_space<semaphore_mem>>)
      %add3A_983 = arith.constant 2 : i32
      %add3A_984 = arith.addi %add3A_856, %add3A_983 : i32
      %lt3A = arith.constant 100 : i32
      %lt3A_985 = arith.cmpi slt, %add3A_984, %lt3A : i32
      %convert_element_type3A = arith.extui %lt3A_985 : i1 to i32
      %cond3A = arith.constant 0 : i32
      %cond3A_986 = arith.cmpi ne, %convert_element_type3A, %cond3A : i32
      scf.if %cond3A_986 {
        %add3A_1124 = arith.constant 0 : i32
        %add3A_1125 = arith.addi %add3A_1124, %mul3A_2 : i32
        %mul3A_1126 = arith.constant 32 : i32
        %mul3A_1127 = arith.muli %add3A_856, %mul3A_1126 : i32
        %add3A_1128 = arith.addi %add3A_1125, %mul3A_1127 : i32
        %dma_wait3A_1129 = arith.constant 0 : i32
        %dma_wait3A_1130 = arith.constant 0 : i32
        %dma_wait3A_1131 = tpu.memref_slice %arg12[%dma_wait3A_1129, %dma_wait3A_1130] : memref<32x1024xf32, #tpu.memory_space<vmem>> -> memref<32x128xf32, #tpu.memory_space<vmem>>
        %dma_wait3A_1132 = arith.constant 0 : i32
        %dma_wait3A_1133 = tpu.memref_slice %arg6[%add3A_1128, %dma_wait3A_1132] : memref<819200x128xf32, #tpu.memory_space<hbm>> -> memref<32x128xf32, #tpu.memory_space<hbm>>
        %dma_wait3A_1134 = arith.constant 0 : i32
        %dma_wait3A_1135 = tpu.memref_slice %arg6[%add3A_1128, %dma_wait3A_1134] : memref<819200x128xf32, #tpu.memory_space<hbm>> -> memref<32x128xf32, #tpu.memory_space<hbm>>
        %dma_wait3A_1136 = arith.constant 0 : i32
        %dma_wait3A_1137 = arith.constant 0 : i32
        %dma_wait3A_1138 = tpu.memref_slice %arg12[%dma_wait3A_1136, %dma_wait3A_1137] : memref<32x1024xf32, #tpu.memory_space<vmem>> -> memref<32x128xf32, #tpu.memory_space<vmem>>
        tpu.wait_dma2 semaphore(%arg17 : memref<!tpu.dma_semaphore, #tpu.memory_space<semaphore_mem>>) src(%dma_wait3A_1138 : memref<32x128xf32, #tpu.memory_space<vmem>>) dst(%dma_wait3A_1135 : memref<32x128xf32, #tpu.memory_space<hbm>>)
        %add3A_1139 = arith.constant 102400 : i32
        %add3A_1140 = arith.addi %add3A_1139, %mul3A_2 : i32
        %mul3A_1141 = arith.constant 32 : i32
        %mul3A_1142 = arith.muli %add3A_856, %mul3A_1141 : i32
        %add3A_1143 = arith.addi %add3A_1140, %mul3A_1142 : i32
        %dma_wait3A_1144 = arith.constant 0 : i32
        %dma_wait3A_1145 = arith.constant 128 : i32
        %dma_wait3A_1146 = tpu.memref_slice %arg12[%dma_wait3A_1144, %dma_wait3A_1145] : memref<32x1024xf32, #tpu.memory_space<vmem>> -> memref<32x128xf32, #tpu.memory_space<vmem>>
        %dma_wait3A_1147 = arith.constant 0 : i32
        %dma_wait3A_1148 = tpu.memref_slice %arg6[%add3A_1143, %dma_wait3A_1147] : memref<819200x128xf32, #tpu.memory_space<hbm>> -> memref<32x128xf32, #tpu.memory_space<hbm>>
        %dma_wait3A_1149 = arith.constant 0 : i32
        %dma_wait3A_1150 = tpu.memref_slice %arg6[%add3A_1143, %dma_wait3A_1149] : memref<819200x128xf32, #tpu.memory_space<hbm>> -> memref<32x128xf32, #tpu.memory_space<hbm>>
        %dma_wait3A_1151 = arith.constant 0 : i32
        %dma_wait3A_1152 = arith.constant 128 : i32
        %dma_wait3A_1153 = tpu.memref_slice %arg12[%dma_wait3A_1151, %dma_wait3A_1152] : memref<32x1024xf32, #tpu.memory_space<vmem>> -> memref<32x128xf32, #tpu.memory_space<vmem>>
        tpu.wait_dma2 semaphore(%arg17 : memref<!tpu.dma_semaphore, #tpu.memory_space<semaphore_mem>>) src(%dma_wait3A_1153 : memref<32x128xf32, #tpu.memory_space<vmem>>) dst(%dma_wait3A_1150 : memref<32x128xf32, #tpu.memory_space<hbm>>)
        %add3A_1154 = arith.constant 204800 : i32
        %add3A_1155 = arith.addi %add3A_1154, %mul3A_2 : i32
        %mul3A_1156 = arith.constant 32 : i32
        %mul3A_1157 = arith.muli %add3A_856, %mul3A_1156 : i32
        %add3A_1158 = arith.addi %add3A_1155, %mul3A_1157 : i32
        %dma_wait3A_1159 = arith.constant 0 : i32
        %dma_wait3A_1160 = arith.constant 256 : i32
        %dma_wait3A_1161 = tpu.memref_slice %arg12[%dma_wait3A_1159, %dma_wait3A_1160] : memref<32x1024xf32, #tpu.memory_space<vmem>> -> memref<32x128xf32, #tpu.memory_space<vmem>>
        %dma_wait3A_1162 = arith.constant 0 : i32
        %dma_wait3A_1163 = tpu.memref_slice %arg6[%add3A_1158, %dma_wait3A_1162] : memref<819200x128xf32, #tpu.memory_space<hbm>> -> memref<32x128xf32, #tpu.memory_space<hbm>>
        %dma_wait3A_1164 = arith.constant 0 : i32
        %dma_wait3A_1165 = tpu.memref_slice %arg6[%add3A_1158, %dma_wait3A_1164] : memref<819200x128xf32, #tpu.memory_space<hbm>> -> memref<32x128xf32, #tpu.memory_space<hbm>>
        %dma_wait3A_1166 = arith.constant 0 : i32
        %dma_wait3A_1167 = arith.constant 256 : i32
        %dma_wait3A_1168 = tpu.memref_slice %arg12[%dma_wait3A_1166, %dma_wait3A_1167] : memref<32x1024xf32, #tpu.memory_space<vmem>> -> memref<32x128xf32, #tpu.memory_space<vmem>>
        tpu.wait_dma2 semaphore(%arg17 : memref<!tpu.dma_semaphore, #tpu.memory_space<semaphore_mem>>) src(%dma_wait3A_1168 : memref<32x128xf32, #tpu.memory_space<vmem>>) dst(%dma_wait3A_1165 : memref<32x128xf32, #tpu.memory_space<hbm>>)
        %add3A_1169 = arith.constant 307200 : i32
        %add3A_1170 = arith.addi %add3A_1169, %mul3A_2 : i32
        %mul3A_1171 = arith.constant 32 : i32
        %mul3A_1172 = arith.muli %add3A_856, %mul3A_1171 : i32
        %add3A_1173 = arith.addi %add3A_1170, %mul3A_1172 : i32
        %dma_wait3A_1174 = arith.constant 0 : i32
        %dma_wait3A_1175 = arith.constant 384 : i32
        %dma_wait3A_1176 = tpu.memref_slice %arg12[%dma_wait3A_1174, %dma_wait3A_1175] : memref<32x1024xf32, #tpu.memory_space<vmem>> -> memref<32x128xf32, #tpu.memory_space<vmem>>
        %dma_wait3A_1177 = arith.constant 0 : i32
        %dma_wait3A_1178 = tpu.memref_slice %arg6[%add3A_1173, %dma_wait3A_1177] : memref<819200x128xf32, #tpu.memory_space<hbm>> -> memref<32x128xf32, #tpu.memory_space<hbm>>
        %dma_wait3A_1179 = arith.constant 0 : i32
        %dma_wait3A_1180 = tpu.memref_slice %arg6[%add3A_1173, %dma_wait3A_1179] : memref<819200x128xf32, #tpu.memory_space<hbm>> -> memref<32x128xf32, #tpu.memory_space<hbm>>
        %dma_wait3A_1181 = arith.constant 0 : i32
        %dma_wait3A_1182 = arith.constant 384 : i32
        %dma_wait3A_1183 = tpu.memref_slice %arg12[%dma_wait3A_1181, %dma_wait3A_1182] : memref<32x1024xf32, #tpu.memory_space<vmem>> -> memref<32x128xf32, #tpu.memory_space<vmem>>
        tpu.wait_dma2 semaphore(%arg17 : memref<!tpu.dma_semaphore, #tpu.memory_space<semaphore_mem>>) src(%dma_wait3A_1183 : memref<32x128xf32, #tpu.memory_space<vmem>>) dst(%dma_wait3A_1180 : memref<32x128xf32, #tpu.memory_space<hbm>>)
        %add3A_1184 = arith.constant 409600 : i32
        %add3A_1185 = arith.addi %add3A_1184, %mul3A_2 : i32
        %mul3A_1186 = arith.constant 32 : i32
        %mul3A_1187 = arith.muli %add3A_856, %mul3A_1186 : i32
        %add3A_1188 = arith.addi %add3A_1185, %mul3A_1187 : i32
        %dma_wait3A_1189 = arith.constant 0 : i32
        %dma_wait3A_1190 = arith.constant 512 : i32
        %dma_wait3A_1191 = tpu.memref_slice %arg12[%dma_wait3A_1189, %dma_wait3A_1190] : memref<32x1024xf32, #tpu.memory_space<vmem>> -> memref<32x128xf32, #tpu.memory_space<vmem>>
        %dma_wait3A_1192 = arith.constant 0 : i32
        %dma_wait3A_1193 = tpu.memref_slice %arg6[%add3A_1188, %dma_wait3A_1192] : memref<819200x128xf32, #tpu.memory_space<hbm>> -> memref<32x128xf32, #tpu.memory_space<hbm>>
        %dma_wait3A_1194 = arith.constant 0 : i32
        %dma_wait3A_1195 = tpu.memref_slice %arg6[%add3A_1188, %dma_wait3A_1194] : memref<819200x128xf32, #tpu.memory_space<hbm>> -> memref<32x128xf32, #tpu.memory_space<hbm>>
        %dma_wait3A_1196 = arith.constant 0 : i32
        %dma_wait3A_1197 = arith.constant 512 : i32
        %dma_wait3A_1198 = tpu.memref_slice %arg12[%dma_wait3A_1196, %dma_wait3A_1197] : memref<32x1024xf32, #tpu.memory_space<vmem>> -> memref<32x128xf32, #tpu.memory_space<vmem>>
        tpu.wait_dma2 semaphore(%arg17 : memref<!tpu.dma_semaphore, #tpu.memory_space<semaphore_mem>>) src(%dma_wait3A_1198 : memref<32x128xf32, #tpu.memory_space<vmem>>) dst(%dma_wait3A_1195 : memref<32x128xf32, #tpu.memory_space<hbm>>)
        %add3A_1199 = arith.constant 512000 : i32
        %add3A_1200 = arith.addi %add3A_1199, %mul3A_2 : i32
        %mul3A_1201 = arith.constant 32 : i32
        %mul3A_1202 = arith.muli %add3A_856, %mul3A_1201 : i32
        %add3A_1203 = arith.addi %add3A_1200, %mul3A_1202 : i32
        %dma_wait3A_1204 = arith.constant 0 : i32
        %dma_wait3A_1205 = arith.constant 640 : i32
        %dma_wait3A_1206 = tpu.memref_slice %arg12[%dma_wait3A_1204, %dma_wait3A_1205] : memref<32x1024xf32, #tpu.memory_space<vmem>> -> memref<32x128xf32, #tpu.memory_space<vmem>>
        %dma_wait3A_1207 = arith.constant 0 : i32
        %dma_wait3A_1208 = tpu.memref_slice %arg6[%add3A_1203, %dma_wait3A_1207] : memref<819200x128xf32, #tpu.memory_space<hbm>> -> memref<32x128xf32, #tpu.memory_space<hbm>>
        %dma_wait3A_1209 = arith.constant 0 : i32
        %dma_wait3A_1210 = tpu.memref_slice %arg6[%add3A_1203, %dma_wait3A_1209] : memref<819200x128xf32, #tpu.memory_space<hbm>> -> memref<32x128xf32, #tpu.memory_space<hbm>>
        %dma_wait3A_1211 = arith.constant 0 : i32
        %dma_wait3A_1212 = arith.constant 640 : i32
        %dma_wait3A_1213 = tpu.memref_slice %arg12[%dma_wait3A_1211, %dma_wait3A_1212] : memref<32x1024xf32, #tpu.memory_space<vmem>> -> memref<32x128xf32, #tpu.memory_space<vmem>>
        tpu.wait_dma2 semaphore(%arg17 : memref<!tpu.dma_semaphore, #tpu.memory_space<semaphore_mem>>) src(%dma_wait3A_1213 : memref<32x128xf32, #tpu.memory_space<vmem>>) dst(%dma_wait3A_1210 : memref<32x128xf32, #tpu.memory_space<hbm>>)
        %add3A_1214 = arith.constant 614400 : i32
        %add3A_1215 = arith.addi %add3A_1214, %mul3A_2 : i32
        %mul3A_1216 = arith.constant 32 : i32
        %mul3A_1217 = arith.muli %add3A_856, %mul3A_1216 : i32
        %add3A_1218 = arith.addi %add3A_1215, %mul3A_1217 : i32
        %dma_wait3A_1219 = arith.constant 0 : i32
        %dma_wait3A_1220 = arith.constant 768 : i32
        %dma_wait3A_1221 = tpu.memref_slice %arg12[%dma_wait3A_1219, %dma_wait3A_1220] : memref<32x1024xf32, #tpu.memory_space<vmem>> -> memref<32x128xf32, #tpu.memory_space<vmem>>
        %dma_wait3A_1222 = arith.constant 0 : i32
        %dma_wait3A_1223 = tpu.memref_slice %arg6[%add3A_1218, %dma_wait3A_1222] : memref<819200x128xf32, #tpu.memory_space<hbm>> -> memref<32x128xf32, #tpu.memory_space<hbm>>
        %dma_wait3A_1224 = arith.constant 0 : i32
        %dma_wait3A_1225 = tpu.memref_slice %arg6[%add3A_1218, %dma_wait3A_1224] : memref<819200x128xf32, #tpu.memory_space<hbm>> -> memref<32x128xf32, #tpu.memory_space<hbm>>
        %dma_wait3A_1226 = arith.constant 0 : i32
        %dma_wait3A_1227 = arith.constant 768 : i32
        %dma_wait3A_1228 = tpu.memref_slice %arg12[%dma_wait3A_1226, %dma_wait3A_1227] : memref<32x1024xf32, #tpu.memory_space<vmem>> -> memref<32x128xf32, #tpu.memory_space<vmem>>
        tpu.wait_dma2 semaphore(%arg17 : memref<!tpu.dma_semaphore, #tpu.memory_space<semaphore_mem>>) src(%dma_wait3A_1228 : memref<32x128xf32, #tpu.memory_space<vmem>>) dst(%dma_wait3A_1225 : memref<32x128xf32, #tpu.memory_space<hbm>>)
        %add3A_1229 = arith.constant 716800 : i32
        %add3A_1230 = arith.addi %add3A_1229, %mul3A_2 : i32
        %mul3A_1231 = arith.constant 32 : i32
        %mul3A_1232 = arith.muli %add3A_856, %mul3A_1231 : i32
        %add3A_1233 = arith.addi %add3A_1230, %mul3A_1232 : i32
        %dma_wait3A_1234 = arith.constant 0 : i32
        %dma_wait3A_1235 = arith.constant 896 : i32
        %dma_wait3A_1236 = tpu.memref_slice %arg12[%dma_wait3A_1234, %dma_wait3A_1235] : memref<32x1024xf32, #tpu.memory_space<vmem>> -> memref<32x128xf32, #tpu.memory_space<vmem>>
        %dma_wait3A_1237 = arith.constant 0 : i32
        %dma_wait3A_1238 = tpu.memref_slice %arg6[%add3A_1233, %dma_wait3A_1237] : memref<819200x128xf32, #tpu.memory_space<hbm>> -> memref<32x128xf32, #tpu.memory_space<hbm>>
        %dma_wait3A_1239 = arith.constant 0 : i32
        %dma_wait3A_1240 = tpu.memref_slice %arg6[%add3A_1233, %dma_wait3A_1239] : memref<819200x128xf32, #tpu.memory_space<hbm>> -> memref<32x128xf32, #tpu.memory_space<hbm>>
        %dma_wait3A_1241 = arith.constant 0 : i32
        %dma_wait3A_1242 = arith.constant 896 : i32
        %dma_wait3A_1243 = tpu.memref_slice %arg12[%dma_wait3A_1241, %dma_wait3A_1242] : memref<32x1024xf32, #tpu.memory_space<vmem>> -> memref<32x128xf32, #tpu.memory_space<vmem>>
        tpu.wait_dma2 semaphore(%arg17 : memref<!tpu.dma_semaphore, #tpu.memory_space<semaphore_mem>>) src(%dma_wait3A_1243 : memref<32x128xf32, #tpu.memory_space<vmem>>) dst(%dma_wait3A_1240 : memref<32x128xf32, #tpu.memory_space<hbm>>)
        %add3A_1244 = arith.constant 2 : i32
        %add3A_1245 = arith.addi %add3A_856, %add3A_1244 : i32
        %mul3A_1246 = arith.constant 32 : i32
        %mul3A_1247 = arith.muli %add3A_1245, %mul3A_1246 : i32
        %dma_start3A_1248 = tpu.memref_slice %arg8[%mul3A_1247] : memref<3200xi32, #tpu.memory_space<vmem>> -> memref<32xi32, #tpu.memory_space<vmem>>
        %dma_start3A_1249 = arith.constant 0 : i32
        %dma_start3A_1250 = arith.constant 0 : i32
        %dma_start3A_1251 = tpu.memref_slice %arg2[%dma_start3A_1249, %dma_start3A_1250] : memref<1000x1024xf32, #tpu.memory_space<hbm>> -> memref<1000x1024xf32, #tpu.memory_space<hbm>>
        tpu.enqueue_indirect_dma source(%dma_start3A_1251 : memref<1000x1024xf32, #tpu.memory_space<hbm>>) target(%arg12 : memref<32x1024xf32, #tpu.memory_space<vmem>>) offsets(%dma_start3A_1248 : memref<32xi32, #tpu.memory_space<vmem>>) semaphore(%arg15 : memref<!tpu.dma_semaphore, #tpu.memory_space<semaphore_mem>>)
      } else {
      }
      %mul3A_987 = arith.constant 2 : i32
      %mul3A_988 = arith.muli %mul3A_987, %scan3A_852 : i32
      %add3A_989 = arith.constant 1 : i32
      %add3A_990 = arith.addi %mul3A_988, %add3A_989 : i32
      %mul3A_991 = arith.constant 32 : i32
      %mul3A_992 = arith.muli %add3A_990, %mul3A_991 : i32
      %dma_wait3A_993 = tpu.memref_slice %arg8[%mul3A_992] : memref<3200xi32, #tpu.memory_space<vmem>> -> memref<32xi32, #tpu.memory_space<vmem>>
      %dma_wait3A_994 = arith.constant 0 : i32
      %dma_wait3A_995 = arith.constant 0 : i32
      %dma_wait3A_996 = tpu.memref_slice %arg2[%dma_wait3A_994, %dma_wait3A_995] : memref<1000x1024xf32, #tpu.memory_space<hbm>> -> memref<1000x1024xf32, #tpu.memory_space<hbm>>
      tpu.wait_indirect_dma semaphore(%arg16 : memref<!tpu.dma_semaphore, #tpu.memory_space<semaphore_mem>>) src(%dma_wait3A_996 : memref<1000x1024xf32, #tpu.memory_space<hbm>>) dst(%arg13 : memref<32x1024xf32, #tpu.memory_space<vmem>>)
      %add3A_997 = arith.constant 0 : i32
      %add3A_998 = arith.addi %add3A_997, %mul3A_2 : i32
      %mul3A_999 = arith.constant 32 : i32
      %mul3A_1000 = arith.muli %add3A_990, %mul3A_999 : i32
      %add3A_1001 = arith.addi %add3A_998, %mul3A_1000 : i32
      %dma_start3A_1002 = arith.constant 0 : i32
      %dma_start3A_1003 = arith.constant 0 : i32
      %dma_start3A_1004 = tpu.memref_slice %arg13[%dma_start3A_1002, %dma_start3A_1003] : memref<32x1024xf32, #tpu.memory_space<vmem>> -> memref<32x128xf32, #tpu.memory_space<vmem>>
      %dma_start3A_1005 = arith.constant 0 : i32
      %dma_start3A_1006 = tpu.memref_slice %arg6[%add3A_1001, %dma_start3A_1005] : memref<819200x128xf32, #tpu.memory_space<hbm>> -> memref<32x128xf32, #tpu.memory_space<hbm>>
      %dma_start3A_1007 = arith.constant 0 : i32
      %dma_start3A_1008 = tpu.memref_slice %arg6[%add3A_1001, %dma_start3A_1007] : memref<819200x128xf32, #tpu.memory_space<hbm>> -> memref<32x128xf32, #tpu.memory_space<hbm>>
      %dma_start3A_1009 = arith.constant 0 : i32
      %dma_start3A_1010 = arith.constant 0 : i32
      %dma_start3A_1011 = tpu.memref_slice %arg13[%dma_start3A_1009, %dma_start3A_1010] : memref<32x1024xf32, #tpu.memory_space<vmem>> -> memref<32x128xf32, #tpu.memory_space<vmem>>
      tpu.enqueue_dma source(%dma_start3A_1011 : memref<32x128xf32, #tpu.memory_space<vmem>>) target(%dma_start3A_1008 : memref<32x128xf32, #tpu.memory_space<hbm>>) target_semaphore(%arg18 : memref<!tpu.dma_semaphore, #tpu.memory_space<semaphore_mem>>)
      %add3A_1012 = arith.constant 102400 : i32
      %add3A_1013 = arith.addi %add3A_1012, %mul3A_2 : i32
      %mul3A_1014 = arith.constant 32 : i32
      %mul3A_1015 = arith.muli %add3A_990, %mul3A_1014 : i32
      %add3A_1016 = arith.addi %add3A_1013, %mul3A_1015 : i32
      %dma_start3A_1017 = arith.constant 0 : i32
      %dma_start3A_1018 = arith.constant 128 : i32
      %dma_start3A_1019 = tpu.memref_slice %arg13[%dma_start3A_1017, %dma_start3A_1018] : memref<32x1024xf32, #tpu.memory_space<vmem>> -> memref<32x128xf32, #tpu.memory_space<vmem>>
      %dma_start3A_1020 = arith.constant 0 : i32
      %dma_start3A_1021 = tpu.memref_slice %arg6[%add3A_1016, %dma_start3A_1020] : memref<819200x128xf32, #tpu.memory_space<hbm>> -> memref<32x128xf32, #tpu.memory_space<hbm>>
      %dma_start3A_1022 = arith.constant 0 : i32
      %dma_start3A_1023 = tpu.memref_slice %arg6[%add3A_1016, %dma_start3A_1022] : memref<819200x128xf32, #tpu.memory_space<hbm>> -> memref<32x128xf32, #tpu.memory_space<hbm>>
      %dma_start3A_1024 = arith.constant 0 : i32
      %dma_start3A_1025 = arith.constant 128 : i32
      %dma_start3A_1026 = tpu.memref_slice %arg13[%dma_start3A_1024, %dma_start3A_1025] : memref<32x1024xf32, #tpu.memory_space<vmem>> -> memref<32x128xf32, #tpu.memory_space<vmem>>
      tpu.enqueue_dma source(%dma_start3A_1026 : memref<32x128xf32, #tpu.memory_space<vmem>>) target(%dma_start3A_1023 : memref<32x128xf32, #tpu.memory_space<hbm>>) target_semaphore(%arg18 : memref<!tpu.dma_semaphore, #tpu.memory_space<semaphore_mem>>)
      %add3A_1027 = arith.constant 204800 : i32
      %add3A_1028 = arith.addi %add3A_1027, %mul3A_2 : i32
      %mul3A_1029 = arith.constant 32 : i32
      %mul3A_1030 = arith.muli %add3A_990, %mul3A_1029 : i32
      %add3A_1031 = arith.addi %add3A_1028, %mul3A_1030 : i32
      %dma_start3A_1032 = arith.constant 0 : i32
      %dma_start3A_1033 = arith.constant 256 : i32
      %dma_start3A_1034 = tpu.memref_slice %arg13[%dma_start3A_1032, %dma_start3A_1033] : memref<32x1024xf32, #tpu.memory_space<vmem>> -> memref<32x128xf32, #tpu.memory_space<vmem>>
      %dma_start3A_1035 = arith.constant 0 : i32
      %dma_start3A_1036 = tpu.memref_slice %arg6[%add3A_1031, %dma_start3A_1035] : memref<819200x128xf32, #tpu.memory_space<hbm>> -> memref<32x128xf32, #tpu.memory_space<hbm>>
      %dma_start3A_1037 = arith.constant 0 : i32
      %dma_start3A_1038 = tpu.memref_slice %arg6[%add3A_1031, %dma_start3A_1037] : memref<819200x128xf32, #tpu.memory_space<hbm>> -> memref<32x128xf32, #tpu.memory_space<hbm>>
      %dma_start3A_1039 = arith.constant 0 : i32
      %dma_start3A_1040 = arith.constant 256 : i32
      %dma_start3A_1041 = tpu.memref_slice %arg13[%dma_start3A_1039, %dma_start3A_1040] : memref<32x1024xf32, #tpu.memory_space<vmem>> -> memref<32x128xf32, #tpu.memory_space<vmem>>
      tpu.enqueue_dma source(%dma_start3A_1041 : memref<32x128xf32, #tpu.memory_space<vmem>>) target(%dma_start3A_1038 : memref<32x128xf32, #tpu.memory_space<hbm>>) target_semaphore(%arg18 : memref<!tpu.dma_semaphore, #tpu.memory_space<semaphore_mem>>)
      %add3A_1042 = arith.constant 307200 : i32
      %add3A_1043 = arith.addi %add3A_1042, %mul3A_2 : i32
      %mul3A_1044 = arith.constant 32 : i32
      %mul3A_1045 = arith.muli %add3A_990, %mul3A_1044 : i32
      %add3A_1046 = arith.addi %add3A_1043, %mul3A_1045 : i32
      %dma_start3A_1047 = arith.constant 0 : i32
      %dma_start3A_1048 = arith.constant 384 : i32
      %dma_start3A_1049 = tpu.memref_slice %arg13[%dma_start3A_1047, %dma_start3A_1048] : memref<32x1024xf32, #tpu.memory_space<vmem>> -> memref<32x128xf32, #tpu.memory_space<vmem>>
      %dma_start3A_1050 = arith.constant 0 : i32
      %dma_start3A_1051 = tpu.memref_slice %arg6[%add3A_1046, %dma_start3A_1050] : memref<819200x128xf32, #tpu.memory_space<hbm>> -> memref<32x128xf32, #tpu.memory_space<hbm>>
      %dma_start3A_1052 = arith.constant 0 : i32
      %dma_start3A_1053 = tpu.memref_slice %arg6[%add3A_1046, %dma_start3A_1052] : memref<819200x128xf32, #tpu.memory_space<hbm>> -> memref<32x128xf32, #tpu.memory_space<hbm>>
      %dma_start3A_1054 = arith.constant 0 : i32
      %dma_start3A_1055 = arith.constant 384 : i32
      %dma_start3A_1056 = tpu.memref_slice %arg13[%dma_start3A_1054, %dma_start3A_1055] : memref<32x1024xf32, #tpu.memory_space<vmem>> -> memref<32x128xf32, #tpu.memory_space<vmem>>
      tpu.enqueue_dma source(%dma_start3A_1056 : memref<32x128xf32, #tpu.memory_space<vmem>>) target(%dma_start3A_1053 : memref<32x128xf32, #tpu.memory_space<hbm>>) target_semaphore(%arg18 : memref<!tpu.dma_semaphore, #tpu.memory_space<semaphore_mem>>)
      %add3A_1057 = arith.constant 409600 : i32
      %add3A_1058 = arith.addi %add3A_1057, %mul3A_2 : i32
      %mul3A_1059 = arith.constant 32 : i32
      %mul3A_1060 = arith.muli %add3A_990, %mul3A_1059 : i32
      %add3A_1061 = arith.addi %add3A_1058, %mul3A_1060 : i32
      %dma_start3A_1062 = arith.constant 0 : i32
      %dma_start3A_1063 = arith.constant 512 : i32
      %dma_start3A_1064 = tpu.memref_slice %arg13[%dma_start3A_1062, %dma_start3A_1063] : memref<32x1024xf32, #tpu.memory_space<vmem>> -> memref<32x128xf32, #tpu.memory_space<vmem>>
      %dma_start3A_1065 = arith.constant 0 : i32
      %dma_start3A_1066 = tpu.memref_slice %arg6[%add3A_1061, %dma_start3A_1065] : memref<819200x128xf32, #tpu.memory_space<hbm>> -> memref<32x128xf32, #tpu.memory_space<hbm>>
      %dma_start3A_1067 = arith.constant 0 : i32
      %dma_start3A_1068 = tpu.memref_slice %arg6[%add3A_1061, %dma_start3A_1067] : memref<819200x128xf32, #tpu.memory_space<hbm>> -> memref<32x128xf32, #tpu.memory_space<hbm>>
      %dma_start3A_1069 = arith.constant 0 : i32
      %dma_start3A_1070 = arith.constant 512 : i32
      %dma_start3A_1071 = tpu.memref_slice %arg13[%dma_start3A_1069, %dma_start3A_1070] : memref<32x1024xf32, #tpu.memory_space<vmem>> -> memref<32x128xf32, #tpu.memory_space<vmem>>
      tpu.enqueue_dma source(%dma_start3A_1071 : memref<32x128xf32, #tpu.memory_space<vmem>>) target(%dma_start3A_1068 : memref<32x128xf32, #tpu.memory_space<hbm>>) target_semaphore(%arg18 : memref<!tpu.dma_semaphore, #tpu.memory_space<semaphore_mem>>)
      %add3A_1072 = arith.constant 512000 : i32
      %add3A_1073 = arith.addi %add3A_1072, %mul3A_2 : i32
      %mul3A_1074 = arith.constant 32 : i32
      %mul3A_1075 = arith.muli %add3A_990, %mul3A_1074 : i32
      %add3A_1076 = arith.addi %add3A_1073, %mul3A_1075 : i32
      %dma_start3A_1077 = arith.constant 0 : i32
      %dma_start3A_1078 = arith.constant 640 : i32
      %dma_start3A_1079 = tpu.memref_slice %arg13[%dma_start3A_1077, %dma_start3A_1078] : memref<32x1024xf32, #tpu.memory_space<vmem>> -> memref<32x128xf32, #tpu.memory_space<vmem>>
      %dma_start3A_1080 = arith.constant 0 : i32
      %dma_start3A_1081 = tpu.memref_slice %arg6[%add3A_1076, %dma_start3A_1080] : memref<819200x128xf32, #tpu.memory_space<hbm>> -> memref<32x128xf32, #tpu.memory_space<hbm>>
      %dma_start3A_1082 = arith.constant 0 : i32
      %dma_start3A_1083 = tpu.memref_slice %arg6[%add3A_1076, %dma_start3A_1082] : memref<819200x128xf32, #tpu.memory_space<hbm>> -> memref<32x128xf32, #tpu.memory_space<hbm>>
      %dma_start3A_1084 = arith.constant 0 : i32
      %dma_start3A_1085 = arith.constant 640 : i32
      %dma_start3A_1086 = tpu.memref_slice %arg13[%dma_start3A_1084, %dma_start3A_1085] : memref<32x1024xf32, #tpu.memory_space<vmem>> -> memref<32x128xf32, #tpu.memory_space<vmem>>
      tpu.enqueue_dma source(%dma_start3A_1086 : memref<32x128xf32, #tpu.memory_space<vmem>>) target(%dma_start3A_1083 : memref<32x128xf32, #tpu.memory_space<hbm>>) target_semaphore(%arg18 : memref<!tpu.dma_semaphore, #tpu.memory_space<semaphore_mem>>)
      %add3A_1087 = arith.constant 614400 : i32
      %add3A_1088 = arith.addi %add3A_1087, %mul3A_2 : i32
      %mul3A_1089 = arith.constant 32 : i32
      %mul3A_1090 = arith.muli %add3A_990, %mul3A_1089 : i32
      %add3A_1091 = arith.addi %add3A_1088, %mul3A_1090 : i32
      %dma_start3A_1092 = arith.constant 0 : i32
      %dma_start3A_1093 = arith.constant 768 : i32
      %dma_start3A_1094 = tpu.memref_slice %arg13[%dma_start3A_1092, %dma_start3A_1093] : memref<32x1024xf32, #tpu.memory_space<vmem>> -> memref<32x128xf32, #tpu.memory_space<vmem>>
      %dma_start3A_1095 = arith.constant 0 : i32
      %dma_start3A_1096 = tpu.memref_slice %arg6[%add3A_1091, %dma_start3A_1095] : memref<819200x128xf32, #tpu.memory_space<hbm>> -> memref<32x128xf32, #tpu.memory_space<hbm>>
      %dma_start3A_1097 = arith.constant 0 : i32
      %dma_start3A_1098 = tpu.memref_slice %arg6[%add3A_1091, %dma_start3A_1097] : memref<819200x128xf32, #tpu.memory_space<hbm>> -> memref<32x128xf32, #tpu.memory_space<hbm>>
      %dma_start3A_1099 = arith.constant 0 : i32
      %dma_start3A_1100 = arith.constant 768 : i32
      %dma_start3A_1101 = tpu.memref_slice %arg13[%dma_start3A_1099, %dma_start3A_1100] : memref<32x1024xf32, #tpu.memory_space<vmem>> -> memref<32x128xf32, #tpu.memory_space<vmem>>
      tpu.enqueue_dma source(%dma_start3A_1101 : memref<32x128xf32, #tpu.memory_space<vmem>>) target(%dma_start3A_1098 : memref<32x128xf32, #tpu.memory_space<hbm>>) target_semaphore(%arg18 : memref<!tpu.dma_semaphore, #tpu.memory_space<semaphore_mem>>)
      %add3A_1102 = arith.constant 716800 : i32
      %add3A_1103 = arith.addi %add3A_1102, %mul3A_2 : i32
      %mul3A_1104 = arith.constant 32 : i32
      %mul3A_1105 = arith.muli %add3A_990, %mul3A_1104 : i32
      %add3A_1106 = arith.addi %add3A_1103, %mul3A_1105 : i32
      %dma_start3A_1107 = arith.constant 0 : i32
      %dma_start3A_1108 = arith.constant 896 : i32
      %dma_start3A_1109 = tpu.memref_slice %arg13[%dma_start3A_1107, %dma_start3A_1108] : memref<32x1024xf32, #tpu.memory_space<vmem>> -> memref<32x128xf32, #tpu.memory_space<vmem>>
      %dma_start3A_1110 = arith.constant 0 : i32
      %dma_start3A_1111 = tpu.memref_slice %arg6[%add3A_1106, %dma_start3A_1110] : memref<819200x128xf32, #tpu.memory_space<hbm>> -> memref<32x128xf32, #tpu.memory_space<hbm>>
      %dma_start3A_1112 = arith.constant 0 : i32
      %dma_start3A_1113 = tpu.memref_slice %arg6[%add3A_1106, %dma_start3A_1112] : memref<819200x128xf32, #tpu.memory_space<hbm>> -> memref<32x128xf32, #tpu.memory_space<hbm>>
      %dma_start3A_1114 = arith.constant 0 : i32
      %dma_start3A_1115 = arith.constant 896 : i32
      %dma_start3A_1116 = tpu.memref_slice %arg13[%dma_start3A_1114, %dma_start3A_1115] : memref<32x1024xf32, #tpu.memory_space<vmem>> -> memref<32x128xf32, #tpu.memory_space<vmem>>
      tpu.enqueue_dma source(%dma_start3A_1116 : memref<32x128xf32, #tpu.memory_space<vmem>>) target(%dma_start3A_1113 : memref<32x128xf32, #tpu.memory_space<hbm>>) target_semaphore(%arg18 : memref<!tpu.dma_semaphore, #tpu.memory_space<semaphore_mem>>)
      %add3A_1117 = arith.constant 2 : i32
      %add3A_1118 = arith.addi %add3A_990, %add3A_1117 : i32
      %lt3A_1119 = arith.constant 100 : i32
      %lt3A_1120 = arith.cmpi slt, %add3A_1118, %lt3A_1119 : i32
      %convert_element_type3A_1121 = arith.extui %lt3A_1120 : i1 to i32
      %cond3A_1122 = arith.constant 0 : i32
      %cond3A_1123 = arith.cmpi ne, %convert_element_type3A_1121, %cond3A_1122 : i32
      scf.if %cond3A_1123 {
        %add3A_1124 = arith.constant 0 : i32
        %add3A_1125 = arith.addi %add3A_1124, %mul3A_2 : i32
        %mul3A_1126 = arith.constant 32 : i32
        %mul3A_1127 = arith.muli %add3A_990, %mul3A_1126 : i32
        %add3A_1128 = arith.addi %add3A_1125, %mul3A_1127 : i32
        %dma_wait3A_1129 = arith.constant 0 : i32
        %dma_wait3A_1130 = arith.constant 0 : i32
        %dma_wait3A_1131 = tpu.memref_slice %arg13[%dma_wait3A_1129, %dma_wait3A_1130] : memref<32x1024xf32, #tpu.memory_space<vmem>> -> memref<32x128xf32, #tpu.memory_space<vmem>>
        %dma_wait3A_1132 = arith.constant 0 : i32
        %dma_wait3A_1133 = tpu.memref_slice %arg6[%add3A_1128, %dma_wait3A_1132] : memref<819200x128xf32, #tpu.memory_space<hbm>> -> memref<32x128xf32, #tpu.memory_space<hbm>>
        %dma_wait3A_1134 = arith.constant 0 : i32
        %dma_wait3A_1135 = tpu.memref_slice %arg6[%add3A_1128, %dma_wait3A_1134] : memref<819200x128xf32, #tpu.memory_space<hbm>> -> memref<32x128xf32, #tpu.memory_space<hbm>>
        %dma_wait3A_1136 = arith.constant 0 : i32
        %dma_wait3A_1137 = arith.constant 0 : i32
        %dma_wait3A_1138 = tpu.memref_slice %arg13[%dma_wait3A_1136, %dma_wait3A_1137] : memref<32x1024xf32, #tpu.memory_space<vmem>> -> memref<32x128xf32, #tpu.memory_space<vmem>>
        tpu.wait_dma2 semaphore(%arg18 : memref<!tpu.dma_semaphore, #tpu.memory_space<semaphore_mem>>) src(%dma_wait3A_1138 : memref<32x128xf32, #tpu.memory_space<vmem>>) dst(%dma_wait3A_1135 : memref<32x128xf32, #tpu.memory_space<hbm>>)
        %add3A_1139 = arith.constant 102400 : i32
        %add3A_1140 = arith.addi %add3A_1139, %mul3A_2 : i32
        %mul3A_1141 = arith.constant 32 : i32
        %mul3A_1142 = arith.muli %add3A_990, %mul3A_1141 : i32
        %add3A_1143 = arith.addi %add3A_1140, %mul3A_1142 : i32
        %dma_wait3A_1144 = arith.constant 0 : i32
        %dma_wait3A_1145 = arith.constant 128 : i32
        %dma_wait3A_1146 = tpu.memref_slice %arg13[%dma_wait3A_1144, %dma_wait3A_1145] : memref<32x1024xf32, #tpu.memory_space<vmem>> -> memref<32x128xf32, #tpu.memory_space<vmem>>
        %dma_wait3A_1147 = arith.constant 0 : i32
        %dma_wait3A_1148 = tpu.memref_slice %arg6[%add3A_1143, %dma_wait3A_1147] : memref<819200x128xf32, #tpu.memory_space<hbm>> -> memref<32x128xf32, #tpu.memory_space<hbm>>
        %dma_wait3A_1149 = arith.constant 0 : i32
        %dma_wait3A_1150 = tpu.memref_slice %arg6[%add3A_1143, %dma_wait3A_1149] : memref<819200x128xf32, #tpu.memory_space<hbm>> -> memref<32x128xf32, #tpu.memory_space<hbm>>
        %dma_wait3A_1151 = arith.constant 0 : i32
        %dma_wait3A_1152 = arith.constant 128 : i32
        %dma_wait3A_1153 = tpu.memref_slice %arg13[%dma_wait3A_1151, %dma_wait3A_1152] : memref<32x1024xf32, #tpu.memory_space<vmem>> -> memref<32x128xf32, #tpu.memory_space<vmem>>
        tpu.wait_dma2 semaphore(%arg18 : memref<!tpu.dma_semaphore, #tpu.memory_space<semaphore_mem>>) src(%dma_wait3A_1153 : memref<32x128xf32, #tpu.memory_space<vmem>>) dst(%dma_wait3A_1150 : memref<32x128xf32, #tpu.memory_space<hbm>>)
        %add3A_1154 = arith.constant 204800 : i32
        %add3A_1155 = arith.addi %add3A_1154, %mul3A_2 : i32
        %mul3A_1156 = arith.constant 32 : i32
        %mul3A_1157 = arith.muli %add3A_990, %mul3A_1156 : i32
        %add3A_1158 = arith.addi %add3A_1155, %mul3A_1157 : i32
        %dma_wait3A_1159 = arith.constant 0 : i32
        %dma_wait3A_1160 = arith.constant 256 : i32
        %dma_wait3A_1161 = tpu.memref_slice %arg13[%dma_wait3A_1159, %dma_wait3A_1160] : memref<32x1024xf32, #tpu.memory_space<vmem>> -> memref<32x128xf32, #tpu.memory_space<vmem>>
        %dma_wait3A_1162 = arith.constant 0 : i32
        %dma_wait3A_1163 = tpu.memref_slice %arg6[%add3A_1158, %dma_wait3A_1162] : memref<819200x128xf32, #tpu.memory_space<hbm>> -> memref<32x128xf32, #tpu.memory_space<hbm>>
        %dma_wait3A_1164 = arith.constant 0 : i32
        %dma_wait3A_1165 = tpu.memref_slice %arg6[%add3A_1158, %dma_wait3A_1164] : memref<819200x128xf32, #tpu.memory_space<hbm>> -> memref<32x128xf32, #tpu.memory_space<hbm>>
        %dma_wait3A_1166 = arith.constant 0 : i32
        %dma_wait3A_1167 = arith.constant 256 : i32
        %dma_wait3A_1168 = tpu.memref_slice %arg13[%dma_wait3A_1166, %dma_wait3A_1167] : memref<32x1024xf32, #tpu.memory_space<vmem>> -> memref<32x128xf32, #tpu.memory_space<vmem>>
        tpu.wait_dma2 semaphore(%arg18 : memref<!tpu.dma_semaphore, #tpu.memory_space<semaphore_mem>>) src(%dma_wait3A_1168 : memref<32x128xf32, #tpu.memory_space<vmem>>) dst(%dma_wait3A_1165 : memref<32x128xf32, #tpu.memory_space<hbm>>)
        %add3A_1169 = arith.constant 307200 : i32
        %add3A_1170 = arith.addi %add3A_1169, %mul3A_2 : i32
        %mul3A_1171 = arith.constant 32 : i32
        %mul3A_1172 = arith.muli %add3A_990, %mul3A_1171 : i32
        %add3A_1173 = arith.addi %add3A_1170, %mul3A_1172 : i32
        %dma_wait3A_1174 = arith.constant 0 : i32
        %dma_wait3A_1175 = arith.constant 384 : i32
        %dma_wait3A_1176 = tpu.memref_slice %arg13[%dma_wait3A_1174, %dma_wait3A_1175] : memref<32x1024xf32, #tpu.memory_space<vmem>> -> memref<32x128xf32, #tpu.memory_space<vmem>>
        %dma_wait3A_1177 = arith.constant 0 : i32
        %dma_wait3A_1178 = tpu.memref_slice %arg6[%add3A_1173, %dma_wait3A_1177] : memref<819200x128xf32, #tpu.memory_space<hbm>> -> memref<32x128xf32, #tpu.memory_space<hbm>>
        %dma_wait3A_1179 = arith.constant 0 : i32
        %dma_wait3A_1180 = tpu.memref_slice %arg6[%add3A_1173, %dma_wait3A_1179] : memref<819200x128xf32, #tpu.memory_space<hbm>> -> memref<32x128xf32, #tpu.memory_space<hbm>>
        %dma_wait3A_1181 = arith.constant 0 : i32
        %dma_wait3A_1182 = arith.constant 384 : i32
        %dma_wait3A_1183 = tpu.memref_slice %arg13[%dma_wait3A_1181, %dma_wait3A_1182] : memref<32x1024xf32, #tpu.memory_space<vmem>> -> memref<32x128xf32, #tpu.memory_space<vmem>>
        tpu.wait_dma2 semaphore(%arg18 : memref<!tpu.dma_semaphore, #tpu.memory_space<semaphore_mem>>) src(%dma_wait3A_1183 : memref<32x128xf32, #tpu.memory_space<vmem>>) dst(%dma_wait3A_1180 : memref<32x128xf32, #tpu.memory_space<hbm>>)
        %add3A_1184 = arith.constant 409600 : i32
        %add3A_1185 = arith.addi %add3A_1184, %mul3A_2 : i32
        %mul3A_1186 = arith.constant 32 : i32
        %mul3A_1187 = arith.muli %add3A_990, %mul3A_1186 : i32
        %add3A_1188 = arith.addi %add3A_1185, %mul3A_1187 : i32
        %dma_wait3A_1189 = arith.constant 0 : i32
        %dma_wait3A_1190 = arith.constant 512 : i32
        %dma_wait3A_1191 = tpu.memref_slice %arg13[%dma_wait3A_1189, %dma_wait3A_1190] : memref<32x1024xf32, #tpu.memory_space<vmem>> -> memref<32x128xf32, #tpu.memory_space<vmem>>
        %dma_wait3A_1192 = arith.constant 0 : i32
        %dma_wait3A_1193 = tpu.memref_slice %arg6[%add3A_1188, %dma_wait3A_1192] : memref<819200x128xf32, #tpu.memory_space<hbm>> -> memref<32x128xf32, #tpu.memory_space<hbm>>
        %dma_wait3A_1194 = arith.constant 0 : i32
        %dma_wait3A_1195 = tpu.memref_slice %arg6[%add3A_1188, %dma_wait3A_1194] : memref<819200x128xf32, #tpu.memory_space<hbm>> -> memref<32x128xf32, #tpu.memory_space<hbm>>
        %dma_wait3A_1196 = arith.constant 0 : i32
        %dma_wait3A_1197 = arith.constant 512 : i32
        %dma_wait3A_1198 = tpu.memref_slice %arg13[%dma_wait3A_1196, %dma_wait3A_1197] : memref<32x1024xf32, #tpu.memory_space<vmem>> -> memref<32x128xf32, #tpu.memory_space<vmem>>
        tpu.wait_dma2 semaphore(%arg18 : memref<!tpu.dma_semaphore, #tpu.memory_space<semaphore_mem>>) src(%dma_wait3A_1198 : memref<32x128xf32, #tpu.memory_space<vmem>>) dst(%dma_wait3A_1195 : memref<32x128xf32, #tpu.memory_space<hbm>>)
        %add3A_1199 = arith.constant 512000 : i32
        %add3A_1200 = arith.addi %add3A_1199, %mul3A_2 : i32
        %mul3A_1201 = arith.constant 32 : i32
        %mul3A_1202 = arith.muli %add3A_990, %mul3A_1201 : i32
        %add3A_1203 = arith.addi %add3A_1200, %mul3A_1202 : i32
        %dma_wait3A_1204 = arith.constant 0 : i32
        %dma_wait3A_1205 = arith.constant 640 : i32
        %dma_wait3A_1206 = tpu.memref_slice %arg13[%dma_wait3A_1204, %dma_wait3A_1205] : memref<32x1024xf32, #tpu.memory_space<vmem>> -> memref<32x128xf32, #tpu.memory_space<vmem>>
        %dma_wait3A_1207 = arith.constant 0 : i32
        %dma_wait3A_1208 = tpu.memref_slice %arg6[%add3A_1203, %dma_wait3A_1207] : memref<819200x128xf32, #tpu.memory_space<hbm>> -> memref<32x128xf32, #tpu.memory_space<hbm>>
        %dma_wait3A_1209 = arith.constant 0 : i32
        %dma_wait3A_1210 = tpu.memref_slice %arg6[%add3A_1203, %dma_wait3A_1209] : memref<819200x128xf32, #tpu.memory_space<hbm>> -> memref<32x128xf32, #tpu.memory_space<hbm>>
        %dma_wait3A_1211 = arith.constant 0 : i32
        %dma_wait3A_1212 = arith.constant 640 : i32
        %dma_wait3A_1213 = tpu.memref_slice %arg13[%dma_wait3A_1211, %dma_wait3A_1212] : memref<32x1024xf32, #tpu.memory_space<vmem>> -> memref<32x128xf32, #tpu.memory_space<vmem>>
        tpu.wait_dma2 semaphore(%arg18 : memref<!tpu.dma_semaphore, #tpu.memory_space<semaphore_mem>>) src(%dma_wait3A_1213 : memref<32x128xf32, #tpu.memory_space<vmem>>) dst(%dma_wait3A_1210 : memref<32x128xf32, #tpu.memory_space<hbm>>)
        %add3A_1214 = arith.constant 614400 : i32
        %add3A_1215 = arith.addi %add3A_1214, %mul3A_2 : i32
        %mul3A_1216 = arith.constant 32 : i32
        %mul3A_1217 = arith.muli %add3A_990, %mul3A_1216 : i32
        %add3A_1218 = arith.addi %add3A_1215, %mul3A_1217 : i32
        %dma_wait3A_1219 = arith.constant 0 : i32
        %dma_wait3A_1220 = arith.constant 768 : i32
        %dma_wait3A_1221 = tpu.memref_slice %arg13[%dma_wait3A_1219, %dma_wait3A_1220] : memref<32x1024xf32, #tpu.memory_space<vmem>> -> memref<32x128xf32, #tpu.memory_space<vmem>>
        %dma_wait3A_1222 = arith.constant 0 : i32
        %dma_wait3A_1223 = tpu.memref_slice %arg6[%add3A_1218, %dma_wait3A_1222] : memref<819200x128xf32, #tpu.memory_space<hbm>> -> memref<32x128xf32, #tpu.memory_space<hbm>>
        %dma_wait3A_1224 = arith.constant 0 : i32
        %dma_wait3A_1225 = tpu.memref_slice %arg6[%add3A_1218, %dma_wait3A_1224] : memref<819200x128xf32, #tpu.memory_space<hbm>> -> memref<32x128xf32, #tpu.memory_space<hbm>>
        %dma_wait3A_1226 = arith.constant 0 : i32
        %dma_wait3A_1227 = arith.constant 768 : i32
        %dma_wait3A_1228 = tpu.memref_slice %arg13[%dma_wait3A_1226, %dma_wait3A_1227] : memref<32x1024xf32, #tpu.memory_space<vmem>> -> memref<32x128xf32, #tpu.memory_space<vmem>>
        tpu.wait_dma2 semaphore(%arg18 : memref<!tpu.dma_semaphore, #tpu.memory_space<semaphore_mem>>) src(%dma_wait3A_1228 : memref<32x128xf32, #tpu.memory_space<vmem>>) dst(%dma_wait3A_1225 : memref<32x128xf32, #tpu.memory_space<hbm>>)
        %add3A_1229 = arith.constant 716800 : i32
        %add3A_1230 = arith.addi %add3A_1229, %mul3A_2 : i32
        %mul3A_1231 = arith.constant 32 : i32
        %mul3A_1232 = arith.muli %add3A_990, %mul3A_1231 : i32
        %add3A_1233 = arith.addi %add3A_1230, %mul3A_1232 : i32
        %dma_wait3A_1234 = arith.constant 0 : i32
        %dma_wait3A_1235 = arith.constant 896 : i32
        %dma_wait3A_1236 = tpu.memref_slice %arg13[%dma_wait3A_1234, %dma_wait3A_1235] : memref<32x1024xf32, #tpu.memory_space<vmem>> -> memref<32x128xf32, #tpu.memory_space<vmem>>
        %dma_wait3A_1237 = arith.constant 0 : i32
        %dma_wait3A_1238 = tpu.memref_slice %arg6[%add3A_1233, %dma_wait3A_1237] : memref<819200x128xf32, #tpu.memory_space<hbm>> -> memref<32x128xf32, #tpu.memory_space<hbm>>
        %dma_wait3A_1239 = arith.constant 0 : i32
        %dma_wait3A_1240 = tpu.memref_slice %arg6[%add3A_1233, %dma_wait3A_1239] : memref<819200x128xf32, #tpu.memory_space<hbm>> -> memref<32x128xf32, #tpu.memory_space<hbm>>
        %dma_wait3A_1241 = arith.constant 0 : i32
        %dma_wait3A_1242 = arith.constant 896 : i32
        %dma_wait3A_1243 = tpu.memref_slice %arg13[%dma_wait3A_1241, %dma_wait3A_1242] : memref<32x1024xf32, #tpu.memory_space<vmem>> -> memref<32x128xf32, #tpu.memory_space<vmem>>
        tpu.wait_dma2 semaphore(%arg18 : memref<!tpu.dma_semaphore, #tpu.memory_space<semaphore_mem>>) src(%dma_wait3A_1243 : memref<32x128xf32, #tpu.memory_space<vmem>>) dst(%dma_wait3A_1240 : memref<32x128xf32, #tpu.memory_space<hbm>>)
        %add3A_1244 = arith.constant 2 : i32
        %add3A_1245 = arith.addi %add3A_990, %add3A_1244 : i32
        %mul3A_1246 = arith.constant 32 : i32
        %mul3A_1247 = arith.muli %add3A_1245, %mul3A_1246 : i32
        %dma_start3A_1248 = tpu.memref_slice %arg8[%mul3A_1247] : memref<3200xi32, #tpu.memory_space<vmem>> -> memref<32xi32, #tpu.memory_space<vmem>>
        %dma_start3A_1249 = arith.constant 0 : i32
        %dma_start3A_1250 = arith.constant 0 : i32
        %dma_start3A_1251 = tpu.memref_slice %arg2[%dma_start3A_1249, %dma_start3A_1250] : memref<1000x1024xf32, #tpu.memory_space<hbm>> -> memref<1000x1024xf32, #tpu.memory_space<hbm>>
        tpu.enqueue_indirect_dma source(%dma_start3A_1251 : memref<1000x1024xf32, #tpu.memory_space<hbm>>) target(%arg13 : memref<32x1024xf32, #tpu.memory_space<vmem>>) offsets(%dma_start3A_1248 : memref<32xi32, #tpu.memory_space<vmem>>) semaphore(%arg16 : memref<!tpu.dma_semaphore, #tpu.memory_space<semaphore_mem>>)
      } else {
      }
    }
    %scan3A_316 = arith.constant 50 : i32
    %add3A_317 = arith.constant 0 : i32
    %add3A_318 = arith.addi %add3A_317, %mul3A_2 : i32
    %add3A_319 = arith.constant 3136 : i32
    %add3A_320 = arith.addi %add3A_318, %add3A_319 : i32
    %dma_wait3A = arith.constant 0 : i32
    %dma_wait3A_321 = arith.constant 0 : i32
    %dma_wait3A_322 = tpu.memref_slice %arg12[%dma_wait3A, %dma_wait3A_321] : memref<32x1024xf32, #tpu.memory_space<vmem>> -> memref<32x128xf32, #tpu.memory_space<vmem>>
    %dma_wait3A_323 = arith.constant 0 : i32
    %dma_wait3A_324 = tpu.memref_slice %arg6[%add3A_320, %dma_wait3A_323] : memref<819200x128xf32, #tpu.memory_space<hbm>> -> memref<32x128xf32, #tpu.memory_space<hbm>>
    %dma_wait3A_325 = arith.constant 0 : i32
    %dma_wait3A_326 = tpu.memref_slice %arg6[%add3A_320, %dma_wait3A_325] : memref<819200x128xf32, #tpu.memory_space<hbm>> -> memref<32x128xf32, #tpu.memory_space<hbm>>
    %dma_wait3A_327 = arith.constant 0 : i32
    %dma_wait3A_328 = arith.constant 0 : i32
    %dma_wait3A_329 = tpu.memref_slice %arg12[%dma_wait3A_327, %dma_wait3A_328] : memref<32x1024xf32, #tpu.memory_space<vmem>> -> memref<32x128xf32, #tpu.memory_space<vmem>>
    tpu.wait_dma2 semaphore(%arg17 : memref<!tpu.dma_semaphore, #tpu.memory_space<semaphore_mem>>) src(%dma_wait3A_329 : memref<32x128xf32, #tpu.memory_space<vmem>>) dst(%dma_wait3A_326 : memref<32x128xf32, #tpu.memory_space<hbm>>)
    %add3A_330 = arith.constant 102400 : i32
    %add3A_331 = arith.addi %add3A_330, %mul3A_2 : i32
    %add3A_332 = arith.constant 3136 : i32
    %add3A_333 = arith.addi %add3A_331, %add3A_332 : i32
    %dma_wait3A_334 = arith.constant 0 : i32
    %dma_wait3A_335 = arith.constant 128 : i32
    %dma_wait3A_336 = tpu.memref_slice %arg12[%dma_wait3A_334, %dma_wait3A_335] : memref<32x1024xf32, #tpu.memory_space<vmem>> -> memref<32x128xf32, #tpu.memory_space<vmem>>
    %dma_wait3A_337 = arith.constant 0 : i32
    %dma_wait3A_338 = tpu.memref_slice %arg6[%add3A_333, %dma_wait3A_337] : memref<819200x128xf32, #tpu.memory_space<hbm>> -> memref<32x128xf32, #tpu.memory_space<hbm>>
    %dma_wait3A_339 = arith.constant 0 : i32
    %dma_wait3A_340 = tpu.memref_slice %arg6[%add3A_333, %dma_wait3A_339] : memref<819200x128xf32, #tpu.memory_space<hbm>> -> memref<32x128xf32, #tpu.memory_space<hbm>>
    %dma_wait3A_341 = arith.constant 0 : i32
    %dma_wait3A_342 = arith.constant 128 : i32
    %dma_wait3A_343 = tpu.memref_slice %arg12[%dma_wait3A_341, %dma_wait3A_342] : memref<32x1024xf32, #tpu.memory_space<vmem>> -> memref<32x128xf32, #tpu.memory_space<vmem>>
    tpu.wait_dma2 semaphore(%arg17 : memref<!tpu.dma_semaphore, #tpu.memory_space<semaphore_mem>>) src(%dma_wait3A_343 : memref<32x128xf32, #tpu.memory_space<vmem>>) dst(%dma_wait3A_340 : memref<32x128xf32, #tpu.memory_space<hbm>>)
    %add3A_344 = arith.constant 204800 : i32
    %add3A_345 = arith.addi %add3A_344, %mul3A_2 : i32
    %add3A_346 = arith.constant 3136 : i32
    %add3A_347 = arith.addi %add3A_345, %add3A_346 : i32
    %dma_wait3A_348 = arith.constant 0 : i32
    %dma_wait3A_349 = arith.constant 256 : i32
    %dma_wait3A_350 = tpu.memref_slice %arg12[%dma_wait3A_348, %dma_wait3A_349] : memref<32x1024xf32, #tpu.memory_space<vmem>> -> memref<32x128xf32, #tpu.memory_space<vmem>>
    %dma_wait3A_351 = arith.constant 0 : i32
    %dma_wait3A_352 = tpu.memref_slice %arg6[%add3A_347, %dma_wait3A_351] : memref<819200x128xf32, #tpu.memory_space<hbm>> -> memref<32x128xf32, #tpu.memory_space<hbm>>
    %dma_wait3A_353 = arith.constant 0 : i32
    %dma_wait3A_354 = tpu.memref_slice %arg6[%add3A_347, %dma_wait3A_353] : memref<819200x128xf32, #tpu.memory_space<hbm>> -> memref<32x128xf32, #tpu.memory_space<hbm>>
    %dma_wait3A_355 = arith.constant 0 : i32
    %dma_wait3A_356 = arith.constant 256 : i32
    %dma_wait3A_357 = tpu.memref_slice %arg12[%dma_wait3A_355, %dma_wait3A_356] : memref<32x1024xf32, #tpu.memory_space<vmem>> -> memref<32x128xf32, #tpu.memory_space<vmem>>
    tpu.wait_dma2 semaphore(%arg17 : memref<!tpu.dma_semaphore, #tpu.memory_space<semaphore_mem>>) src(%dma_wait3A_357 : memref<32x128xf32, #tpu.memory_space<vmem>>) dst(%dma_wait3A_354 : memref<32x128xf32, #tpu.memory_space<hbm>>)
    %add3A_358 = arith.constant 307200 : i32
    %add3A_359 = arith.addi %add3A_358, %mul3A_2 : i32
    %add3A_360 = arith.constant 3136 : i32
    %add3A_361 = arith.addi %add3A_359, %add3A_360 : i32
    %dma_wait3A_362 = arith.constant 0 : i32
    %dma_wait3A_363 = arith.constant 384 : i32
    %dma_wait3A_364 = tpu.memref_slice %arg12[%dma_wait3A_362, %dma_wait3A_363] : memref<32x1024xf32, #tpu.memory_space<vmem>> -> memref<32x128xf32, #tpu.memory_space<vmem>>
    %dma_wait3A_365 = arith.constant 0 : i32
    %dma_wait3A_366 = tpu.memref_slice %arg6[%add3A_361, %dma_wait3A_365] : memref<819200x128xf32, #tpu.memory_space<hbm>> -> memref<32x128xf32, #tpu.memory_space<hbm>>
    %dma_wait3A_367 = arith.constant 0 : i32
    %dma_wait3A_368 = tpu.memref_slice %arg6[%add3A_361, %dma_wait3A_367] : memref<819200x128xf32, #tpu.memory_space<hbm>> -> memref<32x128xf32, #tpu.memory_space<hbm>>
    %dma_wait3A_369 = arith.constant 0 : i32
    %dma_wait3A_370 = arith.constant 384 : i32
    %dma_wait3A_371 = tpu.memref_slice %arg12[%dma_wait3A_369, %dma_wait3A_370] : memref<32x1024xf32, #tpu.memory_space<vmem>> -> memref<32x128xf32, #tpu.memory_space<vmem>>
    tpu.wait_dma2 semaphore(%arg17 : memref<!tpu.dma_semaphore, #tpu.memory_space<semaphore_mem>>) src(%dma_wait3A_371 : memref<32x128xf32, #tpu.memory_space<vmem>>) dst(%dma_wait3A_368 : memref<32x128xf32, #tpu.memory_space<hbm>>)
    %add3A_372 = arith.constant 409600 : i32
    %add3A_373 = arith.addi %add3A_372, %mul3A_2 : i32
    %add3A_374 = arith.constant 3136 : i32
    %add3A_375 = arith.addi %add3A_373, %add3A_374 : i32
    %dma_wait3A_376 = arith.constant 0 : i32
    %dma_wait3A_377 = arith.constant 512 : i32
    %dma_wait3A_378 = tpu.memref_slice %arg12[%dma_wait3A_376, %dma_wait3A_377] : memref<32x1024xf32, #tpu.memory_space<vmem>> -> memref<32x128xf32, #tpu.memory_space<vmem>>
    %dma_wait3A_379 = arith.constant 0 : i32
    %dma_wait3A_380 = tpu.memref_slice %arg6[%add3A_375, %dma_wait3A_379] : memref<819200x128xf32, #tpu.memory_space<hbm>> -> memref<32x128xf32, #tpu.memory_space<hbm>>
    %dma_wait3A_381 = arith.constant 0 : i32
    %dma_wait3A_382 = tpu.memref_slice %arg6[%add3A_375, %dma_wait3A_381] : memref<819200x128xf32, #tpu.memory_space<hbm>> -> memref<32x128xf32, #tpu.memory_space<hbm>>
    %dma_wait3A_383 = arith.constant 0 : i32
    %dma_wait3A_384 = arith.constant 512 : i32
    %dma_wait3A_385 = tpu.memref_slice %arg12[%dma_wait3A_383, %dma_wait3A_384] : memref<32x1024xf32, #tpu.memory_space<vmem>> -> memref<32x128xf32, #tpu.memory_space<vmem>>
    tpu.wait_dma2 semaphore(%arg17 : memref<!tpu.dma_semaphore, #tpu.memory_space<semaphore_mem>>) src(%dma_wait3A_385 : memref<32x128xf32, #tpu.memory_space<vmem>>) dst(%dma_wait3A_382 : memref<32x128xf32, #tpu.memory_space<hbm>>)
    %add3A_386 = arith.constant 512000 : i32
    %add3A_387 = arith.addi %add3A_386, %mul3A_2 : i32
    %add3A_388 = arith.constant 3136 : i32
    %add3A_389 = arith.addi %add3A_387, %add3A_388 : i32
    %dma_wait3A_390 = arith.constant 0 : i32
    %dma_wait3A_391 = arith.constant 640 : i32
    %dma_wait3A_392 = tpu.memref_slice %arg12[%dma_wait3A_390, %dma_wait3A_391] : memref<32x1024xf32, #tpu.memory_space<vmem>> -> memref<32x128xf32, #tpu.memory_space<vmem>>
    %dma_wait3A_393 = arith.constant 0 : i32
    %dma_wait3A_394 = tpu.memref_slice %arg6[%add3A_389, %dma_wait3A_393] : memref<819200x128xf32, #tpu.memory_space<hbm>> -> memref<32x128xf32, #tpu.memory_space<hbm>>
    %dma_wait3A_395 = arith.constant 0 : i32
    %dma_wait3A_396 = tpu.memref_slice %arg6[%add3A_389, %dma_wait3A_395] : memref<819200x128xf32, #tpu.memory_space<hbm>> -> memref<32x128xf32, #tpu.memory_space<hbm>>
    %dma_wait3A_397 = arith.constant 0 : i32
    %dma_wait3A_398 = arith.constant 640 : i32
    %dma_wait3A_399 = tpu.memref_slice %arg12[%dma_wait3A_397, %dma_wait3A_398] : memref<32x1024xf32, #tpu.memory_space<vmem>> -> memref<32x128xf32, #tpu.memory_space<vmem>>
    tpu.wait_dma2 semaphore(%arg17 : memref<!tpu.dma_semaphore, #tpu.memory_space<semaphore_mem>>) src(%dma_wait3A_399 : memref<32x128xf32, #tpu.memory_space<vmem>>) dst(%dma_wait3A_396 : memref<32x128xf32, #tpu.memory_space<hbm>>)
    %add3A_400 = arith.constant 614400 : i32
    %add3A_401 = arith.addi %add3A_400, %mul3A_2 : i32
    %add3A_402 = arith.constant 3136 : i32
    %add3A_403 = arith.addi %add3A_401, %add3A_402 : i32
    %dma_wait3A_404 = arith.constant 0 : i32
    %dma_wait3A_405 = arith.constant 768 : i32
    %dma_wait3A_406 = tpu.memref_slice %arg12[%dma_wait3A_404, %dma_wait3A_405] : memref<32x1024xf32, #tpu.memory_space<vmem>> -> memref<32x128xf32, #tpu.memory_space<vmem>>
    %dma_wait3A_407 = arith.constant 0 : i32
    %dma_wait3A_408 = tpu.memref_slice %arg6[%add3A_403, %dma_wait3A_407] : memref<819200x128xf32, #tpu.memory_space<hbm>> -> memref<32x128xf32, #tpu.memory_space<hbm>>
    %dma_wait3A_409 = arith.constant 0 : i32
    %dma_wait3A_410 = tpu.memref_slice %arg6[%add3A_403, %dma_wait3A_409] : memref<819200x128xf32, #tpu.memory_space<hbm>> -> memref<32x128xf32, #tpu.memory_space<hbm>>
    %dma_wait3A_411 = arith.constant 0 : i32
    %dma_wait3A_412 = arith.constant 768 : i32
    %dma_wait3A_413 = tpu.memref_slice %arg12[%dma_wait3A_411, %dma_wait3A_412] : memref<32x1024xf32, #tpu.memory_space<vmem>> -> memref<32x128xf32, #tpu.memory_space<vmem>>
    tpu.wait_dma2 semaphore(%arg17 : memref<!tpu.dma_semaphore, #tpu.memory_space<semaphore_mem>>) src(%dma_wait3A_413 : memref<32x128xf32, #tpu.memory_space<vmem>>) dst(%dma_wait3A_410 : memref<32x128xf32, #tpu.memory_space<hbm>>)
    %add3A_414 = arith.constant 716800 : i32
    %add3A_415 = arith.addi %add3A_414, %mul3A_2 : i32
    %add3A_416 = arith.constant 3136 : i32
    %add3A_417 = arith.addi %add3A_415, %add3A_416 : i32
    %dma_wait3A_418 = arith.constant 0 : i32
    %dma_wait3A_419 = arith.constant 896 : i32
    %dma_wait3A_420 = tpu.memref_slice %arg12[%dma_wait3A_418, %dma_wait3A_419] : memref<32x1024xf32, #tpu.memory_space<vmem>> -> memref<32x128xf32, #tpu.memory_space<vmem>>
    %dma_wait3A_421 = arith.constant 0 : i32
    %dma_wait3A_422 = tpu.memref_slice %arg6[%add3A_417, %dma_wait3A_421] : memref<819200x128xf32, #tpu.memory_space<hbm>> -> memref<32x128xf32, #tpu.memory_space<hbm>>
    %dma_wait3A_423 = arith.constant 0 : i32
    %dma_wait3A_424 = tpu.memref_slice %arg6[%add3A_417, %dma_wait3A_423] : memref<819200x128xf32, #tpu.memory_space<hbm>> -> memref<32x128xf32, #tpu.memory_space<hbm>>
    %dma_wait3A_425 = arith.constant 0 : i32
    %dma_wait3A_426 = arith.constant 896 : i32
    %dma_wait3A_427 = tpu.memref_slice %arg12[%dma_wait3A_425, %dma_wait3A_426] : memref<32x1024xf32, #tpu.memory_space<vmem>> -> memref<32x128xf32, #tpu.memory_space<vmem>>
    tpu.wait_dma2 semaphore(%arg17 : memref<!tpu.dma_semaphore, #tpu.memory_space<semaphore_mem>>) src(%dma_wait3A_427 : memref<32x128xf32, #tpu.memory_space<vmem>>) dst(%dma_wait3A_424 : memref<32x128xf32, #tpu.memory_space<hbm>>)
    %add3A_428 = arith.constant 0 : i32
    %add3A_429 = arith.addi %add3A_428, %mul3A_2 : i32
    %add3A_430 = arith.constant 3168 : i32
    %add3A_431 = arith.addi %add3A_429, %add3A_430 : i32
    %dma_wait3A_432 = arith.constant 0 : i32
    %dma_wait3A_433 = arith.constant 0 : i32
    %dma_wait3A_434 = tpu.memref_slice %arg13[%dma_wait3A_432, %dma_wait3A_433] : memref<32x1024xf32, #tpu.memory_space<vmem>> -> memref<32x128xf32, #tpu.memory_space<vmem>>
    %dma_wait3A_435 = arith.constant 0 : i32
    %dma_wait3A_436 = tpu.memref_slice %arg6[%add3A_431, %dma_wait3A_435] : memref<819200x128xf32, #tpu.memory_space<hbm>> -> memref<32x128xf32, #tpu.memory_space<hbm>>
    %dma_wait3A_437 = arith.constant 0 : i32
    %dma_wait3A_438 = tpu.memref_slice %arg6[%add3A_431, %dma_wait3A_437] : memref<819200x128xf32, #tpu.memory_space<hbm>> -> memref<32x128xf32, #tpu.memory_space<hbm>>
    %dma_wait3A_439 = arith.constant 0 : i32
    %dma_wait3A_440 = arith.constant 0 : i32
    %dma_wait3A_441 = tpu.memref_slice %arg13[%dma_wait3A_439, %dma_wait3A_440] : memref<32x1024xf32, #tpu.memory_space<vmem>> -> memref<32x128xf32, #tpu.memory_space<vmem>>
    tpu.wait_dma2 semaphore(%arg18 : memref<!tpu.dma_semaphore, #tpu.memory_space<semaphore_mem>>) src(%dma_wait3A_441 : memref<32x128xf32, #tpu.memory_space<vmem>>) dst(%dma_wait3A_438 : memref<32x128xf32, #tpu.memory_space<hbm>>)
    %add3A_442 = arith.constant 102400 : i32
    %add3A_443 = arith.addi %add3A_442, %mul3A_2 : i32
    %add3A_444 = arith.constant 3168 : i32
    %add3A_445 = arith.addi %add3A_443, %add3A_444 : i32
    %dma_wait3A_446 = arith.constant 0 : i32
    %dma_wait3A_447 = arith.constant 128 : i32
    %dma_wait3A_448 = tpu.memref_slice %arg13[%dma_wait3A_446, %dma_wait3A_447] : memref<32x1024xf32, #tpu.memory_space<vmem>> -> memref<32x128xf32, #tpu.memory_space<vmem>>
    %dma_wait3A_449 = arith.constant 0 : i32
    %dma_wait3A_450 = tpu.memref_slice %arg6[%add3A_445, %dma_wait3A_449] : memref<819200x128xf32, #tpu.memory_space<hbm>> -> memref<32x128xf32, #tpu.memory_space<hbm>>
    %dma_wait3A_451 = arith.constant 0 : i32
    %dma_wait3A_452 = tpu.memref_slice %arg6[%add3A_445, %dma_wait3A_451] : memref<819200x128xf32, #tpu.memory_space<hbm>> -> memref<32x128xf32, #tpu.memory_space<hbm>>
    %dma_wait3A_453 = arith.constant 0 : i32
    %dma_wait3A_454 = arith.constant 128 : i32
    %dma_wait3A_455 = tpu.memref_slice %arg13[%dma_wait3A_453, %dma_wait3A_454] : memref<32x1024xf32, #tpu.memory_space<vmem>> -> memref<32x128xf32, #tpu.memory_space<vmem>>
    tpu.wait_dma2 semaphore(%arg18 : memref<!tpu.dma_semaphore, #tpu.memory_space<semaphore_mem>>) src(%dma_wait3A_455 : memref<32x128xf32, #tpu.memory_space<vmem>>) dst(%dma_wait3A_452 : memref<32x128xf32, #tpu.memory_space<hbm>>)
    %add3A_456 = arith.constant 204800 : i32
    %add3A_457 = arith.addi %add3A_456, %mul3A_2 : i32
    %add3A_458 = arith.constant 3168 : i32
    %add3A_459 = arith.addi %add3A_457, %add3A_458 : i32
    %dma_wait3A_460 = arith.constant 0 : i32
    %dma_wait3A_461 = arith.constant 256 : i32
    %dma_wait3A_462 = tpu.memref_slice %arg13[%dma_wait3A_460, %dma_wait3A_461] : memref<32x1024xf32, #tpu.memory_space<vmem>> -> memref<32x128xf32, #tpu.memory_space<vmem>>
    %dma_wait3A_463 = arith.constant 0 : i32
    %dma_wait3A_464 = tpu.memref_slice %arg6[%add3A_459, %dma_wait3A_463] : memref<819200x128xf32, #tpu.memory_space<hbm>> -> memref<32x128xf32, #tpu.memory_space<hbm>>
    %dma_wait3A_465 = arith.constant 0 : i32
    %dma_wait3A_466 = tpu.memref_slice %arg6[%add3A_459, %dma_wait3A_465] : memref<819200x128xf32, #tpu.memory_space<hbm>> -> memref<32x128xf32, #tpu.memory_space<hbm>>
    %dma_wait3A_467 = arith.constant 0 : i32
    %dma_wait3A_468 = arith.constant 256 : i32
    %dma_wait3A_469 = tpu.memref_slice %arg13[%dma_wait3A_467, %dma_wait3A_468] : memref<32x1024xf32, #tpu.memory_space<vmem>> -> memref<32x128xf32, #tpu.memory_space<vmem>>
    tpu.wait_dma2 semaphore(%arg18 : memref<!tpu.dma_semaphore, #tpu.memory_space<semaphore_mem>>) src(%dma_wait3A_469 : memref<32x128xf32, #tpu.memory_space<vmem>>) dst(%dma_wait3A_466 : memref<32x128xf32, #tpu.memory_space<hbm>>)
    %add3A_470 = arith.constant 307200 : i32
    %add3A_471 = arith.addi %add3A_470, %mul3A_2 : i32
    %add3A_472 = arith.constant 3168 : i32
    %add3A_473 = arith.addi %add3A_471, %add3A_472 : i32
    %dma_wait3A_474 = arith.constant 0 : i32
    %dma_wait3A_475 = arith.constant 384 : i32
    %dma_wait3A_476 = tpu.memref_slice %arg13[%dma_wait3A_474, %dma_wait3A_475] : memref<32x1024xf32, #tpu.memory_space<vmem>> -> memref<32x128xf32, #tpu.memory_space<vmem>>
    %dma_wait3A_477 = arith.constant 0 : i32
    %dma_wait3A_478 = tpu.memref_slice %arg6[%add3A_473, %dma_wait3A_477] : memref<819200x128xf32, #tpu.memory_space<hbm>> -> memref<32x128xf32, #tpu.memory_space<hbm>>
    %dma_wait3A_479 = arith.constant 0 : i32
    %dma_wait3A_480 = tpu.memref_slice %arg6[%add3A_473, %dma_wait3A_479] : memref<819200x128xf32, #tpu.memory_space<hbm>> -> memref<32x128xf32, #tpu.memory_space<hbm>>
    %dma_wait3A_481 = arith.constant 0 : i32
    %dma_wait3A_482 = arith.constant 384 : i32
    %dma_wait3A_483 = tpu.memref_slice %arg13[%dma_wait3A_481, %dma_wait3A_482] : memref<32x1024xf32, #tpu.memory_space<vmem>> -> memref<32x128xf32, #tpu.memory_space<vmem>>
    tpu.wait_dma2 semaphore(%arg18 : memref<!tpu.dma_semaphore, #tpu.memory_space<semaphore_mem>>) src(%dma_wait3A_483 : memref<32x128xf32, #tpu.memory_space<vmem>>) dst(%dma_wait3A_480 : memref<32x128xf32, #tpu.memory_space<hbm>>)
    %add3A_484 = arith.constant 409600 : i32
    %add3A_485 = arith.addi %add3A_484, %mul3A_2 : i32
    %add3A_486 = arith.constant 3168 : i32
    %add3A_487 = arith.addi %add3A_485, %add3A_486 : i32
    %dma_wait3A_488 = arith.constant 0 : i32
    %dma_wait3A_489 = arith.constant 512 : i32
    %dma_wait3A_490 = tpu.memref_slice %arg13[%dma_wait3A_488, %dma_wait3A_489] : memref<32x1024xf32, #tpu.memory_space<vmem>> -> memref<32x128xf32, #tpu.memory_space<vmem>>
    %dma_wait3A_491 = arith.constant 0 : i32
    %dma_wait3A_492 = tpu.memref_slice %arg6[%add3A_487, %dma_wait3A_491] : memref<819200x128xf32, #tpu.memory_space<hbm>> -> memref<32x128xf32, #tpu.memory_space<hbm>>
    %dma_wait3A_493 = arith.constant 0 : i32
    %dma_wait3A_494 = tpu.memref_slice %arg6[%add3A_487, %dma_wait3A_493] : memref<819200x128xf32, #tpu.memory_space<hbm>> -> memref<32x128xf32, #tpu.memory_space<hbm>>
    %dma_wait3A_495 = arith.constant 0 : i32
    %dma_wait3A_496 = arith.constant 512 : i32
    %dma_wait3A_497 = tpu.memref_slice %arg13[%dma_wait3A_495, %dma_wait3A_496] : memref<32x1024xf32, #tpu.memory_space<vmem>> -> memref<32x128xf32, #tpu.memory_space<vmem>>
    tpu.wait_dma2 semaphore(%arg18 : memref<!tpu.dma_semaphore, #tpu.memory_space<semaphore_mem>>) src(%dma_wait3A_497 : memref<32x128xf32, #tpu.memory_space<vmem>>) dst(%dma_wait3A_494 : memref<32x128xf32, #tpu.memory_space<hbm>>)
    %add3A_498 = arith.constant 512000 : i32
    %add3A_499 = arith.addi %add3A_498, %mul3A_2 : i32
    %add3A_500 = arith.constant 3168 : i32
    %add3A_501 = arith.addi %add3A_499, %add3A_500 : i32
    %dma_wait3A_502 = arith.constant 0 : i32
    %dma_wait3A_503 = arith.constant 640 : i32
    %dma_wait3A_504 = tpu.memref_slice %arg13[%dma_wait3A_502, %dma_wait3A_503] : memref<32x1024xf32, #tpu.memory_space<vmem>> -> memref<32x128xf32, #tpu.memory_space<vmem>>
    %dma_wait3A_505 = arith.constant 0 : i32
    %dma_wait3A_506 = tpu.memref_slice %arg6[%add3A_501, %dma_wait3A_505] : memref<819200x128xf32, #tpu.memory_space<hbm>> -> memref<32x128xf32, #tpu.memory_space<hbm>>
    %dma_wait3A_507 = arith.constant 0 : i32
    %dma_wait3A_508 = tpu.memref_slice %arg6[%add3A_501, %dma_wait3A_507] : memref<819200x128xf32, #tpu.memory_space<hbm>> -> memref<32x128xf32, #tpu.memory_space<hbm>>
    %dma_wait3A_509 = arith.constant 0 : i32
    %dma_wait3A_510 = arith.constant 640 : i32
    %dma_wait3A_511 = tpu.memref_slice %arg13[%dma_wait3A_509, %dma_wait3A_510] : memref<32x1024xf32, #tpu.memory_space<vmem>> -> memref<32x128xf32, #tpu.memory_space<vmem>>
    tpu.wait_dma2 semaphore(%arg18 : memref<!tpu.dma_semaphore, #tpu.memory_space<semaphore_mem>>) src(%dma_wait3A_511 : memref<32x128xf32, #tpu.memory_space<vmem>>) dst(%dma_wait3A_508 : memref<32x128xf32, #tpu.memory_space<hbm>>)
    %add3A_512 = arith.constant 614400 : i32
    %add3A_513 = arith.addi %add3A_512, %mul3A_2 : i32
    %add3A_514 = arith.constant 3168 : i32
    %add3A_515 = arith.addi %add3A_513, %add3A_514 : i32
    %dma_wait3A_516 = arith.constant 0 : i32
    %dma_wait3A_517 = arith.constant 768 : i32
    %dma_wait3A_518 = tpu.memref_slice %arg13[%dma_wait3A_516, %dma_wait3A_517] : memref<32x1024xf32, #tpu.memory_space<vmem>> -> memref<32x128xf32, #tpu.memory_space<vmem>>
    %dma_wait3A_519 = arith.constant 0 : i32
    %dma_wait3A_520 = tpu.memref_slice %arg6[%add3A_515, %dma_wait3A_519] : memref<819200x128xf32, #tpu.memory_space<hbm>> -> memref<32x128xf32, #tpu.memory_space<hbm>>
    %dma_wait3A_521 = arith.constant 0 : i32
    %dma_wait3A_522 = tpu.memref_slice %arg6[%add3A_515, %dma_wait3A_521] : memref<819200x128xf32, #tpu.memory_space<hbm>> -> memref<32x128xf32, #tpu.memory_space<hbm>>
    %dma_wait3A_523 = arith.constant 0 : i32
    %dma_wait3A_524 = arith.constant 768 : i32
    %dma_wait3A_525 = tpu.memref_slice %arg13[%dma_wait3A_523, %dma_wait3A_524] : memref<32x1024xf32, #tpu.memory_space<vmem>> -> memref<32x128xf32, #tpu.memory_space<vmem>>
    tpu.wait_dma2 semaphore(%arg18 : memref<!tpu.dma_semaphore, #tpu.memory_space<semaphore_mem>>) src(%dma_wait3A_525 : memref<32x128xf32, #tpu.memory_space<vmem>>) dst(%dma_wait3A_522 : memref<32x128xf32, #tpu.memory_space<hbm>>)
    %add3A_526 = arith.constant 716800 : i32
    %add3A_527 = arith.addi %add3A_526, %mul3A_2 : i32
    %add3A_528 = arith.constant 3168 : i32
    %add3A_529 = arith.addi %add3A_527, %add3A_528 : i32
    %dma_wait3A_530 = arith.constant 0 : i32
    %dma_wait3A_531 = arith.constant 896 : i32
    %dma_wait3A_532 = tpu.memref_slice %arg13[%dma_wait3A_530, %dma_wait3A_531] : memref<32x1024xf32, #tpu.memory_space<vmem>> -> memref<32x128xf32, #tpu.memory_space<vmem>>
    %dma_wait3A_533 = arith.constant 0 : i32
    %dma_wait3A_534 = tpu.memref_slice %arg6[%add3A_529, %dma_wait3A_533] : memref<819200x128xf32, #tpu.memory_space<hbm>> -> memref<32x128xf32, #tpu.memory_space<hbm>>
    %dma_wait3A_535 = arith.constant 0 : i32
    %dma_wait3A_536 = tpu.memref_slice %arg6[%add3A_529, %dma_wait3A_535] : memref<819200x128xf32, #tpu.memory_space<hbm>> -> memref<32x128xf32, #tpu.memory_space<hbm>>
    %dma_wait3A_537 = arith.constant 0 : i32
    %dma_wait3A_538 = arith.constant 896 : i32
    %dma_wait3A_539 = tpu.memref_slice %arg13[%dma_wait3A_537, %dma_wait3A_538] : memref<32x1024xf32, #tpu.memory_space<vmem>> -> memref<32x128xf32, #tpu.memory_space<vmem>>
    tpu.wait_dma2 semaphore(%arg18 : memref<!tpu.dma_semaphore, #tpu.memory_space<semaphore_mem>>) src(%dma_wait3A_539 : memref<32x128xf32, #tpu.memory_space<vmem>>) dst(%dma_wait3A_536 : memref<32x128xf32, #tpu.memory_space<hbm>>)
    %dma_wait3A_540 = arith.constant 0 : i32
    %dma_wait3A_541 = tpu.memref_slice %arg10[%dma_wait3A_540] : memref<3200xf32, #tpu.memory_space<vmem>> -> memref<128xf32, #tpu.memory_space<vmem>>
    %dma_wait3A_542 = arith.constant 0 : i32
    %dma_wait3A_543 = tpu.memref_slice %arg9[%dma_wait3A_542] : memref<3200xi32, #tpu.memory_space<vmem>> -> memref<128xi32, #tpu.memory_space<vmem>>
    %dma_wait3A_544 = arith.constant 0 : i32
    %dma_wait3A_545 = tpu.memref_slice %arg3[%dma_wait3A_544] : memref<1001000xf32, #tpu.memory_space<hbm>> -> memref<1001000xf32, #tpu.memory_space<hbm>>
    tpu.wait_indirect_dma semaphore(%arg19 : memref<!tpu.dma_semaphore, #tpu.memory_space<semaphore_mem>>) src(%dma_wait3A_545 : memref<1001000xf32, #tpu.memory_space<hbm>>) dst(%dma_wait3A_541 : memref<128xf32, #tpu.memory_space<vmem>>)
    %dma_wait3A_546 = arith.constant 0 : i32
    %dma_wait3A_547 = tpu.memref_slice %arg11[%dma_wait3A_546] : memref<3200xf32, #tpu.memory_space<vmem>> -> memref<128xf32, #tpu.memory_space<vmem>>
    %dma_wait3A_548 = arith.constant 0 : i32
    %dma_wait3A_549 = tpu.memref_slice %arg8[%dma_wait3A_548] : memref<3200xi32, #tpu.memory_space<vmem>> -> memref<128xi32, #tpu.memory_space<vmem>>
    %dma_wait3A_550 = arith.constant 0 : i32
    %dma_wait3A_551 = tpu.memref_slice %arg3[%dma_wait3A_550] : memref<1001000xf32, #tpu.memory_space<hbm>> -> memref<1001000xf32, #tpu.memory_space<hbm>>
    tpu.wait_indirect_dma semaphore(%arg19 : memref<!tpu.dma_semaphore, #tpu.memory_space<semaphore_mem>>) src(%dma_wait3A_551 : memref<1001000xf32, #tpu.memory_space<hbm>>) dst(%dma_wait3A_547 : memref<128xf32, #tpu.memory_space<vmem>>)
    %dma_wait3A_552 = arith.constant 128 : i32
    %dma_wait3A_553 = tpu.memref_slice %arg10[%dma_wait3A_552] : memref<3200xf32, #tpu.memory_space<vmem>> -> memref<128xf32, #tpu.memory_space<vmem>>
    %dma_wait3A_554 = arith.constant 128 : i32
    %dma_wait3A_555 = tpu.memref_slice %arg9[%dma_wait3A_554] : memref<3200xi32, #tpu.memory_space<vmem>> -> memref<128xi32, #tpu.memory_space<vmem>>
    %dma_wait3A_556 = arith.constant 0 : i32
    %dma_wait3A_557 = tpu.memref_slice %arg3[%dma_wait3A_556] : memref<1001000xf32, #tpu.memory_space<hbm>> -> memref<1001000xf32, #tpu.memory_space<hbm>>
    tpu.wait_indirect_dma semaphore(%arg19 : memref<!tpu.dma_semaphore, #tpu.memory_space<semaphore_mem>>) src(%dma_wait3A_557 : memref<1001000xf32, #tpu.memory_space<hbm>>) dst(%dma_wait3A_553 : memref<128xf32, #tpu.memory_space<vmem>>)
    %dma_wait3A_558 = arith.constant 128 : i32
    %dma_wait3A_559 = tpu.memref_slice %arg11[%dma_wait3A_558] : memref<3200xf32, #tpu.memory_space<vmem>> -> memref<128xf32, #tpu.memory_space<vmem>>
    %dma_wait3A_560 = arith.constant 128 : i32
    %dma_wait3A_561 = tpu.memref_slice %arg8[%dma_wait3A_560] : memref<3200xi32, #tpu.memory_space<vmem>> -> memref<128xi32, #tpu.memory_space<vmem>>
    %dma_wait3A_562 = arith.constant 0 : i32
    %dma_wait3A_563 = tpu.memref_slice %arg3[%dma_wait3A_562] : memref<1001000xf32, #tpu.memory_space<hbm>> -> memref<1001000xf32, #tpu.memory_space<hbm>>
    tpu.wait_indirect_dma semaphore(%arg19 : memref<!tpu.dma_semaphore, #tpu.memory_space<semaphore_mem>>) src(%dma_wait3A_563 : memref<1001000xf32, #tpu.memory_space<hbm>>) dst(%dma_wait3A_559 : memref<128xf32, #tpu.memory_space<vmem>>)
    %dma_wait3A_564 = arith.constant 256 : i32
    %dma_wait3A_565 = tpu.memref_slice %arg10[%dma_wait3A_564] : memref<3200xf32, #tpu.memory_space<vmem>> -> memref<128xf32, #tpu.memory_space<vmem>>
    %dma_wait3A_566 = arith.constant 256 : i32
    %dma_wait3A_567 = tpu.memref_slice %arg9[%dma_wait3A_566] : memref<3200xi32, #tpu.memory_space<vmem>> -> memref<128xi32, #tpu.memory_space<vmem>>
    %dma_wait3A_568 = arith.constant 0 : i32
    %dma_wait3A_569 = tpu.memref_slice %arg3[%dma_wait3A_568] : memref<1001000xf32, #tpu.memory_space<hbm>> -> memref<1001000xf32, #tpu.memory_space<hbm>>
    tpu.wait_indirect_dma semaphore(%arg19 : memref<!tpu.dma_semaphore, #tpu.memory_space<semaphore_mem>>) src(%dma_wait3A_569 : memref<1001000xf32, #tpu.memory_space<hbm>>) dst(%dma_wait3A_565 : memref<128xf32, #tpu.memory_space<vmem>>)
    %dma_wait3A_570 = arith.constant 256 : i32
    %dma_wait3A_571 = tpu.memref_slice %arg11[%dma_wait3A_570] : memref<3200xf32, #tpu.memory_space<vmem>> -> memref<128xf32, #tpu.memory_space<vmem>>
    %dma_wait3A_572 = arith.constant 256 : i32
    %dma_wait3A_573 = tpu.memref_slice %arg8[%dma_wait3A_572] : memref<3200xi32, #tpu.memory_space<vmem>> -> memref<128xi32, #tpu.memory_space<vmem>>
    %dma_wait3A_574 = arith.constant 0 : i32
    %dma_wait3A_575 = tpu.memref_slice %arg3[%dma_wait3A_574] : memref<1001000xf32, #tpu.memory_space<hbm>> -> memref<1001000xf32, #tpu.memory_space<hbm>>
    tpu.wait_indirect_dma semaphore(%arg19 : memref<!tpu.dma_semaphore, #tpu.memory_space<semaphore_mem>>) src(%dma_wait3A_575 : memref<1001000xf32, #tpu.memory_space<hbm>>) dst(%dma_wait3A_571 : memref<128xf32, #tpu.memory_space<vmem>>)
    %dma_wait3A_576 = arith.constant 384 : i32
    %dma_wait3A_577 = tpu.memref_slice %arg10[%dma_wait3A_576] : memref<3200xf32, #tpu.memory_space<vmem>> -> memref<128xf32, #tpu.memory_space<vmem>>
    %dma_wait3A_578 = arith.constant 384 : i32
    %dma_wait3A_579 = tpu.memref_slice %arg9[%dma_wait3A_578] : memref<3200xi32, #tpu.memory_space<vmem>> -> memref<128xi32, #tpu.memory_space<vmem>>
    %dma_wait3A_580 = arith.constant 0 : i32
    %dma_wait3A_581 = tpu.memref_slice %arg3[%dma_wait3A_580] : memref<1001000xf32, #tpu.memory_space<hbm>> -> memref<1001000xf32, #tpu.memory_space<hbm>>
    tpu.wait_indirect_dma semaphore(%arg19 : memref<!tpu.dma_semaphore, #tpu.memory_space<semaphore_mem>>) src(%dma_wait3A_581 : memref<1001000xf32, #tpu.memory_space<hbm>>) dst(%dma_wait3A_577 : memref<128xf32, #tpu.memory_space<vmem>>)
    %dma_wait3A_582 = arith.constant 384 : i32
    %dma_wait3A_583 = tpu.memref_slice %arg11[%dma_wait3A_582] : memref<3200xf32, #tpu.memory_space<vmem>> -> memref<128xf32, #tpu.memory_space<vmem>>
    %dma_wait3A_584 = arith.constant 384 : i32
    %dma_wait3A_585 = tpu.memref_slice %arg8[%dma_wait3A_584] : memref<3200xi32, #tpu.memory_space<vmem>> -> memref<128xi32, #tpu.memory_space<vmem>>
    %dma_wait3A_586 = arith.constant 0 : i32
    %dma_wait3A_587 = tpu.memref_slice %arg3[%dma_wait3A_586] : memref<1001000xf32, #tpu.memory_space<hbm>> -> memref<1001000xf32, #tpu.memory_space<hbm>>
    tpu.wait_indirect_dma semaphore(%arg19 : memref<!tpu.dma_semaphore, #tpu.memory_space<semaphore_mem>>) src(%dma_wait3A_587 : memref<1001000xf32, #tpu.memory_space<hbm>>) dst(%dma_wait3A_583 : memref<128xf32, #tpu.memory_space<vmem>>)
    %dma_wait3A_588 = arith.constant 512 : i32
    %dma_wait3A_589 = tpu.memref_slice %arg10[%dma_wait3A_588] : memref<3200xf32, #tpu.memory_space<vmem>> -> memref<128xf32, #tpu.memory_space<vmem>>
    %dma_wait3A_590 = arith.constant 512 : i32
    %dma_wait3A_591 = tpu.memref_slice %arg9[%dma_wait3A_590] : memref<3200xi32, #tpu.memory_space<vmem>> -> memref<128xi32, #tpu.memory_space<vmem>>
    %dma_wait3A_592 = arith.constant 0 : i32
    %dma_wait3A_593 = tpu.memref_slice %arg3[%dma_wait3A_592] : memref<1001000xf32, #tpu.memory_space<hbm>> -> memref<1001000xf32, #tpu.memory_space<hbm>>
    tpu.wait_indirect_dma semaphore(%arg19 : memref<!tpu.dma_semaphore, #tpu.memory_space<semaphore_mem>>) src(%dma_wait3A_593 : memref<1001000xf32, #tpu.memory_space<hbm>>) dst(%dma_wait3A_589 : memref<128xf32, #tpu.memory_space<vmem>>)
    %dma_wait3A_594 = arith.constant 512 : i32
    %dma_wait3A_595 = tpu.memref_slice %arg11[%dma_wait3A_594] : memref<3200xf32, #tpu.memory_space<vmem>> -> memref<128xf32, #tpu.memory_space<vmem>>
    %dma_wait3A_596 = arith.constant 512 : i32
    %dma_wait3A_597 = tpu.memref_slice %arg8[%dma_wait3A_596] : memref<3200xi32, #tpu.memory_space<vmem>> -> memref<128xi32, #tpu.memory_space<vmem>>
    %dma_wait3A_598 = arith.constant 0 : i32
    %dma_wait3A_599 = tpu.memref_slice %arg3[%dma_wait3A_598] : memref<1001000xf32, #tpu.memory_space<hbm>> -> memref<1001000xf32, #tpu.memory_space<hbm>>
    tpu.wait_indirect_dma semaphore(%arg19 : memref<!tpu.dma_semaphore, #tpu.memory_space<semaphore_mem>>) src(%dma_wait3A_599 : memref<1001000xf32, #tpu.memory_space<hbm>>) dst(%dma_wait3A_595 : memref<128xf32, #tpu.memory_space<vmem>>)
    %dma_wait3A_600 = arith.constant 640 : i32
    %dma_wait3A_601 = tpu.memref_slice %arg10[%dma_wait3A_600] : memref<3200xf32, #tpu.memory_space<vmem>> -> memref<128xf32, #tpu.memory_space<vmem>>
    %dma_wait3A_602 = arith.constant 640 : i32
    %dma_wait3A_603 = tpu.memref_slice %arg9[%dma_wait3A_602] : memref<3200xi32, #tpu.memory_space<vmem>> -> memref<128xi32, #tpu.memory_space<vmem>>
    %dma_wait3A_604 = arith.constant 0 : i32
    %dma_wait3A_605 = tpu.memref_slice %arg3[%dma_wait3A_604] : memref<1001000xf32, #tpu.memory_space<hbm>> -> memref<1001000xf32, #tpu.memory_space<hbm>>
    tpu.wait_indirect_dma semaphore(%arg19 : memref<!tpu.dma_semaphore, #tpu.memory_space<semaphore_mem>>) src(%dma_wait3A_605 : memref<1001000xf32, #tpu.memory_space<hbm>>) dst(%dma_wait3A_601 : memref<128xf32, #tpu.memory_space<vmem>>)
    %dma_wait3A_606 = arith.constant 640 : i32
    %dma_wait3A_607 = tpu.memref_slice %arg11[%dma_wait3A_606] : memref<3200xf32, #tpu.memory_space<vmem>> -> memref<128xf32, #tpu.memory_space<vmem>>
    %dma_wait3A_608 = arith.constant 640 : i32
    %dma_wait3A_609 = tpu.memref_slice %arg8[%dma_wait3A_608] : memref<3200xi32, #tpu.memory_space<vmem>> -> memref<128xi32, #tpu.memory_space<vmem>>
    %dma_wait3A_610 = arith.constant 0 : i32
    %dma_wait3A_611 = tpu.memref_slice %arg3[%dma_wait3A_610] : memref<1001000xf32, #tpu.memory_space<hbm>> -> memref<1001000xf32, #tpu.memory_space<hbm>>
    tpu.wait_indirect_dma semaphore(%arg19 : memref<!tpu.dma_semaphore, #tpu.memory_space<semaphore_mem>>) src(%dma_wait3A_611 : memref<1001000xf32, #tpu.memory_space<hbm>>) dst(%dma_wait3A_607 : memref<128xf32, #tpu.memory_space<vmem>>)
    %dma_wait3A_612 = arith.constant 768 : i32
    %dma_wait3A_613 = tpu.memref_slice %arg10[%dma_wait3A_612] : memref<3200xf32, #tpu.memory_space<vmem>> -> memref<128xf32, #tpu.memory_space<vmem>>
    %dma_wait3A_614 = arith.constant 768 : i32
    %dma_wait3A_615 = tpu.memref_slice %arg9[%dma_wait3A_614] : memref<3200xi32, #tpu.memory_space<vmem>> -> memref<128xi32, #tpu.memory_space<vmem>>
    %dma_wait3A_616 = arith.constant 0 : i32
    %dma_wait3A_617 = tpu.memref_slice %arg3[%dma_wait3A_616] : memref<1001000xf32, #tpu.memory_space<hbm>> -> memref<1001000xf32, #tpu.memory_space<hbm>>
    tpu.wait_indirect_dma semaphore(%arg19 : memref<!tpu.dma_semaphore, #tpu.memory_space<semaphore_mem>>) src(%dma_wait3A_617 : memref<1001000xf32, #tpu.memory_space<hbm>>) dst(%dma_wait3A_613 : memref<128xf32, #tpu.memory_space<vmem>>)
    %dma_wait3A_618 = arith.constant 768 : i32
    %dma_wait3A_619 = tpu.memref_slice %arg11[%dma_wait3A_618] : memref<3200xf32, #tpu.memory_space<vmem>> -> memref<128xf32, #tpu.memory_space<vmem>>
    %dma_wait3A_620 = arith.constant 768 : i32
    %dma_wait3A_621 = tpu.memref_slice %arg8[%dma_wait3A_620] : memref<3200xi32, #tpu.memory_space<vmem>> -> memref<128xi32, #tpu.memory_space<vmem>>
    %dma_wait3A_622 = arith.constant 0 : i32
    %dma_wait3A_623 = tpu.memref_slice %arg3[%dma_wait3A_622] : memref<1001000xf32, #tpu.memory_space<hbm>> -> memref<1001000xf32, #tpu.memory_space<hbm>>
    tpu.wait_indirect_dma semaphore(%arg19 : memref<!tpu.dma_semaphore, #tpu.memory_space<semaphore_mem>>) src(%dma_wait3A_623 : memref<1001000xf32, #tpu.memory_space<hbm>>) dst(%dma_wait3A_619 : memref<128xf32, #tpu.memory_space<vmem>>)
    %dma_wait3A_624 = arith.constant 896 : i32
    %dma_wait3A_625 = tpu.memref_slice %arg10[%dma_wait3A_624] : memref<3200xf32, #tpu.memory_space<vmem>> -> memref<128xf32, #tpu.memory_space<vmem>>
    %dma_wait3A_626 = arith.constant 896 : i32
    %dma_wait3A_627 = tpu.memref_slice %arg9[%dma_wait3A_626] : memref<3200xi32, #tpu.memory_space<vmem>> -> memref<128xi32, #tpu.memory_space<vmem>>
    %dma_wait3A_628 = arith.constant 0 : i32
    %dma_wait3A_629 = tpu.memref_slice %arg3[%dma_wait3A_628] : memref<1001000xf32, #tpu.memory_space<hbm>> -> memref<1001000xf32, #tpu.memory_space<hbm>>
    tpu.wait_indirect_dma semaphore(%arg19 : memref<!tpu.dma_semaphore, #tpu.memory_space<semaphore_mem>>) src(%dma_wait3A_629 : memref<1001000xf32, #tpu.memory_space<hbm>>) dst(%dma_wait3A_625 : memref<128xf32, #tpu.memory_space<vmem>>)
    %dma_wait3A_630 = arith.constant 896 : i32
    %dma_wait3A_631 = tpu.memref_slice %arg11[%dma_wait3A_630] : memref<3200xf32, #tpu.memory_space<vmem>> -> memref<128xf32, #tpu.memory_space<vmem>>
    %dma_wait3A_632 = arith.constant 896 : i32
    %dma_wait3A_633 = tpu.memref_slice %arg8[%dma_wait3A_632] : memref<3200xi32, #tpu.memory_space<vmem>> -> memref<128xi32, #tpu.memory_space<vmem>>
    %dma_wait3A_634 = arith.constant 0 : i32
    %dma_wait3A_635 = tpu.memref_slice %arg3[%dma_wait3A_634] : memref<1001000xf32, #tpu.memory_space<hbm>> -> memref<1001000xf32, #tpu.memory_space<hbm>>
    tpu.wait_indirect_dma semaphore(%arg19 : memref<!tpu.dma_semaphore, #tpu.memory_space<semaphore_mem>>) src(%dma_wait3A_635 : memref<1001000xf32, #tpu.memory_space<hbm>>) dst(%dma_wait3A_631 : memref<128xf32, #tpu.memory_space<vmem>>)
    %dma_wait3A_636 = arith.constant 1024 : i32
    %dma_wait3A_637 = tpu.memref_slice %arg10[%dma_wait3A_636] : memref<3200xf32, #tpu.memory_space<vmem>> -> memref<128xf32, #tpu.memory_space<vmem>>
    %dma_wait3A_638 = arith.constant 1024 : i32
    %dma_wait3A_639 = tpu.memref_slice %arg9[%dma_wait3A_638] : memref<3200xi32, #tpu.memory_space<vmem>> -> memref<128xi32, #tpu.memory_space<vmem>>
    %dma_wait3A_640 = arith.constant 0 : i32
    %dma_wait3A_641 = tpu.memref_slice %arg3[%dma_wait3A_640] : memref<1001000xf32, #tpu.memory_space<hbm>> -> memref<1001000xf32, #tpu.memory_space<hbm>>
    tpu.wait_indirect_dma semaphore(%arg19 : memref<!tpu.dma_semaphore, #tpu.memory_space<semaphore_mem>>) src(%dma_wait3A_641 : memref<1001000xf32, #tpu.memory_space<hbm>>) dst(%dma_wait3A_637 : memref<128xf32, #tpu.memory_space<vmem>>)
    %dma_wait3A_642 = arith.constant 1024 : i32
    %dma_wait3A_643 = tpu.memref_slice %arg11[%dma_wait3A_642] : memref<3200xf32, #tpu.memory_space<vmem>> -> memref<128xf32, #tpu.memory_space<vmem>>
    %dma_wait3A_644 = arith.constant 1024 : i32
    %dma_wait3A_645 = tpu.memref_slice %arg8[%dma_wait3A_644] : memref<3200xi32, #tpu.memory_space<vmem>> -> memref<128xi32, #tpu.memory_space<vmem>>
    %dma_wait3A_646 = arith.constant 0 : i32
    %dma_wait3A_647 = tpu.memref_slice %arg3[%dma_wait3A_646] : memref<1001000xf32, #tpu.memory_space<hbm>> -> memref<1001000xf32, #tpu.memory_space<hbm>>
    tpu.wait_indirect_dma semaphore(%arg19 : memref<!tpu.dma_semaphore, #tpu.memory_space<semaphore_mem>>) src(%dma_wait3A_647 : memref<1001000xf32, #tpu.memory_space<hbm>>) dst(%dma_wait3A_643 : memref<128xf32, #tpu.memory_space<vmem>>)
    %dma_wait3A_648 = arith.constant 1152 : i32
    %dma_wait3A_649 = tpu.memref_slice %arg10[%dma_wait3A_648] : memref<3200xf32, #tpu.memory_space<vmem>> -> memref<128xf32, #tpu.memory_space<vmem>>
    %dma_wait3A_650 = arith.constant 1152 : i32
    %dma_wait3A_651 = tpu.memref_slice %arg9[%dma_wait3A_650] : memref<3200xi32, #tpu.memory_space<vmem>> -> memref<128xi32, #tpu.memory_space<vmem>>
    %dma_wait3A_652 = arith.constant 0 : i32
    %dma_wait3A_653 = tpu.memref_slice %arg3[%dma_wait3A_652] : memref<1001000xf32, #tpu.memory_space<hbm>> -> memref<1001000xf32, #tpu.memory_space<hbm>>
    tpu.wait_indirect_dma semaphore(%arg19 : memref<!tpu.dma_semaphore, #tpu.memory_space<semaphore_mem>>) src(%dma_wait3A_653 : memref<1001000xf32, #tpu.memory_space<hbm>>) dst(%dma_wait3A_649 : memref<128xf32, #tpu.memory_space<vmem>>)
    %dma_wait3A_654 = arith.constant 1152 : i32
    %dma_wait3A_655 = tpu.memref_slice %arg11[%dma_wait3A_654] : memref<3200xf32, #tpu.memory_space<vmem>> -> memref<128xf32, #tpu.memory_space<vmem>>
    %dma_wait3A_656 = arith.constant 1152 : i32
    %dma_wait3A_657 = tpu.memref_slice %arg8[%dma_wait3A_656] : memref<3200xi32, #tpu.memory_space<vmem>> -> memref<128xi32, #tpu.memory_space<vmem>>
    %dma_wait3A_658 = arith.constant 0 : i32
    %dma_wait3A_659 = tpu.memref_slice %arg3[%dma_wait3A_658] : memref<1001000xf32, #tpu.memory_space<hbm>> -> memref<1001000xf32, #tpu.memory_space<hbm>>
    tpu.wait_indirect_dma semaphore(%arg19 : memref<!tpu.dma_semaphore, #tpu.memory_space<semaphore_mem>>) src(%dma_wait3A_659 : memref<1001000xf32, #tpu.memory_space<hbm>>) dst(%dma_wait3A_655 : memref<128xf32, #tpu.memory_space<vmem>>)
    %dma_wait3A_660 = arith.constant 1280 : i32
    %dma_wait3A_661 = tpu.memref_slice %arg10[%dma_wait3A_660] : memref<3200xf32, #tpu.memory_space<vmem>> -> memref<128xf32, #tpu.memory_space<vmem>>
    %dma_wait3A_662 = arith.constant 1280 : i32
    %dma_wait3A_663 = tpu.memref_slice %arg9[%dma_wait3A_662] : memref<3200xi32, #tpu.memory_space<vmem>> -> memref<128xi32, #tpu.memory_space<vmem>>
    %dma_wait3A_664 = arith.constant 0 : i32
    %dma_wait3A_665 = tpu.memref_slice %arg3[%dma_wait3A_664] : memref<1001000xf32, #tpu.memory_space<hbm>> -> memref<1001000xf32, #tpu.memory_space<hbm>>
    tpu.wait_indirect_dma semaphore(%arg19 : memref<!tpu.dma_semaphore, #tpu.memory_space<semaphore_mem>>) src(%dma_wait3A_665 : memref<1001000xf32, #tpu.memory_space<hbm>>) dst(%dma_wait3A_661 : memref<128xf32, #tpu.memory_space<vmem>>)
    %dma_wait3A_666 = arith.constant 1280 : i32
    %dma_wait3A_667 = tpu.memref_slice %arg11[%dma_wait3A_666] : memref<3200xf32, #tpu.memory_space<vmem>> -> memref<128xf32, #tpu.memory_space<vmem>>
    %dma_wait3A_668 = arith.constant 1280 : i32
    %dma_wait3A_669 = tpu.memref_slice %arg8[%dma_wait3A_668] : memref<3200xi32, #tpu.memory_space<vmem>> -> memref<128xi32, #tpu.memory_space<vmem>>
    %dma_wait3A_670 = arith.constant 0 : i32
    %dma_wait3A_671 = tpu.memref_slice %arg3[%dma_wait3A_670] : memref<1001000xf32, #tpu.memory_space<hbm>> -> memref<1001000xf32, #tpu.memory_space<hbm>>
    tpu.wait_indirect_dma semaphore(%arg19 : memref<!tpu.dma_semaphore, #tpu.memory_space<semaphore_mem>>) src(%dma_wait3A_671 : memref<1001000xf32, #tpu.memory_space<hbm>>) dst(%dma_wait3A_667 : memref<128xf32, #tpu.memory_space<vmem>>)
    %dma_wait3A_672 = arith.constant 1408 : i32
    %dma_wait3A_673 = tpu.memref_slice %arg10[%dma_wait3A_672] : memref<3200xf32, #tpu.memory_space<vmem>> -> memref<128xf32, #tpu.memory_space<vmem>>
    %dma_wait3A_674 = arith.constant 1408 : i32
    %dma_wait3A_675 = tpu.memref_slice %arg9[%dma_wait3A_674] : memref<3200xi32, #tpu.memory_space<vmem>> -> memref<128xi32, #tpu.memory_space<vmem>>
    %dma_wait3A_676 = arith.constant 0 : i32
    %dma_wait3A_677 = tpu.memref_slice %arg3[%dma_wait3A_676] : memref<1001000xf32, #tpu.memory_space<hbm>> -> memref<1001000xf32, #tpu.memory_space<hbm>>
    tpu.wait_indirect_dma semaphore(%arg19 : memref<!tpu.dma_semaphore, #tpu.memory_space<semaphore_mem>>) src(%dma_wait3A_677 : memref<1001000xf32, #tpu.memory_space<hbm>>) dst(%dma_wait3A_673 : memref<128xf32, #tpu.memory_space<vmem>>)
    %dma_wait3A_678 = arith.constant 1408 : i32
    %dma_wait3A_679 = tpu.memref_slice %arg11[%dma_wait3A_678] : memref<3200xf32, #tpu.memory_space<vmem>> -> memref<128xf32, #tpu.memory_space<vmem>>
    %dma_wait3A_680 = arith.constant 1408 : i32
    %dma_wait3A_681 = tpu.memref_slice %arg8[%dma_wait3A_680] : memref<3200xi32, #tpu.memory_space<vmem>> -> memref<128xi32, #tpu.memory_space<vmem>>
    %dma_wait3A_682 = arith.constant 0 : i32
    %dma_wait3A_683 = tpu.memref_slice %arg3[%dma_wait3A_682] : memref<1001000xf32, #tpu.memory_space<hbm>> -> memref<1001000xf32, #tpu.memory_space<hbm>>
    tpu.wait_indirect_dma semaphore(%arg19 : memref<!tpu.dma_semaphore, #tpu.memory_space<semaphore_mem>>) src(%dma_wait3A_683 : memref<1001000xf32, #tpu.memory_space<hbm>>) dst(%dma_wait3A_679 : memref<128xf32, #tpu.memory_space<vmem>>)
    %dma_wait3A_684 = arith.constant 1536 : i32
    %dma_wait3A_685 = tpu.memref_slice %arg10[%dma_wait3A_684] : memref<3200xf32, #tpu.memory_space<vmem>> -> memref<128xf32, #tpu.memory_space<vmem>>
    %dma_wait3A_686 = arith.constant 1536 : i32
    %dma_wait3A_687 = tpu.memref_slice %arg9[%dma_wait3A_686] : memref<3200xi32, #tpu.memory_space<vmem>> -> memref<128xi32, #tpu.memory_space<vmem>>
    %dma_wait3A_688 = arith.constant 0 : i32
    %dma_wait3A_689 = tpu.memref_slice %arg3[%dma_wait3A_688] : memref<1001000xf32, #tpu.memory_space<hbm>> -> memref<1001000xf32, #tpu.memory_space<hbm>>
    tpu.wait_indirect_dma semaphore(%arg19 : memref<!tpu.dma_semaphore, #tpu.memory_space<semaphore_mem>>) src(%dma_wait3A_689 : memref<1001000xf32, #tpu.memory_space<hbm>>) dst(%dma_wait3A_685 : memref<128xf32, #tpu.memory_space<vmem>>)
    %dma_wait3A_690 = arith.constant 1536 : i32
    %dma_wait3A_691 = tpu.memref_slice %arg11[%dma_wait3A_690] : memref<3200xf32, #tpu.memory_space<vmem>> -> memref<128xf32, #tpu.memory_space<vmem>>
    %dma_wait3A_692 = arith.constant 1536 : i32
    %dma_wait3A_693 = tpu.memref_slice %arg8[%dma_wait3A_692] : memref<3200xi32, #tpu.memory_space<vmem>> -> memref<128xi32, #tpu.memory_space<vmem>>
    %dma_wait3A_694 = arith.constant 0 : i32
    %dma_wait3A_695 = tpu.memref_slice %arg3[%dma_wait3A_694] : memref<1001000xf32, #tpu.memory_space<hbm>> -> memref<1001000xf32, #tpu.memory_space<hbm>>
    tpu.wait_indirect_dma semaphore(%arg19 : memref<!tpu.dma_semaphore, #tpu.memory_space<semaphore_mem>>) src(%dma_wait3A_695 : memref<1001000xf32, #tpu.memory_space<hbm>>) dst(%dma_wait3A_691 : memref<128xf32, #tpu.memory_space<vmem>>)
    %dma_wait3A_696 = arith.constant 1664 : i32
    %dma_wait3A_697 = tpu.memref_slice %arg10[%dma_wait3A_696] : memref<3200xf32, #tpu.memory_space<vmem>> -> memref<128xf32, #tpu.memory_space<vmem>>
    %dma_wait3A_698 = arith.constant 1664 : i32
    %dma_wait3A_699 = tpu.memref_slice %arg9[%dma_wait3A_698] : memref<3200xi32, #tpu.memory_space<vmem>> -> memref<128xi32, #tpu.memory_space<vmem>>
    %dma_wait3A_700 = arith.constant 0 : i32
    %dma_wait3A_701 = tpu.memref_slice %arg3[%dma_wait3A_700] : memref<1001000xf32, #tpu.memory_space<hbm>> -> memref<1001000xf32, #tpu.memory_space<hbm>>
    tpu.wait_indirect_dma semaphore(%arg19 : memref<!tpu.dma_semaphore, #tpu.memory_space<semaphore_mem>>) src(%dma_wait3A_701 : memref<1001000xf32, #tpu.memory_space<hbm>>) dst(%dma_wait3A_697 : memref<128xf32, #tpu.memory_space<vmem>>)
    %dma_wait3A_702 = arith.constant 1664 : i32
    %dma_wait3A_703 = tpu.memref_slice %arg11[%dma_wait3A_702] : memref<3200xf32, #tpu.memory_space<vmem>> -> memref<128xf32, #tpu.memory_space<vmem>>
    %dma_wait3A_704 = arith.constant 1664 : i32
    %dma_wait3A_705 = tpu.memref_slice %arg8[%dma_wait3A_704] : memref<3200xi32, #tpu.memory_space<vmem>> -> memref<128xi32, #tpu.memory_space<vmem>>
    %dma_wait3A_706 = arith.constant 0 : i32
    %dma_wait3A_707 = tpu.memref_slice %arg3[%dma_wait3A_706] : memref<1001000xf32, #tpu.memory_space<hbm>> -> memref<1001000xf32, #tpu.memory_space<hbm>>
    tpu.wait_indirect_dma semaphore(%arg19 : memref<!tpu.dma_semaphore, #tpu.memory_space<semaphore_mem>>) src(%dma_wait3A_707 : memref<1001000xf32, #tpu.memory_space<hbm>>) dst(%dma_wait3A_703 : memref<128xf32, #tpu.memory_space<vmem>>)
    %dma_wait3A_708 = arith.constant 1792 : i32
    %dma_wait3A_709 = tpu.memref_slice %arg10[%dma_wait3A_708] : memref<3200xf32, #tpu.memory_space<vmem>> -> memref<128xf32, #tpu.memory_space<vmem>>
    %dma_wait3A_710 = arith.constant 1792 : i32
    %dma_wait3A_711 = tpu.memref_slice %arg9[%dma_wait3A_710] : memref<3200xi32, #tpu.memory_space<vmem>> -> memref<128xi32, #tpu.memory_space<vmem>>
    %dma_wait3A_712 = arith.constant 0 : i32
    %dma_wait3A_713 = tpu.memref_slice %arg3[%dma_wait3A_712] : memref<1001000xf32, #tpu.memory_space<hbm>> -> memref<1001000xf32, #tpu.memory_space<hbm>>
    tpu.wait_indirect_dma semaphore(%arg19 : memref<!tpu.dma_semaphore, #tpu.memory_space<semaphore_mem>>) src(%dma_wait3A_713 : memref<1001000xf32, #tpu.memory_space<hbm>>) dst(%dma_wait3A_709 : memref<128xf32, #tpu.memory_space<vmem>>)
    %dma_wait3A_714 = arith.constant 1792 : i32
    %dma_wait3A_715 = tpu.memref_slice %arg11[%dma_wait3A_714] : memref<3200xf32, #tpu.memory_space<vmem>> -> memref<128xf32, #tpu.memory_space<vmem>>
    %dma_wait3A_716 = arith.constant 1792 : i32
    %dma_wait3A_717 = tpu.memref_slice %arg8[%dma_wait3A_716] : memref<3200xi32, #tpu.memory_space<vmem>> -> memref<128xi32, #tpu.memory_space<vmem>>
    %dma_wait3A_718 = arith.constant 0 : i32
    %dma_wait3A_719 = tpu.memref_slice %arg3[%dma_wait3A_718] : memref<1001000xf32, #tpu.memory_space<hbm>> -> memref<1001000xf32, #tpu.memory_space<hbm>>
    tpu.wait_indirect_dma semaphore(%arg19 : memref<!tpu.dma_semaphore, #tpu.memory_space<semaphore_mem>>) src(%dma_wait3A_719 : memref<1001000xf32, #tpu.memory_space<hbm>>) dst(%dma_wait3A_715 : memref<128xf32, #tpu.memory_space<vmem>>)
    %dma_wait3A_720 = arith.constant 1920 : i32
    %dma_wait3A_721 = tpu.memref_slice %arg10[%dma_wait3A_720] : memref<3200xf32, #tpu.memory_space<vmem>> -> memref<128xf32, #tpu.memory_space<vmem>>
    %dma_wait3A_722 = arith.constant 1920 : i32
    %dma_wait3A_723 = tpu.memref_slice %arg9[%dma_wait3A_722] : memref<3200xi32, #tpu.memory_space<vmem>> -> memref<128xi32, #tpu.memory_space<vmem>>
    %dma_wait3A_724 = arith.constant 0 : i32
    %dma_wait3A_725 = tpu.memref_slice %arg3[%dma_wait3A_724] : memref<1001000xf32, #tpu.memory_space<hbm>> -> memref<1001000xf32, #tpu.memory_space<hbm>>
    tpu.wait_indirect_dma semaphore(%arg19 : memref<!tpu.dma_semaphore, #tpu.memory_space<semaphore_mem>>) src(%dma_wait3A_725 : memref<1001000xf32, #tpu.memory_space<hbm>>) dst(%dma_wait3A_721 : memref<128xf32, #tpu.memory_space<vmem>>)
    %dma_wait3A_726 = arith.constant 1920 : i32
    %dma_wait3A_727 = tpu.memref_slice %arg11[%dma_wait3A_726] : memref<3200xf32, #tpu.memory_space<vmem>> -> memref<128xf32, #tpu.memory_space<vmem>>
    %dma_wait3A_728 = arith.constant 1920 : i32
    %dma_wait3A_729 = tpu.memref_slice %arg8[%dma_wait3A_728] : memref<3200xi32, #tpu.memory_space<vmem>> -> memref<128xi32, #tpu.memory_space<vmem>>
    %dma_wait3A_730 = arith.constant 0 : i32
    %dma_wait3A_731 = tpu.memref_slice %arg3[%dma_wait3A_730] : memref<1001000xf32, #tpu.memory_space<hbm>> -> memref<1001000xf32, #tpu.memory_space<hbm>>
    tpu.wait_indirect_dma semaphore(%arg19 : memref<!tpu.dma_semaphore, #tpu.memory_space<semaphore_mem>>) src(%dma_wait3A_731 : memref<1001000xf32, #tpu.memory_space<hbm>>) dst(%dma_wait3A_727 : memref<128xf32, #tpu.memory_space<vmem>>)
    %dma_wait3A_732 = arith.constant 2048 : i32
    %dma_wait3A_733 = tpu.memref_slice %arg10[%dma_wait3A_732] : memref<3200xf32, #tpu.memory_space<vmem>> -> memref<128xf32, #tpu.memory_space<vmem>>
    %dma_wait3A_734 = arith.constant 2048 : i32
    %dma_wait3A_735 = tpu.memref_slice %arg9[%dma_wait3A_734] : memref<3200xi32, #tpu.memory_space<vmem>> -> memref<128xi32, #tpu.memory_space<vmem>>
    %dma_wait3A_736 = arith.constant 0 : i32
    %dma_wait3A_737 = tpu.memref_slice %arg3[%dma_wait3A_736] : memref<1001000xf32, #tpu.memory_space<hbm>> -> memref<1001000xf32, #tpu.memory_space<hbm>>
    tpu.wait_indirect_dma semaphore(%arg19 : memref<!tpu.dma_semaphore, #tpu.memory_space<semaphore_mem>>) src(%dma_wait3A_737 : memref<1001000xf32, #tpu.memory_space<hbm>>) dst(%dma_wait3A_733 : memref<128xf32, #tpu.memory_space<vmem>>)
    %dma_wait3A_738 = arith.constant 2048 : i32
    %dma_wait3A_739 = tpu.memref_slice %arg11[%dma_wait3A_738] : memref<3200xf32, #tpu.memory_space<vmem>> -> memref<128xf32, #tpu.memory_space<vmem>>
    %dma_wait3A_740 = arith.constant 2048 : i32
    %dma_wait3A_741 = tpu.memref_slice %arg8[%dma_wait3A_740] : memref<3200xi32, #tpu.memory_space<vmem>> -> memref<128xi32, #tpu.memory_space<vmem>>
    %dma_wait3A_742 = arith.constant 0 : i32
    %dma_wait3A_743 = tpu.memref_slice %arg3[%dma_wait3A_742] : memref<1001000xf32, #tpu.memory_space<hbm>> -> memref<1001000xf32, #tpu.memory_space<hbm>>
    tpu.wait_indirect_dma semaphore(%arg19 : memref<!tpu.dma_semaphore, #tpu.memory_space<semaphore_mem>>) src(%dma_wait3A_743 : memref<1001000xf32, #tpu.memory_space<hbm>>) dst(%dma_wait3A_739 : memref<128xf32, #tpu.memory_space<vmem>>)
    %dma_wait3A_744 = arith.constant 2176 : i32
    %dma_wait3A_745 = tpu.memref_slice %arg10[%dma_wait3A_744] : memref<3200xf32, #tpu.memory_space<vmem>> -> memref<128xf32, #tpu.memory_space<vmem>>
    %dma_wait3A_746 = arith.constant 2176 : i32
    %dma_wait3A_747 = tpu.memref_slice %arg9[%dma_wait3A_746] : memref<3200xi32, #tpu.memory_space<vmem>> -> memref<128xi32, #tpu.memory_space<vmem>>
    %dma_wait3A_748 = arith.constant 0 : i32
    %dma_wait3A_749 = tpu.memref_slice %arg3[%dma_wait3A_748] : memref<1001000xf32, #tpu.memory_space<hbm>> -> memref<1001000xf32, #tpu.memory_space<hbm>>
    tpu.wait_indirect_dma semaphore(%arg19 : memref<!tpu.dma_semaphore, #tpu.memory_space<semaphore_mem>>) src(%dma_wait3A_749 : memref<1001000xf32, #tpu.memory_space<hbm>>) dst(%dma_wait3A_745 : memref<128xf32, #tpu.memory_space<vmem>>)
    %dma_wait3A_750 = arith.constant 2176 : i32
    %dma_wait3A_751 = tpu.memref_slice %arg11[%dma_wait3A_750] : memref<3200xf32, #tpu.memory_space<vmem>> -> memref<128xf32, #tpu.memory_space<vmem>>
    %dma_wait3A_752 = arith.constant 2176 : i32
    %dma_wait3A_753 = tpu.memref_slice %arg8[%dma_wait3A_752] : memref<3200xi32, #tpu.memory_space<vmem>> -> memref<128xi32, #tpu.memory_space<vmem>>
    %dma_wait3A_754 = arith.constant 0 : i32
    %dma_wait3A_755 = tpu.memref_slice %arg3[%dma_wait3A_754] : memref<1001000xf32, #tpu.memory_space<hbm>> -> memref<1001000xf32, #tpu.memory_space<hbm>>
    tpu.wait_indirect_dma semaphore(%arg19 : memref<!tpu.dma_semaphore, #tpu.memory_space<semaphore_mem>>) src(%dma_wait3A_755 : memref<1001000xf32, #tpu.memory_space<hbm>>) dst(%dma_wait3A_751 : memref<128xf32, #tpu.memory_space<vmem>>)
    %dma_wait3A_756 = arith.constant 2304 : i32
    %dma_wait3A_757 = tpu.memref_slice %arg10[%dma_wait3A_756] : memref<3200xf32, #tpu.memory_space<vmem>> -> memref<128xf32, #tpu.memory_space<vmem>>
    %dma_wait3A_758 = arith.constant 2304 : i32
    %dma_wait3A_759 = tpu.memref_slice %arg9[%dma_wait3A_758] : memref<3200xi32, #tpu.memory_space<vmem>> -> memref<128xi32, #tpu.memory_space<vmem>>
    %dma_wait3A_760 = arith.constant 0 : i32
    %dma_wait3A_761 = tpu.memref_slice %arg3[%dma_wait3A_760] : memref<1001000xf32, #tpu.memory_space<hbm>> -> memref<1001000xf32, #tpu.memory_space<hbm>>
    tpu.wait_indirect_dma semaphore(%arg19 : memref<!tpu.dma_semaphore, #tpu.memory_space<semaphore_mem>>) src(%dma_wait3A_761 : memref<1001000xf32, #tpu.memory_space<hbm>>) dst(%dma_wait3A_757 : memref<128xf32, #tpu.memory_space<vmem>>)
    %dma_wait3A_762 = arith.constant 2304 : i32
    %dma_wait3A_763 = tpu.memref_slice %arg11[%dma_wait3A_762] : memref<3200xf32, #tpu.memory_space<vmem>> -> memref<128xf32, #tpu.memory_space<vmem>>
    %dma_wait3A_764 = arith.constant 2304 : i32
    %dma_wait3A_765 = tpu.memref_slice %arg8[%dma_wait3A_764] : memref<3200xi32, #tpu.memory_space<vmem>> -> memref<128xi32, #tpu.memory_space<vmem>>
    %dma_wait3A_766 = arith.constant 0 : i32
    %dma_wait3A_767 = tpu.memref_slice %arg3[%dma_wait3A_766] : memref<1001000xf32, #tpu.memory_space<hbm>> -> memref<1001000xf32, #tpu.memory_space<hbm>>
    tpu.wait_indirect_dma semaphore(%arg19 : memref<!tpu.dma_semaphore, #tpu.memory_space<semaphore_mem>>) src(%dma_wait3A_767 : memref<1001000xf32, #tpu.memory_space<hbm>>) dst(%dma_wait3A_763 : memref<128xf32, #tpu.memory_space<vmem>>)
    %dma_wait3A_768 = arith.constant 2432 : i32
    %dma_wait3A_769 = tpu.memref_slice %arg10[%dma_wait3A_768] : memref<3200xf32, #tpu.memory_space<vmem>> -> memref<128xf32, #tpu.memory_space<vmem>>
    %dma_wait3A_770 = arith.constant 2432 : i32
    %dma_wait3A_771 = tpu.memref_slice %arg9[%dma_wait3A_770] : memref<3200xi32, #tpu.memory_space<vmem>> -> memref<128xi32, #tpu.memory_space<vmem>>
    %dma_wait3A_772 = arith.constant 0 : i32
    %dma_wait3A_773 = tpu.memref_slice %arg3[%dma_wait3A_772] : memref<1001000xf32, #tpu.memory_space<hbm>> -> memref<1001000xf32, #tpu.memory_space<hbm>>
    tpu.wait_indirect_dma semaphore(%arg19 : memref<!tpu.dma_semaphore, #tpu.memory_space<semaphore_mem>>) src(%dma_wait3A_773 : memref<1001000xf32, #tpu.memory_space<hbm>>) dst(%dma_wait3A_769 : memref<128xf32, #tpu.memory_space<vmem>>)
    %dma_wait3A_774 = arith.constant 2432 : i32
    %dma_wait3A_775 = tpu.memref_slice %arg11[%dma_wait3A_774] : memref<3200xf32, #tpu.memory_space<vmem>> -> memref<128xf32, #tpu.memory_space<vmem>>
    %dma_wait3A_776 = arith.constant 2432 : i32
    %dma_wait3A_777 = tpu.memref_slice %arg8[%dma_wait3A_776] : memref<3200xi32, #tpu.memory_space<vmem>> -> memref<128xi32, #tpu.memory_space<vmem>>
    %dma_wait3A_778 = arith.constant 0 : i32
    %dma_wait3A_779 = tpu.memref_slice %arg3[%dma_wait3A_778] : memref<1001000xf32, #tpu.memory_space<hbm>> -> memref<1001000xf32, #tpu.memory_space<hbm>>
    tpu.wait_indirect_dma semaphore(%arg19 : memref<!tpu.dma_semaphore, #tpu.memory_space<semaphore_mem>>) src(%dma_wait3A_779 : memref<1001000xf32, #tpu.memory_space<hbm>>) dst(%dma_wait3A_775 : memref<128xf32, #tpu.memory_space<vmem>>)
    %dma_wait3A_780 = arith.constant 2560 : i32
    %dma_wait3A_781 = tpu.memref_slice %arg10[%dma_wait3A_780] : memref<3200xf32, #tpu.memory_space<vmem>> -> memref<128xf32, #tpu.memory_space<vmem>>
    %dma_wait3A_782 = arith.constant 2560 : i32
    %dma_wait3A_783 = tpu.memref_slice %arg9[%dma_wait3A_782] : memref<3200xi32, #tpu.memory_space<vmem>> -> memref<128xi32, #tpu.memory_space<vmem>>
    %dma_wait3A_784 = arith.constant 0 : i32
    %dma_wait3A_785 = tpu.memref_slice %arg3[%dma_wait3A_784] : memref<1001000xf32, #tpu.memory_space<hbm>> -> memref<1001000xf32, #tpu.memory_space<hbm>>
    tpu.wait_indirect_dma semaphore(%arg19 : memref<!tpu.dma_semaphore, #tpu.memory_space<semaphore_mem>>) src(%dma_wait3A_785 : memref<1001000xf32, #tpu.memory_space<hbm>>) dst(%dma_wait3A_781 : memref<128xf32, #tpu.memory_space<vmem>>)
    %dma_wait3A_786 = arith.constant 2560 : i32
    %dma_wait3A_787 = tpu.memref_slice %arg11[%dma_wait3A_786] : memref<3200xf32, #tpu.memory_space<vmem>> -> memref<128xf32, #tpu.memory_space<vmem>>
    %dma_wait3A_788 = arith.constant 2560 : i32
    %dma_wait3A_789 = tpu.memref_slice %arg8[%dma_wait3A_788] : memref<3200xi32, #tpu.memory_space<vmem>> -> memref<128xi32, #tpu.memory_space<vmem>>
    %dma_wait3A_790 = arith.constant 0 : i32
    %dma_wait3A_791 = tpu.memref_slice %arg3[%dma_wait3A_790] : memref<1001000xf32, #tpu.memory_space<hbm>> -> memref<1001000xf32, #tpu.memory_space<hbm>>
    tpu.wait_indirect_dma semaphore(%arg19 : memref<!tpu.dma_semaphore, #tpu.memory_space<semaphore_mem>>) src(%dma_wait3A_791 : memref<1001000xf32, #tpu.memory_space<hbm>>) dst(%dma_wait3A_787 : memref<128xf32, #tpu.memory_space<vmem>>)
    %dma_wait3A_792 = arith.constant 2688 : i32
    %dma_wait3A_793 = tpu.memref_slice %arg10[%dma_wait3A_792] : memref<3200xf32, #tpu.memory_space<vmem>> -> memref<128xf32, #tpu.memory_space<vmem>>
    %dma_wait3A_794 = arith.constant 2688 : i32
    %dma_wait3A_795 = tpu.memref_slice %arg9[%dma_wait3A_794] : memref<3200xi32, #tpu.memory_space<vmem>> -> memref<128xi32, #tpu.memory_space<vmem>>
    %dma_wait3A_796 = arith.constant 0 : i32
    %dma_wait3A_797 = tpu.memref_slice %arg3[%dma_wait3A_796] : memref<1001000xf32, #tpu.memory_space<hbm>> -> memref<1001000xf32, #tpu.memory_space<hbm>>
    tpu.wait_indirect_dma semaphore(%arg19 : memref<!tpu.dma_semaphore, #tpu.memory_space<semaphore_mem>>) src(%dma_wait3A_797 : memref<1001000xf32, #tpu.memory_space<hbm>>) dst(%dma_wait3A_793 : memref<128xf32, #tpu.memory_space<vmem>>)
    %dma_wait3A_798 = arith.constant 2688 : i32
    %dma_wait3A_799 = tpu.memref_slice %arg11[%dma_wait3A_798] : memref<3200xf32, #tpu.memory_space<vmem>> -> memref<128xf32, #tpu.memory_space<vmem>>
    %dma_wait3A_800 = arith.constant 2688 : i32
    %dma_wait3A_801 = tpu.memref_slice %arg8[%dma_wait3A_800] : memref<3200xi32, #tpu.memory_space<vmem>> -> memref<128xi32, #tpu.memory_space<vmem>>
    %dma_wait3A_802 = arith.constant 0 : i32
    %dma_wait3A_803 = tpu.memref_slice %arg3[%dma_wait3A_802] : memref<1001000xf32, #tpu.memory_space<hbm>> -> memref<1001000xf32, #tpu.memory_space<hbm>>
    tpu.wait_indirect_dma semaphore(%arg19 : memref<!tpu.dma_semaphore, #tpu.memory_space<semaphore_mem>>) src(%dma_wait3A_803 : memref<1001000xf32, #tpu.memory_space<hbm>>) dst(%dma_wait3A_799 : memref<128xf32, #tpu.memory_space<vmem>>)
    %dma_wait3A_804 = arith.constant 2816 : i32
    %dma_wait3A_805 = tpu.memref_slice %arg10[%dma_wait3A_804] : memref<3200xf32, #tpu.memory_space<vmem>> -> memref<128xf32, #tpu.memory_space<vmem>>
    %dma_wait3A_806 = arith.constant 2816 : i32
    %dma_wait3A_807 = tpu.memref_slice %arg9[%dma_wait3A_806] : memref<3200xi32, #tpu.memory_space<vmem>> -> memref<128xi32, #tpu.memory_space<vmem>>
    %dma_wait3A_808 = arith.constant 0 : i32
    %dma_wait3A_809 = tpu.memref_slice %arg3[%dma_wait3A_808] : memref<1001000xf32, #tpu.memory_space<hbm>> -> memref<1001000xf32, #tpu.memory_space<hbm>>
    tpu.wait_indirect_dma semaphore(%arg19 : memref<!tpu.dma_semaphore, #tpu.memory_space<semaphore_mem>>) src(%dma_wait3A_809 : memref<1001000xf32, #tpu.memory_space<hbm>>) dst(%dma_wait3A_805 : memref<128xf32, #tpu.memory_space<vmem>>)
    %dma_wait3A_810 = arith.constant 2816 : i32
    %dma_wait3A_811 = tpu.memref_slice %arg11[%dma_wait3A_810] : memref<3200xf32, #tpu.memory_space<vmem>> -> memref<128xf32, #tpu.memory_space<vmem>>
    %dma_wait3A_812 = arith.constant 2816 : i32
    %dma_wait3A_813 = tpu.memref_slice %arg8[%dma_wait3A_812] : memref<3200xi32, #tpu.memory_space<vmem>> -> memref<128xi32, #tpu.memory_space<vmem>>
    %dma_wait3A_814 = arith.constant 0 : i32
    %dma_wait3A_815 = tpu.memref_slice %arg3[%dma_wait3A_814] : memref<1001000xf32, #tpu.memory_space<hbm>> -> memref<1001000xf32, #tpu.memory_space<hbm>>
    tpu.wait_indirect_dma semaphore(%arg19 : memref<!tpu.dma_semaphore, #tpu.memory_space<semaphore_mem>>) src(%dma_wait3A_815 : memref<1001000xf32, #tpu.memory_space<hbm>>) dst(%dma_wait3A_811 : memref<128xf32, #tpu.memory_space<vmem>>)
    %dma_wait3A_816 = arith.constant 2944 : i32
    %dma_wait3A_817 = tpu.memref_slice %arg10[%dma_wait3A_816] : memref<3200xf32, #tpu.memory_space<vmem>> -> memref<128xf32, #tpu.memory_space<vmem>>
    %dma_wait3A_818 = arith.constant 2944 : i32
    %dma_wait3A_819 = tpu.memref_slice %arg9[%dma_wait3A_818] : memref<3200xi32, #tpu.memory_space<vmem>> -> memref<128xi32, #tpu.memory_space<vmem>>
    %dma_wait3A_820 = arith.constant 0 : i32
    %dma_wait3A_821 = tpu.memref_slice %arg3[%dma_wait3A_820] : memref<1001000xf32, #tpu.memory_space<hbm>> -> memref<1001000xf32, #tpu.memory_space<hbm>>
    tpu.wait_indirect_dma semaphore(%arg19 : memref<!tpu.dma_semaphore, #tpu.memory_space<semaphore_mem>>) src(%dma_wait3A_821 : memref<1001000xf32, #tpu.memory_space<hbm>>) dst(%dma_wait3A_817 : memref<128xf32, #tpu.memory_space<vmem>>)
    %dma_wait3A_822 = arith.constant 2944 : i32
    %dma_wait3A_823 = tpu.memref_slice %arg11[%dma_wait3A_822] : memref<3200xf32, #tpu.memory_space<vmem>> -> memref<128xf32, #tpu.memory_space<vmem>>
    %dma_wait3A_824 = arith.constant 2944 : i32
    %dma_wait3A_825 = tpu.memref_slice %arg8[%dma_wait3A_824] : memref<3200xi32, #tpu.memory_space<vmem>> -> memref<128xi32, #tpu.memory_space<vmem>>
    %dma_wait3A_826 = arith.constant 0 : i32
    %dma_wait3A_827 = tpu.memref_slice %arg3[%dma_wait3A_826] : memref<1001000xf32, #tpu.memory_space<hbm>> -> memref<1001000xf32, #tpu.memory_space<hbm>>
    tpu.wait_indirect_dma semaphore(%arg19 : memref<!tpu.dma_semaphore, #tpu.memory_space<semaphore_mem>>) src(%dma_wait3A_827 : memref<1001000xf32, #tpu.memory_space<hbm>>) dst(%dma_wait3A_823 : memref<128xf32, #tpu.memory_space<vmem>>)
    %dma_wait3A_828 = arith.constant 3072 : i32
    %dma_wait3A_829 = tpu.memref_slice %arg10[%dma_wait3A_828] : memref<3200xf32, #tpu.memory_space<vmem>> -> memref<128xf32, #tpu.memory_space<vmem>>
    %dma_wait3A_830 = arith.constant 3072 : i32
    %dma_wait3A_831 = tpu.memref_slice %arg9[%dma_wait3A_830] : memref<3200xi32, #tpu.memory_space<vmem>> -> memref<128xi32, #tpu.memory_space<vmem>>
    %dma_wait3A_832 = arith.constant 0 : i32
    %dma_wait3A_833 = tpu.memref_slice %arg3[%dma_wait3A_832] : memref<1001000xf32, #tpu.memory_space<hbm>> -> memref<1001000xf32, #tpu.memory_space<hbm>>
    tpu.wait_indirect_dma semaphore(%arg19 : memref<!tpu.dma_semaphore, #tpu.memory_space<semaphore_mem>>) src(%dma_wait3A_833 : memref<1001000xf32, #tpu.memory_space<hbm>>) dst(%dma_wait3A_829 : memref<128xf32, #tpu.memory_space<vmem>>)
    %dma_wait3A_834 = arith.constant 3072 : i32
    %dma_wait3A_835 = tpu.memref_slice %arg11[%dma_wait3A_834] : memref<3200xf32, #tpu.memory_space<vmem>> -> memref<128xf32, #tpu.memory_space<vmem>>
    %dma_wait3A_836 = arith.constant 3072 : i32
    %dma_wait3A_837 = tpu.memref_slice %arg8[%dma_wait3A_836] : memref<3200xi32, #tpu.memory_space<vmem>> -> memref<128xi32, #tpu.memory_space<vmem>>
    %dma_wait3A_838 = arith.constant 0 : i32
    %dma_wait3A_839 = tpu.memref_slice %arg3[%dma_wait3A_838] : memref<1001000xf32, #tpu.memory_space<hbm>> -> memref<1001000xf32, #tpu.memory_space<hbm>>
    tpu.wait_indirect_dma semaphore(%arg19 : memref<!tpu.dma_semaphore, #tpu.memory_space<semaphore_mem>>) src(%dma_wait3A_839 : memref<1001000xf32, #tpu.memory_space<hbm>>) dst(%dma_wait3A_835 : memref<128xf32, #tpu.memory_space<vmem>>)
    %broadcast_in_dim3A = arith.constant 0.000000e+00 : f32
    %broadcast_in_dim3A_840 = vector.broadcast %broadcast_in_dim3A : f32 to vector<16xf32>
    %swap3A = arith.constant 0 : index
    %swap3A_841 = tpu.vector_load %arg14[%swap3A] {strides = array<i32>} : memref<16xf32, #tpu.memory_space<vmem>>, vector<16xf32>,
    %swap3A_842 = vector.shape_cast %swap3A_841 : vector<16xf32> to vector<16xf32>
    %swap3A_843 = vector.shape_cast %broadcast_in_dim3A_840 : vector<16xf32> to vector<16xf32>
    tpu.vector_store %arg14[%swap3A], %swap3A_843 {strides = array<i32>} : memref<16xf32, #tpu.memory_space<vmem>>, vector<16xf32>,
    %scan3A_844 = arith.constant 0 : i32
    %scan3A_845 = arith.constant 0 : i32
    %scan3A_846 = arith.constant 200 : i32
    %scan3A_847 = arith.addi %scan3A_845, %scan3A_846 : i32
    %scan3A_848 = arith.constant 1 : i32
    scf.for %scan3A_852 = %scan3A_845 to %scan3A_847 step %scan3A_848  : i32 {
      %mul3A_853 = arith.constant 16 : i32
      %mul3A_854 = arith.muli %scan3A_852, %mul3A_853 : i32
      %get3A = arith.constant 0 : index
      %get3A_855 = tpu.vector_load %arg14[%get3A] {strides = array<i32>} : memref<16xf32, #tpu.memory_space<vmem>>, vector<16xf32>,
      %get3A_856 = vector.shape_cast %get3A_855 : vector<16xf32> to vector<16xf32>
      %get3A_857 = arith.index_cast %mul3A_854 : i32 to index
      %get3A_858 = tpu.vector_load %arg11[%get3A_857] {strides = array<i32>} : memref<3200xf32, #tpu.memory_space<vmem>>, vector<16xf32>,
      %get3A_859 = vector.shape_cast %get3A_858 : vector<16xf32> to vector<16xf32>
      %get3A_860 = arith.index_cast %mul3A_854 : i32 to index
      %get3A_861 = tpu.vector_load %arg10[%get3A_860] {strides = array<i32>} : memref<3200xf32, #tpu.memory_space<vmem>>, vector<16xf32>,
      %get3A_862 = vector.shape_cast %get3A_861 : vector<16xf32> to vector<16xf32>
      %sub3A = arith.subf %get3A_859, %get3A_862 : vector<16xf32>
      %add3A_863 = arith.addf %get3A_856, %sub3A : vector<16xf32>
      %swap3A_864 = arith.constant 0 : index
      %swap3A_865 = tpu.vector_load %arg14[%swap3A_864] {strides = array<i32>} : memref<16xf32, #tpu.memory_space<vmem>>, vector<16xf32>,
      %swap3A_866 = vector.shape_cast %swap3A_865 : vector<16xf32> to vector<16xf32>
      %swap3A_867 = vector.shape_cast %add3A_863 : vector<16xf32> to vector<16xf32>
      tpu.vector_store %arg14[%swap3A_864], %swap3A_867 {strides = array<i32>} : memref<16xf32, #tpu.memory_space<vmem>>, vector<16xf32>,
    }
    %scan3A_849 = arith.constant 200 : i32
    %mul3A_850 = arith.constant 16 : i32
    %mul3A_851 = arith.muli %add3A, %mul3A_850 : i32
    "tpu.region"() ({
      %run_scoped3A = tpu.sem_alloc : memref<!tpu.dma_semaphore, #tpu.memory_space<semaphore_mem>>
      %dma_start3A_852 = tpu.memref_slice %arg7[%mul3A_851] : memref<512xf32, #tpu.memory_space<hbm>> -> memref<16xf32, #tpu.memory_space<hbm>>
      %dma_start3A_853 = tpu.memref_slice %arg7[%mul3A_851] : memref<512xf32, #tpu.memory_space<hbm>> -> memref<16xf32, #tpu.memory_space<hbm>>
      tpu.enqueue_dma source(%arg14 : memref<16xf32, #tpu.memory_space<vmem>>) target(%dma_start3A_853 : memref<16xf32, #tpu.memory_space<hbm>>) target_semaphore(%run_scoped3A : memref<!tpu.dma_semaphore, #tpu.memory_space<semaphore_mem>>)
      %dma_wait3A_854 = tpu.memref_slice %arg7[%mul3A_851] : memref<512xf32, #tpu.memory_space<hbm>> -> memref<16xf32, #tpu.memory_space<hbm>>
      %dma_wait3A_855 = tpu.memref_slice %arg7[%mul3A_851] : memref<512xf32, #tpu.memory_space<hbm>> -> memref<16xf32, #tpu.memory_space<hbm>>
      tpu.wait_dma2 semaphore(%run_scoped3A : memref<!tpu.dma_semaphore, #tpu.memory_space<semaphore_mem>>) src(%arg14 : memref<16xf32, #tpu.memory_space<vmem>>) dst(%dma_wait3A_855 : memref<16xf32, #tpu.memory_space<hbm>>)
      tpu.yield
    }) : () -> ()
    return
  }
}

#map = affine_map<(d0, d1) -> (0, 0)>
#map1 = affine_map<(d0, d1) -> (0)>
module attributes {stable_mosaic.version = 14 : i64} {
  func.func @sc_kernel(%arg0: i32, %arg1: i32, %arg2: memref<1000x1024xf32, #tpu.memory_space<hbm>>, %arg3: memref<1001000xf32, #tpu.memory_space<hbm>>, %arg4: memref<102400xi32, #tpu.memory_space<hbm>>, %arg5: memref<102400xi32, #tpu.memory_space<hbm>>, %arg6: memref<819200x128xf32, #tpu.memory_space<hbm>>, %arg7: memref<512xf32, #tpu.memory_space<hbm>>, %arg8: memref<3200xi32, #tpu.memory_space<vmem>>, %arg9: memref<3200xi32, #tpu.memory_space<vmem>>, %arg10: memref<3200xf32, #tpu.memory_space<vmem>>, %arg11: memref<3200xf32, #tpu.memory_space<vmem>>, %arg12: memref<32x1024xf32, #tpu.memory_space<vmem>>, %arg13: memref<32x1024xf32, #tpu.memory_space<vmem>>, %arg14: memref<16xf32, #tpu.memory_space<vmem>>, %arg15: memref<!tpu.dma_semaphore, #tpu.memory_space<semaphore_mem>>, %arg16: memref<!tpu.dma_semaphore, #tpu.memory_space<semaphore_mem>>, %arg17: memref<!tpu.dma_semaphore, #tpu.memory_space<semaphore_mem>>, %arg18: memref<!tpu.dma_semaphore, #tpu.memory_space<semaphore_mem>>, %arg19: memref<!tpu.dma_semaphore, #tpu.memory_space<semaphore_mem>>) attributes {dimension_semantics = [#tpu.dimension_semantics<core_parallel>, #tpu.dimension_semantics<subcore_parallel>], iteration_bounds = array<i64: 2, 16>, scalar_prefetch = 0 : i64, scratch_operands = 12 : i64, tpu.core_type = #tpu.core_type<sc_vector_subcore>, window_params = [{transform_indices = #map}, {transform_indices = #map1}, {transform_indices = #map1}, {transform_indices = #map1}, {transform_indices = #map}, {transform_indices = #map1}]} {
    %mul3A = arith.constant 2 : i32
    %mul3A_0 = arith.muli %arg1, %mul3A : i32
    %add3A = arith.addi %mul3A_0, %arg0 : i32
    %mul3A_1 = arith.constant 3200 : i32
    %mul3A_2 = arith.muli %add3A, %mul3A_1 : i32
    "tpu.region"() ({
      %run_scoped3A = tpu.sem_alloc : memref<!tpu.dma_semaphore, #tpu.memory_space<semaphore_mem>>
      %dma_start3A_852 = tpu.memref_slice %arg4[%mul3A_2] : memref<102400xi32, #tpu.memory_space<hbm>> -> memref<3200xi32, #tpu.memory_space<hbm>>
      %dma_start3A_853 = tpu.memref_slice %arg4[%mul3A_2] : memref<102400xi32, #tpu.memory_space<hbm>> -> memref<3200xi32, #tpu.memory_space<hbm>>
      tpu.enqueue_dma source(%dma_start3A_853 : memref<3200xi32, #tpu.memory_space<hbm>>) target(%arg8 : memref<3200xi32, #tpu.memory_space<vmem>>) target_semaphore(%run_scoped3A : memref<!tpu.dma_semaphore, #tpu.memory_space<semaphore_mem>>)
      %dma_wait3A_854 = tpu.memref_slice %arg4[%mul3A_2] : memref<102400xi32, #tpu.memory_space<hbm>> -> memref<3200xi32, #tpu.memory_space<hbm>>
      %dma_wait3A_855 = tpu.memref_slice %arg4[%mul3A_2] : memref<102400xi32, #tpu.memory_space<hbm>> -> memref<3200xi32, #tpu.memory_space<hbm>>
      tpu.wait_dma2 semaphore(%run_scoped3A : memref<!tpu.dma_semaphore, #tpu.memory_space<semaphore_mem>>) src(%dma_wait3A_855 : memref<3200xi32, #tpu.memory_space<hbm>>) dst(%arg8 : memref<3200xi32, #tpu.memory_space<vmem>>)
      tpu.yield
    }) : () -> ()
    "tpu.region"() ({
      %run_scoped3A = tpu.sem_alloc : memref<!tpu.dma_semaphore, #tpu.memory_space<semaphore_mem>>
      %dma_start3A_852 = tpu.memref_slice %arg5[%mul3A_2] : memref<102400xi32, #tpu.memory_space<hbm>> -> memref<3200xi32, #tpu.memory_space<hbm>>
      %dma_start3A_853 = tpu.memref_slice %arg5[%mul3A_2] : memref<102400xi32, #tpu.memory_space<hbm>> -> memref<3200xi32, #tpu.memory_space<hbm>>
      tpu.enqueue_dma source(%dma_start3A_853 : memref<3200xi32, #tpu.memory_space<hbm>>) target(%arg9 : memref<3200xi32, #tpu.memory_space<vmem>>) target_semaphore(%run_scoped3A : memref<!tpu.dma_semaphore, #tpu.memory_space<semaphore_mem>>)
      %dma_wait3A_854 = tpu.memref_slice %arg5[%mul3A_2] : memref<102400xi32, #tpu.memory_space<hbm>> -> memref<3200xi32, #tpu.memory_space<hbm>>
      %dma_wait3A_855 = tpu.memref_slice %arg5[%mul3A_2] : memref<102400xi32, #tpu.memory_space<hbm>> -> memref<3200xi32, #tpu.memory_space<hbm>>
      tpu.wait_dma2 semaphore(%run_scoped3A : memref<!tpu.dma_semaphore, #tpu.memory_space<semaphore_mem>>) src(%dma_wait3A_855 : memref<3200xi32, #tpu.memory_space<hbm>>) dst(%arg9 : memref<3200xi32, #tpu.memory_space<vmem>>)
      tpu.yield
    }) : () -> ()
    %dma_start3A = arith.constant 0 : i32
    %dma_start3A_3 = tpu.memref_slice %arg10[%dma_start3A] : memref<3200xf32, #tpu.memory_space<vmem>> -> memref<128xf32, #tpu.memory_space<vmem>>
    %dma_start3A_4 = arith.constant 0 : i32
    %dma_start3A_5 = tpu.memref_slice %arg9[%dma_start3A_4] : memref<3200xi32, #tpu.memory_space<vmem>> -> memref<128xi32, #tpu.memory_space<vmem>>
    %dma_start3A_6 = arith.constant 0 : i32
    %dma_start3A_7 = tpu.memref_slice %arg3[%dma_start3A_6] : memref<1001000xf32, #tpu.memory_space<hbm>> -> memref<1001000xf32, #tpu.memory_space<hbm>>
    tpu.enqueue_indirect_dma source(%dma_start3A_7 : memref<1001000xf32, #tpu.memory_space<hbm>>) target(%dma_start3A_3 : memref<128xf32, #tpu.memory_space<vmem>>) offsets(%dma_start3A_5 : memref<128xi32, #tpu.memory_space<vmem>>) semaphore(%arg19 : memref<!tpu.dma_semaphore, #tpu.memory_space<semaphore_mem>>)
    %dma_start3A_8 = arith.constant 0 : i32
    %dma_start3A_9 = tpu.memref_slice %arg11[%dma_start3A_8] : memref<3200xf32, #tpu.memory_space<vmem>> -> memref<128xf32, #tpu.memory_space<vmem>>
    %dma_start3A_10 = arith.constant 0 : i32
    %dma_start3A_11 = tpu.memref_slice %arg8[%dma_start3A_10] : memref<3200xi32, #tpu.memory_space<vmem>> -> memref<128xi32, #tpu.memory_space<vmem>>
    %dma_start3A_12 = arith.constant 0 : i32
    %dma_start3A_13 = tpu.memref_slice %arg3[%dma_start3A_12] : memref<1001000xf32, #tpu.memory_space<hbm>> -> memref<1001000xf32, #tpu.memory_space<hbm>>
    tpu.enqueue_indirect_dma source(%dma_start3A_13 : memref<1001000xf32, #tpu.memory_space<hbm>>) target(%dma_start3A_9 : memref<128xf32, #tpu.memory_space<vmem>>) offsets(%dma_start3A_11 : memref<128xi32, #tpu.memory_space<vmem>>) semaphore(%arg19 : memref<!tpu.dma_semaphore, #tpu.memory_space<semaphore_mem>>)
    %dma_start3A_14 = arith.constant 128 : i32
    %dma_start3A_15 = tpu.memref_slice %arg10[%dma_start3A_14] : memref<3200xf32, #tpu.memory_space<vmem>> -> memref<128xf32, #tpu.memory_space<vmem>>
    %dma_start3A_16 = arith.constant 128 : i32
    %dma_start3A_17 = tpu.memref_slice %arg9[%dma_start3A_16] : memref<3200xi32, #tpu.memory_space<vmem>> -> memref<128xi32, #tpu.memory_space<vmem>>
    %dma_start3A_18 = arith.constant 0 : i32
    %dma_start3A_19 = tpu.memref_slice %arg3[%dma_start3A_18] : memref<1001000xf32, #tpu.memory_space<hbm>> -> memref<1001000xf32, #tpu.memory_space<hbm>>
    tpu.enqueue_indirect_dma source(%dma_start3A_19 : memref<1001000xf32, #tpu.memory_space<hbm>>) target(%dma_start3A_15 : memref<128xf32, #tpu.memory_space<vmem>>) offsets(%dma_start3A_17 : memref<128xi32, #tpu.memory_space<vmem>>) semaphore(%arg19 : memref<!tpu.dma_semaphore, #tpu.memory_space<semaphore_mem>>)
    %dma_start3A_20 = arith.constant 128 : i32
    %dma_start3A_21 = tpu.memref_slice %arg11[%dma_start3A_20] : memref<3200xf32, #tpu.memory_space<vmem>> -> memref<128xf32, #tpu.memory_space<vmem>>
    %dma_start3A_22 = arith.constant 128 : i32
    %dma_start3A_23 = tpu.memref_slice %arg8[%dma_start3A_22] : memref<3200xi32, #tpu.memory_space<vmem>> -> memref<128xi32, #tpu.memory_space<vmem>>
    %dma_start3A_24 = arith.constant 0 : i32
    %dma_start3A_25 = tpu.memref_slice %arg3[%dma_start3A_24] : memref<1001000xf32, #tpu.memory_space<hbm>> -> memref<1001000xf32, #tpu.memory_space<hbm>>
    tpu.enqueue_indirect_dma source(%dma_start3A_25 : memref<1001000xf32, #tpu.memory_space<hbm>>) target(%dma_start3A_21 : memref<128xf32, #tpu.memory_space<vmem>>) offsets(%dma_start3A_23 : memref<128xi32, #tpu.memory_space<vmem>>) semaphore(%arg19 : memref<!tpu.dma_semaphore, #tpu.memory_space<semaphore_mem>>)
    %dma_start3A_26 = arith.constant 256 : i32
    %dma_start3A_27 = tpu.memref_slice %arg10[%dma_start3A_26] : memref<3200xf32, #tpu.memory_space<vmem>> -> memref<128xf32, #tpu.memory_space<vmem>>
    %dma_start3A_28 = arith.constant 256 : i32
    %dma_start3A_29 = tpu.memref_slice %arg9[%dma_start3A_28] : memref<3200xi32, #tpu.memory_space<vmem>> -> memref<128xi32, #tpu.memory_space<vmem>>
    %dma_start3A_30 = arith.constant 0 : i32
    %dma_start3A_31 = tpu.memref_slice %arg3[%dma_start3A_30] : memref<1001000xf32, #tpu.memory_space<hbm>> -> memref<1001000xf32, #tpu.memory_space<hbm>>
    tpu.enqueue_indirect_dma source(%dma_start3A_31 : memref<1001000xf32, #tpu.memory_space<hbm>>) target(%dma_start3A_27 : memref<128xf32, #tpu.memory_space<vmem>>) offsets(%dma_start3A_29 : memref<128xi32, #tpu.memory_space<vmem>>) semaphore(%arg19 : memref<!tpu.dma_semaphore, #tpu.memory_space<semaphore_mem>>)
    %dma_start3A_32 = arith.constant 256 : i32
    %dma_start3A_33 = tpu.memref_slice %arg11[%dma_start3A_32] : memref<3200xf32, #tpu.memory_space<vmem>> -> memref<128xf32, #tpu.memory_space<vmem>>
    %dma_start3A_34 = arith.constant 256 : i32
    %dma_start3A_35 = tpu.memref_slice %arg8[%dma_start3A_34] : memref<3200xi32, #tpu.memory_space<vmem>> -> memref<128xi32, #tpu.memory_space<vmem>>
    %dma_start3A_36 = arith.constant 0 : i32
    %dma_start3A_37 = tpu.memref_slice %arg3[%dma_start3A_36] : memref<1001000xf32, #tpu.memory_space<hbm>> -> memref<1001000xf32, #tpu.memory_space<hbm>>
    tpu.enqueue_indirect_dma source(%dma_start3A_37 : memref<1001000xf32, #tpu.memory_space<hbm>>) target(%dma_start3A_33 : memref<128xf32, #tpu.memory_space<vmem>>) offsets(%dma_start3A_35 : memref<128xi32, #tpu.memory_space<vmem>>) semaphore(%arg19 : memref<!tpu.dma_semaphore, #tpu.memory_space<semaphore_mem>>)
    %dma_start3A_38 = arith.constant 384 : i32
    %dma_start3A_39 = tpu.memref_slice %arg10[%dma_start3A_38] : memref<3200xf32, #tpu.memory_space<vmem>> -> memref<128xf32, #tpu.memory_space<vmem>>
    %dma_start3A_40 = arith.constant 384 : i32
    %dma_start3A_41 = tpu.memref_slice %arg9[%dma_start3A_40] : memref<3200xi32, #tpu.memory_space<vmem>> -> memref<128xi32, #tpu.memory_space<vmem>>
    %dma_start3A_42 = arith.constant 0 : i32
    %dma_start3A_43 = tpu.memref_slice %arg3[%dma_start3A_42] : memref<1001000xf32, #tpu.memory_space<hbm>> -> memref<1001000xf32, #tpu.memory_space<hbm>>
    tpu.enqueue_indirect_dma source(%dma_start3A_43 : memref<1001000xf32, #tpu.memory_space<hbm>>) target(%dma_start3A_39 : memref<128xf32, #tpu.memory_space<vmem>>) offsets(%dma_start3A_41 : memref<128xi32, #tpu.memory_space<vmem>>) semaphore(%arg19 : memref<!tpu.dma_semaphore, #tpu.memory_space<semaphore_mem>>)
    %dma_start3A_44 = arith.constant 384 : i32
    %dma_start3A_45 = tpu.memref_slice %arg11[%dma_start3A_44] : memref<3200xf32, #tpu.memory_space<vmem>> -> memref<128xf32, #tpu.memory_space<vmem>>
    %dma_start3A_46 = arith.constant 384 : i32
    %dma_start3A_47 = tpu.memref_slice %arg8[%dma_start3A_46] : memref<3200xi32, #tpu.memory_space<vmem>> -> memref<128xi32, #tpu.memory_space<vmem>>
    %dma_start3A_48 = arith.constant 0 : i32
    %dma_start3A_49 = tpu.memref_slice %arg3[%dma_start3A_48] : memref<1001000xf32, #tpu.memory_space<hbm>> -> memref<1001000xf32, #tpu.memory_space<hbm>>
    tpu.enqueue_indirect_dma source(%dma_start3A_49 : memref<1001000xf32, #tpu.memory_space<hbm>>) target(%dma_start3A_45 : memref<128xf32, #tpu.memory_space<vmem>>) offsets(%dma_start3A_47 : memref<128xi32, #tpu.memory_space<vmem>>) semaphore(%arg19 : memref<!tpu.dma_semaphore, #tpu.memory_space<semaphore_mem>>)
    %dma_start3A_50 = arith.constant 512 : i32
    %dma_start3A_51 = tpu.memref_slice %arg10[%dma_start3A_50] : memref<3200xf32, #tpu.memory_space<vmem>> -> memref<128xf32, #tpu.memory_space<vmem>>
    %dma_start3A_52 = arith.constant 512 : i32
    %dma_start3A_53 = tpu.memref_slice %arg9[%dma_start3A_52] : memref<3200xi32, #tpu.memory_space<vmem>> -> memref<128xi32, #tpu.memory_space<vmem>>
    %dma_start3A_54 = arith.constant 0 : i32
    %dma_start3A_55 = tpu.memref_slice %arg3[%dma_start3A_54] : memref<1001000xf32, #tpu.memory_space<hbm>> -> memref<1001000xf32, #tpu.memory_space<hbm>>
    tpu.enqueue_indirect_dma source(%dma_start3A_55 : memref<1001000xf32, #tpu.memory_space<hbm>>) target(%dma_start3A_51 : memref<128xf32, #tpu.memory_space<vmem>>) offsets(%dma_start3A_53 : memref<128xi32, #tpu.memory_space<vmem>>) semaphore(%arg19 : memref<!tpu.dma_semaphore, #tpu.memory_space<semaphore_mem>>)
    %dma_start3A_56 = arith.constant 512 : i32
    %dma_start3A_57 = tpu.memref_slice %arg11[%dma_start3A_56] : memref<3200xf32, #tpu.memory_space<vmem>> -> memref<128xf32, #tpu.memory_space<vmem>>
    %dma_start3A_58 = arith.constant 512 : i32
    %dma_start3A_59 = tpu.memref_slice %arg8[%dma_start3A_58] : memref<3200xi32, #tpu.memory_space<vmem>> -> memref<128xi32, #tpu.memory_space<vmem>>
    %dma_start3A_60 = arith.constant 0 : i32
    %dma_start3A_61 = tpu.memref_slice %arg3[%dma_start3A_60] : memref<1001000xf32, #tpu.memory_space<hbm>> -> memref<1001000xf32, #tpu.memory_space<hbm>>
    tpu.enqueue_indirect_dma source(%dma_start3A_61 : memref<1001000xf32, #tpu.memory_space<hbm>>) target(%dma_start3A_57 : memref<128xf32, #tpu.memory_space<vmem>>) offsets(%dma_start3A_59 : memref<128xi32, #tpu.memory_space<vmem>>) semaphore(%arg19 : memref<!tpu.dma_semaphore, #tpu.memory_space<semaphore_mem>>)
    %dma_start3A_62 = arith.constant 640 : i32
    %dma_start3A_63 = tpu.memref_slice %arg10[%dma_start3A_62] : memref<3200xf32, #tpu.memory_space<vmem>> -> memref<128xf32, #tpu.memory_space<vmem>>
    %dma_start3A_64 = arith.constant 640 : i32
    %dma_start3A_65 = tpu.memref_slice %arg9[%dma_start3A_64] : memref<3200xi32, #tpu.memory_space<vmem>> -> memref<128xi32, #tpu.memory_space<vmem>>
    %dma_start3A_66 = arith.constant 0 : i32
    %dma_start3A_67 = tpu.memref_slice %arg3[%dma_start3A_66] : memref<1001000xf32, #tpu.memory_space<hbm>> -> memref<1001000xf32, #tpu.memory_space<hbm>>
    tpu.enqueue_indirect_dma source(%dma_start3A_67 : memref<1001000xf32, #tpu.memory_space<hbm>>) target(%dma_start3A_63 : memref<128xf32, #tpu.memory_space<vmem>>) offsets(%dma_start3A_65 : memref<128xi32, #tpu.memory_space<vmem>>) semaphore(%arg19 : memref<!tpu.dma_semaphore, #tpu.memory_space<semaphore_mem>>)
    %dma_start3A_68 = arith.constant 640 : i32
    %dma_start3A_69 = tpu.memref_slice %arg11[%dma_start3A_68] : memref<3200xf32, #tpu.memory_space<vmem>> -> memref<128xf32, #tpu.memory_space<vmem>>
    %dma_start3A_70 = arith.constant 640 : i32
    %dma_start3A_71 = tpu.memref_slice %arg8[%dma_start3A_70] : memref<3200xi32, #tpu.memory_space<vmem>> -> memref<128xi32, #tpu.memory_space<vmem>>
    %dma_start3A_72 = arith.constant 0 : i32
    %dma_start3A_73 = tpu.memref_slice %arg3[%dma_start3A_72] : memref<1001000xf32, #tpu.memory_space<hbm>> -> memref<1001000xf32, #tpu.memory_space<hbm>>
    tpu.enqueue_indirect_dma source(%dma_start3A_73 : memref<1001000xf32, #tpu.memory_space<hbm>>) target(%dma_start3A_69 : memref<128xf32, #tpu.memory_space<vmem>>) offsets(%dma_start3A_71 : memref<128xi32, #tpu.memory_space<vmem>>) semaphore(%arg19 : memref<!tpu.dma_semaphore, #tpu.memory_space<semaphore_mem>>)
    %dma_start3A_74 = arith.constant 768 : i32
    %dma_start3A_75 = tpu.memref_slice %arg10[%dma_start3A_74] : memref<3200xf32, #tpu.memory_space<vmem>> -> memref<128xf32, #tpu.memory_space<vmem>>
    %dma_start3A_76 = arith.constant 768 : i32
    %dma_start3A_77 = tpu.memref_slice %arg9[%dma_start3A_76] : memref<3200xi32, #tpu.memory_space<vmem>> -> memref<128xi32, #tpu.memory_space<vmem>>
    %dma_start3A_78 = arith.constant 0 : i32
    %dma_start3A_79 = tpu.memref_slice %arg3[%dma_start3A_78] : memref<1001000xf32, #tpu.memory_space<hbm>> -> memref<1001000xf32, #tpu.memory_space<hbm>>
    tpu.enqueue_indirect_dma source(%dma_start3A_79 : memref<1001000xf32, #tpu.memory_space<hbm>>) target(%dma_start3A_75 : memref<128xf32, #tpu.memory_space<vmem>>) offsets(%dma_start3A_77 : memref<128xi32, #tpu.memory_space<vmem>>) semaphore(%arg19 : memref<!tpu.dma_semaphore, #tpu.memory_space<semaphore_mem>>)
    %dma_start3A_80 = arith.constant 768 : i32
    %dma_start3A_81 = tpu.memref_slice %arg11[%dma_start3A_80] : memref<3200xf32, #tpu.memory_space<vmem>> -> memref<128xf32, #tpu.memory_space<vmem>>
    %dma_start3A_82 = arith.constant 768 : i32
    %dma_start3A_83 = tpu.memref_slice %arg8[%dma_start3A_82] : memref<3200xi32, #tpu.memory_space<vmem>> -> memref<128xi32, #tpu.memory_space<vmem>>
    %dma_start3A_84 = arith.constant 0 : i32
    %dma_start3A_85 = tpu.memref_slice %arg3[%dma_start3A_84] : memref<1001000xf32, #tpu.memory_space<hbm>> -> memref<1001000xf32, #tpu.memory_space<hbm>>
    tpu.enqueue_indirect_dma source(%dma_start3A_85 : memref<1001000xf32, #tpu.memory_space<hbm>>) target(%dma_start3A_81 : memref<128xf32, #tpu.memory_space<vmem>>) offsets(%dma_start3A_83 : memref<128xi32, #tpu.memory_space<vmem>>) semaphore(%arg19 : memref<!tpu.dma_semaphore, #tpu.memory_space<semaphore_mem>>)
    %dma_start3A_86 = arith.constant 896 : i32
    %dma_start3A_87 = tpu.memref_slice %arg10[%dma_start3A_86] : memref<3200xf32, #tpu.memory_space<vmem>> -> memref<128xf32, #tpu.memory_space<vmem>>
    %dma_start3A_88 = arith.constant 896 : i32
    %dma_start3A_89 = tpu.memref_slice %arg9[%dma_start3A_88] : memref<3200xi32, #tpu.memory_space<vmem>> -> memref<128xi32, #tpu.memory_space<vmem>>
    %dma_start3A_90 = arith.constant 0 : i32
    %dma_start3A_91 = tpu.memref_slice %arg3[%dma_start3A_90] : memref<1001000xf32, #tpu.memory_space<hbm>> -> memref<1001000xf32, #tpu.memory_space<hbm>>
    tpu.enqueue_indirect_dma source(%dma_start3A_91 : memref<1001000xf32, #tpu.memory_space<hbm>>) target(%dma_start3A_87 : memref<128xf32, #tpu.memory_space<vmem>>) offsets(%dma_start3A_89 : memref<128xi32, #tpu.memory_space<vmem>>) semaphore(%arg19 : memref<!tpu.dma_semaphore, #tpu.memory_space<semaphore_mem>>)
    %dma_start3A_92 = arith.constant 896 : i32
    %dma_start3A_93 = tpu.memref_slice %arg11[%dma_start3A_92] : memref<3200xf32, #tpu.memory_space<vmem>> -> memref<128xf32, #tpu.memory_space<vmem>>
    %dma_start3A_94 = arith.constant 896 : i32
    %dma_start3A_95 = tpu.memref_slice %arg8[%dma_start3A_94] : memref<3200xi32, #tpu.memory_space<vmem>> -> memref<128xi32, #tpu.memory_space<vmem>>
    %dma_start3A_96 = arith.constant 0 : i32
    %dma_start3A_97 = tpu.memref_slice %arg3[%dma_start3A_96] : memref<1001000xf32, #tpu.memory_space<hbm>> -> memref<1001000xf32, #tpu.memory_space<hbm>>
    tpu.enqueue_indirect_dma source(%dma_start3A_97 : memref<1001000xf32, #tpu.memory_space<hbm>>) target(%dma_start3A_93 : memref<128xf32, #tpu.memory_space<vmem>>) offsets(%dma_start3A_95 : memref<128xi32, #tpu.memory_space<vmem>>) semaphore(%arg19 : memref<!tpu.dma_semaphore, #tpu.memory_space<semaphore_mem>>)
    %dma_start3A_98 = arith.constant 1024 : i32
    %dma_start3A_99 = tpu.memref_slice %arg10[%dma_start3A_98] : memref<3200xf32, #tpu.memory_space<vmem>> -> memref<128xf32, #tpu.memory_space<vmem>>
    %dma_start3A_100 = arith.constant 1024 : i32
    %dma_start3A_101 = tpu.memref_slice %arg9[%dma_start3A_100] : memref<3200xi32, #tpu.memory_space<vmem>> -> memref<128xi32, #tpu.memory_space<vmem>>
    %dma_start3A_102 = arith.constant 0 : i32
    %dma_start3A_103 = tpu.memref_slice %arg3[%dma_start3A_102] : memref<1001000xf32, #tpu.memory_space<hbm>> -> memref<1001000xf32, #tpu.memory_space<hbm>>
    tpu.enqueue_indirect_dma source(%dma_start3A_103 : memref<1001000xf32, #tpu.memory_space<hbm>>) target(%dma_start3A_99 : memref<128xf32, #tpu.memory_space<vmem>>) offsets(%dma_start3A_101 : memref<128xi32, #tpu.memory_space<vmem>>) semaphore(%arg19 : memref<!tpu.dma_semaphore, #tpu.memory_space<semaphore_mem>>)
    %dma_start3A_104 = arith.constant 1024 : i32
    %dma_start3A_105 = tpu.memref_slice %arg11[%dma_start3A_104] : memref<3200xf32, #tpu.memory_space<vmem>> -> memref<128xf32, #tpu.memory_space<vmem>>
    %dma_start3A_106 = arith.constant 1024 : i32
    %dma_start3A_107 = tpu.memref_slice %arg8[%dma_start3A_106] : memref<3200xi32, #tpu.memory_space<vmem>> -> memref<128xi32, #tpu.memory_space<vmem>>
    %dma_start3A_108 = arith.constant 0 : i32
    %dma_start3A_109 = tpu.memref_slice %arg3[%dma_start3A_108] : memref<1001000xf32, #tpu.memory_space<hbm>> -> memref<1001000xf32, #tpu.memory_space<hbm>>
    tpu.enqueue_indirect_dma source(%dma_start3A_109 : memref<1001000xf32, #tpu.memory_space<hbm>>) target(%dma_start3A_105 : memref<128xf32, #tpu.memory_space<vmem>>) offsets(%dma_start3A_107 : memref<128xi32, #tpu.memory_space<vmem>>) semaphore(%arg19 : memref<!tpu.dma_semaphore, #tpu.memory_space<semaphore_mem>>)
    %dma_start3A_110 = arith.constant 1152 : i32
    %dma_start3A_111 = tpu.memref_slice %arg10[%dma_start3A_110] : memref<3200xf32, #tpu.memory_space<vmem>> -> memref<128xf32, #tpu.memory_space<vmem>>
    %dma_start3A_112 = arith.constant 1152 : i32
    %dma_start3A_113 = tpu.memref_slice %arg9[%dma_start3A_112] : memref<3200xi32, #tpu.memory_space<vmem>> -> memref<128xi32, #tpu.memory_space<vmem>>
    %dma_start3A_114 = arith.constant 0 : i32
    %dma_start3A_115 = tpu.memref_slice %arg3[%dma_start3A_114] : memref<1001000xf32, #tpu.memory_space<hbm>> -> memref<1001000xf32, #tpu.memory_space<hbm>>
    tpu.enqueue_indirect_dma source(%dma_start3A_115 : memref<1001000xf32, #tpu.memory_space<hbm>>) target(%dma_start3A_111 : memref<128xf32, #tpu.memory_space<vmem>>) offsets(%dma_start3A_113 : memref<128xi32, #tpu.memory_space<vmem>>) semaphore(%arg19 : memref<!tpu.dma_semaphore, #tpu.memory_space<semaphore_mem>>)
    %dma_start3A_116 = arith.constant 1152 : i32
    %dma_start3A_117 = tpu.memref_slice %arg11[%dma_start3A_116] : memref<3200xf32, #tpu.memory_space<vmem>> -> memref<128xf32, #tpu.memory_space<vmem>>
    %dma_start3A_118 = arith.constant 1152 : i32
    %dma_start3A_119 = tpu.memref_slice %arg8[%dma_start3A_118] : memref<3200xi32, #tpu.memory_space<vmem>> -> memref<128xi32, #tpu.memory_space<vmem>>
    %dma_start3A_120 = arith.constant 0 : i32
    %dma_start3A_121 = tpu.memref_slice %arg3[%dma_start3A_120] : memref<1001000xf32, #tpu.memory_space<hbm>> -> memref<1001000xf32, #tpu.memory_space<hbm>>
    tpu.enqueue_indirect_dma source(%dma_start3A_121 : memref<1001000xf32, #tpu.memory_space<hbm>>) target(%dma_start3A_117 : memref<128xf32, #tpu.memory_space<vmem>>) offsets(%dma_start3A_119 : memref<128xi32, #tpu.memory_space<vmem>>) semaphore(%arg19 : memref<!tpu.dma_semaphore, #tpu.memory_space<semaphore_mem>>)
    %dma_start3A_122 = arith.constant 1280 : i32
    %dma_start3A_123 = tpu.memref_slice %arg10[%dma_start3A_122] : memref<3200xf32, #tpu.memory_space<vmem>> -> memref<128xf32, #tpu.memory_space<vmem>>
    %dma_start3A_124 = arith.constant 1280 : i32
    %dma_start3A_125 = tpu.memref_slice %arg9[%dma_start3A_124] : memref<3200xi32, #tpu.memory_space<vmem>> -> memref<128xi32, #tpu.memory_space<vmem>>
    %dma_start3A_126 = arith.constant 0 : i32
    %dma_start3A_127 = tpu.memref_slice %arg3[%dma_start3A_126] : memref<1001000xf32, #tpu.memory_space<hbm>> -> memref<1001000xf32, #tpu.memory_space<hbm>>
    tpu.enqueue_indirect_dma source(%dma_start3A_127 : memref<1001000xf32, #tpu.memory_space<hbm>>) target(%dma_start3A_123 : memref<128xf32, #tpu.memory_space<vmem>>) offsets(%dma_start3A_125 : memref<128xi32, #tpu.memory_space<vmem>>) semaphore(%arg19 : memref<!tpu.dma_semaphore, #tpu.memory_space<semaphore_mem>>)
    %dma_start3A_128 = arith.constant 1280 : i32
    %dma_start3A_129 = tpu.memref_slice %arg11[%dma_start3A_128] : memref<3200xf32, #tpu.memory_space<vmem>> -> memref<128xf32, #tpu.memory_space<vmem>>
    %dma_start3A_130 = arith.constant 1280 : i32
    %dma_start3A_131 = tpu.memref_slice %arg8[%dma_start3A_130] : memref<3200xi32, #tpu.memory_space<vmem>> -> memref<128xi32, #tpu.memory_space<vmem>>
    %dma_start3A_132 = arith.constant 0 : i32
    %dma_start3A_133 = tpu.memref_slice %arg3[%dma_start3A_132] : memref<1001000xf32, #tpu.memory_space<hbm>> -> memref<1001000xf32, #tpu.memory_space<hbm>>
    tpu.enqueue_indirect_dma source(%dma_start3A_133 : memref<1001000xf32, #tpu.memory_space<hbm>>) target(%dma_start3A_129 : memref<128xf32, #tpu.memory_space<vmem>>) offsets(%dma_start3A_131 : memref<128xi32, #tpu.memory_space<vmem>>) semaphore(%arg19 : memref<!tpu.dma_semaphore, #tpu.memory_space<semaphore_mem>>)
    %dma_start3A_134 = arith.constant 1408 : i32
    %dma_start3A_135 = tpu.memref_slice %arg10[%dma_start3A_134] : memref<3200xf32, #tpu.memory_space<vmem>> -> memref<128xf32, #tpu.memory_space<vmem>>
    %dma_start3A_136 = arith.constant 1408 : i32
    %dma_start3A_137 = tpu.memref_slice %arg9[%dma_start3A_136] : memref<3200xi32, #tpu.memory_space<vmem>> -> memref<128xi32, #tpu.memory_space<vmem>>
    %dma_start3A_138 = arith.constant 0 : i32
    %dma_start3A_139 = tpu.memref_slice %arg3[%dma_start3A_138] : memref<1001000xf32, #tpu.memory_space<hbm>> -> memref<1001000xf32, #tpu.memory_space<hbm>>
    tpu.enqueue_indirect_dma source(%dma_start3A_139 : memref<1001000xf32, #tpu.memory_space<hbm>>) target(%dma_start3A_135 : memref<128xf32, #tpu.memory_space<vmem>>) offsets(%dma_start3A_137 : memref<128xi32, #tpu.memory_space<vmem>>) semaphore(%arg19 : memref<!tpu.dma_semaphore, #tpu.memory_space<semaphore_mem>>)
    %dma_start3A_140 = arith.constant 1408 : i32
    %dma_start3A_141 = tpu.memref_slice %arg11[%dma_start3A_140] : memref<3200xf32, #tpu.memory_space<vmem>> -> memref<128xf32, #tpu.memory_space<vmem>>
    %dma_start3A_142 = arith.constant 1408 : i32
    %dma_start3A_143 = tpu.memref_slice %arg8[%dma_start3A_142] : memref<3200xi32, #tpu.memory_space<vmem>> -> memref<128xi32, #tpu.memory_space<vmem>>
    %dma_start3A_144 = arith.constant 0 : i32
    %dma_start3A_145 = tpu.memref_slice %arg3[%dma_start3A_144] : memref<1001000xf32, #tpu.memory_space<hbm>> -> memref<1001000xf32, #tpu.memory_space<hbm>>
    tpu.enqueue_indirect_dma source(%dma_start3A_145 : memref<1001000xf32, #tpu.memory_space<hbm>>) target(%dma_start3A_141 : memref<128xf32, #tpu.memory_space<vmem>>) offsets(%dma_start3A_143 : memref<128xi32, #tpu.memory_space<vmem>>) semaphore(%arg19 : memref<!tpu.dma_semaphore, #tpu.memory_space<semaphore_mem>>)
    %dma_start3A_146 = arith.constant 1536 : i32
    %dma_start3A_147 = tpu.memref_slice %arg10[%dma_start3A_146] : memref<3200xf32, #tpu.memory_space<vmem>> -> memref<128xf32, #tpu.memory_space<vmem>>
    %dma_start3A_148 = arith.constant 1536 : i32
    %dma_start3A_149 = tpu.memref_slice %arg9[%dma_start3A_148] : memref<3200xi32, #tpu.memory_space<vmem>> -> memref<128xi32, #tpu.memory_space<vmem>>
    %dma_start3A_150 = arith.constant 0 : i32
    %dma_start3A_151 = tpu.memref_slice %arg3[%dma_start3A_150] : memref<1001000xf32, #tpu.memory_space<hbm>> -> memref<1001000xf32, #tpu.memory_space<hbm>>
    tpu.enqueue_indirect_dma source(%dma_start3A_151 : memref<1001000xf32, #tpu.memory_space<hbm>>) target(%dma_start3A_147 : memref<128xf32, #tpu.memory_space<vmem>>) offsets(%dma_start3A_149 : memref<128xi32, #tpu.memory_space<vmem>>) semaphore(%arg19 : memref<!tpu.dma_semaphore, #tpu.memory_space<semaphore_mem>>)
    %dma_start3A_152 = arith.constant 1536 : i32
    %dma_start3A_153 = tpu.memref_slice %arg11[%dma_start3A_152] : memref<3200xf32, #tpu.memory_space<vmem>> -> memref<128xf32, #tpu.memory_space<vmem>>
    %dma_start3A_154 = arith.constant 1536 : i32
    %dma_start3A_155 = tpu.memref_slice %arg8[%dma_start3A_154] : memref<3200xi32, #tpu.memory_space<vmem>> -> memref<128xi32, #tpu.memory_space<vmem>>
    %dma_start3A_156 = arith.constant 0 : i32
    %dma_start3A_157 = tpu.memref_slice %arg3[%dma_start3A_156] : memref<1001000xf32, #tpu.memory_space<hbm>> -> memref<1001000xf32, #tpu.memory_space<hbm>>
    tpu.enqueue_indirect_dma source(%dma_start3A_157 : memref<1001000xf32, #tpu.memory_space<hbm>>) target(%dma_start3A_153 : memref<128xf32, #tpu.memory_space<vmem>>) offsets(%dma_start3A_155 : memref<128xi32, #tpu.memory_space<vmem>>) semaphore(%arg19 : memref<!tpu.dma_semaphore, #tpu.memory_space<semaphore_mem>>)
    %dma_start3A_158 = arith.constant 1664 : i32
    %dma_start3A_159 = tpu.memref_slice %arg10[%dma_start3A_158] : memref<3200xf32, #tpu.memory_space<vmem>> -> memref<128xf32, #tpu.memory_space<vmem>>
    %dma_start3A_160 = arith.constant 1664 : i32
    %dma_start3A_161 = tpu.memref_slice %arg9[%dma_start3A_160] : memref<3200xi32, #tpu.memory_space<vmem>> -> memref<128xi32, #tpu.memory_space<vmem>>
    %dma_start3A_162 = arith.constant 0 : i32
    %dma_start3A_163 = tpu.memref_slice %arg3[%dma_start3A_162] : memref<1001000xf32, #tpu.memory_space<hbm>> -> memref<1001000xf32, #tpu.memory_space<hbm>>
    tpu.enqueue_indirect_dma source(%dma_start3A_163 : memref<1001000xf32, #tpu.memory_space<hbm>>) target(%dma_start3A_159 : memref<128xf32, #tpu.memory_space<vmem>>) offsets(%dma_start3A_161 : memref<128xi32, #tpu.memory_space<vmem>>) semaphore(%arg19 : memref<!tpu.dma_semaphore, #tpu.memory_space<semaphore_mem>>)
    %dma_start3A_164 = arith.constant 1664 : i32
    %dma_start3A_165 = tpu.memref_slice %arg11[%dma_start3A_164] : memref<3200xf32, #tpu.memory_space<vmem>> -> memref<128xf32, #tpu.memory_space<vmem>>
    %dma_start3A_166 = arith.constant 1664 : i32
    %dma_start3A_167 = tpu.memref_slice %arg8[%dma_start3A_166] : memref<3200xi32, #tpu.memory_space<vmem>> -> memref<128xi32, #tpu.memory_space<vmem>>
    %dma_start3A_168 = arith.constant 0 : i32
    %dma_start3A_169 = tpu.memref_slice %arg3[%dma_start3A_168] : memref<1001000xf32, #tpu.memory_space<hbm>> -> memref<1001000xf32, #tpu.memory_space<hbm>>
    tpu.enqueue_indirect_dma source(%dma_start3A_169 : memref<1001000xf32, #tpu.memory_space<hbm>>) target(%dma_start3A_165 : memref<128xf32, #tpu.memory_space<vmem>>) offsets(%dma_start3A_167 : memref<128xi32, #tpu.memory_space<vmem>>) semaphore(%arg19 : memref<!tpu.dma_semaphore, #tpu.memory_space<semaphore_mem>>)
    %dma_start3A_170 = arith.constant 1792 : i32
    %dma_start3A_171 = tpu.memref_slice %arg10[%dma_start3A_170] : memref<3200xf32, #tpu.memory_space<vmem>> -> memref<128xf32, #tpu.memory_space<vmem>>
    %dma_start3A_172 = arith.constant 1792 : i32
    %dma_start3A_173 = tpu.memref_slice %arg9[%dma_start3A_172] : memref<3200xi32, #tpu.memory_space<vmem>> -> memref<128xi32, #tpu.memory_space<vmem>>
    %dma_start3A_174 = arith.constant 0 : i32
    %dma_start3A_175 = tpu.memref_slice %arg3[%dma_start3A_174] : memref<1001000xf32, #tpu.memory_space<hbm>> -> memref<1001000xf32, #tpu.memory_space<hbm>>
    tpu.enqueue_indirect_dma source(%dma_start3A_175 : memref<1001000xf32, #tpu.memory_space<hbm>>) target(%dma_start3A_171 : memref<128xf32, #tpu.memory_space<vmem>>) offsets(%dma_start3A_173 : memref<128xi32, #tpu.memory_space<vmem>>) semaphore(%arg19 : memref<!tpu.dma_semaphore, #tpu.memory_space<semaphore_mem>>)
    %dma_start3A_176 = arith.constant 1792 : i32
    %dma_start3A_177 = tpu.memref_slice %arg11[%dma_start3A_176] : memref<3200xf32, #tpu.memory_space<vmem>> -> memref<128xf32, #tpu.memory_space<vmem>>
    %dma_start3A_178 = arith.constant 1792 : i32
    %dma_start3A_179 = tpu.memref_slice %arg8[%dma_start3A_178] : memref<3200xi32, #tpu.memory_space<vmem>> -> memref<128xi32, #tpu.memory_space<vmem>>
    %dma_start3A_180 = arith.constant 0 : i32
    %dma_start3A_181 = tpu.memref_slice %arg3[%dma_start3A_180] : memref<1001000xf32, #tpu.memory_space<hbm>> -> memref<1001000xf32, #tpu.memory_space<hbm>>
    tpu.enqueue_indirect_dma source(%dma_start3A_181 : memref<1001000xf32, #tpu.memory_space<hbm>>) target(%dma_start3A_177 : memref<128xf32, #tpu.memory_space<vmem>>) offsets(%dma_start3A_179 : memref<128xi32, #tpu.memory_space<vmem>>) semaphore(%arg19 : memref<!tpu.dma_semaphore, #tpu.memory_space<semaphore_mem>>)
    %dma_start3A_182 = arith.constant 1920 : i32
    %dma_start3A_183 = tpu.memref_slice %arg10[%dma_start3A_182] : memref<3200xf32, #tpu.memory_space<vmem>> -> memref<128xf32, #tpu.memory_space<vmem>>
    %dma_start3A_184 = arith.constant 1920 : i32
    %dma_start3A_185 = tpu.memref_slice %arg9[%dma_start3A_184] : memref<3200xi32, #tpu.memory_space<vmem>> -> memref<128xi32, #tpu.memory_space<vmem>>
    %dma_start3A_186 = arith.constant 0 : i32
    %dma_start3A_187 = tpu.memref_slice %arg3[%dma_start3A_186] : memref<1001000xf32, #tpu.memory_space<hbm>> -> memref<1001000xf32, #tpu.memory_space<hbm>>
    tpu.enqueue_indirect_dma source(%dma_start3A_187 : memref<1001000xf32, #tpu.memory_space<hbm>>) target(%dma_start3A_183 : memref<128xf32, #tpu.memory_space<vmem>>) offsets(%dma_start3A_185 : memref<128xi32, #tpu.memory_space<vmem>>) semaphore(%arg19 : memref<!tpu.dma_semaphore, #tpu.memory_space<semaphore_mem>>)
    %dma_start3A_188 = arith.constant 1920 : i32
    %dma_start3A_189 = tpu.memref_slice %arg11[%dma_start3A_188] : memref<3200xf32, #tpu.memory_space<vmem>> -> memref<128xf32, #tpu.memory_space<vmem>>
    %dma_start3A_190 = arith.constant 1920 : i32
    %dma_start3A_191 = tpu.memref_slice %arg8[%dma_start3A_190] : memref<3200xi32, #tpu.memory_space<vmem>> -> memref<128xi32, #tpu.memory_space<vmem>>
    %dma_start3A_192 = arith.constant 0 : i32
    %dma_start3A_193 = tpu.memref_slice %arg3[%dma_start3A_192] : memref<1001000xf32, #tpu.memory_space<hbm>> -> memref<1001000xf32, #tpu.memory_space<hbm>>
    tpu.enqueue_indirect_dma source(%dma_start3A_193 : memref<1001000xf32, #tpu.memory_space<hbm>>) target(%dma_start3A_189 : memref<128xf32, #tpu.memory_space<vmem>>) offsets(%dma_start3A_191 : memref<128xi32, #tpu.memory_space<vmem>>) semaphore(%arg19 : memref<!tpu.dma_semaphore, #tpu.memory_space<semaphore_mem>>)
    %dma_start3A_194 = arith.constant 2048 : i32
    %dma_start3A_195 = tpu.memref_slice %arg10[%dma_start3A_194] : memref<3200xf32, #tpu.memory_space<vmem>> -> memref<128xf32, #tpu.memory_space<vmem>>
    %dma_start3A_196 = arith.constant 2048 : i32
    %dma_start3A_197 = tpu.memref_slice %arg9[%dma_start3A_196] : memref<3200xi32, #tpu.memory_space<vmem>> -> memref<128xi32, #tpu.memory_space<vmem>>
    %dma_start3A_198 = arith.constant 0 : i32
    %dma_start3A_199 = tpu.memref_slice %arg3[%dma_start3A_198] : memref<1001000xf32, #tpu.memory_space<hbm>> -> memref<1001000xf32, #tpu.memory_space<hbm>>
    tpu.enqueue_indirect_dma source(%dma_start3A_199 : memref<1001000xf32, #tpu.memory_space<hbm>>) target(%dma_start3A_195 : memref<128xf32, #tpu.memory_space<vmem>>) offsets(%dma_start3A_197 : memref<128xi32, #tpu.memory_space<vmem>>) semaphore(%arg19 : memref<!tpu.dma_semaphore, #tpu.memory_space<semaphore_mem>>)
    %dma_start3A_200 = arith.constant 2048 : i32
    %dma_start3A_201 = tpu.memref_slice %arg11[%dma_start3A_200] : memref<3200xf32, #tpu.memory_space<vmem>> -> memref<128xf32, #tpu.memory_space<vmem>>
    %dma_start3A_202 = arith.constant 2048 : i32
    %dma_start3A_203 = tpu.memref_slice %arg8[%dma_start3A_202] : memref<3200xi32, #tpu.memory_space<vmem>> -> memref<128xi32, #tpu.memory_space<vmem>>
    %dma_start3A_204 = arith.constant 0 : i32
    %dma_start3A_205 = tpu.memref_slice %arg3[%dma_start3A_204] : memref<1001000xf32, #tpu.memory_space<hbm>> -> memref<1001000xf32, #tpu.memory_space<hbm>>
    tpu.enqueue_indirect_dma source(%dma_start3A_205 : memref<1001000xf32, #tpu.memory_space<hbm>>) target(%dma_start3A_201 : memref<128xf32, #tpu.memory_space<vmem>>) offsets(%dma_start3A_203 : memref<128xi32, #tpu.memory_space<vmem>>) semaphore(%arg19 : memref<!tpu.dma_semaphore, #tpu.memory_space<semaphore_mem>>)
    %dma_start3A_206 = arith.constant 2176 : i32
    %dma_start3A_207 = tpu.memref_slice %arg10[%dma_start3A_206] : memref<3200xf32, #tpu.memory_space<vmem>> -> memref<128xf32, #tpu.memory_space<vmem>>
    %dma_start3A_208 = arith.constant 2176 : i32
    %dma_start3A_209 = tpu.memref_slice %arg9[%dma_start3A_208] : memref<3200xi32, #tpu.memory_space<vmem>> -> memref<128xi32, #tpu.memory_space<vmem>>
    %dma_start3A_210 = arith.constant 0 : i32
    %dma_start3A_211 = tpu.memref_slice %arg3[%dma_start3A_210] : memref<1001000xf32, #tpu.memory_space<hbm>> -> memref<1001000xf32, #tpu.memory_space<hbm>>
    tpu.enqueue_indirect_dma source(%dma_start3A_211 : memref<1001000xf32, #tpu.memory_space<hbm>>) target(%dma_start3A_207 : memref<128xf32, #tpu.memory_space<vmem>>) offsets(%dma_start3A_209 : memref<128xi32, #tpu.memory_space<vmem>>) semaphore(%arg19 : memref<!tpu.dma_semaphore, #tpu.memory_space<semaphore_mem>>)
    %dma_start3A_212 = arith.constant 2176 : i32
    %dma_start3A_213 = tpu.memref_slice %arg11[%dma_start3A_212] : memref<3200xf32, #tpu.memory_space<vmem>> -> memref<128xf32, #tpu.memory_space<vmem>>
    %dma_start3A_214 = arith.constant 2176 : i32
    %dma_start3A_215 = tpu.memref_slice %arg8[%dma_start3A_214] : memref<3200xi32, #tpu.memory_space<vmem>> -> memref<128xi32, #tpu.memory_space<vmem>>
    %dma_start3A_216 = arith.constant 0 : i32
    %dma_start3A_217 = tpu.memref_slice %arg3[%dma_start3A_216] : memref<1001000xf32, #tpu.memory_space<hbm>> -> memref<1001000xf32, #tpu.memory_space<hbm>>
    tpu.enqueue_indirect_dma source(%dma_start3A_217 : memref<1001000xf32, #tpu.memory_space<hbm>>) target(%dma_start3A_213 : memref<128xf32, #tpu.memory_space<vmem>>) offsets(%dma_start3A_215 : memref<128xi32, #tpu.memory_space<vmem>>) semaphore(%arg19 : memref<!tpu.dma_semaphore, #tpu.memory_space<semaphore_mem>>)
    %dma_start3A_218 = arith.constant 2304 : i32
    %dma_start3A_219 = tpu.memref_slice %arg10[%dma_start3A_218] : memref<3200xf32, #tpu.memory_space<vmem>> -> memref<128xf32, #tpu.memory_space<vmem>>
    %dma_start3A_220 = arith.constant 2304 : i32
    %dma_start3A_221 = tpu.memref_slice %arg9[%dma_start3A_220] : memref<3200xi32, #tpu.memory_space<vmem>> -> memref<128xi32, #tpu.memory_space<vmem>>
    %dma_start3A_222 = arith.constant 0 : i32
    %dma_start3A_223 = tpu.memref_slice %arg3[%dma_start3A_222] : memref<1001000xf32, #tpu.memory_space<hbm>> -> memref<1001000xf32, #tpu.memory_space<hbm>>
    tpu.enqueue_indirect_dma source(%dma_start3A_223 : memref<1001000xf32, #tpu.memory_space<hbm>>) target(%dma_start3A_219 : memref<128xf32, #tpu.memory_space<vmem>>) offsets(%dma_start3A_221 : memref<128xi32, #tpu.memory_space<vmem>>) semaphore(%arg19 : memref<!tpu.dma_semaphore, #tpu.memory_space<semaphore_mem>>)
    %dma_start3A_224 = arith.constant 2304 : i32
    %dma_start3A_225 = tpu.memref_slice %arg11[%dma_start3A_224] : memref<3200xf32, #tpu.memory_space<vmem>> -> memref<128xf32, #tpu.memory_space<vmem>>
    %dma_start3A_226 = arith.constant 2304 : i32
    %dma_start3A_227 = tpu.memref_slice %arg8[%dma_start3A_226] : memref<3200xi32, #tpu.memory_space<vmem>> -> memref<128xi32, #tpu.memory_space<vmem>>
    %dma_start3A_228 = arith.constant 0 : i32
    %dma_start3A_229 = tpu.memref_slice %arg3[%dma_start3A_228] : memref<1001000xf32, #tpu.memory_space<hbm>> -> memref<1001000xf32, #tpu.memory_space<hbm>>
    tpu.enqueue_indirect_dma source(%dma_start3A_229 : memref<1001000xf32, #tpu.memory_space<hbm>>) target(%dma_start3A_225 : memref<128xf32, #tpu.memory_space<vmem>>) offsets(%dma_start3A_227 : memref<128xi32, #tpu.memory_space<vmem>>) semaphore(%arg19 : memref<!tpu.dma_semaphore, #tpu.memory_space<semaphore_mem>>)
    %dma_start3A_230 = arith.constant 2432 : i32
    %dma_start3A_231 = tpu.memref_slice %arg10[%dma_start3A_230] : memref<3200xf32, #tpu.memory_space<vmem>> -> memref<128xf32, #tpu.memory_space<vmem>>
    %dma_start3A_232 = arith.constant 2432 : i32
    %dma_start3A_233 = tpu.memref_slice %arg9[%dma_start3A_232] : memref<3200xi32, #tpu.memory_space<vmem>> -> memref<128xi32, #tpu.memory_space<vmem>>
    %dma_start3A_234 = arith.constant 0 : i32
    %dma_start3A_235 = tpu.memref_slice %arg3[%dma_start3A_234] : memref<1001000xf32, #tpu.memory_space<hbm>> -> memref<1001000xf32, #tpu.memory_space<hbm>>
    tpu.enqueue_indirect_dma source(%dma_start3A_235 : memref<1001000xf32, #tpu.memory_space<hbm>>) target(%dma_start3A_231 : memref<128xf32, #tpu.memory_space<vmem>>) offsets(%dma_start3A_233 : memref<128xi32, #tpu.memory_space<vmem>>) semaphore(%arg19 : memref<!tpu.dma_semaphore, #tpu.memory_space<semaphore_mem>>)
    %dma_start3A_236 = arith.constant 2432 : i32
    %dma_start3A_237 = tpu.memref_slice %arg11[%dma_start3A_236] : memref<3200xf32, #tpu.memory_space<vmem>> -> memref<128xf32, #tpu.memory_space<vmem>>
    %dma_start3A_238 = arith.constant 2432 : i32
    %dma_start3A_239 = tpu.memref_slice %arg8[%dma_start3A_238] : memref<3200xi32, #tpu.memory_space<vmem>> -> memref<128xi32, #tpu.memory_space<vmem>>
    %dma_start3A_240 = arith.constant 0 : i32
    %dma_start3A_241 = tpu.memref_slice %arg3[%dma_start3A_240] : memref<1001000xf32, #tpu.memory_space<hbm>> -> memref<1001000xf32, #tpu.memory_space<hbm>>
    tpu.enqueue_indirect_dma source(%dma_start3A_241 : memref<1001000xf32, #tpu.memory_space<hbm>>) target(%dma_start3A_237 : memref<128xf32, #tpu.memory_space<vmem>>) offsets(%dma_start3A_239 : memref<128xi32, #tpu.memory_space<vmem>>) semaphore(%arg19 : memref<!tpu.dma_semaphore, #tpu.memory_space<semaphore_mem>>)
    %dma_start3A_242 = arith.constant 2560 : i32
    %dma_start3A_243 = tpu.memref_slice %arg10[%dma_start3A_242] : memref<3200xf32, #tpu.memory_space<vmem>> -> memref<128xf32, #tpu.memory_space<vmem>>
    %dma_start3A_244 = arith.constant 2560 : i32
    %dma_start3A_245 = tpu.memref_slice %arg9[%dma_start3A_244] : memref<3200xi32, #tpu.memory_space<vmem>> -> memref<128xi32, #tpu.memory_space<vmem>>
    %dma_start3A_246 = arith.constant 0 : i32
    %dma_start3A_247 = tpu.memref_slice %arg3[%dma_start3A_246] : memref<1001000xf32, #tpu.memory_space<hbm>> -> memref<1001000xf32, #tpu.memory_space<hbm>>
    tpu.enqueue_indirect_dma source(%dma_start3A_247 : memref<1001000xf32, #tpu.memory_space<hbm>>) target(%dma_start3A_243 : memref<128xf32, #tpu.memory_space<vmem>>) offsets(%dma_start3A_245 : memref<128xi32, #tpu.memory_space<vmem>>) semaphore(%arg19 : memref<!tpu.dma_semaphore, #tpu.memory_space<semaphore_mem>>)
    %dma_start3A_248 = arith.constant 2560 : i32
    %dma_start3A_249 = tpu.memref_slice %arg11[%dma_start3A_248] : memref<3200xf32, #tpu.memory_space<vmem>> -> memref<128xf32, #tpu.memory_space<vmem>>
    %dma_start3A_250 = arith.constant 2560 : i32
    %dma_start3A_251 = tpu.memref_slice %arg8[%dma_start3A_250] : memref<3200xi32, #tpu.memory_space<vmem>> -> memref<128xi32, #tpu.memory_space<vmem>>
    %dma_start3A_252 = arith.constant 0 : i32
    %dma_start3A_253 = tpu.memref_slice %arg3[%dma_start3A_252] : memref<1001000xf32, #tpu.memory_space<hbm>> -> memref<1001000xf32, #tpu.memory_space<hbm>>
    tpu.enqueue_indirect_dma source(%dma_start3A_253 : memref<1001000xf32, #tpu.memory_space<hbm>>) target(%dma_start3A_249 : memref<128xf32, #tpu.memory_space<vmem>>) offsets(%dma_start3A_251 : memref<128xi32, #tpu.memory_space<vmem>>) semaphore(%arg19 : memref<!tpu.dma_semaphore, #tpu.memory_space<semaphore_mem>>)
    %dma_start3A_254 = arith.constant 2688 : i32
    %dma_start3A_255 = tpu.memref_slice %arg10[%dma_start3A_254] : memref<3200xf32, #tpu.memory_space<vmem>> -> memref<128xf32, #tpu.memory_space<vmem>>
    %dma_start3A_256 = arith.constant 2688 : i32
    %dma_start3A_257 = tpu.memref_slice %arg9[%dma_start3A_256] : memref<3200xi32, #tpu.memory_space<vmem>> -> memref<128xi32, #tpu.memory_space<vmem>>
    %dma_start3A_258 = arith.constant 0 : i32
    %dma_start3A_259 = tpu.memref_slice %arg3[%dma_start3A_258] : memref<1001000xf32, #tpu.memory_space<hbm>> -> memref<1001000xf32, #tpu.memory_space<hbm>>
    tpu.enqueue_indirect_dma source(%dma_start3A_259 : memref<1001000xf32, #tpu.memory_space<hbm>>) target(%dma_start3A_255 : memref<128xf32, #tpu.memory_space<vmem>>) offsets(%dma_start3A_257 : memref<128xi32, #tpu.memory_space<vmem>>) semaphore(%arg19 : memref<!tpu.dma_semaphore, #tpu.memory_space<semaphore_mem>>)
    %dma_start3A_260 = arith.constant 2688 : i32
    %dma_start3A_261 = tpu.memref_slice %arg11[%dma_start3A_260] : memref<3200xf32, #tpu.memory_space<vmem>> -> memref<128xf32, #tpu.memory_space<vmem>>
    %dma_start3A_262 = arith.constant 2688 : i32
    %dma_start3A_263 = tpu.memref_slice %arg8[%dma_start3A_262] : memref<3200xi32, #tpu.memory_space<vmem>> -> memref<128xi32, #tpu.memory_space<vmem>>
    %dma_start3A_264 = arith.constant 0 : i32
    %dma_start3A_265 = tpu.memref_slice %arg3[%dma_start3A_264] : memref<1001000xf32, #tpu.memory_space<hbm>> -> memref<1001000xf32, #tpu.memory_space<hbm>>
    tpu.enqueue_indirect_dma source(%dma_start3A_265 : memref<1001000xf32, #tpu.memory_space<hbm>>) target(%dma_start3A_261 : memref<128xf32, #tpu.memory_space<vmem>>) offsets(%dma_start3A_263 : memref<128xi32, #tpu.memory_space<vmem>>) semaphore(%arg19 : memref<!tpu.dma_semaphore, #tpu.memory_space<semaphore_mem>>)
    %dma_start3A_266 = arith.constant 2816 : i32
    %dma_start3A_267 = tpu.memref_slice %arg10[%dma_start3A_266] : memref<3200xf32, #tpu.memory_space<vmem>> -> memref<128xf32, #tpu.memory_space<vmem>>
    %dma_start3A_268 = arith.constant 2816 : i32
    %dma_start3A_269 = tpu.memref_slice %arg9[%dma_start3A_268] : memref<3200xi32, #tpu.memory_space<vmem>> -> memref<128xi32, #tpu.memory_space<vmem>>
    %dma_start3A_270 = arith.constant 0 : i32
    %dma_start3A_271 = tpu.memref_slice %arg3[%dma_start3A_270] : memref<1001000xf32, #tpu.memory_space<hbm>> -> memref<1001000xf32, #tpu.memory_space<hbm>>
    tpu.enqueue_indirect_dma source(%dma_start3A_271 : memref<1001000xf32, #tpu.memory_space<hbm>>) target(%dma_start3A_267 : memref<128xf32, #tpu.memory_space<vmem>>) offsets(%dma_start3A_269 : memref<128xi32, #tpu.memory_space<vmem>>) semaphore(%arg19 : memref<!tpu.dma_semaphore, #tpu.memory_space<semaphore_mem>>)
    %dma_start3A_272 = arith.constant 2816 : i32
    %dma_start3A_273 = tpu.memref_slice %arg11[%dma_start3A_272] : memref<3200xf32, #tpu.memory_space<vmem>> -> memref<128xf32, #tpu.memory_space<vmem>>
    %dma_start3A_274 = arith.constant 2816 : i32
    %dma_start3A_275 = tpu.memref_slice %arg8[%dma_start3A_274] : memref<3200xi32, #tpu.memory_space<vmem>> -> memref<128xi32, #tpu.memory_space<vmem>>
    %dma_start3A_276 = arith.constant 0 : i32
    %dma_start3A_277 = tpu.memref_slice %arg3[%dma_start3A_276] : memref<1001000xf32, #tpu.memory_space<hbm>> -> memref<1001000xf32, #tpu.memory_space<hbm>>
    tpu.enqueue_indirect_dma source(%dma_start3A_277 : memref<1001000xf32, #tpu.memory_space<hbm>>) target(%dma_start3A_273 : memref<128xf32, #tpu.memory_space<vmem>>) offsets(%dma_start3A_275 : memref<128xi32, #tpu.memory_space<vmem>>) semaphore(%arg19 : memref<!tpu.dma_semaphore, #tpu.memory_space<semaphore_mem>>)
    %dma_start3A_278 = arith.constant 2944 : i32
    %dma_start3A_279 = tpu.memref_slice %arg10[%dma_start3A_278] : memref<3200xf32, #tpu.memory_space<vmem>> -> memref<128xf32, #tpu.memory_space<vmem>>
    %dma_start3A_280 = arith.constant 2944 : i32
    %dma_start3A_281 = tpu.memref_slice %arg9[%dma_start3A_280] : memref<3200xi32, #tpu.memory_space<vmem>> -> memref<128xi32, #tpu.memory_space<vmem>>
    %dma_start3A_282 = arith.constant 0 : i32
    %dma_start3A_283 = tpu.memref_slice %arg3[%dma_start3A_282] : memref<1001000xf32, #tpu.memory_space<hbm>> -> memref<1001000xf32, #tpu.memory_space<hbm>>
    tpu.enqueue_indirect_dma source(%dma_start3A_283 : memref<1001000xf32, #tpu.memory_space<hbm>>) target(%dma_start3A_279 : memref<128xf32, #tpu.memory_space<vmem>>) offsets(%dma_start3A_281 : memref<128xi32, #tpu.memory_space<vmem>>) semaphore(%arg19 : memref<!tpu.dma_semaphore, #tpu.memory_space<semaphore_mem>>)
    %dma_start3A_284 = arith.constant 2944 : i32
    %dma_start3A_285 = tpu.memref_slice %arg11[%dma_start3A_284] : memref<3200xf32, #tpu.memory_space<vmem>> -> memref<128xf32, #tpu.memory_space<vmem>>
    %dma_start3A_286 = arith.constant 2944 : i32
    %dma_start3A_287 = tpu.memref_slice %arg8[%dma_start3A_286] : memref<3200xi32, #tpu.memory_space<vmem>> -> memref<128xi32, #tpu.memory_space<vmem>>
    %dma_start3A_288 = arith.constant 0 : i32
    %dma_start3A_289 = tpu.memref_slice %arg3[%dma_start3A_288] : memref<1001000xf32, #tpu.memory_space<hbm>> -> memref<1001000xf32, #tpu.memory_space<hbm>>
    tpu.enqueue_indirect_dma source(%dma_start3A_289 : memref<1001000xf32, #tpu.memory_space<hbm>>) target(%dma_start3A_285 : memref<128xf32, #tpu.memory_space<vmem>>) offsets(%dma_start3A_287 : memref<128xi32, #tpu.memory_space<vmem>>) semaphore(%arg19 : memref<!tpu.dma_semaphore, #tpu.memory_space<semaphore_mem>>)
    %dma_start3A_290 = arith.constant 3072 : i32
    %dma_start3A_291 = tpu.memref_slice %arg10[%dma_start3A_290] : memref<3200xf32, #tpu.memory_space<vmem>> -> memref<128xf32, #tpu.memory_space<vmem>>
    %dma_start3A_292 = arith.constant 3072 : i32
    %dma_start3A_293 = tpu.memref_slice %arg9[%dma_start3A_292] : memref<3200xi32, #tpu.memory_space<vmem>> -> memref<128xi32, #tpu.memory_space<vmem>>
    %dma_start3A_294 = arith.constant 0 : i32
    %dma_start3A_295 = tpu.memref_slice %arg3[%dma_start3A_294] : memref<1001000xf32, #tpu.memory_space<hbm>> -> memref<1001000xf32, #tpu.memory_space<hbm>>
    tpu.enqueue_indirect_dma source(%dma_start3A_295 : memref<1001000xf32, #tpu.memory_space<hbm>>) target(%dma_start3A_291 : memref<128xf32, #tpu.memory_space<vmem>>) offsets(%dma_start3A_293 : memref<128xi32, #tpu.memory_space<vmem>>) semaphore(%arg19 : memref<!tpu.dma_semaphore, #tpu.memory_space<semaphore_mem>>)
    %dma_start3A_296 = arith.constant 3072 : i32
    %dma_start3A_297 = tpu.memref_slice %arg11[%dma_start3A_296] : memref<3200xf32, #tpu.memory_space<vmem>> -> memref<128xf32, #tpu.memory_space<vmem>>
    %dma_start3A_298 = arith.constant 3072 : i32
    %dma_start3A_299 = tpu.memref_slice %arg8[%dma_start3A_298] : memref<3200xi32, #tpu.memory_space<vmem>> -> memref<128xi32, #tpu.memory_space<vmem>>
    %dma_start3A_300 = arith.constant 0 : i32
    %dma_start3A_301 = tpu.memref_slice %arg3[%dma_start3A_300] : memref<1001000xf32, #tpu.memory_space<hbm>> -> memref<1001000xf32, #tpu.memory_space<hbm>>
    tpu.enqueue_indirect_dma source(%dma_start3A_301 : memref<1001000xf32, #tpu.memory_space<hbm>>) target(%dma_start3A_297 : memref<128xf32, #tpu.memory_space<vmem>>) offsets(%dma_start3A_299 : memref<128xi32, #tpu.memory_space<vmem>>) semaphore(%arg19 : memref<!tpu.dma_semaphore, #tpu.memory_space<semaphore_mem>>)
    %dma_start3A_302 = arith.constant 0 : i32
    %dma_start3A_303 = tpu.memref_slice %arg8[%dma_start3A_302] : memref<3200xi32, #tpu.memory_space<vmem>> -> memref<32xi32, #tpu.memory_space<vmem>>
    %dma_start3A_304 = arith.constant 0 : i32
    %dma_start3A_305 = arith.constant 0 : i32
    %dma_start3A_306 = tpu.memref_slice %arg2[%dma_start3A_304, %dma_start3A_305] : memref<1000x1024xf32, #tpu.memory_space<hbm>> -> memref<1000x1024xf32, #tpu.memory_space<hbm>>
    tpu.enqueue_indirect_dma source(%dma_start3A_306 : memref<1000x1024xf32, #tpu.memory_space<hbm>>) target(%arg12 : memref<32x1024xf32, #tpu.memory_space<vmem>>) offsets(%dma_start3A_303 : memref<32xi32, #tpu.memory_space<vmem>>) semaphore(%arg15 : memref<!tpu.dma_semaphore, #tpu.memory_space<semaphore_mem>>)
    %dma_start3A_307 = arith.constant 32 : i32
    %dma_start3A_308 = tpu.memref_slice %arg8[%dma_start3A_307] : memref<3200xi32, #tpu.memory_space<vmem>> -> memref<32xi32, #tpu.memory_space<vmem>>
    %dma_start3A_309 = arith.constant 0 : i32
    %dma_start3A_310 = arith.constant 0 : i32
    %dma_start3A_311 = tpu.memref_slice %arg2[%dma_start3A_309, %dma_start3A_310] : memref<1000x1024xf32, #tpu.memory_space<hbm>> -> memref<1000x1024xf32, #tpu.memory_space<hbm>>
    tpu.enqueue_indirect_dma source(%dma_start3A_311 : memref<1000x1024xf32, #tpu.memory_space<hbm>>) target(%arg13 : memref<32x1024xf32, #tpu.memory_space<vmem>>) offsets(%dma_start3A_308 : memref<32xi32, #tpu.memory_space<vmem>>) semaphore(%arg16 : memref<!tpu.dma_semaphore, #tpu.memory_space<semaphore_mem>>)
    %scan3A = arith.constant 0 : i32
    %scan3A_312 = arith.constant 0 : i32
    %scan3A_313 = arith.constant 50 : i32
    %scan3A_314 = arith.addi %scan3A_312, %scan3A_313 : i32
    %scan3A_315 = arith.constant 1 : i32
    scf.for %scan3A_852 = %scan3A_312 to %scan3A_314 step %scan3A_315  : i32 {
      %mul3A_853 = arith.constant 2 : i32
      %mul3A_854 = arith.muli %mul3A_853, %scan3A_852 : i32
      %add3A_855 = arith.constant 0 : i32
      %add3A_856 = arith.addi %mul3A_854, %add3A_855 : i32
      %mul3A_857 = arith.constant 32 : i32
      %mul3A_858 = arith.muli %add3A_856, %mul3A_857 : i32
      %dma_wait3A_859 = tpu.memref_slice %arg8[%mul3A_858] : memref<3200xi32, #tpu.memory_space<vmem>> -> memref<32xi32, #tpu.memory_space<vmem>>
      %dma_wait3A_860 = arith.constant 0 : i32
      %dma_wait3A_861 = arith.constant 0 : i32
      %dma_wait3A_862 = tpu.memref_slice %arg2[%dma_wait3A_860, %dma_wait3A_861] : memref<1000x1024xf32, #tpu.memory_space<hbm>> -> memref<1000x1024xf32, #tpu.memory_space<hbm>>
      tpu.wait_indirect_dma semaphore(%arg15 : memref<!tpu.dma_semaphore, #tpu.memory_space<semaphore_mem>>) src(%dma_wait3A_862 : memref<1000x1024xf32, #tpu.memory_space<hbm>>) dst(%arg12 : memref<32x1024xf32, #tpu.memory_space<vmem>>)
      %add3A_863 = arith.constant 0 : i32
      %add3A_864 = arith.addi %add3A_863, %mul3A_2 : i32
      %mul3A_865 = arith.constant 32 : i32
      %mul3A_866 = arith.muli %add3A_856, %mul3A_865 : i32
      %add3A_867 = arith.addi %add3A_864, %mul3A_866 : i32
      %dma_start3A_868 = arith.constant 0 : i32
      %dma_start3A_869 = arith.constant 0 : i32
      %dma_start3A_870 = tpu.memref_slice %arg12[%dma_start3A_868, %dma_start3A_869] : memref<32x1024xf32, #tpu.memory_space<vmem>> -> memref<32x128xf32, #tpu.memory_space<vmem>>
      %dma_start3A_871 = arith.constant 0 : i32
      %dma_start3A_872 = tpu.memref_slice %arg6[%add3A_867, %dma_start3A_871] : memref<819200x128xf32, #tpu.memory_space<hbm>> -> memref<32x128xf32, #tpu.memory_space<hbm>>
      %dma_start3A_873 = arith.constant 0 : i32
      %dma_start3A_874 = tpu.memref_slice %arg6[%add3A_867, %dma_start3A_873] : memref<819200x128xf32, #tpu.memory_space<hbm>> -> memref<32x128xf32, #tpu.memory_space<hbm>>
      %dma_start3A_875 = arith.constant 0 : i32
      %dma_start3A_876 = arith.constant 0 : i32
      %dma_start3A_877 = tpu.memref_slice %arg12[%dma_start3A_875, %dma_start3A_876] : memref<32x1024xf32, #tpu.memory_space<vmem>> -> memref<32x128xf32, #tpu.memory_space<vmem>>
      tpu.enqueue_dma source(%dma_start3A_877 : memref<32x128xf32, #tpu.memory_space<vmem>>) target(%dma_start3A_874 : memref<32x128xf32, #tpu.memory_space<hbm>>) target_semaphore(%arg17 : memref<!tpu.dma_semaphore, #tpu.memory_space<semaphore_mem>>)
      %add3A_878 = arith.constant 102400 : i32
      %add3A_879 = arith.addi %add3A_878, %mul3A_2 : i32
      %mul3A_880 = arith.constant 32 : i32
      %mul3A_881 = arith.muli %add3A_856, %mul3A_880 : i32
      %add3A_882 = arith.addi %add3A_879, %mul3A_881 : i32
      %dma_start3A_883 = arith.constant 0 : i32
      %dma_start3A_884 = arith.constant 128 : i32
      %dma_start3A_885 = tpu.memref_slice %arg12[%dma_start3A_883, %dma_start3A_884] : memref<32x1024xf32, #tpu.memory_space<vmem>> -> memref<32x128xf32, #tpu.memory_space<vmem>>
      %dma_start3A_886 = arith.constant 0 : i32
      %dma_start3A_887 = tpu.memref_slice %arg6[%add3A_882, %dma_start3A_886] : memref<819200x128xf32, #tpu.memory_space<hbm>> -> memref<32x128xf32, #tpu.memory_space<hbm>>
      %dma_start3A_888 = arith.constant 0 : i32
      %dma_start3A_889 = tpu.memref_slice %arg6[%add3A_882, %dma_start3A_888] : memref<819200x128xf32, #tpu.memory_space<hbm>> -> memref<32x128xf32, #tpu.memory_space<hbm>>
      %dma_start3A_890 = arith.constant 0 : i32
      %dma_start3A_891 = arith.constant 128 : i32
      %dma_start3A_892 = tpu.memref_slice %arg12[%dma_start3A_890, %dma_start3A_891] : memref<32x1024xf32, #tpu.memory_space<vmem>> -> memref<32x128xf32, #tpu.memory_space<vmem>>
      tpu.enqueue_dma source(%dma_start3A_892 : memref<32x128xf32, #tpu.memory_space<vmem>>) target(%dma_start3A_889 : memref<32x128xf32, #tpu.memory_space<hbm>>) target_semaphore(%arg17 : memref<!tpu.dma_semaphore, #tpu.memory_space<semaphore_mem>>)
      %add3A_893 = arith.constant 204800 : i32
      %add3A_894 = arith.addi %add3A_893, %mul3A_2 : i32
      %mul3A_895 = arith.constant 32 : i32
      %mul3A_896 = arith.muli %add3A_856, %mul3A_895 : i32
      %add3A_897 = arith.addi %add3A_894, %mul3A_896 : i32
      %dma_start3A_898 = arith.constant 0 : i32
      %dma_start3A_899 = arith.constant 256 : i32
      %dma_start3A_900 = tpu.memref_slice %arg12[%dma_start3A_898, %dma_start3A_899] : memref<32x1024xf32, #tpu.memory_space<vmem>> -> memref<32x128xf32, #tpu.memory_space<vmem>>
      %dma_start3A_901 = arith.constant 0 : i32
      %dma_start3A_902 = tpu.memref_slice %arg6[%add3A_897, %dma_start3A_901] : memref<819200x128xf32, #tpu.memory_space<hbm>> -> memref<32x128xf32, #tpu.memory_space<hbm>>
      %dma_start3A_903 = arith.constant 0 : i32
      %dma_start3A_904 = tpu.memref_slice %arg6[%add3A_897, %dma_start3A_903] : memref<819200x128xf32, #tpu.memory_space<hbm>> -> memref<32x128xf32, #tpu.memory_space<hbm>>
      %dma_start3A_905 = arith.constant 0 : i32
      %dma_start3A_906 = arith.constant 256 : i32
      %dma_start3A_907 = tpu.memref_slice %arg12[%dma_start3A_905, %dma_start3A_906] : memref<32x1024xf32, #tpu.memory_space<vmem>> -> memref<32x128xf32, #tpu.memory_space<vmem>>
      tpu.enqueue_dma source(%dma_start3A_907 : memref<32x128xf32, #tpu.memory_space<vmem>>) target(%dma_start3A_904 : memref<32x128xf32, #tpu.memory_space<hbm>>) target_semaphore(%arg17 : memref<!tpu.dma_semaphore, #tpu.memory_space<semaphore_mem>>)
      %add3A_908 = arith.constant 307200 : i32
      %add3A_909 = arith.addi %add3A_908, %mul3A_2 : i32
      %mul3A_910 = arith.constant 32 : i32
      %mul3A_911 = arith.muli %add3A_856, %mul3A_910 : i32
      %add3A_912 = arith.addi %add3A_909, %mul3A_911 : i32
      %dma_start3A_913 = arith.constant 0 : i32
      %dma_start3A_914 = arith.constant 384 : i32
      %dma_start3A_915 = tpu.memref_slice %arg12[%dma_start3A_913, %dma_start3A_914] : memref<32x1024xf32, #tpu.memory_space<vmem>> -> memref<32x128xf32, #tpu.memory_space<vmem>>
      %dma_start3A_916 = arith.constant 0 : i32
      %dma_start3A_917 = tpu.memref_slice %arg6[%add3A_912, %dma_start3A_916] : memref<819200x128xf32, #tpu.memory_space<hbm>> -> memref<32x128xf32, #tpu.memory_space<hbm>>
      %dma_start3A_918 = arith.constant 0 : i32
      %dma_start3A_919 = tpu.memref_slice %arg6[%add3A_912, %dma_start3A_918] : memref<819200x128xf32, #tpu.memory_space<hbm>> -> memref<32x128xf32, #tpu.memory_space<hbm>>
      %dma_start3A_920 = arith.constant 0 : i32
      %dma_start3A_921 = arith.constant 384 : i32
      %dma_start3A_922 = tpu.memref_slice %arg12[%dma_start3A_920, %dma_start3A_921] : memref<32x1024xf32, #tpu.memory_space<vmem>> -> memref<32x128xf32, #tpu.memory_space<vmem>>
      tpu.enqueue_dma source(%dma_start3A_922 : memref<32x128xf32, #tpu.memory_space<vmem>>) target(%dma_start3A_919 : memref<32x128xf32, #tpu.memory_space<hbm>>) target_semaphore(%arg17 : memref<!tpu.dma_semaphore, #tpu.memory_space<semaphore_mem>>)
      %add3A_923 = arith.constant 409600 : i32
      %add3A_924 = arith.addi %add3A_923, %mul3A_2 : i32
      %mul3A_925 = arith.constant 32 : i32
      %mul3A_926 = arith.muli %add3A_856, %mul3A_925 : i32
      %add3A_927 = arith.addi %add3A_924, %mul3A_926 : i32
      %dma_start3A_928 = arith.constant 0 : i32
      %dma_start3A_929 = arith.constant 512 : i32
      %dma_start3A_930 = tpu.memref_slice %arg12[%dma_start3A_928, %dma_start3A_929] : memref<32x1024xf32, #tpu.memory_space<vmem>> -> memref<32x128xf32, #tpu.memory_space<vmem>>
      %dma_start3A_931 = arith.constant 0 : i32
      %dma_start3A_932 = tpu.memref_slice %arg6[%add3A_927, %dma_start3A_931] : memref<819200x128xf32, #tpu.memory_space<hbm>> -> memref<32x128xf32, #tpu.memory_space<hbm>>
      %dma_start3A_933 = arith.constant 0 : i32
      %dma_start3A_934 = tpu.memref_slice %arg6[%add3A_927, %dma_start3A_933] : memref<819200x128xf32, #tpu.memory_space<hbm>> -> memref<32x128xf32, #tpu.memory_space<hbm>>
      %dma_start3A_935 = arith.constant 0 : i32
      %dma_start3A_936 = arith.constant 512 : i32
      %dma_start3A_937 = tpu.memref_slice %arg12[%dma_start3A_935, %dma_start3A_936] : memref<32x1024xf32, #tpu.memory_space<vmem>> -> memref<32x128xf32, #tpu.memory_space<vmem>>
      tpu.enqueue_dma source(%dma_start3A_937 : memref<32x128xf32, #tpu.memory_space<vmem>>) target(%dma_start3A_934 : memref<32x128xf32, #tpu.memory_space<hbm>>) target_semaphore(%arg17 : memref<!tpu.dma_semaphore, #tpu.memory_space<semaphore_mem>>)
      %add3A_938 = arith.constant 512000 : i32
      %add3A_939 = arith.addi %add3A_938, %mul3A_2 : i32
      %mul3A_940 = arith.constant 32 : i32
      %mul3A_941 = arith.muli %add3A_856, %mul3A_940 : i32
      %add3A_942 = arith.addi %add3A_939, %mul3A_941 : i32
      %dma_start3A_943 = arith.constant 0 : i32
      %dma_start3A_944 = arith.constant 640 : i32
      %dma_start3A_945 = tpu.memref_slice %arg12[%dma_start3A_943, %dma_start3A_944] : memref<32x1024xf32, #tpu.memory_space<vmem>> -> memref<32x128xf32, #tpu.memory_space<vmem>>
      %dma_start3A_946 = arith.constant 0 : i32
      %dma_start3A_947 = tpu.memref_slice %arg6[%add3A_942, %dma_start3A_946] : memref<819200x128xf32, #tpu.memory_space<hbm>> -> memref<32x128xf32, #tpu.memory_space<hbm>>
      %dma_start3A_948 = arith.constant 0 : i32
      %dma_start3A_949 = tpu.memref_slice %arg6[%add3A_942, %dma_start3A_948] : memref<819200x128xf32, #tpu.memory_space<hbm>> -> memref<32x128xf32, #tpu.memory_space<hbm>>
      %dma_start3A_950 = arith.constant 0 : i32
      %dma_start3A_951 = arith.constant 640 : i32
      %dma_start3A_952 = tpu.memref_slice %arg12[%dma_start3A_950, %dma_start3A_951] : memref<32x1024xf32, #tpu.memory_space<vmem>> -> memref<32x128xf32, #tpu.memory_space<vmem>>
      tpu.enqueue_dma source(%dma_start3A_952 : memref<32x128xf32, #tpu.memory_space<vmem>>) target(%dma_start3A_949 : memref<32x128xf32, #tpu.memory_space<hbm>>) target_semaphore(%arg17 : memref<!tpu.dma_semaphore, #tpu.memory_space<semaphore_mem>>)
      %add3A_953 = arith.constant 614400 : i32
      %add3A_954 = arith.addi %add3A_953, %mul3A_2 : i32
      %mul3A_955 = arith.constant 32 : i32
      %mul3A_956 = arith.muli %add3A_856, %mul3A_955 : i32
      %add3A_957 = arith.addi %add3A_954, %mul3A_956 : i32
      %dma_start3A_958 = arith.constant 0 : i32
      %dma_start3A_959 = arith.constant 768 : i32
      %dma_start3A_960 = tpu.memref_slice %arg12[%dma_start3A_958, %dma_start3A_959] : memref<32x1024xf32, #tpu.memory_space<vmem>> -> memref<32x128xf32, #tpu.memory_space<vmem>>
      %dma_start3A_961 = arith.constant 0 : i32
      %dma_start3A_962 = tpu.memref_slice %arg6[%add3A_957, %dma_start3A_961] : memref<819200x128xf32, #tpu.memory_space<hbm>> -> memref<32x128xf32, #tpu.memory_space<hbm>>
      %dma_start3A_963 = arith.constant 0 : i32
      %dma_start3A_964 = tpu.memref_slice %arg6[%add3A_957, %dma_start3A_963] : memref<819200x128xf32, #tpu.memory_space<hbm>> -> memref<32x128xf32, #tpu.memory_space<hbm>>
      %dma_start3A_965 = arith.constant 0 : i32
      %dma_start3A_966 = arith.constant 768 : i32
      %dma_start3A_967 = tpu.memref_slice %arg12[%dma_start3A_965, %dma_start3A_966] : memref<32x1024xf32, #tpu.memory_space<vmem>> -> memref<32x128xf32, #tpu.memory_space<vmem>>
      tpu.enqueue_dma source(%dma_start3A_967 : memref<32x128xf32, #tpu.memory_space<vmem>>) target(%dma_start3A_964 : memref<32x128xf32, #tpu.memory_space<hbm>>) target_semaphore(%arg17 : memref<!tpu.dma_semaphore, #tpu.memory_space<semaphore_mem>>)
      %add3A_968 = arith.constant 716800 : i32
      %add3A_969 = arith.addi %add3A_968, %mul3A_2 : i32
      %mul3A_970 = arith.constant 32 : i32
      %mul3A_971 = arith.muli %add3A_856, %mul3A_970 : i32
      %add3A_972 = arith.addi %add3A_969, %mul3A_971 : i32
      %dma_start3A_973 = arith.constant 0 : i32
      %dma_start3A_974 = arith.constant 896 : i32
      %dma_start3A_975 = tpu.memref_slice %arg12[%dma_start3A_973, %dma_start3A_974] : memref<32x1024xf32, #tpu.memory_space<vmem>> -> memref<32x128xf32, #tpu.memory_space<vmem>>
      %dma_start3A_976 = arith.constant 0 : i32
      %dma_start3A_977 = tpu.memref_slice %arg6[%add3A_972, %dma_start3A_976] : memref<819200x128xf32, #tpu.memory_space<hbm>> -> memref<32x128xf32, #tpu.memory_space<hbm>>
      %dma_start3A_978 = arith.constant 0 : i32
      %dma_start3A_979 = tpu.memref_slice %arg6[%add3A_972, %dma_start3A_978] : memref<819200x128xf32, #tpu.memory_space<hbm>> -> memref<32x128xf32, #tpu.memory_space<hbm>>
      %dma_start3A_980 = arith.constant 0 : i32
      %dma_start3A_981 = arith.constant 896 : i32
      %dma_start3A_982 = tpu.memref_slice %arg12[%dma_start3A_980, %dma_start3A_981] : memref<32x1024xf32, #tpu.memory_space<vmem>> -> memref<32x128xf32, #tpu.memory_space<vmem>>
      tpu.enqueue_dma source(%dma_start3A_982 : memref<32x128xf32, #tpu.memory_space<vmem>>) target(%dma_start3A_979 : memref<32x128xf32, #tpu.memory_space<hbm>>) target_semaphore(%arg17 : memref<!tpu.dma_semaphore, #tpu.memory_space<semaphore_mem>>)
      %add3A_983 = arith.constant 2 : i32
      %add3A_984 = arith.addi %add3A_856, %add3A_983 : i32
      %lt3A = arith.constant 100 : i32
      %lt3A_985 = arith.cmpi slt, %add3A_984, %lt3A : i32
      %convert_element_type3A = arith.extui %lt3A_985 : i1 to i32
      %cond3A = arith.constant 0 : i32
      %cond3A_986 = arith.cmpi ne, %convert_element_type3A, %cond3A : i32
      scf.if %cond3A_986 {
        %add3A_1124 = arith.constant 0 : i32
        %add3A_1125 = arith.addi %add3A_1124, %mul3A_2 : i32
        %mul3A_1126 = arith.constant 32 : i32
        %mul3A_1127 = arith.muli %add3A_856, %mul3A_1126 : i32
        %add3A_1128 = arith.addi %add3A_1125, %mul3A_1127 : i32
        %dma_wait3A_1129 = arith.constant 0 : i32
        %dma_wait3A_1130 = arith.constant 0 : i32
        %dma_wait3A_1131 = tpu.memref_slice %arg12[%dma_wait3A_1129, %dma_wait3A_1130] : memref<32x1024xf32, #tpu.memory_space<vmem>> -> memref<32x128xf32, #tpu.memory_space<vmem>>
        %dma_wait3A_1132 = arith.constant 0 : i32
        %dma_wait3A_1133 = tpu.memref_slice %arg6[%add3A_1128, %dma_wait3A_1132] : memref<819200x128xf32, #tpu.memory_space<hbm>> -> memref<32x128xf32, #tpu.memory_space<hbm>>
        %dma_wait3A_1134 = arith.constant 0 : i32
        %dma_wait3A_1135 = tpu.memref_slice %arg6[%add3A_1128, %dma_wait3A_1134] : memref<819200x128xf32, #tpu.memory_space<hbm>> -> memref<32x128xf32, #tpu.memory_space<hbm>>
        %dma_wait3A_1136 = arith.constant 0 : i32
        %dma_wait3A_1137 = arith.constant 0 : i32
        %dma_wait3A_1138 = tpu.memref_slice %arg12[%dma_wait3A_1136, %dma_wait3A_1137] : memref<32x1024xf32, #tpu.memory_space<vmem>> -> memref<32x128xf32, #tpu.memory_space<vmem>>
        tpu.wait_dma2 semaphore(%arg17 : memref<!tpu.dma_semaphore, #tpu.memory_space<semaphore_mem>>) src(%dma_wait3A_1138 : memref<32x128xf32, #tpu.memory_space<vmem>>) dst(%dma_wait3A_1135 : memref<32x128xf32, #tpu.memory_space<hbm>>)
        %add3A_1139 = arith.constant 102400 : i32
        %add3A_1140 = arith.addi %add3A_1139, %mul3A_2 : i32
        %mul3A_1141 = arith.constant 32 : i32
        %mul3A_1142 = arith.muli %add3A_856, %mul3A_1141 : i32
        %add3A_1143 = arith.addi %add3A_1140, %mul3A_1142 : i32
        %dma_wait3A_1144 = arith.constant 0 : i32
        %dma_wait3A_1145 = arith.constant 128 : i32
        %dma_wait3A_1146 = tpu.memref_slice %arg12[%dma_wait3A_1144, %dma_wait3A_1145] : memref<32x1024xf32, #tpu.memory_space<vmem>> -> memref<32x128xf32, #tpu.memory_space<vmem>>
        %dma_wait3A_1147 = arith.constant 0 : i32
        %dma_wait3A_1148 = tpu.memref_slice %arg6[%add3A_1143, %dma_wait3A_1147] : memref<819200x128xf32, #tpu.memory_space<hbm>> -> memref<32x128xf32, #tpu.memory_space<hbm>>
        %dma_wait3A_1149 = arith.constant 0 : i32
        %dma_wait3A_1150 = tpu.memref_slice %arg6[%add3A_1143, %dma_wait3A_1149] : memref<819200x128xf32, #tpu.memory_space<hbm>> -> memref<32x128xf32, #tpu.memory_space<hbm>>
        %dma_wait3A_1151 = arith.constant 0 : i32
        %dma_wait3A_1152 = arith.constant 128 : i32
        %dma_wait3A_1153 = tpu.memref_slice %arg12[%dma_wait3A_1151, %dma_wait3A_1152] : memref<32x1024xf32, #tpu.memory_space<vmem>> -> memref<32x128xf32, #tpu.memory_space<vmem>>
        tpu.wait_dma2 semaphore(%arg17 : memref<!tpu.dma_semaphore, #tpu.memory_space<semaphore_mem>>) src(%dma_wait3A_1153 : memref<32x128xf32, #tpu.memory_space<vmem>>) dst(%dma_wait3A_1150 : memref<32x128xf32, #tpu.memory_space<hbm>>)
        %add3A_1154 = arith.constant 204800 : i32
        %add3A_1155 = arith.addi %add3A_1154, %mul3A_2 : i32
        %mul3A_1156 = arith.constant 32 : i32
        %mul3A_1157 = arith.muli %add3A_856, %mul3A_1156 : i32
        %add3A_1158 = arith.addi %add3A_1155, %mul3A_1157 : i32
        %dma_wait3A_1159 = arith.constant 0 : i32
        %dma_wait3A_1160 = arith.constant 256 : i32
        %dma_wait3A_1161 = tpu.memref_slice %arg12[%dma_wait3A_1159, %dma_wait3A_1160] : memref<32x1024xf32, #tpu.memory_space<vmem>> -> memref<32x128xf32, #tpu.memory_space<vmem>>
        %dma_wait3A_1162 = arith.constant 0 : i32
        %dma_wait3A_1163 = tpu.memref_slice %arg6[%add3A_1158, %dma_wait3A_1162] : memref<819200x128xf32, #tpu.memory_space<hbm>> -> memref<32x128xf32, #tpu.memory_space<hbm>>
        %dma_wait3A_1164 = arith.constant 0 : i32
        %dma_wait3A_1165 = tpu.memref_slice %arg6[%add3A_1158, %dma_wait3A_1164] : memref<819200x128xf32, #tpu.memory_space<hbm>> -> memref<32x128xf32, #tpu.memory_space<hbm>>
        %dma_wait3A_1166 = arith.constant 0 : i32
        %dma_wait3A_1167 = arith.constant 256 : i32
        %dma_wait3A_1168 = tpu.memref_slice %arg12[%dma_wait3A_1166, %dma_wait3A_1167] : memref<32x1024xf32, #tpu.memory_space<vmem>> -> memref<32x128xf32, #tpu.memory_space<vmem>>
        tpu.wait_dma2 semaphore(%arg17 : memref<!tpu.dma_semaphore, #tpu.memory_space<semaphore_mem>>) src(%dma_wait3A_1168 : memref<32x128xf32, #tpu.memory_space<vmem>>) dst(%dma_wait3A_1165 : memref<32x128xf32, #tpu.memory_space<hbm>>)
        %add3A_1169 = arith.constant 307200 : i32
        %add3A_1170 = arith.addi %add3A_1169, %mul3A_2 : i32
        %mul3A_1171 = arith.constant 32 : i32
        %mul3A_1172 = arith.muli %add3A_856, %mul3A_1171 : i32
        %add3A_1173 = arith.addi %add3A_1170, %mul3A_1172 : i32
        %dma_wait3A_1174 = arith.constant 0 : i32
        %dma_wait3A_1175 = arith.constant 384 : i32
        %dma_wait3A_1176 = tpu.memref_slice %arg12[%dma_wait3A_1174, %dma_wait3A_1175] : memref<32x1024xf32, #tpu.memory_space<vmem>> -> memref<32x128xf32, #tpu.memory_space<vmem>>
        %dma_wait3A_1177 = arith.constant 0 : i32
        %dma_wait3A_1178 = tpu.memref_slice %arg6[%add3A_1173, %dma_wait3A_1177] : memref<819200x128xf32, #tpu.memory_space<hbm>> -> memref<32x128xf32, #tpu.memory_space<hbm>>
        %dma_wait3A_1179 = arith.constant 0 : i32
        %dma_wait3A_1180 = tpu.memref_slice %arg6[%add3A_1173, %dma_wait3A_1179] : memref<819200x128xf32, #tpu.memory_space<hbm>> -> memref<32x128xf32, #tpu.memory_space<hbm>>
        %dma_wait3A_1181 = arith.constant 0 : i32
        %dma_wait3A_1182 = arith.constant 384 : i32
        %dma_wait3A_1183 = tpu.memref_slice %arg12[%dma_wait3A_1181, %dma_wait3A_1182] : memref<32x1024xf32, #tpu.memory_space<vmem>> -> memref<32x128xf32, #tpu.memory_space<vmem>>
        tpu.wait_dma2 semaphore(%arg17 : memref<!tpu.dma_semaphore, #tpu.memory_space<semaphore_mem>>) src(%dma_wait3A_1183 : memref<32x128xf32, #tpu.memory_space<vmem>>) dst(%dma_wait3A_1180 : memref<32x128xf32, #tpu.memory_space<hbm>>)
        %add3A_1184 = arith.constant 409600 : i32
        %add3A_1185 = arith.addi %add3A_1184, %mul3A_2 : i32
        %mul3A_1186 = arith.constant 32 : i32
        %mul3A_1187 = arith.muli %add3A_856, %mul3A_1186 : i32
        %add3A_1188 = arith.addi %add3A_1185, %mul3A_1187 : i32
        %dma_wait3A_1189 = arith.constant 0 : i32
        %dma_wait3A_1190 = arith.constant 512 : i32
        %dma_wait3A_1191 = tpu.memref_slice %arg12[%dma_wait3A_1189, %dma_wait3A_1190] : memref<32x1024xf32, #tpu.memory_space<vmem>> -> memref<32x128xf32, #tpu.memory_space<vmem>>
        %dma_wait3A_1192 = arith.constant 0 : i32
        %dma_wait3A_1193 = tpu.memref_slice %arg6[%add3A_1188, %dma_wait3A_1192] : memref<819200x128xf32, #tpu.memory_space<hbm>> -> memref<32x128xf32, #tpu.memory_space<hbm>>
        %dma_wait3A_1194 = arith.constant 0 : i32
        %dma_wait3A_1195 = tpu.memref_slice %arg6[%add3A_1188, %dma_wait3A_1194] : memref<819200x128xf32, #tpu.memory_space<hbm>> -> memref<32x128xf32, #tpu.memory_space<hbm>>
        %dma_wait3A_1196 = arith.constant 0 : i32
        %dma_wait3A_1197 = arith.constant 512 : i32
        %dma_wait3A_1198 = tpu.memref_slice %arg12[%dma_wait3A_1196, %dma_wait3A_1197] : memref<32x1024xf32, #tpu.memory_space<vmem>> -> memref<32x128xf32, #tpu.memory_space<vmem>>
        tpu.wait_dma2 semaphore(%arg17 : memref<!tpu.dma_semaphore, #tpu.memory_space<semaphore_mem>>) src(%dma_wait3A_1198 : memref<32x128xf32, #tpu.memory_space<vmem>>) dst(%dma_wait3A_1195 : memref<32x128xf32, #tpu.memory_space<hbm>>)
        %add3A_1199 = arith.constant 512000 : i32
        %add3A_1200 = arith.addi %add3A_1199, %mul3A_2 : i32
        %mul3A_1201 = arith.constant 32 : i32
        %mul3A_1202 = arith.muli %add3A_856, %mul3A_1201 : i32
        %add3A_1203 = arith.addi %add3A_1200, %mul3A_1202 : i32
        %dma_wait3A_1204 = arith.constant 0 : i32
        %dma_wait3A_1205 = arith.constant 640 : i32
        %dma_wait3A_1206 = tpu.memref_slice %arg12[%dma_wait3A_1204, %dma_wait3A_1205] : memref<32x1024xf32, #tpu.memory_space<vmem>> -> memref<32x128xf32, #tpu.memory_space<vmem>>
        %dma_wait3A_1207 = arith.constant 0 : i32
        %dma_wait3A_1208 = tpu.memref_slice %arg6[%add3A_1203, %dma_wait3A_1207] : memref<819200x128xf32, #tpu.memory_space<hbm>> -> memref<32x128xf32, #tpu.memory_space<hbm>>
        %dma_wait3A_1209 = arith.constant 0 : i32
        %dma_wait3A_1210 = tpu.memref_slice %arg6[%add3A_1203, %dma_wait3A_1209] : memref<819200x128xf32, #tpu.memory_space<hbm>> -> memref<32x128xf32, #tpu.memory_space<hbm>>
        %dma_wait3A_1211 = arith.constant 0 : i32
        %dma_wait3A_1212 = arith.constant 640 : i32
        %dma_wait3A_1213 = tpu.memref_slice %arg12[%dma_wait3A_1211, %dma_wait3A_1212] : memref<32x1024xf32, #tpu.memory_space<vmem>> -> memref<32x128xf32, #tpu.memory_space<vmem>>
        tpu.wait_dma2 semaphore(%arg17 : memref<!tpu.dma_semaphore, #tpu.memory_space<semaphore_mem>>) src(%dma_wait3A_1213 : memref<32x128xf32, #tpu.memory_space<vmem>>) dst(%dma_wait3A_1210 : memref<32x128xf32, #tpu.memory_space<hbm>>)
        %add3A_1214 = arith.constant 614400 : i32
        %add3A_1215 = arith.addi %add3A_1214, %mul3A_2 : i32
        %mul3A_1216 = arith.constant 32 : i32
        %mul3A_1217 = arith.muli %add3A_856, %mul3A_1216 : i32
        %add3A_1218 = arith.addi %add3A_1215, %mul3A_1217 : i32
        %dma_wait3A_1219 = arith.constant 0 : i32
        %dma_wait3A_1220 = arith.constant 768 : i32
        %dma_wait3A_1221 = tpu.memref_slice %arg12[%dma_wait3A_1219, %dma_wait3A_1220] : memref<32x1024xf32, #tpu.memory_space<vmem>> -> memref<32x128xf32, #tpu.memory_space<vmem>>
        %dma_wait3A_1222 = arith.constant 0 : i32
        %dma_wait3A_1223 = tpu.memref_slice %arg6[%add3A_1218, %dma_wait3A_1222] : memref<819200x128xf32, #tpu.memory_space<hbm>> -> memref<32x128xf32, #tpu.memory_space<hbm>>
        %dma_wait3A_1224 = arith.constant 0 : i32
        %dma_wait3A_1225 = tpu.memref_slice %arg6[%add3A_1218, %dma_wait3A_1224] : memref<819200x128xf32, #tpu.memory_space<hbm>> -> memref<32x128xf32, #tpu.memory_space<hbm>>
        %dma_wait3A_1226 = arith.constant 0 : i32
        %dma_wait3A_1227 = arith.constant 768 : i32
        %dma_wait3A_1228 = tpu.memref_slice %arg12[%dma_wait3A_1226, %dma_wait3A_1227] : memref<32x1024xf32, #tpu.memory_space<vmem>> -> memref<32x128xf32, #tpu.memory_space<vmem>>
        tpu.wait_dma2 semaphore(%arg17 : memref<!tpu.dma_semaphore, #tpu.memory_space<semaphore_mem>>) src(%dma_wait3A_1228 : memref<32x128xf32, #tpu.memory_space<vmem>>) dst(%dma_wait3A_1225 : memref<32x128xf32, #tpu.memory_space<hbm>>)
        %add3A_1229 = arith.constant 716800 : i32
        %add3A_1230 = arith.addi %add3A_1229, %mul3A_2 : i32
        %mul3A_1231 = arith.constant 32 : i32
        %mul3A_1232 = arith.muli %add3A_856, %mul3A_1231 : i32
        %add3A_1233 = arith.addi %add3A_1230, %mul3A_1232 : i32
        %dma_wait3A_1234 = arith.constant 0 : i32
        %dma_wait3A_1235 = arith.constant 896 : i32
        %dma_wait3A_1236 = tpu.memref_slice %arg12[%dma_wait3A_1234, %dma_wait3A_1235] : memref<32x1024xf32, #tpu.memory_space<vmem>> -> memref<32x128xf32, #tpu.memory_space<vmem>>
        %dma_wait3A_1237 = arith.constant 0 : i32
        %dma_wait3A_1238 = tpu.memref_slice %arg6[%add3A_1233, %dma_wait3A_1237] : memref<819200x128xf32, #tpu.memory_space<hbm>> -> memref<32x128xf32, #tpu.memory_space<hbm>>
        %dma_wait3A_1239 = arith.constant 0 : i32
        %dma_wait3A_1240 = tpu.memref_slice %arg6[%add3A_1233, %dma_wait3A_1239] : memref<819200x128xf32, #tpu.memory_space<hbm>> -> memref<32x128xf32, #tpu.memory_space<hbm>>
        %dma_wait3A_1241 = arith.constant 0 : i32
        %dma_wait3A_1242 = arith.constant 896 : i32
        %dma_wait3A_1243 = tpu.memref_slice %arg12[%dma_wait3A_1241, %dma_wait3A_1242] : memref<32x1024xf32, #tpu.memory_space<vmem>> -> memref<32x128xf32, #tpu.memory_space<vmem>>
        tpu.wait_dma2 semaphore(%arg17 : memref<!tpu.dma_semaphore, #tpu.memory_space<semaphore_mem>>) src(%dma_wait3A_1243 : memref<32x128xf32, #tpu.memory_space<vmem>>) dst(%dma_wait3A_1240 : memref<32x128xf32, #tpu.memory_space<hbm>>)
        %add3A_1244 = arith.constant 2 : i32
        %add3A_1245 = arith.addi %add3A_856, %add3A_1244 : i32
        %mul3A_1246 = arith.constant 32 : i32
        %mul3A_1247 = arith.muli %add3A_1245, %mul3A_1246 : i32
        %dma_start3A_1248 = tpu.memref_slice %arg8[%mul3A_1247] : memref<3200xi32, #tpu.memory_space<vmem>> -> memref<32xi32, #tpu.memory_space<vmem>>
        %dma_start3A_1249 = arith.constant 0 : i32
        %dma_start3A_1250 = arith.constant 0 : i32
        %dma_start3A_1251 = tpu.memref_slice %arg2[%dma_start3A_1249, %dma_start3A_1250] : memref<1000x1024xf32, #tpu.memory_space<hbm>> -> memref<1000x1024xf32, #tpu.memory_space<hbm>>
        tpu.enqueue_indirect_dma source(%dma_start3A_1251 : memref<1000x1024xf32, #tpu.memory_space<hbm>>) target(%arg12 : memref<32x1024xf32, #tpu.memory_space<vmem>>) offsets(%dma_start3A_1248 : memref<32xi32, #tpu.memory_space<vmem>>) semaphore(%arg15 : memref<!tpu.dma_semaphore, #tpu.memory_space<semaphore_mem>>)
      } else {
      }
      %mul3A_987 = arith.constant 2 : i32
      %mul3A_988 = arith.muli %mul3A_987, %scan3A_852 : i32
      %add3A_989 = arith.constant 1 : i32
      %add3A_990 = arith.addi %mul3A_988, %add3A_989 : i32
      %mul3A_991 = arith.constant 32 : i32
      %mul3A_992 = arith.muli %add3A_990, %mul3A_991 : i32
      %dma_wait3A_993 = tpu.memref_slice %arg8[%mul3A_992] : memref<3200xi32, #tpu.memory_space<vmem>> -> memref<32xi32, #tpu.memory_space<vmem>>
      %dma_wait3A_994 = arith.constant 0 : i32
      %dma_wait3A_995 = arith.constant 0 : i32
      %dma_wait3A_996 = tpu.memref_slice %arg2[%dma_wait3A_994, %dma_wait3A_995] : memref<1000x1024xf32, #tpu.memory_space<hbm>> -> memref<1000x1024xf32, #tpu.memory_space<hbm>>
      tpu.wait_indirect_dma semaphore(%arg16 : memref<!tpu.dma_semaphore, #tpu.memory_space<semaphore_mem>>) src(%dma_wait3A_996 : memref<1000x1024xf32, #tpu.memory_space<hbm>>) dst(%arg13 : memref<32x1024xf32, #tpu.memory_space<vmem>>)
      %add3A_997 = arith.constant 0 : i32
      %add3A_998 = arith.addi %add3A_997, %mul3A_2 : i32
      %mul3A_999 = arith.constant 32 : i32
      %mul3A_1000 = arith.muli %add3A_990, %mul3A_999 : i32
      %add3A_1001 = arith.addi %add3A_998, %mul3A_1000 : i32
      %dma_start3A_1002 = arith.constant 0 : i32
      %dma_start3A_1003 = arith.constant 0 : i32
      %dma_start3A_1004 = tpu.memref_slice %arg13[%dma_start3A_1002, %dma_start3A_1003] : memref<32x1024xf32, #tpu.memory_space<vmem>> -> memref<32x128xf32, #tpu.memory_space<vmem>>
      %dma_start3A_1005 = arith.constant 0 : i32
      %dma_start3A_1006 = tpu.memref_slice %arg6[%add3A_1001, %dma_start3A_1005] : memref<819200x128xf32, #tpu.memory_space<hbm>> -> memref<32x128xf32, #tpu.memory_space<hbm>>
      %dma_start3A_1007 = arith.constant 0 : i32
      %dma_start3A_1008 = tpu.memref_slice %arg6[%add3A_1001, %dma_start3A_1007] : memref<819200x128xf32, #tpu.memory_space<hbm>> -> memref<32x128xf32, #tpu.memory_space<hbm>>
      %dma_start3A_1009 = arith.constant 0 : i32
      %dma_start3A_1010 = arith.constant 0 : i32
      %dma_start3A_1011 = tpu.memref_slice %arg13[%dma_start3A_1009, %dma_start3A_1010] : memref<32x1024xf32, #tpu.memory_space<vmem>> -> memref<32x128xf32, #tpu.memory_space<vmem>>
      tpu.enqueue_dma source(%dma_start3A_1011 : memref<32x128xf32, #tpu.memory_space<vmem>>) target(%dma_start3A_1008 : memref<32x128xf32, #tpu.memory_space<hbm>>) target_semaphore(%arg18 : memref<!tpu.dma_semaphore, #tpu.memory_space<semaphore_mem>>)
      %add3A_1012 = arith.constant 102400 : i32
      %add3A_1013 = arith.addi %add3A_1012, %mul3A_2 : i32
      %mul3A_1014 = arith.constant 32 : i32
      %mul3A_1015 = arith.muli %add3A_990, %mul3A_1014 : i32
      %add3A_1016 = arith.addi %add3A_1013, %mul3A_1015 : i32
      %dma_start3A_1017 = arith.constant 0 : i32
      %dma_start3A_1018 = arith.constant 128 : i32
      %dma_start3A_1019 = tpu.memref_slice %arg13[%dma_start3A_1017, %dma_start3A_1018] : memref<32x1024xf32, #tpu.memory_space<vmem>> -> memref<32x128xf32, #tpu.memory_space<vmem>>
      %dma_start3A_1020 = arith.constant 0 : i32
      %dma_start3A_1021 = tpu.memref_slice %arg6[%add3A_1016, %dma_start3A_1020] : memref<819200x128xf32, #tpu.memory_space<hbm>> -> memref<32x128xf32, #tpu.memory_space<hbm>>
      %dma_start3A_1022 = arith.constant 0 : i32
      %dma_start3A_1023 = tpu.memref_slice %arg6[%add3A_1016, %dma_start3A_1022] : memref<819200x128xf32, #tpu.memory_space<hbm>> -> memref<32x128xf32, #tpu.memory_space<hbm>>
      %dma_start3A_1024 = arith.constant 0 : i32
      %dma_start3A_1025 = arith.constant 128 : i32
      %dma_start3A_1026 = tpu.memref_slice %arg13[%dma_start3A_1024, %dma_start3A_1025] : memref<32x1024xf32, #tpu.memory_space<vmem>> -> memref<32x128xf32, #tpu.memory_space<vmem>>
      tpu.enqueue_dma source(%dma_start3A_1026 : memref<32x128xf32, #tpu.memory_space<vmem>>) target(%dma_start3A_1023 : memref<32x128xf32, #tpu.memory_space<hbm>>) target_semaphore(%arg18 : memref<!tpu.dma_semaphore, #tpu.memory_space<semaphore_mem>>)
      %add3A_1027 = arith.constant 204800 : i32
      %add3A_1028 = arith.addi %add3A_1027, %mul3A_2 : i32
      %mul3A_1029 = arith.constant 32 : i32
      %mul3A_1030 = arith.muli %add3A_990, %mul3A_1029 : i32
      %add3A_1031 = arith.addi %add3A_1028, %mul3A_1030 : i32
      %dma_start3A_1032 = arith.constant 0 : i32
      %dma_start3A_1033 = arith.constant 256 : i32
      %dma_start3A_1034 = tpu.memref_slice %arg13[%dma_start3A_1032, %dma_start3A_1033] : memref<32x1024xf32, #tpu.memory_space<vmem>> -> memref<32x128xf32, #tpu.memory_space<vmem>>
      %dma_start3A_1035 = arith.constant 0 : i32
      %dma_start3A_1036 = tpu.memref_slice %arg6[%add3A_1031, %dma_start3A_1035] : memref<819200x128xf32, #tpu.memory_space<hbm>> -> memref<32x128xf32, #tpu.memory_space<hbm>>
      %dma_start3A_1037 = arith.constant 0 : i32
      %dma_start3A_1038 = tpu.memref_slice %arg6[%add3A_1031, %dma_start3A_1037] : memref<819200x128xf32, #tpu.memory_space<hbm>> -> memref<32x128xf32, #tpu.memory_space<hbm>>
      %dma_start3A_1039 = arith.constant 0 : i32
      %dma_start3A_1040 = arith.constant 256 : i32
      %dma_start3A_1041 = tpu.memref_slice %arg13[%dma_start3A_1039, %dma_start3A_1040] : memref<32x1024xf32, #tpu.memory_space<vmem>> -> memref<32x128xf32, #tpu.memory_space<vmem>>
      tpu.enqueue_dma source(%dma_start3A_1041 : memref<32x128xf32, #tpu.memory_space<vmem>>) target(%dma_start3A_1038 : memref<32x128xf32, #tpu.memory_space<hbm>>) target_semaphore(%arg18 : memref<!tpu.dma_semaphore, #tpu.memory_space<semaphore_mem>>)
      %add3A_1042 = arith.constant 307200 : i32
      %add3A_1043 = arith.addi %add3A_1042, %mul3A_2 : i32
      %mul3A_1044 = arith.constant 32 : i32
      %mul3A_1045 = arith.muli %add3A_990, %mul3A_1044 : i32
      %add3A_1046 = arith.addi %add3A_1043, %mul3A_1045 : i32
      %dma_start3A_1047 = arith.constant 0 : i32
      %dma_start3A_1048 = arith.constant 384 : i32
      %dma_start3A_1049 = tpu.memref_slice %arg13[%dma_start3A_1047, %dma_start3A_1048] : memref<32x1024xf32, #tpu.memory_space<vmem>> -> memref<32x128xf32, #tpu.memory_space<vmem>>
      %dma_start3A_1050 = arith.constant 0 : i32
      %dma_start3A_1051 = tpu.memref_slice %arg6[%add3A_1046, %dma_start3A_1050] : memref<819200x128xf32, #tpu.memory_space<hbm>> -> memref<32x128xf32, #tpu.memory_space<hbm>>
      %dma_start3A_1052 = arith.constant 0 : i32
      %dma_start3A_1053 = tpu.memref_slice %arg6[%add3A_1046, %dma_start3A_1052] : memref<819200x128xf32, #tpu.memory_space<hbm>> -> memref<32x128xf32, #tpu.memory_space<hbm>>
      %dma_start3A_1054 = arith.constant 0 : i32
      %dma_start3A_1055 = arith.constant 384 : i32
      %dma_start3A_1056 = tpu.memref_slice %arg13[%dma_start3A_1054, %dma_start3A_1055] : memref<32x1024xf32, #tpu.memory_space<vmem>> -> memref<32x128xf32, #tpu.memory_space<vmem>>
      tpu.enqueue_dma source(%dma_start3A_1056 : memref<32x128xf32, #tpu.memory_space<vmem>>) target(%dma_start3A_1053 : memref<32x128xf32, #tpu.memory_space<hbm>>) target_semaphore(%arg18 : memref<!tpu.dma_semaphore, #tpu.memory_space<semaphore_mem>>)
      %add3A_1057 = arith.constant 409600 : i32
      %add3A_1058 = arith.addi %add3A_1057, %mul3A_2 : i32
      %mul3A_1059 = arith.constant 32 : i32
      %mul3A_1060 = arith.muli %add3A_990, %mul3A_1059 : i32
      %add3A_1061 = arith.addi %add3A_1058, %mul3A_1060 : i32
      %dma_start3A_1062 = arith.constant 0 : i32
      %dma_start3A_1063 = arith.constant 512 : i32
      %dma_start3A_1064 = tpu.memref_slice %arg13[%dma_start3A_1062, %dma_start3A_1063] : memref<32x1024xf32, #tpu.memory_space<vmem>> -> memref<32x128xf32, #tpu.memory_space<vmem>>
      %dma_start3A_1065 = arith.constant 0 : i32
      %dma_start3A_1066 = tpu.memref_slice %arg6[%add3A_1061, %dma_start3A_1065] : memref<819200x128xf32, #tpu.memory_space<hbm>> -> memref<32x128xf32, #tpu.memory_space<hbm>>
      %dma_start3A_1067 = arith.constant 0 : i32
      %dma_start3A_1068 = tpu.memref_slice %arg6[%add3A_1061, %dma_start3A_1067] : memref<819200x128xf32, #tpu.memory_space<hbm>> -> memref<32x128xf32, #tpu.memory_space<hbm>>
      %dma_start3A_1069 = arith.constant 0 : i32
      %dma_start3A_1070 = arith.constant 512 : i32
      %dma_start3A_1071 = tpu.memref_slice %arg13[%dma_start3A_1069, %dma_start3A_1070] : memref<32x1024xf32, #tpu.memory_space<vmem>> -> memref<32x128xf32, #tpu.memory_space<vmem>>
      tpu.enqueue_dma source(%dma_start3A_1071 : memref<32x128xf32, #tpu.memory_space<vmem>>) target(%dma_start3A_1068 : memref<32x128xf32, #tpu.memory_space<hbm>>) target_semaphore(%arg18 : memref<!tpu.dma_semaphore, #tpu.memory_space<semaphore_mem>>)
      %add3A_1072 = arith.constant 512000 : i32
      %add3A_1073 = arith.addi %add3A_1072, %mul3A_2 : i32
      %mul3A_1074 = arith.constant 32 : i32
      %mul3A_1075 = arith.muli %add3A_990, %mul3A_1074 : i32
      %add3A_1076 = arith.addi %add3A_1073, %mul3A_1075 : i32
      %dma_start3A_1077 = arith.constant 0 : i32
      %dma_start3A_1078 = arith.constant 640 : i32
      %dma_start3A_1079 = tpu.memref_slice %arg13[%dma_start3A_1077, %dma_start3A_1078] : memref<32x1024xf32, #tpu.memory_space<vmem>> -> memref<32x128xf32, #tpu.memory_space<vmem>>
      %dma_start3A_1080 = arith.constant 0 : i32
      %dma_start3A_1081 = tpu.memref_slice %arg6[%add3A_1076, %dma_start3A_1080] : memref<819200x128xf32, #tpu.memory_space<hbm>> -> memref<32x128xf32, #tpu.memory_space<hbm>>
      %dma_start3A_1082 = arith.constant 0 : i32
      %dma_start3A_1083 = tpu.memref_slice %arg6[%add3A_1076, %dma_start3A_1082] : memref<819200x128xf32, #tpu.memory_space<hbm>> -> memref<32x128xf32, #tpu.memory_space<hbm>>
      %dma_start3A_1084 = arith.constant 0 : i32
      %dma_start3A_1085 = arith.constant 640 : i32
      %dma_start3A_1086 = tpu.memref_slice %arg13[%dma_start3A_1084, %dma_start3A_1085] : memref<32x1024xf32, #tpu.memory_space<vmem>> -> memref<32x128xf32, #tpu.memory_space<vmem>>
      tpu.enqueue_dma source(%dma_start3A_1086 : memref<32x128xf32, #tpu.memory_space<vmem>>) target(%dma_start3A_1083 : memref<32x128xf32, #tpu.memory_space<hbm>>) target_semaphore(%arg18 : memref<!tpu.dma_semaphore, #tpu.memory_space<semaphore_mem>>)
      %add3A_1087 = arith.constant 614400 : i32
      %add3A_1088 = arith.addi %add3A_1087, %mul3A_2 : i32
      %mul3A_1089 = arith.constant 32 : i32
      %mul3A_1090 = arith.muli %add3A_990, %mul3A_1089 : i32
      %add3A_1091 = arith.addi %add3A_1088, %mul3A_1090 : i32
      %dma_start3A_1092 = arith.constant 0 : i32
      %dma_start3A_1093 = arith.constant 768 : i32
      %dma_start3A_1094 = tpu.memref_slice %arg13[%dma_start3A_1092, %dma_start3A_1093] : memref<32x1024xf32, #tpu.memory_space<vmem>> -> memref<32x128xf32, #tpu.memory_space<vmem>>
      %dma_start3A_1095 = arith.constant 0 : i32
      %dma_start3A_1096 = tpu.memref_slice %arg6[%add3A_1091, %dma_start3A_1095] : memref<819200x128xf32, #tpu.memory_space<hbm>> -> memref<32x128xf32, #tpu.memory_space<hbm>>
      %dma_start3A_1097 = arith.constant 0 : i32
      %dma_start3A_1098 = tpu.memref_slice %arg6[%add3A_1091, %dma_start3A_1097] : memref<819200x128xf32, #tpu.memory_space<hbm>> -> memref<32x128xf32, #tpu.memory_space<hbm>>
      %dma_start3A_1099 = arith.constant 0 : i32
      %dma_start3A_1100 = arith.constant 768 : i32
      %dma_start3A_1101 = tpu.memref_slice %arg13[%dma_start3A_1099, %dma_start3A_1100] : memref<32x1024xf32, #tpu.memory_space<vmem>> -> memref<32x128xf32, #tpu.memory_space<vmem>>
      tpu.enqueue_dma source(%dma_start3A_1101 : memref<32x128xf32, #tpu.memory_space<vmem>>) target(%dma_start3A_1098 : memref<32x128xf32, #tpu.memory_space<hbm>>) target_semaphore(%arg18 : memref<!tpu.dma_semaphore, #tpu.memory_space<semaphore_mem>>)
      %add3A_1102 = arith.constant 716800 : i32
      %add3A_1103 = arith.addi %add3A_1102, %mul3A_2 : i32
      %mul3A_1104 = arith.constant 32 : i32
      %mul3A_1105 = arith.muli %add3A_990, %mul3A_1104 : i32
      %add3A_1106 = arith.addi %add3A_1103, %mul3A_1105 : i32
      %dma_start3A_1107 = arith.constant 0 : i32
      %dma_start3A_1108 = arith.constant 896 : i32
      %dma_start3A_1109 = tpu.memref_slice %arg13[%dma_start3A_1107, %dma_start3A_1108] : memref<32x1024xf32, #tpu.memory_space<vmem>> -> memref<32x128xf32, #tpu.memory_space<vmem>>
      %dma_start3A_1110 = arith.constant 0 : i32
      %dma_start3A_1111 = tpu.memref_slice %arg6[%add3A_1106, %dma_start3A_1110] : memref<819200x128xf32, #tpu.memory_space<hbm>> -> memref<32x128xf32, #tpu.memory_space<hbm>>
      %dma_start3A_1112 = arith.constant 0 : i32
      %dma_start3A_1113 = tpu.memref_slice %arg6[%add3A_1106, %dma_start3A_1112] : memref<819200x128xf32, #tpu.memory_space<hbm>> -> memref<32x128xf32, #tpu.memory_space<hbm>>
      %dma_start3A_1114 = arith.constant 0 : i32
      %dma_start3A_1115 = arith.constant 896 : i32
      %dma_start3A_1116 = tpu.memref_slice %arg13[%dma_start3A_1114, %dma_start3A_1115] : memref<32x1024xf32, #tpu.memory_space<vmem>> -> memref<32x128xf32, #tpu.memory_space<vmem>>
      tpu.enqueue_dma source(%dma_start3A_1116 : memref<32x128xf32, #tpu.memory_space<vmem>>) target(%dma_start3A_1113 : memref<32x128xf32, #tpu.memory_space<hbm>>) target_semaphore(%arg18 : memref<!tpu.dma_semaphore, #tpu.memory_space<semaphore_mem>>)
      %add3A_1117 = arith.constant 2 : i32
      %add3A_1118 = arith.addi %add3A_990, %add3A_1117 : i32
      %lt3A_1119 = arith.constant 100 : i32
      %lt3A_1120 = arith.cmpi slt, %add3A_1118, %lt3A_1119 : i32
      %convert_element_type3A_1121 = arith.extui %lt3A_1120 : i1 to i32
      %cond3A_1122 = arith.constant 0 : i32
      %cond3A_1123 = arith.cmpi ne, %convert_element_type3A_1121, %cond3A_1122 : i32
      scf.if %cond3A_1123 {
        %add3A_1124 = arith.constant 0 : i32
        %add3A_1125 = arith.addi %add3A_1124, %mul3A_2 : i32
        %mul3A_1126 = arith.constant 32 : i32
        %mul3A_1127 = arith.muli %add3A_990, %mul3A_1126 : i32
        %add3A_1128 = arith.addi %add3A_1125, %mul3A_1127 : i32
        %dma_wait3A_1129 = arith.constant 0 : i32
        %dma_wait3A_1130 = arith.constant 0 : i32
        %dma_wait3A_1131 = tpu.memref_slice %arg13[%dma_wait3A_1129, %dma_wait3A_1130] : memref<32x1024xf32, #tpu.memory_space<vmem>> -> memref<32x128xf32, #tpu.memory_space<vmem>>
        %dma_wait3A_1132 = arith.constant 0 : i32
        %dma_wait3A_1133 = tpu.memref_slice %arg6[%add3A_1128, %dma_wait3A_1132] : memref<819200x128xf32, #tpu.memory_space<hbm>> -> memref<32x128xf32, #tpu.memory_space<hbm>>
        %dma_wait3A_1134 = arith.constant 0 : i32
        %dma_wait3A_1135 = tpu.memref_slice %arg6[%add3A_1128, %dma_wait3A_1134] : memref<819200x128xf32, #tpu.memory_space<hbm>> -> memref<32x128xf32, #tpu.memory_space<hbm>>
        %dma_wait3A_1136 = arith.constant 0 : i32
        %dma_wait3A_1137 = arith.constant 0 : i32
        %dma_wait3A_1138 = tpu.memref_slice %arg13[%dma_wait3A_1136, %dma_wait3A_1137] : memref<32x1024xf32, #tpu.memory_space<vmem>> -> memref<32x128xf32, #tpu.memory_space<vmem>>
        tpu.wait_dma2 semaphore(%arg18 : memref<!tpu.dma_semaphore, #tpu.memory_space<semaphore_mem>>) src(%dma_wait3A_1138 : memref<32x128xf32, #tpu.memory_space<vmem>>) dst(%dma_wait3A_1135 : memref<32x128xf32, #tpu.memory_space<hbm>>)
        %add3A_1139 = arith.constant 102400 : i32
        %add3A_1140 = arith.addi %add3A_1139, %mul3A_2 : i32
        %mul3A_1141 = arith.constant 32 : i32
        %mul3A_1142 = arith.muli %add3A_990, %mul3A_1141 : i32
        %add3A_1143 = arith.addi %add3A_1140, %mul3A_1142 : i32
        %dma_wait3A_1144 = arith.constant 0 : i32
        %dma_wait3A_1145 = arith.constant 128 : i32
        %dma_wait3A_1146 = tpu.memref_slice %arg13[%dma_wait3A_1144, %dma_wait3A_1145] : memref<32x1024xf32, #tpu.memory_space<vmem>> -> memref<32x128xf32, #tpu.memory_space<vmem>>
        %dma_wait3A_1147 = arith.constant 0 : i32
        %dma_wait3A_1148 = tpu.memref_slice %arg6[%add3A_1143, %dma_wait3A_1147] : memref<819200x128xf32, #tpu.memory_space<hbm>> -> memref<32x128xf32, #tpu.memory_space<hbm>>
        %dma_wait3A_1149 = arith.constant 0 : i32
        %dma_wait3A_1150 = tpu.memref_slice %arg6[%add3A_1143, %dma_wait3A_1149] : memref<819200x128xf32, #tpu.memory_space<hbm>> -> memref<32x128xf32, #tpu.memory_space<hbm>>
        %dma_wait3A_1151 = arith.constant 0 : i32
        %dma_wait3A_1152 = arith.constant 128 : i32
        %dma_wait3A_1153 = tpu.memref_slice %arg13[%dma_wait3A_1151, %dma_wait3A_1152] : memref<32x1024xf32, #tpu.memory_space<vmem>> -> memref<32x128xf32, #tpu.memory_space<vmem>>
        tpu.wait_dma2 semaphore(%arg18 : memref<!tpu.dma_semaphore, #tpu.memory_space<semaphore_mem>>) src(%dma_wait3A_1153 : memref<32x128xf32, #tpu.memory_space<vmem>>) dst(%dma_wait3A_1150 : memref<32x128xf32, #tpu.memory_space<hbm>>)
        %add3A_1154 = arith.constant 204800 : i32
        %add3A_1155 = arith.addi %add3A_1154, %mul3A_2 : i32
        %mul3A_1156 = arith.constant 32 : i32
        %mul3A_1157 = arith.muli %add3A_990, %mul3A_1156 : i32
        %add3A_1158 = arith.addi %add3A_1155, %mul3A_1157 : i32
        %dma_wait3A_1159 = arith.constant 0 : i32
        %dma_wait3A_1160 = arith.constant 256 : i32
        %dma_wait3A_1161 = tpu.memref_slice %arg13[%dma_wait3A_1159, %dma_wait3A_1160] : memref<32x1024xf32, #tpu.memory_space<vmem>> -> memref<32x128xf32, #tpu.memory_space<vmem>>
        %dma_wait3A_1162 = arith.constant 0 : i32
        %dma_wait3A_1163 = tpu.memref_slice %arg6[%add3A_1158, %dma_wait3A_1162] : memref<819200x128xf32, #tpu.memory_space<hbm>> -> memref<32x128xf32, #tpu.memory_space<hbm>>
        %dma_wait3A_1164 = arith.constant 0 : i32
        %dma_wait3A_1165 = tpu.memref_slice %arg6[%add3A_1158, %dma_wait3A_1164] : memref<819200x128xf32, #tpu.memory_space<hbm>> -> memref<32x128xf32, #tpu.memory_space<hbm>>
        %dma_wait3A_1166 = arith.constant 0 : i32
        %dma_wait3A_1167 = arith.constant 256 : i32
        %dma_wait3A_1168 = tpu.memref_slice %arg13[%dma_wait3A_1166, %dma_wait3A_1167] : memref<32x1024xf32, #tpu.memory_space<vmem>> -> memref<32x128xf32, #tpu.memory_space<vmem>>
        tpu.wait_dma2 semaphore(%arg18 : memref<!tpu.dma_semaphore, #tpu.memory_space<semaphore_mem>>) src(%dma_wait3A_1168 : memref<32x128xf32, #tpu.memory_space<vmem>>) dst(%dma_wait3A_1165 : memref<32x128xf32, #tpu.memory_space<hbm>>)
        %add3A_1169 = arith.constant 307200 : i32
        %add3A_1170 = arith.addi %add3A_1169, %mul3A_2 : i32
        %mul3A_1171 = arith.constant 32 : i32
        %mul3A_1172 = arith.muli %add3A_990, %mul3A_1171 : i32
        %add3A_1173 = arith.addi %add3A_1170, %mul3A_1172 : i32
        %dma_wait3A_1174 = arith.constant 0 : i32
        %dma_wait3A_1175 = arith.constant 384 : i32
        %dma_wait3A_1176 = tpu.memref_slice %arg13[%dma_wait3A_1174, %dma_wait3A_1175] : memref<32x1024xf32, #tpu.memory_space<vmem>> -> memref<32x128xf32, #tpu.memory_space<vmem>>
        %dma_wait3A_1177 = arith.constant 0 : i32
        %dma_wait3A_1178 = tpu.memref_slice %arg6[%add3A_1173, %dma_wait3A_1177] : memref<819200x128xf32, #tpu.memory_space<hbm>> -> memref<32x128xf32, #tpu.memory_space<hbm>>
        %dma_wait3A_1179 = arith.constant 0 : i32
        %dma_wait3A_1180 = tpu.memref_slice %arg6[%add3A_1173, %dma_wait3A_1179] : memref<819200x128xf32, #tpu.memory_space<hbm>> -> memref<32x128xf32, #tpu.memory_space<hbm>>
        %dma_wait3A_1181 = arith.constant 0 : i32
        %dma_wait3A_1182 = arith.constant 384 : i32
        %dma_wait3A_1183 = tpu.memref_slice %arg13[%dma_wait3A_1181, %dma_wait3A_1182] : memref<32x1024xf32, #tpu.memory_space<vmem>> -> memref<32x128xf32, #tpu.memory_space<vmem>>
        tpu.wait_dma2 semaphore(%arg18 : memref<!tpu.dma_semaphore, #tpu.memory_space<semaphore_mem>>) src(%dma_wait3A_1183 : memref<32x128xf32, #tpu.memory_space<vmem>>) dst(%dma_wait3A_1180 : memref<32x128xf32, #tpu.memory_space<hbm>>)
        %add3A_1184 = arith.constant 409600 : i32
        %add3A_1185 = arith.addi %add3A_1184, %mul3A_2 : i32
        %mul3A_1186 = arith.constant 32 : i32
        %mul3A_1187 = arith.muli %add3A_990, %mul3A_1186 : i32
        %add3A_1188 = arith.addi %add3A_1185, %mul3A_1187 : i32
        %dma_wait3A_1189 = arith.constant 0 : i32
        %dma_wait3A_1190 = arith.constant 512 : i32
        %dma_wait3A_1191 = tpu.memref_slice %arg13[%dma_wait3A_1189, %dma_wait3A_1190] : memref<32x1024xf32, #tpu.memory_space<vmem>> -> memref<32x128xf32, #tpu.memory_space<vmem>>
        %dma_wait3A_1192 = arith.constant 0 : i32
        %dma_wait3A_1193 = tpu.memref_slice %arg6[%add3A_1188, %dma_wait3A_1192] : memref<819200x128xf32, #tpu.memory_space<hbm>> -> memref<32x128xf32, #tpu.memory_space<hbm>>
        %dma_wait3A_1194 = arith.constant 0 : i32
        %dma_wait3A_1195 = tpu.memref_slice %arg6[%add3A_1188, %dma_wait3A_1194] : memref<819200x128xf32, #tpu.memory_space<hbm>> -> memref<32x128xf32, #tpu.memory_space<hbm>>
        %dma_wait3A_1196 = arith.constant 0 : i32
        %dma_wait3A_1197 = arith.constant 512 : i32
        %dma_wait3A_1198 = tpu.memref_slice %arg13[%dma_wait3A_1196, %dma_wait3A_1197] : memref<32x1024xf32, #tpu.memory_space<vmem>> -> memref<32x128xf32, #tpu.memory_space<vmem>>
        tpu.wait_dma2 semaphore(%arg18 : memref<!tpu.dma_semaphore, #tpu.memory_space<semaphore_mem>>) src(%dma_wait3A_1198 : memref<32x128xf32, #tpu.memory_space<vmem>>) dst(%dma_wait3A_1195 : memref<32x128xf32, #tpu.memory_space<hbm>>)
        %add3A_1199 = arith.constant 512000 : i32
        %add3A_1200 = arith.addi %add3A_1199, %mul3A_2 : i32
        %mul3A_1201 = arith.constant 32 : i32
        %mul3A_1202 = arith.muli %add3A_990, %mul3A_1201 : i32
        %add3A_1203 = arith.addi %add3A_1200, %mul3A_1202 : i32
        %dma_wait3A_1204 = arith.constant 0 : i32
        %dma_wait3A_1205 = arith.constant 640 : i32
        %dma_wait3A_1206 = tpu.memref_slice %arg13[%dma_wait3A_1204, %dma_wait3A_1205] : memref<32x1024xf32, #tpu.memory_space<vmem>> -> memref<32x128xf32, #tpu.memory_space<vmem>>
        %dma_wait3A_1207 = arith.constant 0 : i32
        %dma_wait3A_1208 = tpu.memref_slice %arg6[%add3A_1203, %dma_wait3A_1207] : memref<819200x128xf32, #tpu.memory_space<hbm>> -> memref<32x128xf32, #tpu.memory_space<hbm>>
        %dma_wait3A_1209 = arith.constant 0 : i32
        %dma_wait3A_1210 = tpu.memref_slice %arg6[%add3A_1203, %dma_wait3A_1209] : memref<819200x128xf32, #tpu.memory_space<hbm>> -> memref<32x128xf32, #tpu.memory_space<hbm>>
        %dma_wait3A_1211 = arith.constant 0 : i32
        %dma_wait3A_1212 = arith.constant 640 : i32
        %dma_wait3A_1213 = tpu.memref_slice %arg13[%dma_wait3A_1211, %dma_wait3A_1212] : memref<32x1024xf32, #tpu.memory_space<vmem>> -> memref<32x128xf32, #tpu.memory_space<vmem>>
        tpu.wait_dma2 semaphore(%arg18 : memref<!tpu.dma_semaphore, #tpu.memory_space<semaphore_mem>>) src(%dma_wait3A_1213 : memref<32x128xf32, #tpu.memory_space<vmem>>) dst(%dma_wait3A_1210 : memref<32x128xf32, #tpu.memory_space<hbm>>)
        %add3A_1214 = arith.constant 614400 : i32
        %add3A_1215 = arith.addi %add3A_1214, %mul3A_2 : i32
        %mul3A_1216 = arith.constant 32 : i32
        %mul3A_1217 = arith.muli %add3A_990, %mul3A_1216 : i32
        %add3A_1218 = arith.addi %add3A_1215, %mul3A_1217 : i32
        %dma_wait3A_1219 = arith.constant 0 : i32
        %dma_wait3A_1220 = arith.constant 768 : i32
        %dma_wait3A_1221 = tpu.memref_slice %arg13[%dma_wait3A_1219, %dma_wait3A_1220] : memref<32x1024xf32, #tpu.memory_space<vmem>> -> memref<32x128xf32, #tpu.memory_space<vmem>>
        %dma_wait3A_1222 = arith.constant 0 : i32
        %dma_wait3A_1223 = tpu.memref_slice %arg6[%add3A_1218, %dma_wait3A_1222] : memref<819200x128xf32, #tpu.memory_space<hbm>> -> memref<32x128xf32, #tpu.memory_space<hbm>>
        %dma_wait3A_1224 = arith.constant 0 : i32
        %dma_wait3A_1225 = tpu.memref_slice %arg6[%add3A_1218, %dma_wait3A_1224] : memref<819200x128xf32, #tpu.memory_space<hbm>> -> memref<32x128xf32, #tpu.memory_space<hbm>>
        %dma_wait3A_1226 = arith.constant 0 : i32
        %dma_wait3A_1227 = arith.constant 768 : i32
        %dma_wait3A_1228 = tpu.memref_slice %arg13[%dma_wait3A_1226, %dma_wait3A_1227] : memref<32x1024xf32, #tpu.memory_space<vmem>> -> memref<32x128xf32, #tpu.memory_space<vmem>>
        tpu.wait_dma2 semaphore(%arg18 : memref<!tpu.dma_semaphore, #tpu.memory_space<semaphore_mem>>) src(%dma_wait3A_1228 : memref<32x128xf32, #tpu.memory_space<vmem>>) dst(%dma_wait3A_1225 : memref<32x128xf32, #tpu.memory_space<hbm>>)
        %add3A_1229 = arith.constant 716800 : i32
        %add3A_1230 = arith.addi %add3A_1229, %mul3A_2 : i32
        %mul3A_1231 = arith.constant 32 : i32
        %mul3A_1232 = arith.muli %add3A_990, %mul3A_1231 : i32
        %add3A_1233 = arith.addi %add3A_1230, %mul3A_1232 : i32
        %dma_wait3A_1234 = arith.constant 0 : i32
        %dma_wait3A_1235 = arith.constant 896 : i32
        %dma_wait3A_1236 = tpu.memref_slice %arg13[%dma_wait3A_1234, %dma_wait3A_1235] : memref<32x1024xf32, #tpu.memory_space<vmem>> -> memref<32x128xf32, #tpu.memory_space<vmem>>
        %dma_wait3A_1237 = arith.constant 0 : i32
        %dma_wait3A_1238 = tpu.memref_slice %arg6[%add3A_1233, %dma_wait3A_1237] : memref<819200x128xf32, #tpu.memory_space<hbm>> -> memref<32x128xf32, #tpu.memory_space<hbm>>
        %dma_wait3A_1239 = arith.constant 0 : i32
        %dma_wait3A_1240 = tpu.memref_slice %arg6[%add3A_1233, %dma_wait3A_1239] : memref<819200x128xf32, #tpu.memory_space<hbm>> -> memref<32x128xf32, #tpu.memory_space<hbm>>
        %dma_wait3A_1241 = arith.constant 0 : i32
        %dma_wait3A_1242 = arith.constant 896 : i32
        %dma_wait3A_1243 = tpu.memref_slice %arg13[%dma_wait3A_1241, %dma_wait3A_1242] : memref<32x1024xf32, #tpu.memory_space<vmem>> -> memref<32x128xf32, #tpu.memory_space<vmem>>
        tpu.wait_dma2 semaphore(%arg18 : memref<!tpu.dma_semaphore, #tpu.memory_space<semaphore_mem>>) src(%dma_wait3A_1243 : memref<32x128xf32, #tpu.memory_space<vmem>>) dst(%dma_wait3A_1240 : memref<32x128xf32, #tpu.memory_space<hbm>>)
        %add3A_1244 = arith.constant 2 : i32
        %add3A_1245 = arith.addi %add3A_990, %add3A_1244 : i32
        %mul3A_1246 = arith.constant 32 : i32
        %mul3A_1247 = arith.muli %add3A_1245, %mul3A_1246 : i32
        %dma_start3A_1248 = tpu.memref_slice %arg8[%mul3A_1247] : memref<3200xi32, #tpu.memory_space<vmem>> -> memref<32xi32, #tpu.memory_space<vmem>>
        %dma_start3A_1249 = arith.constant 0 : i32
        %dma_start3A_1250 = arith.constant 0 : i32
        %dma_start3A_1251 = tpu.memref_slice %arg2[%dma_start3A_1249, %dma_start3A_1250] : memref<1000x1024xf32, #tpu.memory_space<hbm>> -> memref<1000x1024xf32, #tpu.memory_space<hbm>>
        tpu.enqueue_indirect_dma source(%dma_start3A_1251 : memref<1000x1024xf32, #tpu.memory_space<hbm>>) target(%arg13 : memref<32x1024xf32, #tpu.memory_space<vmem>>) offsets(%dma_start3A_1248 : memref<32xi32, #tpu.memory_space<vmem>>) semaphore(%arg16 : memref<!tpu.dma_semaphore, #tpu.memory_space<semaphore_mem>>)
      } else {
      }
    }
    %scan3A_316 = arith.constant 50 : i32
    %add3A_317 = arith.constant 0 : i32
    %add3A_318 = arith.addi %add3A_317, %mul3A_2 : i32
    %add3A_319 = arith.constant 3136 : i32
    %add3A_320 = arith.addi %add3A_318, %add3A_319 : i32
    %dma_wait3A = arith.constant 0 : i32
    %dma_wait3A_321 = arith.constant 0 : i32
    %dma_wait3A_322 = tpu.memref_slice %arg12[%dma_wait3A, %dma_wait3A_321] : memref<32x1024xf32, #tpu.memory_space<vmem>> -> memref<32x128xf32, #tpu.memory_space<vmem>>
    %dma_wait3A_323 = arith.constant 0 : i32
    %dma_wait3A_324 = tpu.memref_slice %arg6[%add3A_320, %dma_wait3A_323] : memref<819200x128xf32, #tpu.memory_space<hbm>> -> memref<32x128xf32, #tpu.memory_space<hbm>>
    %dma_wait3A_325 = arith.constant 0 : i32
    %dma_wait3A_326 = tpu.memref_slice %arg6[%add3A_320, %dma_wait3A_325] : memref<819200x128xf32, #tpu.memory_space<hbm>> -> memref<32x128xf32, #tpu.memory_space<hbm>>
    %dma_wait3A_327 = arith.constant 0 : i32
    %dma_wait3A_328 = arith.constant 0 : i32
    %dma_wait3A_329 = tpu.memref_slice %arg12[%dma_wait3A_327, %dma_wait3A_328] : memref<32x1024xf32, #tpu.memory_space<vmem>> -> memref<32x128xf32, #tpu.memory_space<vmem>>
    tpu.wait_dma2 semaphore(%arg17 : memref<!tpu.dma_semaphore, #tpu.memory_space<semaphore_mem>>) src(%dma_wait3A_329 : memref<32x128xf32, #tpu.memory_space<vmem>>) dst(%dma_wait3A_326 : memref<32x128xf32, #tpu.memory_space<hbm>>)
    %add3A_330 = arith.constant 102400 : i32
    %add3A_331 = arith.addi %add3A_330, %mul3A_2 : i32
    %add3A_332 = arith.constant 3136 : i32
    %add3A_333 = arith.addi %add3A_331, %add3A_332 : i32
    %dma_wait3A_334 = arith.constant 0 : i32
    %dma_wait3A_335 = arith.constant 128 : i32
    %dma_wait3A_336 = tpu.memref_slice %arg12[%dma_wait3A_334, %dma_wait3A_335] : memref<32x1024xf32, #tpu.memory_space<vmem>> -> memref<32x128xf32, #tpu.memory_space<vmem>>
    %dma_wait3A_337 = arith.constant 0 : i32
    %dma_wait3A_338 = tpu.memref_slice %arg6[%add3A_333, %dma_wait3A_337] : memref<819200x128xf32, #tpu.memory_space<hbm>> -> memref<32x128xf32, #tpu.memory_space<hbm>>
    %dma_wait3A_339 = arith.constant 0 : i32
    %dma_wait3A_340 = tpu.memref_slice %arg6[%add3A_333, %dma_wait3A_339] : memref<819200x128xf32, #tpu.memory_space<hbm>> -> memref<32x128xf32, #tpu.memory_space<hbm>>
    %dma_wait3A_341 = arith.constant 0 : i32
    %dma_wait3A_342 = arith.constant 128 : i32
    %dma_wait3A_343 = tpu.memref_slice %arg12[%dma_wait3A_341, %dma_wait3A_342] : memref<32x1024xf32, #tpu.memory_space<vmem>> -> memref<32x128xf32, #tpu.memory_space<vmem>>
    tpu.wait_dma2 semaphore(%arg17 : memref<!tpu.dma_semaphore, #tpu.memory_space<semaphore_mem>>) src(%dma_wait3A_343 : memref<32x128xf32, #tpu.memory_space<vmem>>) dst(%dma_wait3A_340 : memref<32x128xf32, #tpu.memory_space<hbm>>)
    %add3A_344 = arith.constant 204800 : i32
    %add3A_345 = arith.addi %add3A_344, %mul3A_2 : i32
    %add3A_346 = arith.constant 3136 : i32
    %add3A_347 = arith.addi %add3A_345, %add3A_346 : i32
    %dma_wait3A_348 = arith.constant 0 : i32
    %dma_wait3A_349 = arith.constant 256 : i32
    %dma_wait3A_350 = tpu.memref_slice %arg12[%dma_wait3A_348, %dma_wait3A_349] : memref<32x1024xf32, #tpu.memory_space<vmem>> -> memref<32x128xf32, #tpu.memory_space<vmem>>
    %dma_wait3A_351 = arith.constant 0 : i32
    %dma_wait3A_352 = tpu.memref_slice %arg6[%add3A_347, %dma_wait3A_351] : memref<819200x128xf32, #tpu.memory_space<hbm>> -> memref<32x128xf32, #tpu.memory_space<hbm>>
    %dma_wait3A_353 = arith.constant 0 : i32
    %dma_wait3A_354 = tpu.memref_slice %arg6[%add3A_347, %dma_wait3A_353] : memref<819200x128xf32, #tpu.memory_space<hbm>> -> memref<32x128xf32, #tpu.memory_space<hbm>>
    %dma_wait3A_355 = arith.constant 0 : i32
    %dma_wait3A_356 = arith.constant 256 : i32
    %dma_wait3A_357 = tpu.memref_slice %arg12[%dma_wait3A_355, %dma_wait3A_356] : memref<32x1024xf32, #tpu.memory_space<vmem>> -> memref<32x128xf32, #tpu.memory_space<vmem>>
    tpu.wait_dma2 semaphore(%arg17 : memref<!tpu.dma_semaphore, #tpu.memory_space<semaphore_mem>>) src(%dma_wait3A_357 : memref<32x128xf32, #tpu.memory_space<vmem>>) dst(%dma_wait3A_354 : memref<32x128xf32, #tpu.memory_space<hbm>>)
    %add3A_358 = arith.constant 307200 : i32
    %add3A_359 = arith.addi %add3A_358, %mul3A_2 : i32
    %add3A_360 = arith.constant 3136 : i32
    %add3A_361 = arith.addi %add3A_359, %add3A_360 : i32
    %dma_wait3A_362 = arith.constant 0 : i32
    %dma_wait3A_363 = arith.constant 384 : i32
    %dma_wait3A_364 = tpu.memref_slice %arg12[%dma_wait3A_362, %dma_wait3A_363] : memref<32x1024xf32, #tpu.memory_space<vmem>> -> memref<32x128xf32, #tpu.memory_space<vmem>>
    %dma_wait3A_365 = arith.constant 0 : i32
    %dma_wait3A_366 = tpu.memref_slice %arg6[%add3A_361, %dma_wait3A_365] : memref<819200x128xf32, #tpu.memory_space<hbm>> -> memref<32x128xf32, #tpu.memory_space<hbm>>
    %dma_wait3A_367 = arith.constant 0 : i32
    %dma_wait3A_368 = tpu.memref_slice %arg6[%add3A_361, %dma_wait3A_367] : memref<819200x128xf32, #tpu.memory_space<hbm>> -> memref<32x128xf32, #tpu.memory_space<hbm>>
    %dma_wait3A_369 = arith.constant 0 : i32
    %dma_wait3A_370 = arith.constant 384 : i32
    %dma_wait3A_371 = tpu.memref_slice %arg12[%dma_wait3A_369, %dma_wait3A_370] : memref<32x1024xf32, #tpu.memory_space<vmem>> -> memref<32x128xf32, #tpu.memory_space<vmem>>
    tpu.wait_dma2 semaphore(%arg17 : memref<!tpu.dma_semaphore, #tpu.memory_space<semaphore_mem>>) src(%dma_wait3A_371 : memref<32x128xf32, #tpu.memory_space<vmem>>) dst(%dma_wait3A_368 : memref<32x128xf32, #tpu.memory_space<hbm>>)
    %add3A_372 = arith.constant 409600 : i32
    %add3A_373 = arith.addi %add3A_372, %mul3A_2 : i32
    %add3A_374 = arith.constant 3136 : i32
    %add3A_375 = arith.addi %add3A_373, %add3A_374 : i32
    %dma_wait3A_376 = arith.constant 0 : i32
    %dma_wait3A_377 = arith.constant 512 : i32
    %dma_wait3A_378 = tpu.memref_slice %arg12[%dma_wait3A_376, %dma_wait3A_377] : memref<32x1024xf32, #tpu.memory_space<vmem>> -> memref<32x128xf32, #tpu.memory_space<vmem>>
    %dma_wait3A_379 = arith.constant 0 : i32
    %dma_wait3A_380 = tpu.memref_slice %arg6[%add3A_375, %dma_wait3A_379] : memref<819200x128xf32, #tpu.memory_space<hbm>> -> memref<32x128xf32, #tpu.memory_space<hbm>>
    %dma_wait3A_381 = arith.constant 0 : i32
    %dma_wait3A_382 = tpu.memref_slice %arg6[%add3A_375, %dma_wait3A_381] : memref<819200x128xf32, #tpu.memory_space<hbm>> -> memref<32x128xf32, #tpu.memory_space<hbm>>
    %dma_wait3A_383 = arith.constant 0 : i32
    %dma_wait3A_384 = arith.constant 512 : i32
    %dma_wait3A_385 = tpu.memref_slice %arg12[%dma_wait3A_383, %dma_wait3A_384] : memref<32x1024xf32, #tpu.memory_space<vmem>> -> memref<32x128xf32, #tpu.memory_space<vmem>>
    tpu.wait_dma2 semaphore(%arg17 : memref<!tpu.dma_semaphore, #tpu.memory_space<semaphore_mem>>) src(%dma_wait3A_385 : memref<32x128xf32, #tpu.memory_space<vmem>>) dst(%dma_wait3A_382 : memref<32x128xf32, #tpu.memory_space<hbm>>)
    %add3A_386 = arith.constant 512000 : i32
    %add3A_387 = arith.addi %add3A_386, %mul3A_2 : i32
    %add3A_388 = arith.constant 3136 : i32
    %add3A_389 = arith.addi %add3A_387, %add3A_388 : i32
    %dma_wait3A_390 = arith.constant 0 : i32
    %dma_wait3A_391 = arith.constant 640 : i32
    %dma_wait3A_392 = tpu.memref_slice %arg12[%dma_wait3A_390, %dma_wait3A_391] : memref<32x1024xf32, #tpu.memory_space<vmem>> -> memref<32x128xf32, #tpu.memory_space<vmem>>
    %dma_wait3A_393 = arith.constant 0 : i32
    %dma_wait3A_394 = tpu.memref_slice %arg6[%add3A_389, %dma_wait3A_393] : memref<819200x128xf32, #tpu.memory_space<hbm>> -> memref<32x128xf32, #tpu.memory_space<hbm>>
    %dma_wait3A_395 = arith.constant 0 : i32
    %dma_wait3A_396 = tpu.memref_slice %arg6[%add3A_389, %dma_wait3A_395] : memref<819200x128xf32, #tpu.memory_space<hbm>> -> memref<32x128xf32, #tpu.memory_space<hbm>>
    %dma_wait3A_397 = arith.constant 0 : i32
    %dma_wait3A_398 = arith.constant 640 : i32
    %dma_wait3A_399 = tpu.memref_slice %arg12[%dma_wait3A_397, %dma_wait3A_398] : memref<32x1024xf32, #tpu.memory_space<vmem>> -> memref<32x128xf32, #tpu.memory_space<vmem>>
    tpu.wait_dma2 semaphore(%arg17 : memref<!tpu.dma_semaphore, #tpu.memory_space<semaphore_mem>>) src(%dma_wait3A_399 : memref<32x128xf32, #tpu.memory_space<vmem>>) dst(%dma_wait3A_396 : memref<32x128xf32, #tpu.memory_space<hbm>>)
    %add3A_400 = arith.constant 614400 : i32
    %add3A_401 = arith.addi %add3A_400, %mul3A_2 : i32
    %add3A_402 = arith.constant 3136 : i32
    %add3A_403 = arith.addi %add3A_401, %add3A_402 : i32
    %dma_wait3A_404 = arith.constant 0 : i32
    %dma_wait3A_405 = arith.constant 768 : i32
    %dma_wait3A_406 = tpu.memref_slice %arg12[%dma_wait3A_404, %dma_wait3A_405] : memref<32x1024xf32, #tpu.memory_space<vmem>> -> memref<32x128xf32, #tpu.memory_space<vmem>>
    %dma_wait3A_407 = arith.constant 0 : i32
    %dma_wait3A_408 = tpu.memref_slice %arg6[%add3A_403, %dma_wait3A_407] : memref<819200x128xf32, #tpu.memory_space<hbm>> -> memref<32x128xf32, #tpu.memory_space<hbm>>
    %dma_wait3A_409 = arith.constant 0 : i32
    %dma_wait3A_410 = tpu.memref_slice %arg6[%add3A_403, %dma_wait3A_409] : memref<819200x128xf32, #tpu.memory_space<hbm>> -> memref<32x128xf32, #tpu.memory_space<hbm>>
    %dma_wait3A_411 = arith.constant 0 : i32
    %dma_wait3A_412 = arith.constant 768 : i32
    %dma_wait3A_413 = tpu.memref_slice %arg12[%dma_wait3A_411, %dma_wait3A_412] : memref<32x1024xf32, #tpu.memory_space<vmem>> -> memref<32x128xf32, #tpu.memory_space<vmem>>
    tpu.wait_dma2 semaphore(%arg17 : memref<!tpu.dma_semaphore, #tpu.memory_space<semaphore_mem>>) src(%dma_wait3A_413 : memref<32x128xf32, #tpu.memory_space<vmem>>) dst(%dma_wait3A_410 : memref<32x128xf32, #tpu.memory_space<hbm>>)
    %add3A_414 = arith.constant 716800 : i32
    %add3A_415 = arith.addi %add3A_414, %mul3A_2 : i32
    %add3A_416 = arith.constant 3136 : i32
    %add3A_417 = arith.addi %add3A_415, %add3A_416 : i32
    %dma_wait3A_418 = arith.constant 0 : i32
    %dma_wait3A_419 = arith.constant 896 : i32
    %dma_wait3A_420 = tpu.memref_slice %arg12[%dma_wait3A_418, %dma_wait3A_419] : memref<32x1024xf32, #tpu.memory_space<vmem>> -> memref<32x128xf32, #tpu.memory_space<vmem>>
    %dma_wait3A_421 = arith.constant 0 : i32
    %dma_wait3A_422 = tpu.memref_slice %arg6[%add3A_417, %dma_wait3A_421] : memref<819200x128xf32, #tpu.memory_space<hbm>> -> memref<32x128xf32, #tpu.memory_space<hbm>>
    %dma_wait3A_423 = arith.constant 0 : i32
    %dma_wait3A_424 = tpu.memref_slice %arg6[%add3A_417, %dma_wait3A_423] : memref<819200x128xf32, #tpu.memory_space<hbm>> -> memref<32x128xf32, #tpu.memory_space<hbm>>
    %dma_wait3A_425 = arith.constant 0 : i32
    %dma_wait3A_426 = arith.constant 896 : i32
    %dma_wait3A_427 = tpu.memref_slice %arg12[%dma_wait3A_425, %dma_wait3A_426] : memref<32x1024xf32, #tpu.memory_space<vmem>> -> memref<32x128xf32, #tpu.memory_space<vmem>>
    tpu.wait_dma2 semaphore(%arg17 : memref<!tpu.dma_semaphore, #tpu.memory_space<semaphore_mem>>) src(%dma_wait3A_427 : memref<32x128xf32, #tpu.memory_space<vmem>>) dst(%dma_wait3A_424 : memref<32x128xf32, #tpu.memory_space<hbm>>)
    %add3A_428 = arith.constant 0 : i32
    %add3A_429 = arith.addi %add3A_428, %mul3A_2 : i32
    %add3A_430 = arith.constant 3168 : i32
    %add3A_431 = arith.addi %add3A_429, %add3A_430 : i32
    %dma_wait3A_432 = arith.constant 0 : i32
    %dma_wait3A_433 = arith.constant 0 : i32
    %dma_wait3A_434 = tpu.memref_slice %arg13[%dma_wait3A_432, %dma_wait3A_433] : memref<32x1024xf32, #tpu.memory_space<vmem>> -> memref<32x128xf32, #tpu.memory_space<vmem>>
    %dma_wait3A_435 = arith.constant 0 : i32
    %dma_wait3A_436 = tpu.memref_slice %arg6[%add3A_431, %dma_wait3A_435] : memref<819200x128xf32, #tpu.memory_space<hbm>> -> memref<32x128xf32, #tpu.memory_space<hbm>>
    %dma_wait3A_437 = arith.constant 0 : i32
    %dma_wait3A_438 = tpu.memref_slice %arg6[%add3A_431, %dma_wait3A_437] : memref<819200x128xf32, #tpu.memory_space<hbm>> -> memref<32x128xf32, #tpu.memory_space<hbm>>
    %dma_wait3A_439 = arith.constant 0 : i32
    %dma_wait3A_440 = arith.constant 0 : i32
    %dma_wait3A_441 = tpu.memref_slice %arg13[%dma_wait3A_439, %dma_wait3A_440] : memref<32x1024xf32, #tpu.memory_space<vmem>> -> memref<32x128xf32, #tpu.memory_space<vmem>>
    tpu.wait_dma2 semaphore(%arg18 : memref<!tpu.dma_semaphore, #tpu.memory_space<semaphore_mem>>) src(%dma_wait3A_441 : memref<32x128xf32, #tpu.memory_space<vmem>>) dst(%dma_wait3A_438 : memref<32x128xf32, #tpu.memory_space<hbm>>)
    %add3A_442 = arith.constant 102400 : i32
    %add3A_443 = arith.addi %add3A_442, %mul3A_2 : i32
    %add3A_444 = arith.constant 3168 : i32
    %add3A_445 = arith.addi %add3A_443, %add3A_444 : i32
    %dma_wait3A_446 = arith.constant 0 : i32
    %dma_wait3A_447 = arith.constant 128 : i32
    %dma_wait3A_448 = tpu.memref_slice %arg13[%dma_wait3A_446, %dma_wait3A_447] : memref<32x1024xf32, #tpu.memory_space<vmem>> -> memref<32x128xf32, #tpu.memory_space<vmem>>
    %dma_wait3A_449 = arith.constant 0 : i32
    %dma_wait3A_450 = tpu.memref_slice %arg6[%add3A_445, %dma_wait3A_449] : memref<819200x128xf32, #tpu.memory_space<hbm>> -> memref<32x128xf32, #tpu.memory_space<hbm>>
    %dma_wait3A_451 = arith.constant 0 : i32
    %dma_wait3A_452 = tpu.memref_slice %arg6[%add3A_445, %dma_wait3A_451] : memref<819200x128xf32, #tpu.memory_space<hbm>> -> memref<32x128xf32, #tpu.memory_space<hbm>>
    %dma_wait3A_453 = arith.constant 0 : i32
    %dma_wait3A_454 = arith.constant 128 : i32
    %dma_wait3A_455 = tpu.memref_slice %arg13[%dma_wait3A_453, %dma_wait3A_454] : memref<32x1024xf32, #tpu.memory_space<vmem>> -> memref<32x128xf32, #tpu.memory_space<vmem>>
    tpu.wait_dma2 semaphore(%arg18 : memref<!tpu.dma_semaphore, #tpu.memory_space<semaphore_mem>>) src(%dma_wait3A_455 : memref<32x128xf32, #tpu.memory_space<vmem>>) dst(%dma_wait3A_452 : memref<32x128xf32, #tpu.memory_space<hbm>>)
    %add3A_456 = arith.constant 204800 : i32
    %add3A_457 = arith.addi %add3A_456, %mul3A_2 : i32
    %add3A_458 = arith.constant 3168 : i32
    %add3A_459 = arith.addi %add3A_457, %add3A_458 : i32
    %dma_wait3A_460 = arith.constant 0 : i32
    %dma_wait3A_461 = arith.constant 256 : i32
    %dma_wait3A_462 = tpu.memref_slice %arg13[%dma_wait3A_460, %dma_wait3A_461] : memref<32x1024xf32, #tpu.memory_space<vmem>> -> memref<32x128xf32, #tpu.memory_space<vmem>>
    %dma_wait3A_463 = arith.constant 0 : i32
    %dma_wait3A_464 = tpu.memref_slice %arg6[%add3A_459, %dma_wait3A_463] : memref<819200x128xf32, #tpu.memory_space<hbm>> -> memref<32x128xf32, #tpu.memory_space<hbm>>
    %dma_wait3A_465 = arith.constant 0 : i32
    %dma_wait3A_466 = tpu.memref_slice %arg6[%add3A_459, %dma_wait3A_465] : memref<819200x128xf32, #tpu.memory_space<hbm>> -> memref<32x128xf32, #tpu.memory_space<hbm>>
    %dma_wait3A_467 = arith.constant 0 : i32
    %dma_wait3A_468 = arith.constant 256 : i32
    %dma_wait3A_469 = tpu.memref_slice %arg13[%dma_wait3A_467, %dma_wait3A_468] : memref<32x1024xf32, #tpu.memory_space<vmem>> -> memref<32x128xf32, #tpu.memory_space<vmem>>
    tpu.wait_dma2 semaphore(%arg18 : memref<!tpu.dma_semaphore, #tpu.memory_space<semaphore_mem>>) src(%dma_wait3A_469 : memref<32x128xf32, #tpu.memory_space<vmem>>) dst(%dma_wait3A_466 : memref<32x128xf32, #tpu.memory_space<hbm>>)
    %add3A_470 = arith.constant 307200 : i32
    %add3A_471 = arith.addi %add3A_470, %mul3A_2 : i32
    %add3A_472 = arith.constant 3168 : i32
    %add3A_473 = arith.addi %add3A_471, %add3A_472 : i32
    %dma_wait3A_474 = arith.constant 0 : i32
    %dma_wait3A_475 = arith.constant 384 : i32
    %dma_wait3A_476 = tpu.memref_slice %arg13[%dma_wait3A_474, %dma_wait3A_475] : memref<32x1024xf32, #tpu.memory_space<vmem>> -> memref<32x128xf32, #tpu.memory_space<vmem>>
    %dma_wait3A_477 = arith.constant 0 : i32
    %dma_wait3A_478 = tpu.memref_slice %arg6[%add3A_473, %dma_wait3A_477] : memref<819200x128xf32, #tpu.memory_space<hbm>> -> memref<32x128xf32, #tpu.memory_space<hbm>>
    %dma_wait3A_479 = arith.constant 0 : i32
    %dma_wait3A_480 = tpu.memref_slice %arg6[%add3A_473, %dma_wait3A_479] : memref<819200x128xf32, #tpu.memory_space<hbm>> -> memref<32x128xf32, #tpu.memory_space<hbm>>
    %dma_wait3A_481 = arith.constant 0 : i32
    %dma_wait3A_482 = arith.constant 384 : i32
    %dma_wait3A_483 = tpu.memref_slice %arg13[%dma_wait3A_481, %dma_wait3A_482] : memref<32x1024xf32, #tpu.memory_space<vmem>> -> memref<32x128xf32, #tpu.memory_space<vmem>>
    tpu.wait_dma2 semaphore(%arg18 : memref<!tpu.dma_semaphore, #tpu.memory_space<semaphore_mem>>) src(%dma_wait3A_483 : memref<32x128xf32, #tpu.memory_space<vmem>>) dst(%dma_wait3A_480 : memref<32x128xf32, #tpu.memory_space<hbm>>)
    %add3A_484 = arith.constant 409600 : i32
    %add3A_485 = arith.addi %add3A_484, %mul3A_2 : i32
    %add3A_486 = arith.constant 3168 : i32
    %add3A_487 = arith.addi %add3A_485, %add3A_486 : i32
    %dma_wait3A_488 = arith.constant 0 : i32
    %dma_wait3A_489 = arith.constant 512 : i32
    %dma_wait3A_490 = tpu.memref_slice %arg13[%dma_wait3A_488, %dma_wait3A_489] : memref<32x1024xf32, #tpu.memory_space<vmem>> -> memref<32x128xf32, #tpu.memory_space<vmem>>
    %dma_wait3A_491 = arith.constant 0 : i32
    %dma_wait3A_492 = tpu.memref_slice %arg6[%add3A_487, %dma_wait3A_491] : memref<819200x128xf32, #tpu.memory_space<hbm>> -> memref<32x128xf32, #tpu.memory_space<hbm>>
    %dma_wait3A_493 = arith.constant 0 : i32
    %dma_wait3A_494 = tpu.memref_slice %arg6[%add3A_487, %dma_wait3A_493] : memref<819200x128xf32, #tpu.memory_space<hbm>> -> memref<32x128xf32, #tpu.memory_space<hbm>>
    %dma_wait3A_495 = arith.constant 0 : i32
    %dma_wait3A_496 = arith.constant 512 : i32
    %dma_wait3A_497 = tpu.memref_slice %arg13[%dma_wait3A_495, %dma_wait3A_496] : memref<32x1024xf32, #tpu.memory_space<vmem>> -> memref<32x128xf32, #tpu.memory_space<vmem>>
    tpu.wait_dma2 semaphore(%arg18 : memref<!tpu.dma_semaphore, #tpu.memory_space<semaphore_mem>>) src(%dma_wait3A_497 : memref<32x128xf32, #tpu.memory_space<vmem>>) dst(%dma_wait3A_494 : memref<32x128xf32, #tpu.memory_space<hbm>>)
    %add3A_498 = arith.constant 512000 : i32
    %add3A_499 = arith.addi %add3A_498, %mul3A_2 : i32
    %add3A_500 = arith.constant 3168 : i32
    %add3A_501 = arith.addi %add3A_499, %add3A_500 : i32
    %dma_wait3A_502 = arith.constant 0 : i32
    %dma_wait3A_503 = arith.constant 640 : i32
    %dma_wait3A_504 = tpu.memref_slice %arg13[%dma_wait3A_502, %dma_wait3A_503] : memref<32x1024xf32, #tpu.memory_space<vmem>> -> memref<32x128xf32, #tpu.memory_space<vmem>>
    %dma_wait3A_505 = arith.constant 0 : i32
    %dma_wait3A_506 = tpu.memref_slice %arg6[%add3A_501, %dma_wait3A_505] : memref<819200x128xf32, #tpu.memory_space<hbm>> -> memref<32x128xf32, #tpu.memory_space<hbm>>
    %dma_wait3A_507 = arith.constant 0 : i32
    %dma_wait3A_508 = tpu.memref_slice %arg6[%add3A_501, %dma_wait3A_507] : memref<819200x128xf32, #tpu.memory_space<hbm>> -> memref<32x128xf32, #tpu.memory_space<hbm>>
    %dma_wait3A_509 = arith.constant 0 : i32
    %dma_wait3A_510 = arith.constant 640 : i32
    %dma_wait3A_511 = tpu.memref_slice %arg13[%dma_wait3A_509, %dma_wait3A_510] : memref<32x1024xf32, #tpu.memory_space<vmem>> -> memref<32x128xf32, #tpu.memory_space<vmem>>
    tpu.wait_dma2 semaphore(%arg18 : memref<!tpu.dma_semaphore, #tpu.memory_space<semaphore_mem>>) src(%dma_wait3A_511 : memref<32x128xf32, #tpu.memory_space<vmem>>) dst(%dma_wait3A_508 : memref<32x128xf32, #tpu.memory_space<hbm>>)
    %add3A_512 = arith.constant 614400 : i32
    %add3A_513 = arith.addi %add3A_512, %mul3A_2 : i32
    %add3A_514 = arith.constant 3168 : i32
    %add3A_515 = arith.addi %add3A_513, %add3A_514 : i32
    %dma_wait3A_516 = arith.constant 0 : i32
    %dma_wait3A_517 = arith.constant 768 : i32
    %dma_wait3A_518 = tpu.memref_slice %arg13[%dma_wait3A_516, %dma_wait3A_517] : memref<32x1024xf32, #tpu.memory_space<vmem>> -> memref<32x128xf32, #tpu.memory_space<vmem>>
    %dma_wait3A_519 = arith.constant 0 : i32
    %dma_wait3A_520 = tpu.memref_slice %arg6[%add3A_515, %dma_wait3A_519] : memref<819200x128xf32, #tpu.memory_space<hbm>> -> memref<32x128xf32, #tpu.memory_space<hbm>>
    %dma_wait3A_521 = arith.constant 0 : i32
    %dma_wait3A_522 = tpu.memref_slice %arg6[%add3A_515, %dma_wait3A_521] : memref<819200x128xf32, #tpu.memory_space<hbm>> -> memref<32x128xf32, #tpu.memory_space<hbm>>
    %dma_wait3A_523 = arith.constant 0 : i32
    %dma_wait3A_524 = arith.constant 768 : i32
    %dma_wait3A_525 = tpu.memref_slice %arg13[%dma_wait3A_523, %dma_wait3A_524] : memref<32x1024xf32, #tpu.memory_space<vmem>> -> memref<32x128xf32, #tpu.memory_space<vmem>>
    tpu.wait_dma2 semaphore(%arg18 : memref<!tpu.dma_semaphore, #tpu.memory_space<semaphore_mem>>) src(%dma_wait3A_525 : memref<32x128xf32, #tpu.memory_space<vmem>>) dst(%dma_wait3A_522 : memref<32x128xf32, #tpu.memory_space<hbm>>)
    %add3A_526 = arith.constant 716800 : i32
    %add3A_527 = arith.addi %add3A_526, %mul3A_2 : i32
    %add3A_528 = arith.constant 3168 : i32
    %add3A_529 = arith.addi %add3A_527, %add3A_528 : i32
    %dma_wait3A_530 = arith.constant 0 : i32
    %dma_wait3A_531 = arith.constant 896 : i32
    %dma_wait3A_532 = tpu.memref_slice %arg13[%dma_wait3A_530, %dma_wait3A_531] : memref<32x1024xf32, #tpu.memory_space<vmem>> -> memref<32x128xf32, #tpu.memory_space<vmem>>
    %dma_wait3A_533 = arith.constant 0 : i32
    %dma_wait3A_534 = tpu.memref_slice %arg6[%add3A_529, %dma_wait3A_533] : memref<819200x128xf32, #tpu.memory_space<hbm>> -> memref<32x128xf32, #tpu.memory_space<hbm>>
    %dma_wait3A_535 = arith.constant 0 : i32
    %dma_wait3A_536 = tpu.memref_slice %arg6[%add3A_529, %dma_wait3A_535] : memref<819200x128xf32, #tpu.memory_space<hbm>> -> memref<32x128xf32, #tpu.memory_space<hbm>>
    %dma_wait3A_537 = arith.constant 0 : i32
    %dma_wait3A_538 = arith.constant 896 : i32
    %dma_wait3A_539 = tpu.memref_slice %arg13[%dma_wait3A_537, %dma_wait3A_538] : memref<32x1024xf32, #tpu.memory_space<vmem>> -> memref<32x128xf32, #tpu.memory_space<vmem>>
    tpu.wait_dma2 semaphore(%arg18 : memref<!tpu.dma_semaphore, #tpu.memory_space<semaphore_mem>>) src(%dma_wait3A_539 : memref<32x128xf32, #tpu.memory_space<vmem>>) dst(%dma_wait3A_536 : memref<32x128xf32, #tpu.memory_space<hbm>>)
    %dma_wait3A_540 = arith.constant 0 : i32
    %dma_wait3A_541 = tpu.memref_slice %arg10[%dma_wait3A_540] : memref<3200xf32, #tpu.memory_space<vmem>> -> memref<128xf32, #tpu.memory_space<vmem>>
    %dma_wait3A_542 = arith.constant 0 : i32
    %dma_wait3A_543 = tpu.memref_slice %arg9[%dma_wait3A_542] : memref<3200xi32, #tpu.memory_space<vmem>> -> memref<128xi32, #tpu.memory_space<vmem>>
    %dma_wait3A_544 = arith.constant 0 : i32
    %dma_wait3A_545 = tpu.memref_slice %arg3[%dma_wait3A_544] : memref<1001000xf32, #tpu.memory_space<hbm>> -> memref<1001000xf32, #tpu.memory_space<hbm>>
    tpu.wait_indirect_dma semaphore(%arg19 : memref<!tpu.dma_semaphore, #tpu.memory_space<semaphore_mem>>) src(%dma_wait3A_545 : memref<1001000xf32, #tpu.memory_space<hbm>>) dst(%dma_wait3A_541 : memref<128xf32, #tpu.memory_space<vmem>>)
    %dma_wait3A_546 = arith.constant 0 : i32
    %dma_wait3A_547 = tpu.memref_slice %arg11[%dma_wait3A_546] : memref<3200xf32, #tpu.memory_space<vmem>> -> memref<128xf32, #tpu.memory_space<vmem>>
    %dma_wait3A_548 = arith.constant 0 : i32
    %dma_wait3A_549 = tpu.memref_slice %arg8[%dma_wait3A_548] : memref<3200xi32, #tpu.memory_space<vmem>> -> memref<128xi32, #tpu.memory_space<vmem>>
    %dma_wait3A_550 = arith.constant 0 : i32
    %dma_wait3A_551 = tpu.memref_slice %arg3[%dma_wait3A_550] : memref<1001000xf32, #tpu.memory_space<hbm>> -> memref<1001000xf32, #tpu.memory_space<hbm>>
    tpu.wait_indirect_dma semaphore(%arg19 : memref<!tpu.dma_semaphore, #tpu.memory_space<semaphore_mem>>) src(%dma_wait3A_551 : memref<1001000xf32, #tpu.memory_space<hbm>>) dst(%dma_wait3A_547 : memref<128xf32, #tpu.memory_space<vmem>>)
    %dma_wait3A_552 = arith.constant 128 : i32
    %dma_wait3A_553 = tpu.memref_slice %arg10[%dma_wait3A_552] : memref<3200xf32, #tpu.memory_space<vmem>> -> memref<128xf32, #tpu.memory_space<vmem>>
    %dma_wait3A_554 = arith.constant 128 : i32
    %dma_wait3A_555 = tpu.memref_slice %arg9[%dma_wait3A_554] : memref<3200xi32, #tpu.memory_space<vmem>> -> memref<128xi32, #tpu.memory_space<vmem>>
    %dma_wait3A_556 = arith.constant 0 : i32
    %dma_wait3A_557 = tpu.memref_slice %arg3[%dma_wait3A_556] : memref<1001000xf32, #tpu.memory_space<hbm>> -> memref<1001000xf32, #tpu.memory_space<hbm>>
    tpu.wait_indirect_dma semaphore(%arg19 : memref<!tpu.dma_semaphore, #tpu.memory_space<semaphore_mem>>) src(%dma_wait3A_557 : memref<1001000xf32, #tpu.memory_space<hbm>>) dst(%dma_wait3A_553 : memref<128xf32, #tpu.memory_space<vmem>>)
    %dma_wait3A_558 = arith.constant 128 : i32
    %dma_wait3A_559 = tpu.memref_slice %arg11[%dma_wait3A_558] : memref<3200xf32, #tpu.memory_space<vmem>> -> memref<128xf32, #tpu.memory_space<vmem>>
    %dma_wait3A_560 = arith.constant 128 : i32
    %dma_wait3A_561 = tpu.memref_slice %arg8[%dma_wait3A_560] : memref<3200xi32, #tpu.memory_space<vmem>> -> memref<128xi32, #tpu.memory_space<vmem>>
    %dma_wait3A_562 = arith.constant 0 : i32
    %dma_wait3A_563 = tpu.memref_slice %arg3[%dma_wait3A_562] : memref<1001000xf32, #tpu.memory_space<hbm>> -> memref<1001000xf32, #tpu.memory_space<hbm>>
    tpu.wait_indirect_dma semaphore(%arg19 : memref<!tpu.dma_semaphore, #tpu.memory_space<semaphore_mem>>) src(%dma_wait3A_563 : memref<1001000xf32, #tpu.memory_space<hbm>>) dst(%dma_wait3A_559 : memref<128xf32, #tpu.memory_space<vmem>>)
    %dma_wait3A_564 = arith.constant 256 : i32
    %dma_wait3A_565 = tpu.memref_slice %arg10[%dma_wait3A_564] : memref<3200xf32, #tpu.memory_space<vmem>> -> memref<128xf32, #tpu.memory_space<vmem>>
    %dma_wait3A_566 = arith.constant 256 : i32
    %dma_wait3A_567 = tpu.memref_slice %arg9[%dma_wait3A_566] : memref<3200xi32, #tpu.memory_space<vmem>> -> memref<128xi32, #tpu.memory_space<vmem>>
    %dma_wait3A_568 = arith.constant 0 : i32
    %dma_wait3A_569 = tpu.memref_slice %arg3[%dma_wait3A_568] : memref<1001000xf32, #tpu.memory_space<hbm>> -> memref<1001000xf32, #tpu.memory_space<hbm>>
    tpu.wait_indirect_dma semaphore(%arg19 : memref<!tpu.dma_semaphore, #tpu.memory_space<semaphore_mem>>) src(%dma_wait3A_569 : memref<1001000xf32, #tpu.memory_space<hbm>>) dst(%dma_wait3A_565 : memref<128xf32, #tpu.memory_space<vmem>>)
    %dma_wait3A_570 = arith.constant 256 : i32
    %dma_wait3A_571 = tpu.memref_slice %arg11[%dma_wait3A_570] : memref<3200xf32, #tpu.memory_space<vmem>> -> memref<128xf32, #tpu.memory_space<vmem>>
    %dma_wait3A_572 = arith.constant 256 : i32
    %dma_wait3A_573 = tpu.memref_slice %arg8[%dma_wait3A_572] : memref<3200xi32, #tpu.memory_space<vmem>> -> memref<128xi32, #tpu.memory_space<vmem>>
    %dma_wait3A_574 = arith.constant 0 : i32
    %dma_wait3A_575 = tpu.memref_slice %arg3[%dma_wait3A_574] : memref<1001000xf32, #tpu.memory_space<hbm>> -> memref<1001000xf32, #tpu.memory_space<hbm>>
    tpu.wait_indirect_dma semaphore(%arg19 : memref<!tpu.dma_semaphore, #tpu.memory_space<semaphore_mem>>) src(%dma_wait3A_575 : memref<1001000xf32, #tpu.memory_space<hbm>>) dst(%dma_wait3A_571 : memref<128xf32, #tpu.memory_space<vmem>>)
    %dma_wait3A_576 = arith.constant 384 : i32
    %dma_wait3A_577 = tpu.memref_slice %arg10[%dma_wait3A_576] : memref<3200xf32, #tpu.memory_space<vmem>> -> memref<128xf32, #tpu.memory_space<vmem>>
    %dma_wait3A_578 = arith.constant 384 : i32
    %dma_wait3A_579 = tpu.memref_slice %arg9[%dma_wait3A_578] : memref<3200xi32, #tpu.memory_space<vmem>> -> memref<128xi32, #tpu.memory_space<vmem>>
    %dma_wait3A_580 = arith.constant 0 : i32
    %dma_wait3A_581 = tpu.memref_slice %arg3[%dma_wait3A_580] : memref<1001000xf32, #tpu.memory_space<hbm>> -> memref<1001000xf32, #tpu.memory_space<hbm>>
    tpu.wait_indirect_dma semaphore(%arg19 : memref<!tpu.dma_semaphore, #tpu.memory_space<semaphore_mem>>) src(%dma_wait3A_581 : memref<1001000xf32, #tpu.memory_space<hbm>>) dst(%dma_wait3A_577 : memref<128xf32, #tpu.memory_space<vmem>>)
    %dma_wait3A_582 = arith.constant 384 : i32
    %dma_wait3A_583 = tpu.memref_slice %arg11[%dma_wait3A_582] : memref<3200xf32, #tpu.memory_space<vmem>> -> memref<128xf32, #tpu.memory_space<vmem>>
    %dma_wait3A_584 = arith.constant 384 : i32
    %dma_wait3A_585 = tpu.memref_slice %arg8[%dma_wait3A_584] : memref<3200xi32, #tpu.memory_space<vmem>> -> memref<128xi32, #tpu.memory_space<vmem>>
    %dma_wait3A_586 = arith.constant 0 : i32
    %dma_wait3A_587 = tpu.memref_slice %arg3[%dma_wait3A_586] : memref<1001000xf32, #tpu.memory_space<hbm>> -> memref<1001000xf32, #tpu.memory_space<hbm>>
    tpu.wait_indirect_dma semaphore(%arg19 : memref<!tpu.dma_semaphore, #tpu.memory_space<semaphore_mem>>) src(%dma_wait3A_587 : memref<1001000xf32, #tpu.memory_space<hbm>>) dst(%dma_wait3A_583 : memref<128xf32, #tpu.memory_space<vmem>>)
    %dma_wait3A_588 = arith.constant 512 : i32
    %dma_wait3A_589 = tpu.memref_slice %arg10[%dma_wait3A_588] : memref<3200xf32, #tpu.memory_space<vmem>> -> memref<128xf32, #tpu.memory_space<vmem>>
    %dma_wait3A_590 = arith.constant 512 : i32
    %dma_wait3A_591 = tpu.memref_slice %arg9[%dma_wait3A_590] : memref<3200xi32, #tpu.memory_space<vmem>> -> memref<128xi32, #tpu.memory_space<vmem>>
    %dma_wait3A_592 = arith.constant 0 : i32
    %dma_wait3A_593 = tpu.memref_slice %arg3[%dma_wait3A_592] : memref<1001000xf32, #tpu.memory_space<hbm>> -> memref<1001000xf32, #tpu.memory_space<hbm>>
    tpu.wait_indirect_dma semaphore(%arg19 : memref<!tpu.dma_semaphore, #tpu.memory_space<semaphore_mem>>) src(%dma_wait3A_593 : memref<1001000xf32, #tpu.memory_space<hbm>>) dst(%dma_wait3A_589 : memref<128xf32, #tpu.memory_space<vmem>>)
    %dma_wait3A_594 = arith.constant 512 : i32
    %dma_wait3A_595 = tpu.memref_slice %arg11[%dma_wait3A_594] : memref<3200xf32, #tpu.memory_space<vmem>> -> memref<128xf32, #tpu.memory_space<vmem>>
    %dma_wait3A_596 = arith.constant 512 : i32
    %dma_wait3A_597 = tpu.memref_slice %arg8[%dma_wait3A_596] : memref<3200xi32, #tpu.memory_space<vmem>> -> memref<128xi32, #tpu.memory_space<vmem>>
    %dma_wait3A_598 = arith.constant 0 : i32
    %dma_wait3A_599 = tpu.memref_slice %arg3[%dma_wait3A_598] : memref<1001000xf32, #tpu.memory_space<hbm>> -> memref<1001000xf32, #tpu.memory_space<hbm>>
    tpu.wait_indirect_dma semaphore(%arg19 : memref<!tpu.dma_semaphore, #tpu.memory_space<semaphore_mem>>) src(%dma_wait3A_599 : memref<1001000xf32, #tpu.memory_space<hbm>>) dst(%dma_wait3A_595 : memref<128xf32, #tpu.memory_space<vmem>>)
    %dma_wait3A_600 = arith.constant 640 : i32
    %dma_wait3A_601 = tpu.memref_slice %arg10[%dma_wait3A_600] : memref<3200xf32, #tpu.memory_space<vmem>> -> memref<128xf32, #tpu.memory_space<vmem>>
    %dma_wait3A_602 = arith.constant 640 : i32
    %dma_wait3A_603 = tpu.memref_slice %arg9[%dma_wait3A_602] : memref<3200xi32, #tpu.memory_space<vmem>> -> memref<128xi32, #tpu.memory_space<vmem>>
    %dma_wait3A_604 = arith.constant 0 : i32
    %dma_wait3A_605 = tpu.memref_slice %arg3[%dma_wait3A_604] : memref<1001000xf32, #tpu.memory_space<hbm>> -> memref<1001000xf32, #tpu.memory_space<hbm>>
    tpu.wait_indirect_dma semaphore(%arg19 : memref<!tpu.dma_semaphore, #tpu.memory_space<semaphore_mem>>) src(%dma_wait3A_605 : memref<1001000xf32, #tpu.memory_space<hbm>>) dst(%dma_wait3A_601 : memref<128xf32, #tpu.memory_space<vmem>>)
    %dma_wait3A_606 = arith.constant 640 : i32
    %dma_wait3A_607 = tpu.memref_slice %arg11[%dma_wait3A_606] : memref<3200xf32, #tpu.memory_space<vmem>> -> memref<128xf32, #tpu.memory_space<vmem>>
    %dma_wait3A_608 = arith.constant 640 : i32
    %dma_wait3A_609 = tpu.memref_slice %arg8[%dma_wait3A_608] : memref<3200xi32, #tpu.memory_space<vmem>> -> memref<128xi32, #tpu.memory_space<vmem>>
    %dma_wait3A_610 = arith.constant 0 : i32
    %dma_wait3A_611 = tpu.memref_slice %arg3[%dma_wait3A_610] : memref<1001000xf32, #tpu.memory_space<hbm>> -> memref<1001000xf32, #tpu.memory_space<hbm>>
    tpu.wait_indirect_dma semaphore(%arg19 : memref<!tpu.dma_semaphore, #tpu.memory_space<semaphore_mem>>) src(%dma_wait3A_611 : memref<1001000xf32, #tpu.memory_space<hbm>>) dst(%dma_wait3A_607 : memref<128xf32, #tpu.memory_space<vmem>>)
    %dma_wait3A_612 = arith.constant 768 : i32
    %dma_wait3A_613 = tpu.memref_slice %arg10[%dma_wait3A_612] : memref<3200xf32, #tpu.memory_space<vmem>> -> memref<128xf32, #tpu.memory_space<vmem>>
    %dma_wait3A_614 = arith.constant 768 : i32
    %dma_wait3A_615 = tpu.memref_slice %arg9[%dma_wait3A_614] : memref<3200xi32, #tpu.memory_space<vmem>> -> memref<128xi32, #tpu.memory_space<vmem>>
    %dma_wait3A_616 = arith.constant 0 : i32
    %dma_wait3A_617 = tpu.memref_slice %arg3[%dma_wait3A_616] : memref<1001000xf32, #tpu.memory_space<hbm>> -> memref<1001000xf32, #tpu.memory_space<hbm>>
    tpu.wait_indirect_dma semaphore(%arg19 : memref<!tpu.dma_semaphore, #tpu.memory_space<semaphore_mem>>) src(%dma_wait3A_617 : memref<1001000xf32, #tpu.memory_space<hbm>>) dst(%dma_wait3A_613 : memref<128xf32, #tpu.memory_space<vmem>>)
    %dma_wait3A_618 = arith.constant 768 : i32
    %dma_wait3A_619 = tpu.memref_slice %arg11[%dma_wait3A_618] : memref<3200xf32, #tpu.memory_space<vmem>> -> memref<128xf32, #tpu.memory_space<vmem>>
    %dma_wait3A_620 = arith.constant 768 : i32
    %dma_wait3A_621 = tpu.memref_slice %arg8[%dma_wait3A_620] : memref<3200xi32, #tpu.memory_space<vmem>> -> memref<128xi32, #tpu.memory_space<vmem>>
    %dma_wait3A_622 = arith.constant 0 : i32
    %dma_wait3A_623 = tpu.memref_slice %arg3[%dma_wait3A_622] : memref<1001000xf32, #tpu.memory_space<hbm>> -> memref<1001000xf32, #tpu.memory_space<hbm>>
    tpu.wait_indirect_dma semaphore(%arg19 : memref<!tpu.dma_semaphore, #tpu.memory_space<semaphore_mem>>) src(%dma_wait3A_623 : memref<1001000xf32, #tpu.memory_space<hbm>>) dst(%dma_wait3A_619 : memref<128xf32, #tpu.memory_space<vmem>>)
    %dma_wait3A_624 = arith.constant 896 : i32
    %dma_wait3A_625 = tpu.memref_slice %arg10[%dma_wait3A_624] : memref<3200xf32, #tpu.memory_space<vmem>> -> memref<128xf32, #tpu.memory_space<vmem>>
    %dma_wait3A_626 = arith.constant 896 : i32
    %dma_wait3A_627 = tpu.memref_slice %arg9[%dma_wait3A_626] : memref<3200xi32, #tpu.memory_space<vmem>> -> memref<128xi32, #tpu.memory_space<vmem>>
    %dma_wait3A_628 = arith.constant 0 : i32
    %dma_wait3A_629 = tpu.memref_slice %arg3[%dma_wait3A_628] : memref<1001000xf32, #tpu.memory_space<hbm>> -> memref<1001000xf32, #tpu.memory_space<hbm>>
    tpu.wait_indirect_dma semaphore(%arg19 : memref<!tpu.dma_semaphore, #tpu.memory_space<semaphore_mem>>) src(%dma_wait3A_629 : memref<1001000xf32, #tpu.memory_space<hbm>>) dst(%dma_wait3A_625 : memref<128xf32, #tpu.memory_space<vmem>>)
    %dma_wait3A_630 = arith.constant 896 : i32
    %dma_wait3A_631 = tpu.memref_slice %arg11[%dma_wait3A_630] : memref<3200xf32, #tpu.memory_space<vmem>> -> memref<128xf32, #tpu.memory_space<vmem>>
    %dma_wait3A_632 = arith.constant 896 : i32
    %dma_wait3A_633 = tpu.memref_slice %arg8[%dma_wait3A_632] : memref<3200xi32, #tpu.memory_space<vmem>> -> memref<128xi32, #tpu.memory_space<vmem>>
    %dma_wait3A_634 = arith.constant 0 : i32
    %dma_wait3A_635 = tpu.memref_slice %arg3[%dma_wait3A_634] : memref<1001000xf32, #tpu.memory_space<hbm>> -> memref<1001000xf32, #tpu.memory_space<hbm>>
    tpu.wait_indirect_dma semaphore(%arg19 : memref<!tpu.dma_semaphore, #tpu.memory_space<semaphore_mem>>) src(%dma_wait3A_635 : memref<1001000xf32, #tpu.memory_space<hbm>>) dst(%dma_wait3A_631 : memref<128xf32, #tpu.memory_space<vmem>>)
    %dma_wait3A_636 = arith.constant 1024 : i32
    %dma_wait3A_637 = tpu.memref_slice %arg10[%dma_wait3A_636] : memref<3200xf32, #tpu.memory_space<vmem>> -> memref<128xf32, #tpu.memory_space<vmem>>
    %dma_wait3A_638 = arith.constant 1024 : i32
    %dma_wait3A_639 = tpu.memref_slice %arg9[%dma_wait3A_638] : memref<3200xi32, #tpu.memory_space<vmem>> -> memref<128xi32, #tpu.memory_space<vmem>>
    %dma_wait3A_640 = arith.constant 0 : i32
    %dma_wait3A_641 = tpu.memref_slice %arg3[%dma_wait3A_640] : memref<1001000xf32, #tpu.memory_space<hbm>> -> memref<1001000xf32, #tpu.memory_space<hbm>>
    tpu.wait_indirect_dma semaphore(%arg19 : memref<!tpu.dma_semaphore, #tpu.memory_space<semaphore_mem>>) src(%dma_wait3A_641 : memref<1001000xf32, #tpu.memory_space<hbm>>) dst(%dma_wait3A_637 : memref<128xf32, #tpu.memory_space<vmem>>)
    %dma_wait3A_642 = arith.constant 1024 : i32
    %dma_wait3A_643 = tpu.memref_slice %arg11[%dma_wait3A_642] : memref<3200xf32, #tpu.memory_space<vmem>> -> memref<128xf32, #tpu.memory_space<vmem>>
    %dma_wait3A_644 = arith.constant 1024 : i32
    %dma_wait3A_645 = tpu.memref_slice %arg8[%dma_wait3A_644] : memref<3200xi32, #tpu.memory_space<vmem>> -> memref<128xi32, #tpu.memory_space<vmem>>
    %dma_wait3A_646 = arith.constant 0 : i32
    %dma_wait3A_647 = tpu.memref_slice %arg3[%dma_wait3A_646] : memref<1001000xf32, #tpu.memory_space<hbm>> -> memref<1001000xf32, #tpu.memory_space<hbm>>
    tpu.wait_indirect_dma semaphore(%arg19 : memref<!tpu.dma_semaphore, #tpu.memory_space<semaphore_mem>>) src(%dma_wait3A_647 : memref<1001000xf32, #tpu.memory_space<hbm>>) dst(%dma_wait3A_643 : memref<128xf32, #tpu.memory_space<vmem>>)
    %dma_wait3A_648 = arith.constant 1152 : i32
    %dma_wait3A_649 = tpu.memref_slice %arg10[%dma_wait3A_648] : memref<3200xf32, #tpu.memory_space<vmem>> -> memref<128xf32, #tpu.memory_space<vmem>>
    %dma_wait3A_650 = arith.constant 1152 : i32
    %dma_wait3A_651 = tpu.memref_slice %arg9[%dma_wait3A_650] : memref<3200xi32, #tpu.memory_space<vmem>> -> memref<128xi32, #tpu.memory_space<vmem>>
    %dma_wait3A_652 = arith.constant 0 : i32
    %dma_wait3A_653 = tpu.memref_slice %arg3[%dma_wait3A_652] : memref<1001000xf32, #tpu.memory_space<hbm>> -> memref<1001000xf32, #tpu.memory_space<hbm>>
    tpu.wait_indirect_dma semaphore(%arg19 : memref<!tpu.dma_semaphore, #tpu.memory_space<semaphore_mem>>) src(%dma_wait3A_653 : memref<1001000xf32, #tpu.memory_space<hbm>>) dst(%dma_wait3A_649 : memref<128xf32, #tpu.memory_space<vmem>>)
    %dma_wait3A_654 = arith.constant 1152 : i32
    %dma_wait3A_655 = tpu.memref_slice %arg11[%dma_wait3A_654] : memref<3200xf32, #tpu.memory_space<vmem>> -> memref<128xf32, #tpu.memory_space<vmem>>
    %dma_wait3A_656 = arith.constant 1152 : i32
    %dma_wait3A_657 = tpu.memref_slice %arg8[%dma_wait3A_656] : memref<3200xi32, #tpu.memory_space<vmem>> -> memref<128xi32, #tpu.memory_space<vmem>>
    %dma_wait3A_658 = arith.constant 0 : i32
    %dma_wait3A_659 = tpu.memref_slice %arg3[%dma_wait3A_658] : memref<1001000xf32, #tpu.memory_space<hbm>> -> memref<1001000xf32, #tpu.memory_space<hbm>>
    tpu.wait_indirect_dma semaphore(%arg19 : memref<!tpu.dma_semaphore, #tpu.memory_space<semaphore_mem>>) src(%dma_wait3A_659 : memref<1001000xf32, #tpu.memory_space<hbm>>) dst(%dma_wait3A_655 : memref<128xf32, #tpu.memory_space<vmem>>)
    %dma_wait3A_660 = arith.constant 1280 : i32
    %dma_wait3A_661 = tpu.memref_slice %arg10[%dma_wait3A_660] : memref<3200xf32, #tpu.memory_space<vmem>> -> memref<128xf32, #tpu.memory_space<vmem>>
    %dma_wait3A_662 = arith.constant 1280 : i32
    %dma_wait3A_663 = tpu.memref_slice %arg9[%dma_wait3A_662] : memref<3200xi32, #tpu.memory_space<vmem>> -> memref<128xi32, #tpu.memory_space<vmem>>
    %dma_wait3A_664 = arith.constant 0 : i32
    %dma_wait3A_665 = tpu.memref_slice %arg3[%dma_wait3A_664] : memref<1001000xf32, #tpu.memory_space<hbm>> -> memref<1001000xf32, #tpu.memory_space<hbm>>
    tpu.wait_indirect_dma semaphore(%arg19 : memref<!tpu.dma_semaphore, #tpu.memory_space<semaphore_mem>>) src(%dma_wait3A_665 : memref<1001000xf32, #tpu.memory_space<hbm>>) dst(%dma_wait3A_661 : memref<128xf32, #tpu.memory_space<vmem>>)
    %dma_wait3A_666 = arith.constant 1280 : i32
    %dma_wait3A_667 = tpu.memref_slice %arg11[%dma_wait3A_666] : memref<3200xf32, #tpu.memory_space<vmem>> -> memref<128xf32, #tpu.memory_space<vmem>>
    %dma_wait3A_668 = arith.constant 1280 : i32
    %dma_wait3A_669 = tpu.memref_slice %arg8[%dma_wait3A_668] : memref<3200xi32, #tpu.memory_space<vmem>> -> memref<128xi32, #tpu.memory_space<vmem>>
    %dma_wait3A_670 = arith.constant 0 : i32
    %dma_wait3A_671 = tpu.memref_slice %arg3[%dma_wait3A_670] : memref<1001000xf32, #tpu.memory_space<hbm>> -> memref<1001000xf32, #tpu.memory_space<hbm>>
    tpu.wait_indirect_dma semaphore(%arg19 : memref<!tpu.dma_semaphore, #tpu.memory_space<semaphore_mem>>) src(%dma_wait3A_671 : memref<1001000xf32, #tpu.memory_space<hbm>>) dst(%dma_wait3A_667 : memref<128xf32, #tpu.memory_space<vmem>>)
    %dma_wait3A_672 = arith.constant 1408 : i32
    %dma_wait3A_673 = tpu.memref_slice %arg10[%dma_wait3A_672] : memref<3200xf32, #tpu.memory_space<vmem>> -> memref<128xf32, #tpu.memory_space<vmem>>
    %dma_wait3A_674 = arith.constant 1408 : i32
    %dma_wait3A_675 = tpu.memref_slice %arg9[%dma_wait3A_674] : memref<3200xi32, #tpu.memory_space<vmem>> -> memref<128xi32, #tpu.memory_space<vmem>>
    %dma_wait3A_676 = arith.constant 0 : i32
    %dma_wait3A_677 = tpu.memref_slice %arg3[%dma_wait3A_676] : memref<1001000xf32, #tpu.memory_space<hbm>> -> memref<1001000xf32, #tpu.memory_space<hbm>>
    tpu.wait_indirect_dma semaphore(%arg19 : memref<!tpu.dma_semaphore, #tpu.memory_space<semaphore_mem>>) src(%dma_wait3A_677 : memref<1001000xf32, #tpu.memory_space<hbm>>) dst(%dma_wait3A_673 : memref<128xf32, #tpu.memory_space<vmem>>)
    %dma_wait3A_678 = arith.constant 1408 : i32
    %dma_wait3A_679 = tpu.memref_slice %arg11[%dma_wait3A_678] : memref<3200xf32, #tpu.memory_space<vmem>> -> memref<128xf32, #tpu.memory_space<vmem>>
    %dma_wait3A_680 = arith.constant 1408 : i32
    %dma_wait3A_681 = tpu.memref_slice %arg8[%dma_wait3A_680] : memref<3200xi32, #tpu.memory_space<vmem>> -> memref<128xi32, #tpu.memory_space<vmem>>
    %dma_wait3A_682 = arith.constant 0 : i32
    %dma_wait3A_683 = tpu.memref_slice %arg3[%dma_wait3A_682] : memref<1001000xf32, #tpu.memory_space<hbm>> -> memref<1001000xf32, #tpu.memory_space<hbm>>
    tpu.wait_indirect_dma semaphore(%arg19 : memref<!tpu.dma_semaphore, #tpu.memory_space<semaphore_mem>>) src(%dma_wait3A_683 : memref<1001000xf32, #tpu.memory_space<hbm>>) dst(%dma_wait3A_679 : memref<128xf32, #tpu.memory_space<vmem>>)
    %dma_wait3A_684 = arith.constant 1536 : i32
    %dma_wait3A_685 = tpu.memref_slice %arg10[%dma_wait3A_684] : memref<3200xf32, #tpu.memory_space<vmem>> -> memref<128xf32, #tpu.memory_space<vmem>>
    %dma_wait3A_686 = arith.constant 1536 : i32
    %dma_wait3A_687 = tpu.memref_slice %arg9[%dma_wait3A_686] : memref<3200xi32, #tpu.memory_space<vmem>> -> memref<128xi32, #tpu.memory_space<vmem>>
    %dma_wait3A_688 = arith.constant 0 : i32
    %dma_wait3A_689 = tpu.memref_slice %arg3[%dma_wait3A_688] : memref<1001000xf32, #tpu.memory_space<hbm>> -> memref<1001000xf32, #tpu.memory_space<hbm>>
    tpu.wait_indirect_dma semaphore(%arg19 : memref<!tpu.dma_semaphore, #tpu.memory_space<semaphore_mem>>) src(%dma_wait3A_689 : memref<1001000xf32, #tpu.memory_space<hbm>>) dst(%dma_wait3A_685 : memref<128xf32, #tpu.memory_space<vmem>>)
    %dma_wait3A_690 = arith.constant 1536 : i32
    %dma_wait3A_691 = tpu.memref_slice %arg11[%dma_wait3A_690] : memref<3200xf32, #tpu.memory_space<vmem>> -> memref<128xf32, #tpu.memory_space<vmem>>
    %dma_wait3A_692 = arith.constant 1536 : i32
    %dma_wait3A_693 = tpu.memref_slice %arg8[%dma_wait3A_692] : memref<3200xi32, #tpu.memory_space<vmem>> -> memref<128xi32, #tpu.memory_space<vmem>>
    %dma_wait3A_694 = arith.constant 0 : i32
    %dma_wait3A_695 = tpu.memref_slice %arg3[%dma_wait3A_694] : memref<1001000xf32, #tpu.memory_space<hbm>> -> memref<1001000xf32, #tpu.memory_space<hbm>>
    tpu.wait_indirect_dma semaphore(%arg19 : memref<!tpu.dma_semaphore, #tpu.memory_space<semaphore_mem>>) src(%dma_wait3A_695 : memref<1001000xf32, #tpu.memory_space<hbm>>) dst(%dma_wait3A_691 : memref<128xf32, #tpu.memory_space<vmem>>)
    %dma_wait3A_696 = arith.constant 1664 : i32
    %dma_wait3A_697 = tpu.memref_slice %arg10[%dma_wait3A_696] : memref<3200xf32, #tpu.memory_space<vmem>> -> memref<128xf32, #tpu.memory_space<vmem>>
    %dma_wait3A_698 = arith.constant 1664 : i32
    %dma_wait3A_699 = tpu.memref_slice %arg9[%dma_wait3A_698] : memref<3200xi32, #tpu.memory_space<vmem>> -> memref<128xi32, #tpu.memory_space<vmem>>
    %dma_wait3A_700 = arith.constant 0 : i32
    %dma_wait3A_701 = tpu.memref_slice %arg3[%dma_wait3A_700] : memref<1001000xf32, #tpu.memory_space<hbm>> -> memref<1001000xf32, #tpu.memory_space<hbm>>
    tpu.wait_indirect_dma semaphore(%arg19 : memref<!tpu.dma_semaphore, #tpu.memory_space<semaphore_mem>>) src(%dma_wait3A_701 : memref<1001000xf32, #tpu.memory_space<hbm>>) dst(%dma_wait3A_697 : memref<128xf32, #tpu.memory_space<vmem>>)
    %dma_wait3A_702 = arith.constant 1664 : i32
    %dma_wait3A_703 = tpu.memref_slice %arg11[%dma_wait3A_702] : memref<3200xf32, #tpu.memory_space<vmem>> -> memref<128xf32, #tpu.memory_space<vmem>>
    %dma_wait3A_704 = arith.constant 1664 : i32
    %dma_wait3A_705 = tpu.memref_slice %arg8[%dma_wait3A_704] : memref<3200xi32, #tpu.memory_space<vmem>> -> memref<128xi32, #tpu.memory_space<vmem>>
    %dma_wait3A_706 = arith.constant 0 : i32
    %dma_wait3A_707 = tpu.memref_slice %arg3[%dma_wait3A_706] : memref<1001000xf32, #tpu.memory_space<hbm>> -> memref<1001000xf32, #tpu.memory_space<hbm>>
    tpu.wait_indirect_dma semaphore(%arg19 : memref<!tpu.dma_semaphore, #tpu.memory_space<semaphore_mem>>) src(%dma_wait3A_707 : memref<1001000xf32, #tpu.memory_space<hbm>>) dst(%dma_wait3A_703 : memref<128xf32, #tpu.memory_space<vmem>>)
    %dma_wait3A_708 = arith.constant 1792 : i32
    %dma_wait3A_709 = tpu.memref_slice %arg10[%dma_wait3A_708] : memref<3200xf32, #tpu.memory_space<vmem>> -> memref<128xf32, #tpu.memory_space<vmem>>
    %dma_wait3A_710 = arith.constant 1792 : i32
    %dma_wait3A_711 = tpu.memref_slice %arg9[%dma_wait3A_710] : memref<3200xi32, #tpu.memory_space<vmem>> -> memref<128xi32, #tpu.memory_space<vmem>>
    %dma_wait3A_712 = arith.constant 0 : i32
    %dma_wait3A_713 = tpu.memref_slice %arg3[%dma_wait3A_712] : memref<1001000xf32, #tpu.memory_space<hbm>> -> memref<1001000xf32, #tpu.memory_space<hbm>>
    tpu.wait_indirect_dma semaphore(%arg19 : memref<!tpu.dma_semaphore, #tpu.memory_space<semaphore_mem>>) src(%dma_wait3A_713 : memref<1001000xf32, #tpu.memory_space<hbm>>) dst(%dma_wait3A_709 : memref<128xf32, #tpu.memory_space<vmem>>)
    %dma_wait3A_714 = arith.constant 1792 : i32
    %dma_wait3A_715 = tpu.memref_slice %arg11[%dma_wait3A_714] : memref<3200xf32, #tpu.memory_space<vmem>> -> memref<128xf32, #tpu.memory_space<vmem>>
    %dma_wait3A_716 = arith.constant 1792 : i32
    %dma_wait3A_717 = tpu.memref_slice %arg8[%dma_wait3A_716] : memref<3200xi32, #tpu.memory_space<vmem>> -> memref<128xi32, #tpu.memory_space<vmem>>
    %dma_wait3A_718 = arith.constant 0 : i32
    %dma_wait3A_719 = tpu.memref_slice %arg3[%dma_wait3A_718] : memref<1001000xf32, #tpu.memory_space<hbm>> -> memref<1001000xf32, #tpu.memory_space<hbm>>
    tpu.wait_indirect_dma semaphore(%arg19 : memref<!tpu.dma_semaphore, #tpu.memory_space<semaphore_mem>>) src(%dma_wait3A_719 : memref<1001000xf32, #tpu.memory_space<hbm>>) dst(%dma_wait3A_715 : memref<128xf32, #tpu.memory_space<vmem>>)
    %dma_wait3A_720 = arith.constant 1920 : i32
    %dma_wait3A_721 = tpu.memref_slice %arg10[%dma_wait3A_720] : memref<3200xf32, #tpu.memory_space<vmem>> -> memref<128xf32, #tpu.memory_space<vmem>>
    %dma_wait3A_722 = arith.constant 1920 : i32
    %dma_wait3A_723 = tpu.memref_slice %arg9[%dma_wait3A_722] : memref<3200xi32, #tpu.memory_space<vmem>> -> memref<128xi32, #tpu.memory_space<vmem>>
    %dma_wait3A_724 = arith.constant 0 : i32
    %dma_wait3A_725 = tpu.memref_slice %arg3[%dma_wait3A_724] : memref<1001000xf32, #tpu.memory_space<hbm>> -> memref<1001000xf32, #tpu.memory_space<hbm>>
    tpu.wait_indirect_dma semaphore(%arg19 : memref<!tpu.dma_semaphore, #tpu.memory_space<semaphore_mem>>) src(%dma_wait3A_725 : memref<1001000xf32, #tpu.memory_space<hbm>>) dst(%dma_wait3A_721 : memref<128xf32, #tpu.memory_space<vmem>>)
    %dma_wait3A_726 = arith.constant 1920 : i32
    %dma_wait3A_727 = tpu.memref_slice %arg11[%dma_wait3A_726] : memref<3200xf32, #tpu.memory_space<vmem>> -> memref<128xf32, #tpu.memory_space<vmem>>
    %dma_wait3A_728 = arith.constant 1920 : i32
    %dma_wait3A_729 = tpu.memref_slice %arg8[%dma_wait3A_728] : memref<3200xi32, #tpu.memory_space<vmem>> -> memref<128xi32, #tpu.memory_space<vmem>>
    %dma_wait3A_730 = arith.constant 0 : i32
    %dma_wait3A_731 = tpu.memref_slice %arg3[%dma_wait3A_730] : memref<1001000xf32, #tpu.memory_space<hbm>> -> memref<1001000xf32, #tpu.memory_space<hbm>>
    tpu.wait_indirect_dma semaphore(%arg19 : memref<!tpu.dma_semaphore, #tpu.memory_space<semaphore_mem>>) src(%dma_wait3A_731 : memref<1001000xf32, #tpu.memory_space<hbm>>) dst(%dma_wait3A_727 : memref<128xf32, #tpu.memory_space<vmem>>)
    %dma_wait3A_732 = arith.constant 2048 : i32
    %dma_wait3A_733 = tpu.memref_slice %arg10[%dma_wait3A_732] : memref<3200xf32, #tpu.memory_space<vmem>> -> memref<128xf32, #tpu.memory_space<vmem>>
    %dma_wait3A_734 = arith.constant 2048 : i32
    %dma_wait3A_735 = tpu.memref_slice %arg9[%dma_wait3A_734] : memref<3200xi32, #tpu.memory_space<vmem>> -> memref<128xi32, #tpu.memory_space<vmem>>
    %dma_wait3A_736 = arith.constant 0 : i32
    %dma_wait3A_737 = tpu.memref_slice %arg3[%dma_wait3A_736] : memref<1001000xf32, #tpu.memory_space<hbm>> -> memref<1001000xf32, #tpu.memory_space<hbm>>
    tpu.wait_indirect_dma semaphore(%arg19 : memref<!tpu.dma_semaphore, #tpu.memory_space<semaphore_mem>>) src(%dma_wait3A_737 : memref<1001000xf32, #tpu.memory_space<hbm>>) dst(%dma_wait3A_733 : memref<128xf32, #tpu.memory_space<vmem>>)
    %dma_wait3A_738 = arith.constant 2048 : i32
    %dma_wait3A_739 = tpu.memref_slice %arg11[%dma_wait3A_738] : memref<3200xf32, #tpu.memory_space<vmem>> -> memref<128xf32, #tpu.memory_space<vmem>>
    %dma_wait3A_740 = arith.constant 2048 : i32
    %dma_wait3A_741 = tpu.memref_slice %arg8[%dma_wait3A_740] : memref<3200xi32, #tpu.memory_space<vmem>> -> memref<128xi32, #tpu.memory_space<vmem>>
    %dma_wait3A_742 = arith.constant 0 : i32
    %dma_wait3A_743 = tpu.memref_slice %arg3[%dma_wait3A_742] : memref<1001000xf32, #tpu.memory_space<hbm>> -> memref<1001000xf32, #tpu.memory_space<hbm>>
    tpu.wait_indirect_dma semaphore(%arg19 : memref<!tpu.dma_semaphore, #tpu.memory_space<semaphore_mem>>) src(%dma_wait3A_743 : memref<1001000xf32, #tpu.memory_space<hbm>>) dst(%dma_wait3A_739 : memref<128xf32, #tpu.memory_space<vmem>>)
    %dma_wait3A_744 = arith.constant 2176 : i32
    %dma_wait3A_745 = tpu.memref_slice %arg10[%dma_wait3A_744] : memref<3200xf32, #tpu.memory_space<vmem>> -> memref<128xf32, #tpu.memory_space<vmem>>
    %dma_wait3A_746 = arith.constant 2176 : i32
    %dma_wait3A_747 = tpu.memref_slice %arg9[%dma_wait3A_746] : memref<3200xi32, #tpu.memory_space<vmem>> -> memref<128xi32, #tpu.memory_space<vmem>>
    %dma_wait3A_748 = arith.constant 0 : i32
    %dma_wait3A_749 = tpu.memref_slice %arg3[%dma_wait3A_748] : memref<1001000xf32, #tpu.memory_space<hbm>> -> memref<1001000xf32, #tpu.memory_space<hbm>>
    tpu.wait_indirect_dma semaphore(%arg19 : memref<!tpu.dma_semaphore, #tpu.memory_space<semaphore_mem>>) src(%dma_wait3A_749 : memref<1001000xf32, #tpu.memory_space<hbm>>) dst(%dma_wait3A_745 : memref<128xf32, #tpu.memory_space<vmem>>)
    %dma_wait3A_750 = arith.constant 2176 : i32
    %dma_wait3A_751 = tpu.memref_slice %arg11[%dma_wait3A_750] : memref<3200xf32, #tpu.memory_space<vmem>> -> memref<128xf32, #tpu.memory_space<vmem>>
    %dma_wait3A_752 = arith.constant 2176 : i32
    %dma_wait3A_753 = tpu.memref_slice %arg8[%dma_wait3A_752] : memref<3200xi32, #tpu.memory_space<vmem>> -> memref<128xi32, #tpu.memory_space<vmem>>
    %dma_wait3A_754 = arith.constant 0 : i32
    %dma_wait3A_755 = tpu.memref_slice %arg3[%dma_wait3A_754] : memref<1001000xf32, #tpu.memory_space<hbm>> -> memref<1001000xf32, #tpu.memory_space<hbm>>
    tpu.wait_indirect_dma semaphore(%arg19 : memref<!tpu.dma_semaphore, #tpu.memory_space<semaphore_mem>>) src(%dma_wait3A_755 : memref<1001000xf32, #tpu.memory_space<hbm>>) dst(%dma_wait3A_751 : memref<128xf32, #tpu.memory_space<vmem>>)
    %dma_wait3A_756 = arith.constant 2304 : i32
    %dma_wait3A_757 = tpu.memref_slice %arg10[%dma_wait3A_756] : memref<3200xf32, #tpu.memory_space<vmem>> -> memref<128xf32, #tpu.memory_space<vmem>>
    %dma_wait3A_758 = arith.constant 2304 : i32
    %dma_wait3A_759 = tpu.memref_slice %arg9[%dma_wait3A_758] : memref<3200xi32, #tpu.memory_space<vmem>> -> memref<128xi32, #tpu.memory_space<vmem>>
    %dma_wait3A_760 = arith.constant 0 : i32
    %dma_wait3A_761 = tpu.memref_slice %arg3[%dma_wait3A_760] : memref<1001000xf32, #tpu.memory_space<hbm>> -> memref<1001000xf32, #tpu.memory_space<hbm>>
    tpu.wait_indirect_dma semaphore(%arg19 : memref<!tpu.dma_semaphore, #tpu.memory_space<semaphore_mem>>) src(%dma_wait3A_761 : memref<1001000xf32, #tpu.memory_space<hbm>>) dst(%dma_wait3A_757 : memref<128xf32, #tpu.memory_space<vmem>>)
    %dma_wait3A_762 = arith.constant 2304 : i32
    %dma_wait3A_763 = tpu.memref_slice %arg11[%dma_wait3A_762] : memref<3200xf32, #tpu.memory_space<vmem>> -> memref<128xf32, #tpu.memory_space<vmem>>
    %dma_wait3A_764 = arith.constant 2304 : i32
    %dma_wait3A_765 = tpu.memref_slice %arg8[%dma_wait3A_764] : memref<3200xi32, #tpu.memory_space<vmem>> -> memref<128xi32, #tpu.memory_space<vmem>>
    %dma_wait3A_766 = arith.constant 0 : i32
    %dma_wait3A_767 = tpu.memref_slice %arg3[%dma_wait3A_766] : memref<1001000xf32, #tpu.memory_space<hbm>> -> memref<1001000xf32, #tpu.memory_space<hbm>>
    tpu.wait_indirect_dma semaphore(%arg19 : memref<!tpu.dma_semaphore, #tpu.memory_space<semaphore_mem>>) src(%dma_wait3A_767 : memref<1001000xf32, #tpu.memory_space<hbm>>) dst(%dma_wait3A_763 : memref<128xf32, #tpu.memory_space<vmem>>)
    %dma_wait3A_768 = arith.constant 2432 : i32
    %dma_wait3A_769 = tpu.memref_slice %arg10[%dma_wait3A_768] : memref<3200xf32, #tpu.memory_space<vmem>> -> memref<128xf32, #tpu.memory_space<vmem>>
    %dma_wait3A_770 = arith.constant 2432 : i32
    %dma_wait3A_771 = tpu.memref_slice %arg9[%dma_wait3A_770] : memref<3200xi32, #tpu.memory_space<vmem>> -> memref<128xi32, #tpu.memory_space<vmem>>
    %dma_wait3A_772 = arith.constant 0 : i32
    %dma_wait3A_773 = tpu.memref_slice %arg3[%dma_wait3A_772] : memref<1001000xf32, #tpu.memory_space<hbm>> -> memref<1001000xf32, #tpu.memory_space<hbm>>
    tpu.wait_indirect_dma semaphore(%arg19 : memref<!tpu.dma_semaphore, #tpu.memory_space<semaphore_mem>>) src(%dma_wait3A_773 : memref<1001000xf32, #tpu.memory_space<hbm>>) dst(%dma_wait3A_769 : memref<128xf32, #tpu.memory_space<vmem>>)
    %dma_wait3A_774 = arith.constant 2432 : i32
    %dma_wait3A_775 = tpu.memref_slice %arg11[%dma_wait3A_774] : memref<3200xf32, #tpu.memory_space<vmem>> -> memref<128xf32, #tpu.memory_space<vmem>>
    %dma_wait3A_776 = arith.constant 2432 : i32
    %dma_wait3A_777 = tpu.memref_slice %arg8[%dma_wait3A_776] : memref<3200xi32, #tpu.memory_space<vmem>> -> memref<128xi32, #tpu.memory_space<vmem>>
    %dma_wait3A_778 = arith.constant 0 : i32
    %dma_wait3A_779 = tpu.memref_slice %arg3[%dma_wait3A_778] : memref<1001000xf32, #tpu.memory_space<hbm>> -> memref<1001000xf32, #tpu.memory_space<hbm>>
    tpu.wait_indirect_dma semaphore(%arg19 : memref<!tpu.dma_semaphore, #tpu.memory_space<semaphore_mem>>) src(%dma_wait3A_779 : memref<1001000xf32, #tpu.memory_space<hbm>>) dst(%dma_wait3A_775 : memref<128xf32, #tpu.memory_space<vmem>>)
    %dma_wait3A_780 = arith.constant 2560 : i32
    %dma_wait3A_781 = tpu.memref_slice %arg10[%dma_wait3A_780] : memref<3200xf32, #tpu.memory_space<vmem>> -> memref<128xf32, #tpu.memory_space<vmem>>
    %dma_wait3A_782 = arith.constant 2560 : i32
    %dma_wait3A_783 = tpu.memref_slice %arg9[%dma_wait3A_782] : memref<3200xi32, #tpu.memory_space<vmem>> -> memref<128xi32, #tpu.memory_space<vmem>>
    %dma_wait3A_784 = arith.constant 0 : i32
    %dma_wait3A_785 = tpu.memref_slice %arg3[%dma_wait3A_784] : memref<1001000xf32, #tpu.memory_space<hbm>> -> memref<1001000xf32, #tpu.memory_space<hbm>>
    tpu.wait_indirect_dma semaphore(%arg19 : memref<!tpu.dma_semaphore, #tpu.memory_space<semaphore_mem>>) src(%dma_wait3A_785 : memref<1001000xf32, #tpu.memory_space<hbm>>) dst(%dma_wait3A_781 : memref<128xf32, #tpu.memory_space<vmem>>)
    %dma_wait3A_786 = arith.constant 2560 : i32
    %dma_wait3A_787 = tpu.memref_slice %arg11[%dma_wait3A_786] : memref<3200xf32, #tpu.memory_space<vmem>> -> memref<128xf32, #tpu.memory_space<vmem>>
    %dma_wait3A_788 = arith.constant 2560 : i32
    %dma_wait3A_789 = tpu.memref_slice %arg8[%dma_wait3A_788] : memref<3200xi32, #tpu.memory_space<vmem>> -> memref<128xi32, #tpu.memory_space<vmem>>
    %dma_wait3A_790 = arith.constant 0 : i32
    %dma_wait3A_791 = tpu.memref_slice %arg3[%dma_wait3A_790] : memref<1001000xf32, #tpu.memory_space<hbm>> -> memref<1001000xf32, #tpu.memory_space<hbm>>
    tpu.wait_indirect_dma semaphore(%arg19 : memref<!tpu.dma_semaphore, #tpu.memory_space<semaphore_mem>>) src(%dma_wait3A_791 : memref<1001000xf32, #tpu.memory_space<hbm>>) dst(%dma_wait3A_787 : memref<128xf32, #tpu.memory_space<vmem>>)
    %dma_wait3A_792 = arith.constant 2688 : i32
    %dma_wait3A_793 = tpu.memref_slice %arg10[%dma_wait3A_792] : memref<3200xf32, #tpu.memory_space<vmem>> -> memref<128xf32, #tpu.memory_space<vmem>>
    %dma_wait3A_794 = arith.constant 2688 : i32
    %dma_wait3A_795 = tpu.memref_slice %arg9[%dma_wait3A_794] : memref<3200xi32, #tpu.memory_space<vmem>> -> memref<128xi32, #tpu.memory_space<vmem>>
    %dma_wait3A_796 = arith.constant 0 : i32
    %dma_wait3A_797 = tpu.memref_slice %arg3[%dma_wait3A_796] : memref<1001000xf32, #tpu.memory_space<hbm>> -> memref<1001000xf32, #tpu.memory_space<hbm>>
    tpu.wait_indirect_dma semaphore(%arg19 : memref<!tpu.dma_semaphore, #tpu.memory_space<semaphore_mem>>) src(%dma_wait3A_797 : memref<1001000xf32, #tpu.memory_space<hbm>>) dst(%dma_wait3A_793 : memref<128xf32, #tpu.memory_space<vmem>>)
    %dma_wait3A_798 = arith.constant 2688 : i32
    %dma_wait3A_799 = tpu.memref_slice %arg11[%dma_wait3A_798] : memref<3200xf32, #tpu.memory_space<vmem>> -> memref<128xf32, #tpu.memory_space<vmem>>
    %dma_wait3A_800 = arith.constant 2688 : i32
    %dma_wait3A_801 = tpu.memref_slice %arg8[%dma_wait3A_800] : memref<3200xi32, #tpu.memory_space<vmem>> -> memref<128xi32, #tpu.memory_space<vmem>>
    %dma_wait3A_802 = arith.constant 0 : i32
    %dma_wait3A_803 = tpu.memref_slice %arg3[%dma_wait3A_802] : memref<1001000xf32, #tpu.memory_space<hbm>> -> memref<1001000xf32, #tpu.memory_space<hbm>>
    tpu.wait_indirect_dma semaphore(%arg19 : memref<!tpu.dma_semaphore, #tpu.memory_space<semaphore_mem>>) src(%dma_wait3A_803 : memref<1001000xf32, #tpu.memory_space<hbm>>) dst(%dma_wait3A_799 : memref<128xf32, #tpu.memory_space<vmem>>)
    %dma_wait3A_804 = arith.constant 2816 : i32
    %dma_wait3A_805 = tpu.memref_slice %arg10[%dma_wait3A_804] : memref<3200xf32, #tpu.memory_space<vmem>> -> memref<128xf32, #tpu.memory_space<vmem>>
    %dma_wait3A_806 = arith.constant 2816 : i32
    %dma_wait3A_807 = tpu.memref_slice %arg9[%dma_wait3A_806] : memref<3200xi32, #tpu.memory_space<vmem>> -> memref<128xi32, #tpu.memory_space<vmem>>
    %dma_wait3A_808 = arith.constant 0 : i32
    %dma_wait3A_809 = tpu.memref_slice %arg3[%dma_wait3A_808] : memref<1001000xf32, #tpu.memory_space<hbm>> -> memref<1001000xf32, #tpu.memory_space<hbm>>
    tpu.wait_indirect_dma semaphore(%arg19 : memref<!tpu.dma_semaphore, #tpu.memory_space<semaphore_mem>>) src(%dma_wait3A_809 : memref<1001000xf32, #tpu.memory_space<hbm>>) dst(%dma_wait3A_805 : memref<128xf32, #tpu.memory_space<vmem>>)
    %dma_wait3A_810 = arith.constant 2816 : i32
    %dma_wait3A_811 = tpu.memref_slice %arg11[%dma_wait3A_810] : memref<3200xf32, #tpu.memory_space<vmem>> -> memref<128xf32, #tpu.memory_space<vmem>>
    %dma_wait3A_812 = arith.constant 2816 : i32
    %dma_wait3A_813 = tpu.memref_slice %arg8[%dma_wait3A_812] : memref<3200xi32, #tpu.memory_space<vmem>> -> memref<128xi32, #tpu.memory_space<vmem>>
    %dma_wait3A_814 = arith.constant 0 : i32
    %dma_wait3A_815 = tpu.memref_slice %arg3[%dma_wait3A_814] : memref<1001000xf32, #tpu.memory_space<hbm>> -> memref<1001000xf32, #tpu.memory_space<hbm>>
    tpu.wait_indirect_dma semaphore(%arg19 : memref<!tpu.dma_semaphore, #tpu.memory_space<semaphore_mem>>) src(%dma_wait3A_815 : memref<1001000xf32, #tpu.memory_space<hbm>>) dst(%dma_wait3A_811 : memref<128xf32, #tpu.memory_space<vmem>>)
    %dma_wait3A_816 = arith.constant 2944 : i32
    %dma_wait3A_817 = tpu.memref_slice %arg10[%dma_wait3A_816] : memref<3200xf32, #tpu.memory_space<vmem>> -> memref<128xf32, #tpu.memory_space<vmem>>
    %dma_wait3A_818 = arith.constant 2944 : i32
    %dma_wait3A_819 = tpu.memref_slice %arg9[%dma_wait3A_818] : memref<3200xi32, #tpu.memory_space<vmem>> -> memref<128xi32, #tpu.memory_space<vmem>>
    %dma_wait3A_820 = arith.constant 0 : i32
    %dma_wait3A_821 = tpu.memref_slice %arg3[%dma_wait3A_820] : memref<1001000xf32, #tpu.memory_space<hbm>> -> memref<1001000xf32, #tpu.memory_space<hbm>>
    tpu.wait_indirect_dma semaphore(%arg19 : memref<!tpu.dma_semaphore, #tpu.memory_space<semaphore_mem>>) src(%dma_wait3A_821 : memref<1001000xf32, #tpu.memory_space<hbm>>) dst(%dma_wait3A_817 : memref<128xf32, #tpu.memory_space<vmem>>)
    %dma_wait3A_822 = arith.constant 2944 : i32
    %dma_wait3A_823 = tpu.memref_slice %arg11[%dma_wait3A_822] : memref<3200xf32, #tpu.memory_space<vmem>> -> memref<128xf32, #tpu.memory_space<vmem>>
    %dma_wait3A_824 = arith.constant 2944 : i32
    %dma_wait3A_825 = tpu.memref_slice %arg8[%dma_wait3A_824] : memref<3200xi32, #tpu.memory_space<vmem>> -> memref<128xi32, #tpu.memory_space<vmem>>
    %dma_wait3A_826 = arith.constant 0 : i32
    %dma_wait3A_827 = tpu.memref_slice %arg3[%dma_wait3A_826] : memref<1001000xf32, #tpu.memory_space<hbm>> -> memref<1001000xf32, #tpu.memory_space<hbm>>
    tpu.wait_indirect_dma semaphore(%arg19 : memref<!tpu.dma_semaphore, #tpu.memory_space<semaphore_mem>>) src(%dma_wait3A_827 : memref<1001000xf32, #tpu.memory_space<hbm>>) dst(%dma_wait3A_823 : memref<128xf32, #tpu.memory_space<vmem>>)
    %dma_wait3A_828 = arith.constant 3072 : i32
    %dma_wait3A_829 = tpu.memref_slice %arg10[%dma_wait3A_828] : memref<3200xf32, #tpu.memory_space<vmem>> -> memref<128xf32, #tpu.memory_space<vmem>>
    %dma_wait3A_830 = arith.constant 3072 : i32
    %dma_wait3A_831 = tpu.memref_slice %arg9[%dma_wait3A_830] : memref<3200xi32, #tpu.memory_space<vmem>> -> memref<128xi32, #tpu.memory_space<vmem>>
    %dma_wait3A_832 = arith.constant 0 : i32
    %dma_wait3A_833 = tpu.memref_slice %arg3[%dma_wait3A_832] : memref<1001000xf32, #tpu.memory_space<hbm>> -> memref<1001000xf32, #tpu.memory_space<hbm>>
    tpu.wait_indirect_dma semaphore(%arg19 : memref<!tpu.dma_semaphore, #tpu.memory_space<semaphore_mem>>) src(%dma_wait3A_833 : memref<1001000xf32, #tpu.memory_space<hbm>>) dst(%dma_wait3A_829 : memref<128xf32, #tpu.memory_space<vmem>>)
    %dma_wait3A_834 = arith.constant 3072 : i32
    %dma_wait3A_835 = tpu.memref_slice %arg11[%dma_wait3A_834] : memref<3200xf32, #tpu.memory_space<vmem>> -> memref<128xf32, #tpu.memory_space<vmem>>
    %dma_wait3A_836 = arith.constant 3072 : i32
    %dma_wait3A_837 = tpu.memref_slice %arg8[%dma_wait3A_836] : memref<3200xi32, #tpu.memory_space<vmem>> -> memref<128xi32, #tpu.memory_space<vmem>>
    %dma_wait3A_838 = arith.constant 0 : i32
    %dma_wait3A_839 = tpu.memref_slice %arg3[%dma_wait3A_838] : memref<1001000xf32, #tpu.memory_space<hbm>> -> memref<1001000xf32, #tpu.memory_space<hbm>>
    tpu.wait_indirect_dma semaphore(%arg19 : memref<!tpu.dma_semaphore, #tpu.memory_space<semaphore_mem>>) src(%dma_wait3A_839 : memref<1001000xf32, #tpu.memory_space<hbm>>) dst(%dma_wait3A_835 : memref<128xf32, #tpu.memory_space<vmem>>)
    %broadcast_in_dim3A = arith.constant 0.000000e+00 : f32
    %broadcast_in_dim3A_840 = vector.broadcast %broadcast_in_dim3A : f32 to vector<16xf32>
    %swap3A = arith.constant 0 : index
    %swap3A_841 = tpu.vector_load %arg14[%swap3A] {strides = array<i32>} : memref<16xf32, #tpu.memory_space<vmem>>, vector<16xf32>,
    %swap3A_842 = vector.shape_cast %swap3A_841 : vector<16xf32> to vector<16xf32>
    %swap3A_843 = vector.shape_cast %broadcast_in_dim3A_840 : vector<16xf32> to vector<16xf32>
    tpu.vector_store %arg14[%swap3A], %swap3A_843 {strides = array<i32>} : memref<16xf32, #tpu.memory_space<vmem>>, vector<16xf32>,
    %scan3A_844 = arith.constant 0 : i32
    %scan3A_845 = arith.constant 0 : i32
    %scan3A_846 = arith.constant 200 : i32
    %scan3A_847 = arith.addi %scan3A_845, %scan3A_846 : i32
    %scan3A_848 = arith.constant 1 : i32
    scf.for %scan3A_852 = %scan3A_845 to %scan3A_847 step %scan3A_848  : i32 {
      %mul3A_853 = arith.constant 16 : i32
      %mul3A_854 = arith.muli %scan3A_852, %mul3A_853 : i32
      %get3A = arith.constant 0 : index
      %get3A_855 = tpu.vector_load %arg14[%get3A] {strides = array<i32>} : memref<16xf32, #tpu.memory_space<vmem>>, vector<16xf32>,
      %get3A_856 = vector.shape_cast %get3A_855 : vector<16xf32> to vector<16xf32>
      %get3A_857 = arith.index_cast %mul3A_854 : i32 to index
      %get3A_858 = tpu.vector_load %arg11[%get3A_857] {strides = array<i32>} : memref<3200xf32, #tpu.memory_space<vmem>>, vector<16xf32>,
      %get3A_859 = vector.shape_cast %get3A_858 : vector<16xf32> to vector<16xf32>
      %get3A_860 = arith.index_cast %mul3A_854 : i32 to index
      %get3A_861 = tpu.vector_load %arg10[%get3A_860] {strides = array<i32>} : memref<3200xf32, #tpu.memory_space<vmem>>, vector<16xf32>,
      %get3A_862 = vector.shape_cast %get3A_861 : vector<16xf32> to vector<16xf32>
      %sub3A = arith.subf %get3A_859, %get3A_862 : vector<16xf32>
      %add3A_863 = arith.addf %get3A_856, %sub3A : vector<16xf32>
      %swap3A_864 = arith.constant 0 : index
      %swap3A_865 = tpu.vector_load %arg14[%swap3A_864] {strides = array<i32>} : memref<16xf32, #tpu.memory_space<vmem>>, vector<16xf32>,
      %swap3A_866 = vector.shape_cast %swap3A_865 : vector<16xf32> to vector<16xf32>
      %swap3A_867 = vector.shape_cast %add3A_863 : vector<16xf32> to vector<16xf32>
      tpu.vector_store %arg14[%swap3A_864], %swap3A_867 {strides = array<i32>} : memref<16xf32, #tpu.memory_space<vmem>>, vector<16xf32>,
    }
    %scan3A_849 = arith.constant 200 : i32
    %mul3A_850 = arith.constant 16 : i32
    %mul3A_851 = arith.muli %add3A, %mul3A_850 : i32
    "tpu.region"() ({
      %run_scoped3A = tpu.sem_alloc : memref<!tpu.dma_semaphore, #tpu.memory_space<semaphore_mem>>
      %dma_start3A_852 = tpu.memref_slice %arg7[%mul3A_851] : memref<512xf32, #tpu.memory_space<hbm>> -> memref<16xf32, #tpu.memory_space<hbm>>
      %dma_start3A_853 = tpu.memref_slice %arg7[%mul3A_851] : memref<512xf32, #tpu.memory_space<hbm>> -> memref<16xf32, #tpu.memory_space<hbm>>
      tpu.enqueue_dma source(%arg14 : memref<16xf32, #tpu.memory_space<vmem>>) target(%dma_start3A_853 : memref<16xf32, #tpu.memory_space<hbm>>) target_semaphore(%run_scoped3A : memref<!tpu.dma_semaphore, #tpu.memory_space<semaphore_mem>>)
      %dma_wait3A_854 = tpu.memref_slice %arg7[%mul3A_851] : memref<512xf32, #tpu.memory_space<hbm>> -> memref<16xf32, #tpu.memory_space<hbm>>
      %dma_wait3A_855 = tpu.memref_slice %arg7[%mul3A_851] : memref<512xf32, #tpu.memory_space<hbm>> -> memref<16xf32, #tpu.memory_space<hbm>>
      tpu.wait_dma2 semaphore(%run_scoped3A : memref<!tpu.dma_semaphore, #tpu.memory_space<semaphore_mem>>) src(%arg14 : memref<16xf32, #tpu.memory_space<vmem>>) dst(%dma_wait3A_855 : memref<16xf32, #tpu.memory_space<hbm>>)
      tpu.yield
    }) : () -> ()
    return
  }
}

module attributes {stable_mosaic.version = 14 : i64} {
  func.func @_lse_body(%arg0: memref<1000x1000xf32, #tpu.memory_space<vmem>>, %arg1: memref<1000x1xf32, #tpu.memory_space<vmem>>) attributes {dimension_semantics = [], scalar_prefetch = 0 : i64, scratch_operands = 0 : i64, tpu.core_type = #tpu.core_type<tc>} {
    %get3A = arith.constant 0 : index
    %get3A_0 = arith.constant 0 : index
    %get3A_1 = vector.load %arg0[%get3A, %get3A_0] : memref<1000x1000xf32, #tpu.memory_space<vmem>>, vector<1000x1000xf32>
    %reduce_max3A = arith.constant dense<0xFF800000> : vector<1000xf32>
    %reduce_max3A_2 = vector.multi_reduction <maximumf>, %get3A_1, %reduce_max3A [1] : vector<1000x1000xf32> to vector<1000xf32>
    %broadcast_in_dim3A = vector.shape_cast %reduce_max3A_2 : vector<1000xf32> to vector<1000x1xf32>
    %sub3A = vector.broadcast %broadcast_in_dim3A : vector<1000x1xf32> to vector<1000x1000xf32>
    %sub3A_3 = arith.subf %get3A_1, %sub3A : vector<1000x1000xf32>
    %exp3A = math.exp %sub3A_3 : vector<1000x1000xf32>
    %reduce_sum3A = arith.constant dense<0.000000e+00> : vector<1000xf32>
    %reduce_sum3A_4 = vector.multi_reduction <add>, %exp3A, %reduce_sum3A [1] : vector<1000x1000xf32> to vector<1000xf32>
    %broadcast_in_dim3A_5 = vector.shape_cast %reduce_sum3A_4 : vector<1000xf32> to vector<1000x1xf32>
    %log3A = math.log %broadcast_in_dim3A_5 : vector<1000x1xf32>
    %add3A = arith.addf %log3A, %broadcast_in_dim3A : vector<1000x1xf32>
    %swap3A = arith.constant 0 : index
    %swap3A_6 = arith.constant 0 : index
    %swap3A_7 = vector.load %arg1[%swap3A, %swap3A_6] : memref<1000x1xf32, #tpu.memory_space<vmem>>, vector<1000x1xf32>
    tpu.vector_store %arg1[%swap3A, %swap3A_6], %add3A {strides = array<i32>} : memref<1000x1xf32, #tpu.memory_space<vmem>>, vector<1000x1xf32>,
    return
  }
}

module attributes {stable_mosaic.version = 14 : i64} {
  func.func @_retile_body(%arg0: i32, %arg1: memref<8x1x1024x128xf32, #tpu.memory_space<vmem>>, %arg2: memref<1x1000x1024xf32, #tpu.memory_space<vmem>>) attributes {dimension_semantics = [#tpu.dimension_semantics<arbitrary>], iteration_bounds = array<i64: 100>, scalar_prefetch = 0 : i64, scratch_operands = 0 : i64, tpu.core_type = #tpu.core_type<tc>, window_params = [{transform_indices = @transform_0, window_bounds = array<i64: 8, 1, 1024, 128>}, {transform_indices = @transform_1, window_bounds = array<i64: 1, 1000, 1024>}]} {
    %get3A = arith.constant 0 : index
    %get3A_0 = arith.constant 0 : index
    %get3A_1 = arith.constant 0 : index
    %get3A_2 = arith.constant 0 : index
    %get3A_3 = vector.load %arg1[%get3A, %get3A_0, %get3A_1, %get3A_2] : memref<8x1x1024x128xf32, #tpu.memory_space<vmem>>, vector<1x1x1024x128xf32>
    %get3A_4 = vector.shape_cast %get3A_3 : vector<1x1x1024x128xf32> to vector<1024x128xf32>
    %transpose3A = tpu.transpose %get3A_4, [1, 0] : vector<1024x128xf32> -> vector<128x1024xf32>
    %swap3A = arith.constant 0 : index
    %swap3A_5 = arith.constant 0 : index
    %swap3A_6 = arith.constant 0 : index
    %swap3A_7 = vector.load %arg2[%swap3A, %swap3A_5, %swap3A_6] : memref<1x1000x1024xf32, #tpu.memory_space<vmem>>, vector<1x128x1024xf32>
    %swap3A_8 = vector.shape_cast %swap3A_7 : vector<1x128x1024xf32> to vector<128x1024xf32>
    %swap3A_9 = vector.shape_cast %transpose3A : vector<128x1024xf32> to vector<1x128x1024xf32>
    tpu.vector_store %arg2[%swap3A, %swap3A_5, %swap3A_6], %swap3A_9 {strides = array<i32>} : memref<1x1000x1024xf32, #tpu.memory_space<vmem>>, vector<1x128x1024xf32>,
    %get3A_10 = arith.constant 1 : index
    %get3A_11 = arith.constant 0 : index
    %get3A_12 = arith.constant 0 : index
    %get3A_13 = arith.constant 0 : index
    %get3A_14 = vector.load %arg1[%get3A_10, %get3A_11, %get3A_12, %get3A_13] : memref<8x1x1024x128xf32, #tpu.memory_space<vmem>>, vector<1x1x1024x128xf32>
    %get3A_15 = vector.shape_cast %get3A_14 : vector<1x1x1024x128xf32> to vector<1024x128xf32>
    %transpose3A_16 = tpu.transpose %get3A_15, [1, 0] : vector<1024x128xf32> -> vector<128x1024xf32>
    %swap3A_17 = arith.constant 0 : index
    %swap3A_18 = arith.constant 128 : index
    %swap3A_19 = arith.constant 0 : index
    %swap3A_20 = vector.load %arg2[%swap3A_17, %swap3A_18, %swap3A_19] : memref<1x1000x1024xf32, #tpu.memory_space<vmem>>, vector<1x128x1024xf32>
    %swap3A_21 = vector.shape_cast %swap3A_20 : vector<1x128x1024xf32> to vector<128x1024xf32>
    %swap3A_22 = vector.shape_cast %transpose3A_16 : vector<128x1024xf32> to vector<1x128x1024xf32>
    tpu.vector_store %arg2[%swap3A_17, %swap3A_18, %swap3A_19], %swap3A_22 {strides = array<i32>} : memref<1x1000x1024xf32, #tpu.memory_space<vmem>>, vector<1x128x1024xf32>,
    %get3A_23 = arith.constant 2 : index
    %get3A_24 = arith.constant 0 : index
    %get3A_25 = arith.constant 0 : index
    %get3A_26 = arith.constant 0 : index
    %get3A_27 = vector.load %arg1[%get3A_23, %get3A_24, %get3A_25, %get3A_26] : memref<8x1x1024x128xf32, #tpu.memory_space<vmem>>, vector<1x1x1024x128xf32>
    %get3A_28 = vector.shape_cast %get3A_27 : vector<1x1x1024x128xf32> to vector<1024x128xf32>
    %transpose3A_29 = tpu.transpose %get3A_28, [1, 0] : vector<1024x128xf32> -> vector<128x1024xf32>
    %swap3A_30 = arith.constant 0 : index
    %swap3A_31 = arith.constant 256 : index
    %swap3A_32 = arith.constant 0 : index
    %swap3A_33 = vector.load %arg2[%swap3A_30, %swap3A_31, %swap3A_32] : memref<1x1000x1024xf32, #tpu.memory_space<vmem>>, vector<1x128x1024xf32>
    %swap3A_34 = vector.shape_cast %swap3A_33 : vector<1x128x1024xf32> to vector<128x1024xf32>
    %swap3A_35 = vector.shape_cast %transpose3A_29 : vector<128x1024xf32> to vector<1x128x1024xf32>
    tpu.vector_store %arg2[%swap3A_30, %swap3A_31, %swap3A_32], %swap3A_35 {strides = array<i32>} : memref<1x1000x1024xf32, #tpu.memory_space<vmem>>, vector<1x128x1024xf32>,
    %get3A_36 = arith.constant 3 : index
    %get3A_37 = arith.constant 0 : index
    %get3A_38 = arith.constant 0 : index
    %get3A_39 = arith.constant 0 : index
    %get3A_40 = vector.load %arg1[%get3A_36, %get3A_37, %get3A_38, %get3A_39] : memref<8x1x1024x128xf32, #tpu.memory_space<vmem>>, vector<1x1x1024x128xf32>
    %get3A_41 = vector.shape_cast %get3A_40 : vector<1x1x1024x128xf32> to vector<1024x128xf32>
    %transpose3A_42 = tpu.transpose %get3A_41, [1, 0] : vector<1024x128xf32> -> vector<128x1024xf32>
    %swap3A_43 = arith.constant 0 : index
    %swap3A_44 = arith.constant 384 : index
    %swap3A_45 = arith.constant 0 : index
    %swap3A_46 = vector.load %arg2[%swap3A_43, %swap3A_44, %swap3A_45] : memref<1x1000x1024xf32, #tpu.memory_space<vmem>>, vector<1x128x1024xf32>
    %swap3A_47 = vector.shape_cast %swap3A_46 : vector<1x128x1024xf32> to vector<128x1024xf32>
    %swap3A_48 = vector.shape_cast %transpose3A_42 : vector<128x1024xf32> to vector<1x128x1024xf32>
    tpu.vector_store %arg2[%swap3A_43, %swap3A_44, %swap3A_45], %swap3A_48 {strides = array<i32>} : memref<1x1000x1024xf32, #tpu.memory_space<vmem>>, vector<1x128x1024xf32>,
    %get3A_49 = arith.constant 4 : index
    %get3A_50 = arith.constant 0 : index
    %get3A_51 = arith.constant 0 : index
    %get3A_52 = arith.constant 0 : index
    %get3A_53 = vector.load %arg1[%get3A_49, %get3A_50, %get3A_51, %get3A_52] : memref<8x1x1024x128xf32, #tpu.memory_space<vmem>>, vector<1x1x1024x128xf32>
    %get3A_54 = vector.shape_cast %get3A_53 : vector<1x1x1024x128xf32> to vector<1024x128xf32>
    %transpose3A_55 = tpu.transpose %get3A_54, [1, 0] : vector<1024x128xf32> -> vector<128x1024xf32>
    %swap3A_56 = arith.constant 0 : index
    %swap3A_57 = arith.constant 512 : index
    %swap3A_58 = arith.constant 0 : index
    %swap3A_59 = vector.load %arg2[%swap3A_56, %swap3A_57, %swap3A_58] : memref<1x1000x1024xf32, #tpu.memory_space<vmem>>, vector<1x128x1024xf32>
    %swap3A_60 = vector.shape_cast %swap3A_59 : vector<1x128x1024xf32> to vector<128x1024xf32>
    %swap3A_61 = vector.shape_cast %transpose3A_55 : vector<128x1024xf32> to vector<1x128x1024xf32>
    tpu.vector_store %arg2[%swap3A_56, %swap3A_57, %swap3A_58], %swap3A_61 {strides = array<i32>} : memref<1x1000x1024xf32, #tpu.memory_space<vmem>>, vector<1x128x1024xf32>,
    %get3A_62 = arith.constant 5 : index
    %get3A_63 = arith.constant 0 : index
    %get3A_64 = arith.constant 0 : index
    %get3A_65 = arith.constant 0 : index
    %get3A_66 = vector.load %arg1[%get3A_62, %get3A_63, %get3A_64, %get3A_65] : memref<8x1x1024x128xf32, #tpu.memory_space<vmem>>, vector<1x1x1024x128xf32>
    %get3A_67 = vector.shape_cast %get3A_66 : vector<1x1x1024x128xf32> to vector<1024x128xf32>
    %transpose3A_68 = tpu.transpose %get3A_67, [1, 0] : vector<1024x128xf32> -> vector<128x1024xf32>
    %swap3A_69 = arith.constant 0 : index
    %swap3A_70 = arith.constant 640 : index
    %swap3A_71 = arith.constant 0 : index
    %swap3A_72 = vector.load %arg2[%swap3A_69, %swap3A_70, %swap3A_71] : memref<1x1000x1024xf32, #tpu.memory_space<vmem>>, vector<1x128x1024xf32>
    %swap3A_73 = vector.shape_cast %swap3A_72 : vector<1x128x1024xf32> to vector<128x1024xf32>
    %swap3A_74 = vector.shape_cast %transpose3A_68 : vector<128x1024xf32> to vector<1x128x1024xf32>
    tpu.vector_store %arg2[%swap3A_69, %swap3A_70, %swap3A_71], %swap3A_74 {strides = array<i32>} : memref<1x1000x1024xf32, #tpu.memory_space<vmem>>, vector<1x128x1024xf32>,
    %get3A_75 = arith.constant 6 : index
    %get3A_76 = arith.constant 0 : index
    %get3A_77 = arith.constant 0 : index
    %get3A_78 = arith.constant 0 : index
    %get3A_79 = vector.load %arg1[%get3A_75, %get3A_76, %get3A_77, %get3A_78] : memref<8x1x1024x128xf32, #tpu.memory_space<vmem>>, vector<1x1x1024x128xf32>
    %get3A_80 = vector.shape_cast %get3A_79 : vector<1x1x1024x128xf32> to vector<1024x128xf32>
    %transpose3A_81 = tpu.transpose %get3A_80, [1, 0] : vector<1024x128xf32> -> vector<128x1024xf32>
    %swap3A_82 = arith.constant 0 : index
    %swap3A_83 = arith.constant 768 : index
    %swap3A_84 = arith.constant 0 : index
    %swap3A_85 = vector.load %arg2[%swap3A_82, %swap3A_83, %swap3A_84] : memref<1x1000x1024xf32, #tpu.memory_space<vmem>>, vector<1x128x1024xf32>
    %swap3A_86 = vector.shape_cast %swap3A_85 : vector<1x128x1024xf32> to vector<128x1024xf32>
    %swap3A_87 = vector.shape_cast %transpose3A_81 : vector<128x1024xf32> to vector<1x128x1024xf32>
    tpu.vector_store %arg2[%swap3A_82, %swap3A_83, %swap3A_84], %swap3A_87 {strides = array<i32>} : memref<1x1000x1024xf32, #tpu.memory_space<vmem>>, vector<1x128x1024xf32>,
    %get3A_88 = arith.constant 7 : index
    %get3A_89 = arith.constant 0 : index
    %get3A_90 = arith.constant 0 : index
    %get3A_91 = arith.constant 0 : index
    %get3A_92 = vector.load %arg1[%get3A_88, %get3A_89, %get3A_90, %get3A_91] : memref<8x1x1024x128xf32, #tpu.memory_space<vmem>>, vector<1x1x1024x128xf32>
    %get3A_93 = vector.shape_cast %get3A_92 : vector<1x1x1024x128xf32> to vector<1024x128xf32>
    %transpose3A_94 = tpu.transpose %get3A_93, [1, 0] : vector<1024x128xf32> -> vector<128x1024xf32>
    %slice3A = vector.extract_strided_slice %transpose3A_94 {offsets = [0, 0], sizes = [104, 1024], strides = [1, 1]} : vector<128x1024xf32> to vector<104x1024xf32>
    %swap3A_95 = arith.constant 0 : index
    %swap3A_96 = arith.constant 896 : index
    %swap3A_97 = arith.constant 0 : index
    %swap3A_98 = vector.load %arg2[%swap3A_95, %swap3A_96, %swap3A_97] : memref<1x1000x1024xf32, #tpu.memory_space<vmem>>, vector<1x104x1024xf32>
    %swap3A_99 = vector.shape_cast %swap3A_98 : vector<1x104x1024xf32> to vector<104x1024xf32>
    %swap3A_100 = vector.shape_cast %slice3A : vector<104x1024xf32> to vector<1x104x1024xf32>
    tpu.vector_store %arg2[%swap3A_95, %swap3A_96, %swap3A_97], %swap3A_100 {strides = array<i32>} : memref<1x1000x1024xf32, #tpu.memory_space<vmem>>, vector<1x104x1024xf32>,
    return
  }
  func.func @transform_0(%arg0: i32) -> (i32, i32, i32, i32) {
    %c0_i32 = arith.constant 0 : i32
    %c0_i32_0 = arith.constant 0 : i32
    %c0_i32_1 = arith.constant 0 : i32
    %c0_i32_2 = arith.constant 0 : i32
    return %c0_i32, %arg0, %c0_i32_0, %c0_i32_1 : i32, i32, i32, i32
  }
  func.func @transform_1(%arg0: i32) -> (i32, i32, i32) {
    %add3A = arith.constant 0 : i32
    %add3A_0 = arith.addi %add3A, %arg0 : i32
    %c0_i32 = arith.constant 0 : i32
    %c0_i32_1 = arith.constant 0 : i32
    %c0_i32_2 = arith.constant 0 : i32
    return %add3A_0, %c0_i32, %c0_i32_1 : i32, i32, i32
  }
}

module attributes {stable_mosaic.version = 14 : i64} {
  func.func @body(%arg0: i32, %arg1: memref<200x1000x1024xf32, #tpu.memory_space<any>>, %arg2: memref<8x1x1024x128xf32, #tpu.memory_space<vmem>>, %arg3: memref<1x1000x1024xf32, #tpu.memory_space<vmem>>) attributes {dimension_semantics = [#tpu.dimension_semantics<arbitrary>], iteration_bounds = array<i64: 100>, scalar_prefetch = 0 : i64, scratch_operands = 0 : i64, tpu.core_type = #tpu.core_type<tc>, window_params = [{}, {transform_indices = @transform_1, window_bounds = array<i64: 8, 1, 1024, 128>}, {transform_indices = @transform_2, window_bounds = array<i64: 1, 1000, 1024>}]} {
    %get3A = arith.constant 0 : index
    %get3A_0 = arith.constant 0 : index
    %get3A_1 = arith.constant 0 : index
    %get3A_2 = arith.constant 0 : index
    %get3A_3 = vector.load %arg2[%get3A, %get3A_0, %get3A_1, %get3A_2] : memref<8x1x1024x128xf32, #tpu.memory_space<vmem>>, vector<1x1x1024x128xf32>
    %get3A_4 = vector.shape_cast %get3A_3 : vector<1x1x1024x128xf32> to vector<1024x128xf32>
    %transpose3A = tpu.transpose %get3A_4, [1, 0] : vector<1024x128xf32> -> vector<128x1024xf32>
    %swap3A = arith.constant 0 : index
    %swap3A_5 = arith.constant 0 : index
    %swap3A_6 = arith.constant 0 : index
    %swap3A_7 = vector.load %arg3[%swap3A, %swap3A_5, %swap3A_6] : memref<1x1000x1024xf32, #tpu.memory_space<vmem>>, vector<1x128x1024xf32>
    %swap3A_8 = vector.shape_cast %swap3A_7 : vector<1x128x1024xf32> to vector<128x1024xf32>
    %swap3A_9 = vector.shape_cast %transpose3A : vector<128x1024xf32> to vector<1x128x1024xf32>
    tpu.vector_store %arg3[%swap3A, %swap3A_5, %swap3A_6], %swap3A_9 {strides = array<i32>} : memref<1x1000x1024xf32, #tpu.memory_space<vmem>>, vector<1x128x1024xf32>,
    %get3A_10 = arith.constant 1 : index
    %get3A_11 = arith.constant 0 : index
    %get3A_12 = arith.constant 0 : index
    %get3A_13 = arith.constant 0 : index
    %get3A_14 = vector.load %arg2[%get3A_10, %get3A_11, %get3A_12, %get3A_13] : memref<8x1x1024x128xf32, #tpu.memory_space<vmem>>, vector<1x1x1024x128xf32>
    %get3A_15 = vector.shape_cast %get3A_14 : vector<1x1x1024x128xf32> to vector<1024x128xf32>
    %transpose3A_16 = tpu.transpose %get3A_15, [1, 0] : vector<1024x128xf32> -> vector<128x1024xf32>
    %swap3A_17 = arith.constant 0 : index
    %swap3A_18 = arith.constant 128 : index
    %swap3A_19 = arith.constant 0 : index
    %swap3A_20 = vector.load %arg3[%swap3A_17, %swap3A_18, %swap3A_19] : memref<1x1000x1024xf32, #tpu.memory_space<vmem>>, vector<1x128x1024xf32>
    %swap3A_21 = vector.shape_cast %swap3A_20 : vector<1x128x1024xf32> to vector<128x1024xf32>
    %swap3A_22 = vector.shape_cast %transpose3A_16 : vector<128x1024xf32> to vector<1x128x1024xf32>
    tpu.vector_store %arg3[%swap3A_17, %swap3A_18, %swap3A_19], %swap3A_22 {strides = array<i32>} : memref<1x1000x1024xf32, #tpu.memory_space<vmem>>, vector<1x128x1024xf32>,
    %get3A_23 = arith.constant 2 : index
    %get3A_24 = arith.constant 0 : index
    %get3A_25 = arith.constant 0 : index
    %get3A_26 = arith.constant 0 : index
    %get3A_27 = vector.load %arg2[%get3A_23, %get3A_24, %get3A_25, %get3A_26] : memref<8x1x1024x128xf32, #tpu.memory_space<vmem>>, vector<1x1x1024x128xf32>
    %get3A_28 = vector.shape_cast %get3A_27 : vector<1x1x1024x128xf32> to vector<1024x128xf32>
    %transpose3A_29 = tpu.transpose %get3A_28, [1, 0] : vector<1024x128xf32> -> vector<128x1024xf32>
    %swap3A_30 = arith.constant 0 : index
    %swap3A_31 = arith.constant 256 : index
    %swap3A_32 = arith.constant 0 : index
    %swap3A_33 = vector.load %arg3[%swap3A_30, %swap3A_31, %swap3A_32] : memref<1x1000x1024xf32, #tpu.memory_space<vmem>>, vector<1x128x1024xf32>
    %swap3A_34 = vector.shape_cast %swap3A_33 : vector<1x128x1024xf32> to vector<128x1024xf32>
    %swap3A_35 = vector.shape_cast %transpose3A_29 : vector<128x1024xf32> to vector<1x128x1024xf32>
    tpu.vector_store %arg3[%swap3A_30, %swap3A_31, %swap3A_32], %swap3A_35 {strides = array<i32>} : memref<1x1000x1024xf32, #tpu.memory_space<vmem>>, vector<1x128x1024xf32>,
    %get3A_36 = arith.constant 3 : index
    %get3A_37 = arith.constant 0 : index
    %get3A_38 = arith.constant 0 : index
    %get3A_39 = arith.constant 0 : index
    %get3A_40 = vector.load %arg2[%get3A_36, %get3A_37, %get3A_38, %get3A_39] : memref<8x1x1024x128xf32, #tpu.memory_space<vmem>>, vector<1x1x1024x128xf32>
    %get3A_41 = vector.shape_cast %get3A_40 : vector<1x1x1024x128xf32> to vector<1024x128xf32>
    %transpose3A_42 = tpu.transpose %get3A_41, [1, 0] : vector<1024x128xf32> -> vector<128x1024xf32>
    %swap3A_43 = arith.constant 0 : index
    %swap3A_44 = arith.constant 384 : index
    %swap3A_45 = arith.constant 0 : index
    %swap3A_46 = vector.load %arg3[%swap3A_43, %swap3A_44, %swap3A_45] : memref<1x1000x1024xf32, #tpu.memory_space<vmem>>, vector<1x128x1024xf32>
    %swap3A_47 = vector.shape_cast %swap3A_46 : vector<1x128x1024xf32> to vector<128x1024xf32>
    %swap3A_48 = vector.shape_cast %transpose3A_42 : vector<128x1024xf32> to vector<1x128x1024xf32>
    tpu.vector_store %arg3[%swap3A_43, %swap3A_44, %swap3A_45], %swap3A_48 {strides = array<i32>} : memref<1x1000x1024xf32, #tpu.memory_space<vmem>>, vector<1x128x1024xf32>,
    %get3A_49 = arith.constant 4 : index
    %get3A_50 = arith.constant 0 : index
    %get3A_51 = arith.constant 0 : index
    %get3A_52 = arith.constant 0 : index
    %get3A_53 = vector.load %arg2[%get3A_49, %get3A_50, %get3A_51, %get3A_52] : memref<8x1x1024x128xf32, #tpu.memory_space<vmem>>, vector<1x1x1024x128xf32>
    %get3A_54 = vector.shape_cast %get3A_53 : vector<1x1x1024x128xf32> to vector<1024x128xf32>
    %transpose3A_55 = tpu.transpose %get3A_54, [1, 0] : vector<1024x128xf32> -> vector<128x1024xf32>
    %swap3A_56 = arith.constant 0 : index
    %swap3A_57 = arith.constant 512 : index
    %swap3A_58 = arith.constant 0 : index
    %swap3A_59 = vector.load %arg3[%swap3A_56, %swap3A_57, %swap3A_58] : memref<1x1000x1024xf32, #tpu.memory_space<vmem>>, vector<1x128x1024xf32>
    %swap3A_60 = vector.shape_cast %swap3A_59 : vector<1x128x1024xf32> to vector<128x1024xf32>
    %swap3A_61 = vector.shape_cast %transpose3A_55 : vector<128x1024xf32> to vector<1x128x1024xf32>
    tpu.vector_store %arg3[%swap3A_56, %swap3A_57, %swap3A_58], %swap3A_61 {strides = array<i32>} : memref<1x1000x1024xf32, #tpu.memory_space<vmem>>, vector<1x128x1024xf32>,
    %get3A_62 = arith.constant 5 : index
    %get3A_63 = arith.constant 0 : index
    %get3A_64 = arith.constant 0 : index
    %get3A_65 = arith.constant 0 : index
    %get3A_66 = vector.load %arg2[%get3A_62, %get3A_63, %get3A_64, %get3A_65] : memref<8x1x1024x128xf32, #tpu.memory_space<vmem>>, vector<1x1x1024x128xf32>
    %get3A_67 = vector.shape_cast %get3A_66 : vector<1x1x1024x128xf32> to vector<1024x128xf32>
    %transpose3A_68 = tpu.transpose %get3A_67, [1, 0] : vector<1024x128xf32> -> vector<128x1024xf32>
    %swap3A_69 = arith.constant 0 : index
    %swap3A_70 = arith.constant 640 : index
    %swap3A_71 = arith.constant 0 : index
    %swap3A_72 = vector.load %arg3[%swap3A_69, %swap3A_70, %swap3A_71] : memref<1x1000x1024xf32, #tpu.memory_space<vmem>>, vector<1x128x1024xf32>
    %swap3A_73 = vector.shape_cast %swap3A_72 : vector<1x128x1024xf32> to vector<128x1024xf32>
    %swap3A_74 = vector.shape_cast %transpose3A_68 : vector<128x1024xf32> to vector<1x128x1024xf32>
    tpu.vector_store %arg3[%swap3A_69, %swap3A_70, %swap3A_71], %swap3A_74 {strides = array<i32>} : memref<1x1000x1024xf32, #tpu.memory_space<vmem>>, vector<1x128x1024xf32>,
    %get3A_75 = arith.constant 6 : index
    %get3A_76 = arith.constant 0 : index
    %get3A_77 = arith.constant 0 : index
    %get3A_78 = arith.constant 0 : index
    %get3A_79 = vector.load %arg2[%get3A_75, %get3A_76, %get3A_77, %get3A_78] : memref<8x1x1024x128xf32, #tpu.memory_space<vmem>>, vector<1x1x1024x128xf32>
    %get3A_80 = vector.shape_cast %get3A_79 : vector<1x1x1024x128xf32> to vector<1024x128xf32>
    %transpose3A_81 = tpu.transpose %get3A_80, [1, 0] : vector<1024x128xf32> -> vector<128x1024xf32>
    %swap3A_82 = arith.constant 0 : index
    %swap3A_83 = arith.constant 768 : index
    %swap3A_84 = arith.constant 0 : index
    %swap3A_85 = vector.load %arg3[%swap3A_82, %swap3A_83, %swap3A_84] : memref<1x1000x1024xf32, #tpu.memory_space<vmem>>, vector<1x128x1024xf32>
    %swap3A_86 = vector.shape_cast %swap3A_85 : vector<1x128x1024xf32> to vector<128x1024xf32>
    %swap3A_87 = vector.shape_cast %transpose3A_81 : vector<128x1024xf32> to vector<1x128x1024xf32>
    tpu.vector_store %arg3[%swap3A_82, %swap3A_83, %swap3A_84], %swap3A_87 {strides = array<i32>} : memref<1x1000x1024xf32, #tpu.memory_space<vmem>>, vector<1x128x1024xf32>,
    %get3A_88 = arith.constant 7 : index
    %get3A_89 = arith.constant 0 : index
    %get3A_90 = arith.constant 0 : index
    %get3A_91 = arith.constant 0 : index
    %get3A_92 = vector.load %arg2[%get3A_88, %get3A_89, %get3A_90, %get3A_91] : memref<8x1x1024x128xf32, #tpu.memory_space<vmem>>, vector<1x1x1024x128xf32>
    %get3A_93 = vector.shape_cast %get3A_92 : vector<1x1x1024x128xf32> to vector<1024x128xf32>
    %transpose3A_94 = tpu.transpose %get3A_93, [1, 0] : vector<1024x128xf32> -> vector<128x1024xf32>
    %slice3A = vector.extract_strided_slice %transpose3A_94 {offsets = [0, 0], sizes = [104, 1024], strides = [1, 1]} : vector<128x1024xf32> to vector<104x1024xf32>
    %swap3A_95 = arith.constant 0 : index
    %swap3A_96 = arith.constant 896 : index
    %swap3A_97 = arith.constant 0 : index
    %swap3A_98 = vector.load %arg3[%swap3A_95, %swap3A_96, %swap3A_97] : memref<1x1000x1024xf32, #tpu.memory_space<vmem>>, vector<1x104x1024xf32>
    %swap3A_99 = vector.shape_cast %swap3A_98 : vector<1x104x1024xf32> to vector<104x1024xf32>
    %swap3A_100 = vector.shape_cast %slice3A : vector<104x1024xf32> to vector<1x104x1024xf32>
    tpu.vector_store %arg3[%swap3A_95, %swap3A_96, %swap3A_97], %swap3A_100 {strides = array<i32>} : memref<1x1000x1024xf32, #tpu.memory_space<vmem>>, vector<1x104x1024xf32>,
    return
  }
  func.func @transform_1(%arg0: i32) -> (i32, i32, i32, i32) {
    %c0_i32 = arith.constant 0 : i32
    %c0_i32_0 = arith.constant 0 : i32
    %c0_i32_1 = arith.constant 0 : i32
    %c0_i32_2 = arith.constant 0 : i32
    return %c0_i32, %arg0, %c0_i32_0, %c0_i32_1 : i32, i32, i32, i32
  }
  func.func @transform_2(%arg0: i32) -> (i32, i32, i32) {
    %add3A = arith.constant 100 : i32
    %add3A_0 = arith.addi %add3A, %arg0 : i32
    %c0_i32 = arith.constant 0 : i32
    %c0_i32_1 = arith.constant 0 : i32
    %c0_i32_2 = arith.constant 0 : i32
    return %add3A_0, %c0_i32, %c0_i32_1 : i32, i32, i32
  }
}

</mosaic_0001>

<sc_bundles>
// kernel: kernel.10.cloned.1.call-start
scs
__scs_entry_jumppad:
0x0: {  	(pc) =	sbr.rel $0x88, $3  }
0x1: {  	(tag) =	ssettag $0x0;
	lr =	simm.s32 $0x1  }
0x2: {  	[smem:$0x3F9E] =	sst lr;
	_ =	strace $0xD0000000  }
0x3: {  	_ = 	snop  }
0x4: {  	_ = 	snop  }
0x5: {  	_ = 	snop  }
0x6: {  	_ = 	snop  }
0x7: {  	_ = 	snop  }
__scs_overlays_trampoline_lowered:
0x8: {  	[smem:$0x3FAD] =	sst s0  }
0x9: {  	[smem:$0x3FAE] =	sst s1  }
0xa: {  	[smem:$0x3FAF] =	sst s2  }
0xb: {  	[smem:$0x3FB0] =	sst s3  }
0xc: {  	[smem:$0x3FB1] =	sst s4  }
0xd: {  	[smem:$0x3FB2] =	sst s5  }
0xe: {  	[smem:$0x3FB3] =	sst s6  }
0xf: {  	[smem:$0x3FB4] =	sst s7  }
0x10: {  	[smem:$0x3FB5] =	sst s8  }
0x11: {  	[smem:$0x3FB6] =	sst s9;
	s0 =	simm.s32 @!p0 $0x0  }
0x12: {  	s1 =	sld [smem:$0x3F9C];
	s0 =	simm.s32 @p0 $0x1  }
0x13: {  	[smem:$0x3FB7] =	sst s0;
	s0 =	simm.s32 @!p1 $0x0  }
0x14: {  	s2 =	sld [smem:$0x3F9B];
	s0 =	simm.s32 @p1 $0x1  }
0x15: {  	[smem:$0x3FB8] =	sst s0;
	s0 =	simm.s32 @!p2 $0x0  }
0x16: {  	s3 =	sld [smem:$0x3FDB];
	s0 =	simm.s32 @p2 $0x1  }
0x17: {  	s4 =	simm.s32 $0x1BF5;
	[smem:$0x3FBA] =	sst s0  }
0x18: {  	s0 =	sld [smem:$0x3F9D];
	_ =	swait.ge [sflag:s4], $0x0  }
0x19: {  	s7 =	sld [smem:$0x3F9E]  }
0x1a: {  	s8 =	sadd.s32 $0xFFFFE003, lr  }
0x1b: {  	s9 =	sadd.s32 $0xFFFFFEF7, lr;
	s5 =	simm.s32 $0xFFFFFFFF;
	p2 =	slt.u32 s8, $0xFFFFF086  }
0x1c: {  	p1 =	slt.u32 s9, $0xF7A;
	s5 =	simm.s32 @!p2 $0x0  }
0x1d: {  	s5 =	simm.s32 @p1 $0x1;
	p0 =	seq.s32 s7, s2  }
0x1e: {  	s7 =	smul.u32 @!p0 $0xF7A, s2;
	p2 =	seq.s32 @!p0 s5, $0x0  }
0x1f: {  	s9 =	smul.u32 $0xF7A, s1;
	s8 =	simm.s32 @!p0 $0x1BF5;
	p2 =	por !p2, p0  }
0x20: {  	[sflag:s8] =	ssyncset.s32 @!p0 $0xFFFFF086;
	s6 =	sadd.s32 @!p0 s3, s7;
	s7 =	simm.s32 @!p0 $0x108  }
0x21: {  	s3 =	sadd.s32 s3, s9;
	s6 =	sadd.s32 @!p0 $0x88, s6;
	s7 =	simm.s32 @p2 $0x1082  }
0x22: {  	[simem:s7], [sflag:s8] =	dma.local @!p0 [hbm:s6], $0xF7A  }
0x23: {  	s9 =	sor.u32 $0xD0000000, s2;
	s6 =	simm.s32 $0x108;
	_ =	swait.ge @!p0 [sflag:s8], $0x0  }
0x24: {  	s3 =	sadd.s32 $0x88, s3;
	s6 =	simm.s32 @!p1 $0x1082;
	[sflag:s4] =	ssyncset.s32 $0xFFFFF086  }
0x25: {  	[simem:s6], [sflag:s4] =	dma.local [hbm:s3], $0xF7A  }
0x26: {  	[smem:$0x3F9E] =	sst s1;
	(tag) =	ssettag s2;
	_ =	strace s9  }
0x27: {  	s1 =	sld [smem:$0x3FAE]  }
0x28: {  	s2 =	sld [smem:$0x3FAF]  }
0x29: {  	s4 =	sld [smem:$0x3FB1]  }
0x2a: {  	p0 =	seq.s32 s5, $0x0;
	s5 =	sld [smem:$0x3FB2]  }
0x2b: {  	s6 =	sld [smem:$0x3FB3]  }
0x2c: {  	s7 =	sld [smem:$0x3FB4]  }
0x2d: {  	s3 =	simm.s32 $0x108;
	s8 =	sld [smem:$0x3FB5]  }
0x2e: {  	s3 =	simm.s32 @!p0 $0x1082;
	s9 =	sld [smem:$0x3FB6]  }
0x2f: {  	lr =	sadd.s32 s0, s3;
	s0 =	sld [smem:$0x3FAD]  }
0x30: {  	s3 =	sld [smem:$0x3FB0]  }
0x31: {  	[smem:$0x3FB9] =	sst s10  }
0x32: {  	s10 =	sld [smem:$0x3FB7];
	_ =	sdelay $0x3  }
0x33: {  	p0 =	seq.s32 s10, $0x1;
	s10 =	sld [smem:$0x3FB9];
	_ =	sdelay $0x3  }
0x34: {  	[smem:$0x3FB9] =	sst s10  }
0x35: {  	s10 =	sld [smem:$0x3FB8];
	_ =	sdelay $0x3  }
0x36: {  	p1 =	seq.s32 s10, $0x1;
	s10 =	sld [smem:$0x3FB9];
	_ =	sdelay $0x3  }
0x37: {  	[smem:$0x3FB9] =	sst s10  }
0x38: {  	s10 =	sld [smem:$0x3FBA]  }
0x39: {  	_ = 	snop;
	(pc) =	sbr.ind lr, $3  }
0x3a: {  	_ = 	snop  }
0x3b: {  	_ = 	snop  }
0x3c: {  	p2 =	seq.s32 s10, $0x1;
	s10 =	sld [smem:$0x3FB9]  }
0x3d: {  	_ =	shalt  }
0x3e: {  	_ =	shalt  }
0x3f: {  	_ =	shalt  }
0x40: {  	_ =	shalt  }
0x41: {  	_ =	shalt  }
0x42: {  	_ =	shalt  }
0x43: {  	_ =	shalt  }
0x44: {  	_ =	shalt  }
0x45: {  	_ =	shalt  }
0x46: {  	_ =	shalt  }
0x47: {  	_ =	shalt  }
0x48: {  	_ =	shalt  }
0x49: {  	_ =	shalt  }
0x4a: {  	_ =	shalt  }
0x4b: {  	_ =	shalt  }
0x4c: {  	_ =	shalt  }
0x4d: {  	_ =	shalt  }
0x4e: {  	_ =	shalt  }
0x4f: {  	_ =	shalt  }
0x50: {  	_ =	shalt  }
0x51: {  	_ =	shalt  }
0x52: {  	_ =	shalt  }
0x53: {  	_ =	shalt  }
0x54: {  	_ =	shalt  }
0x55: {  	_ =	shalt  }
0x56: {  	_ =	shalt  }
0x57: {  	_ =	shalt  }
0x58: {  	_ =	shalt  }
0x59: {  	_ =	shalt  }
0x5a: {  	_ =	shalt  }
0x5b: {  	_ =	shalt  }
0x5c: {  	_ =	shalt  }
0x5d: {  	_ =	shalt  }
0x5e: {  	_ =	shalt  }
0x5f: {  	_ =	shalt  }
0x60: {  	_ =	shalt  }
0x61: {  	_ =	shalt  }
0x62: {  	_ =	shalt  }
0x63: {  	_ =	shalt  }
0x64: {  	_ =	shalt  }
0x65: {  	_ =	shalt  }
0x66: {  	_ =	shalt  }
0x67: {  	_ =	shalt  }
0x68: {  	_ =	shalt  }
0x69: {  	_ =	shalt  }
0x6a: {  	_ =	shalt  }
0x6b: {  	_ =	shalt  }
0x6c: {  	_ =	shalt  }
0x6d: {  	_ =	shalt  }
0x6e: {  	_ =	shalt  }
0x6f: {  	_ =	shalt  }
0x70: {  	_ =	shalt  }
0x71: {  	_ =	shalt  }
0x72: {  	_ =	shalt  }
0x73: {  	_ =	shalt  }
0x74: {  	_ =	shalt  }
0x75: {  	_ =	shalt  }
0x76: {  	_ =	shalt  }
0x77: {  	_ =	shalt  }
0x78: {  	_ =	shalt  }
0x79: {  	_ =	shalt  }
0x7a: {  	_ =	shalt  }
0x7b: {  	_ =	shalt  }
0x7c: {  	_ =	shalt  }
0x7d: {  	_ =	shalt  }
0x7e: {  	_ =	shalt  }
0x7f: {  	_ =	shalt  }
0x80: {  	_ =	shalt  }
0x81: {  	_ =	shalt  }
0x82: {  	_ =	shalt  }
0x83: {  	_ =	shalt  }
0x84: {  	_ =	shalt  }
0x85: {  	_ =	shalt  }
0x86: {  	_ =	shalt  }
0x87: {  	_ =	shalt  }
.Lfunc_end0:
.L_simem_size_0:
called_computation.1_lowered:
.L_overlay_start_0:
0x88: {  	s2 =	sld [smem:$0x3FD9]  }
0x89: {  	s3 =	sld [smem:$0x3FFE];
	_ =	sdelay $0x1  }
0x8a: {  	s1 =	srdreg.scid  }
0x8b: {  	s0 =	sand.u32 $0x1, s1  }
0x8c: {  	s14 =	sshll.u32 s0, $0xA;
	s2 =	sadd.s32 s3, s2  }
0x8d: {  	s2 =	sadd.s32 s2, s14  }
0x8e: {  	[smem:$0x3FC5] =	sst s2  }
0x8f: {  	_ = 	snop  }
0x90: {  	s2 =	sld [smem:$0x3FD0];
	_ =	sdelay $0x2  }
0x91: {  	s15 =	simm.s32 $0xB;
	s4 =	simm.s32 $0x10  }
0x92: {  	[smem:s4], [sflag:s15] =	dma.local [hbm:s2], $0x1  }
0x93: {  	_ =	swait.eq [sflag:s15], $0x1  }
0x94: {  	[sflag:s15] =	ssyncset.done $0x0  }
0x95: {  	[sflag:s15] =	ssyncadd.s32 $0xFFFFFFFF  }
0x96: {  	s16 =	sld [smem:$0x10];
	(tm) =	ssettm $0x1  }
0x97: {  	s17 =	sld [smem:$0x3FFB];
	_ =	sdelay $0x3  }
0x98: {  	_ =	strace s17  }
0x99: {  	s3 =	sld [smem:$0x3FFC];
	_ =	sdelay $0x3  }
0x9a: {  	_ =	strace s3  }
0x9b: {  	s3 =	sld [smem:$0x3FFD];
	_ =	sdelay $0x3  }
0x9c: {  	_ =	strace s3  }
0x9d: {  	_ =	strace $0x8FFFFFFF  }
0x9e: {  	s18 =	sld [smem:$0x3FDB];
	_ =	sdelay $0x1  }
0x9f: {  	s19 =	simm.s32 $_scs_section_size  }
0xa0: {  	s5 =	simm.s32 $_size__tile_overlayer_lowered;
	s6 =	simm.s32 $_tile_overlayer_lowered  }
0xa1: {  	s22 =	simm.s32 $0x1BFF;
	s21 =	sshll.u32 s6, $0x1;
	s3 =	sadd.s32 s19, s18  }
0xa2: {  	s7 =	simm.s32 $0x0;
	s20 =	sshll.u32 s5, $0x1;
	s5 =	sadd.s32 s21, s3  }
0xa3: {  	[timem:s7], [sflag:s22] =	dma.local [hbm:s5], s20  }
0xa4: {  	_ =	swait.ge [sflag:s22], s20  }
0xa5: {  	s4 =	ssub.s32 $0x0, s20;
	[sflag:s22] =	ssyncset.done $0x0  }
0xa6: {  	[sflag:s22] =	ssyncadd.s32 s4;
	_ =	sdelay $0x1  }
0xa7: {  	s23 =	simm.s32 $0x1B8B  }
0xa8: {  	_ =	swait.ge [sflag:s23], $0x1  }
0xa9: {  	[sflag:s23] =	ssyncset.done $0x0  }
0xaa: {  	s25 =	simm.s32 $0x1B8E;
	s24 =	sld [smem:$0x3FFE];
	[sflag:s23] =	ssyncadd.s32 $0xFFFFFFFF  }
0xab: {  	s26 =	simm.s32 $execute0_lowered;
	[smem:$0x3FD2] =	sst s25  }
0xac: {  	s5 =	sshll.u32 s26, $0x1;
	_ =	strace $0x80000046;
	[dreg:$0x1] =	wrdreg $0xFFFFFFFF  }
0xad: {  	s28 =	simm.s32 $_size_execute0_lowered;
	s3 =	sadd.s32 s3, s5;
	[dreg:$0x0] =	wrdreg $0x0  }
0xae: {  	s5 =	sshll.u32 s28, $0x1;
	[dreg:$0x2] =	wrdreg s3  }
0xaf: {  	[dreg:$0x3] =	wrdreg s5  }
0xb0: {  	[dreg:$0x4] =	wrdreg $0xC0  }
0xb1: {  	_ =	task [dreg:s7], $0x5FFFF  }
0xb2: {  	[dreg:$0x1] =	wrdreg $0xFFFFFFFF  }
0xb3: {  	[dreg:$0x0] =	wrdreg $0x60  }
0xb4: {  	[dreg:$0x2] =	wrdreg s16  }
0xb5: {  	[dreg:$0x3] =	wrdreg s24  }
0xb6: {  	[dreg:$0x4] =	wrdreg $0xA  }
0xb7: {  	_ =	task.clear_ibuf [dreg:s7], $0x5FFFF;
	_ =	strace $0x90000046  }
0xb8: {  	s29 =	simm.s32 $0xA;
	_ =	strace $0x80000048  }
0xb9: {  	_ =	swait.ge [sflag:s29], $0x1  }
0xba: {  	[sflag:s29] =	ssyncadd.s32 $0xFFFFFFFF  }
0xbb: {  	_ =	strace $0x90000048  }
0xbc: {  	_ =	sfence  }
0xbd: {  	s30 =	sld [smem:$0x0];
	_ =	sdelay $0x2  }
0xbe: {  	s31 =	sshll.u32 s1, $0xD;
	s1 =	sshrl.u32 s1, $0x2  }
0xbf: {  	s3 =	sand.u32 $0x4000, s31;
	s1 =	sadd.s32 s1, s30  }
0xc0: {  	s0 =	sor.u32 s3, s0;
	s1 =	sshll.u32 s1, $0x11  }
0xc1: {  	s0 =	sor.u32 s1, s0  }
0xc2: {  	s0 =	sadd.s32 $0x8F2B, s0  }
0xc3: {  	[sflag:s0] =	ssyncadd.remote.s32 $0x1  }
0xc4: {  	_ =	sfence.sel $0xFFFF  }
0xc5: {  	[dreg:$0x0] =	wrdreg $0xFFFFFFFF;
	(pc) =	sbr.abs _section_cstart, $3  }
0xc6: {  	[dreg:$0x1] =	wrdreg $0xFFFFFFFF  }
0xc7: {  	_ =	task.clear_ibuf [dreg:s7], $0x2FFFF;
	_ =	strace $0x9FFFFFFF  }
0xc8: {  	(tm) =	ssettm $0x7FFFFFFF  }
0xc9: {  	_ =	shalt  }
tec
execute0_lowered:
.L_overlay_start_1:
0x0: {  	(tag) =	ssettag $0x1  }
0x1: {  	s0 =	srdreg.scid;
	s2 =	rddreg [dreg:$0x0]  }
0x2: {  	s1 =	stileid.u32;
	s7 =	rddreg [dreg:$0x1];
	s3 =	simm.s32 $0x0  }
0x3: {  	s18 =	simm.s32 $0x6;
	s20 =	simm.s32 $0x80;
	s22 =	simm.s32 $0x20  }
0x4: {  	s24 =	simm.s32 $0xB200;
	s25 =	simm.s32 $0x1;
	s28 =	simm.s32 $0x3  }
0x5: {  	s29 =	simm.s32 $0x4;
	s0 =	sand.u32 $0x1, s0;
	s1 =	sshll.u32 s1, $0x1  }
0x6: {  	s30 =	simm.s32 $0x5;
	[smem:$0x7FF] =	sst s3;
	s1 =	sor.u32 s0, s1  }
0x7: {  	s5 =	sadd.s32 $0x9E00, s7;
	s0 =	ssub.s32 $0x2, s0;
	s4 =	smul.u32 $0xC80, s1  }
0x8: {  	_ =	strace $0x80000047;
	s1 =	sshll.u32 s1, $0x1;
	s9 =	sshrl.u32 s0, $0x1  }
0x9: {  	s1 =	sadd.s32 s1, s7;
	s0 =	ssub.s32 s0, s9;
	s6 =	sshrl.u32 s4, $0x3  }
0xa: {  	s9 =	sadd.s32 $0x19000, s4;
	s10 =	sadd.s32 $0x32000, s4;
	s11 =	sadd.s32 $0x4B000, s4  }
0xb: {  	s12 =	sadd.s32 $0x64000, s4;
	s13 =	sadd.s32 $0x7D000, s4;
	s14 =	sadd.s32 $0x96000, s4  }
0xc: {  	s15 =	sadd.s32 $0xAF000, s4;
	s1 =	sadd.s32 $0x28800, s1;
	s8 =	sadd.s32 s6, s7  }
0xd: {  	s17 =	smax.u32 s0, $0x1;
	[dreg:$0x5] =	wrdreg s1;
	s26 =	sadd.s32 $0x800, s8  }
0xe: {  	s6 =	sadd.s32 $0x28A00, s7;
	s31 =	sadd.s32 $0x3A00, s8;
	[dreg:$0x3] =	wrdreg s26  }
0xf: {  	s1 =	simm.s32 $0x0;
	[dreg:$0x4] =	wrdreg s31;
	s26 =	simm.s32 $0x2  }
.LBB2_1:
0x10: {  	s0 =	rddreg [dreg:$0x3]  }
0x11: {  	[tilespmem:s3], [sflag:$0x6] =	stream.linear.gather [hbm4b:s0+s3], $0xC80, $0x38;
	[tilespmem:$0x13210] =	vst v63  }
0x12: {  	_ =	swait.ge [sflag:s18], $0xC80  }
0x13: {  	[sflag:s18] =	ssyncset.done $0x0  }
0x14: {  	s7 =	simm.s32 $0xC80;
	s23 =	rddreg [dreg:$0x4];
	[sflag:s18] =	ssyncadd.s32 $0xFFFFF380  }
0x15: {  	[tilespmem:s7], [sflag:$0x6] =	stream.linear.gather [hbm4b:s23+s3], $0xC80, $0x38;
	[tilespmem:$0x13210] =	vst v63  }
0x16: {  	_ =	swait.ge [sflag:s18], $0xC80  }
0x17: {  	[sflag:s18] =	ssyncset.done $0x0  }
0x18: {  	s31 =	simm.s32 $0x1900;
	[sflag:s18] =	ssyncadd.s32 $0xFFFFF380  }
0x19: {  	[tilespmem:s31], [sflag:$0x5] =	stream.indirect.gather [hbm4b:s5+s20], $0x1, s7, s20, $0xb8;
	[tilespmem:$0x13210] =	vst v63  }
0x1a: {  	s8 =	simm.s32 $0x2580  }
0x1b: {  	[tilespmem:s8], [sflag:$0x5] =	stream.indirect.gather [hbm4b:s5+s20], $0x1, s3, s20, $0xb8;
	[tilespmem:$0x13210] =	vst v63  }
0x1c: {  	s16 =	simm.s32 $0xD00;
	s19 =	simm.s32 $0x1980  }
0x1d: {  	[tilespmem:s19], [sflag:$0x5] =	stream.indirect.gather [hbm4b:s5+s20], $0x1, s16, s20, $0xb8;
	[tilespmem:$0x13210] =	vst v63  }
0x1e: {  	s21 =	simm.s32 $0x2600  }
0x1f: {  	[tilespmem:s21], [sflag:$0x5] =	stream.indirect.gather [hbm4b:s5+s20], $0x1, s20, s20, $0xb8;
	[tilespmem:$0x13210] =	vst v63  }
0x20: {  	s23 =	simm.s32 $0xD80;
	s31 =	simm.s32 $0x1A00  }
0x21: {  	[tilespmem:s31], [sflag:$0x5] =	stream.indirect.gather [hbm4b:s5+s20], $0x1, s23, s20, $0xb8;
	[tilespmem:$0x13210] =	vst v63  }
0x22: {  	s8 =	simm.s32 $0x100;
	s16 =	simm.s32 $0x2680  }
0x23: {  	[tilespmem:s16], [sflag:$0x5] =	stream.indirect.gather [hbm4b:s5+s20], $0x1, s8, s20, $0xb8;
	[tilespmem:$0x13210] =	vst v63  }
0x24: {  	s19 =	simm.s32 $0xE00;
	s21 =	simm.s32 $0x1A80  }
0x25: {  	[tilespmem:s21], [sflag:$0x5] =	stream.indirect.gather [hbm4b:s5+s20], $0x1, s19, s20, $0xb8;
	[tilespmem:$0x13210] =	vst v63  }
0x26: {  	s23 =	simm.s32 $0x180;
	s31 =	simm.s32 $0x2700  }
0x27: {  	[tilespmem:s31], [sflag:$0x5] =	stream.indirect.gather [hbm4b:s5+s20], $0x1, s23, s20, $0xb8;
	[tilespmem:$0x13210] =	vst v63  }
0x28: {  	s8 =	simm.s32 $0xE80;
	s16 =	simm.s32 $0x1B00  }
0x29: {  	[tilespmem:s16], [sflag:$0x5] =	stream.indirect.gather [hbm4b:s5+s20], $0x1, s8, s20, $0xb8;
	[tilespmem:$0x13210] =	vst v63  }
0x2a: {  	s19 =	simm.s32 $0x200;
	s21 =	simm.s32 $0x2780  }
0x2b: {  	[tilespmem:s21], [sflag:$0x5] =	stream.indirect.gather [hbm4b:s5+s20], $0x1, s19, s20, $0xb8;
	[tilespmem:$0x13210] =	vst v63  }
0x2c: {  	s23 =	simm.s32 $0xF00;
	s31 =	simm.s32 $0x1B80  }
0x2d: {  	[tilespmem:s31], [sflag:$0x5] =	stream.indirect.gather [hbm4b:s5+s20], $0x1, s23, s20, $0xb8;
	[tilespmem:$0x13210] =	vst v63  }
0x2e: {  	s8 =	simm.s32 $0x280;
	s16 =	simm.s32 $0x2800  }
0x2f: {  	[tilespmem:s16], [sflag:$0x5] =	stream.indirect.gather [hbm4b:s5+s20], $0x1, s8, s20, $0xb8;
	[tilespmem:$0x13210] =	vst v63  }
0x30: {  	s19 =	simm.s32 $0xF80;
	s21 =	simm.s32 $0x1C00  }
0x31: {  	[tilespmem:s21], [sflag:$0x5] =	stream.indirect.gather [hbm4b:s5+s20], $0x1, s19, s20, $0xb8;
	[tilespmem:$0x13210] =	vst v63  }
0x32: {  	s23 =	simm.s32 $0x300;
	s31 =	simm.s32 $0x2880  }
0x33: {  	[tilespmem:s31], [sflag:$0x5] =	stream.indirect.gather [hbm4b:s5+s20], $0x1, s23, s20, $0xb8;
	[tilespmem:$0x13210] =	vst v63  }
0x34: {  	s8 =	simm.s32 $0x1000;
	s16 =	simm.s32 $0x1C80  }
0x35: {  	[tilespmem:s16], [sflag:$0x5] =	stream.indirect.gather [hbm4b:s5+s20], $0x1, s8, s20, $0xb8;
	[tilespmem:$0x13210] =	vst v63  }
0x36: {  	s19 =	simm.s32 $0x380;
	s21 =	simm.s32 $0x2900  }
0x37: {  	[tilespmem:s21], [sflag:$0x5] =	stream.indirect.gather [hbm4b:s5+s20], $0x1, s19, s20, $0xb8;
	[tilespmem:$0x13210] =	vst v63  }
0x38: {  	s23 =	simm.s32 $0x1080;
	s31 =	simm.s32 $0x1D00  }
0x39: {  	[tilespmem:s31], [sflag:$0x5] =	stream.indirect.gather [hbm4b:s5+s20], $0x1, s23, s20, $0xb8;
	[tilespmem:$0x13210] =	vst v63  }
0x3a: {  	s8 =	simm.s32 $0x400;
	s16 =	simm.s32 $0x2980  }
0x3b: {  	[tilespmem:s16], [sflag:$0x5] =	stream.indirect.gather [hbm4b:s5+s20], $0x1, s8, s20, $0xb8;
	[tilespmem:$0x13210] =	vst v63  }
0x3c: {  	s19 =	simm.s32 $0x1100;
	s21 =	simm.s32 $0x1D80  }
0x3d: {  	[tilespmem:s21], [sflag:$0x5] =	stream.indirect.gather [hbm4b:s5+s20], $0x1, s19, s20, $0xb8;
	[tilespmem:$0x13210] =	vst v63  }
0x3e: {  	s23 =	simm.s32 $0x480;
	s31 =	simm.s32 $0x2A00  }
0x3f: {  	[tilespmem:s31], [sflag:$0x5] =	stream.indirect.gather [hbm4b:s5+s20], $0x1, s23, s20, $0xb8;
	[tilespmem:$0x13210] =	vst v63  }
0x40: {  	s8 =	simm.s32 $0x1180;
	s16 =	simm.s32 $0x1E00  }
0x41: {  	[tilespmem:s16], [sflag:$0x5] =	stream.indirect.gather [hbm4b:s5+s20], $0x1, s8, s20, $0xb8;
	[tilespmem:$0x13210] =	vst v63  }
0x42: {  	s19 =	simm.s32 $0x500;
	s21 =	simm.s32 $0x2A80  }
0x43: {  	[tilespmem:s21], [sflag:$0x5] =	stream.indirect.gather [hbm4b:s5+s20], $0x1, s19, s20, $0xb8;
	[tilespmem:$0x13210] =	vst v63  }
0x44: {  	s23 =	simm.s32 $0x1200;
	s31 =	simm.s32 $0x1E80  }
0x45: {  	[tilespmem:s31], [sflag:$0x5] =	stream.indirect.gather [hbm4b:s5+s20], $0x1, s23, s20, $0xb8;
	[tilespmem:$0x13210] =	vst v63  }
0x46: {  	s8 =	simm.s32 $0x580;
	s16 =	simm.s32 $0x2B00  }
0x47: {  	[tilespmem:s16], [sflag:$0x5] =	stream.indirect.gather [hbm4b:s5+s20], $0x1, s8, s20, $0xb8;
	[tilespmem:$0x13210] =	vst v63  }
0x48: {  	s19 =	simm.s32 $0x1280;
	s21 =	simm.s32 $0x1F00  }
0x49: {  	[tilespmem:s21], [sflag:$0x5] =	stream.indirect.gather [hbm4b:s5+s20], $0x1, s19, s20, $0xb8;
	[tilespmem:$0x13210] =	vst v63  }
0x4a: {  	s23 =	simm.s32 $0x600;
	s31 =	simm.s32 $0x2B80  }
0x4b: {  	[tilespmem:s31], [sflag:$0x5] =	stream.indirect.gather [hbm4b:s5+s20], $0x1, s23, s20, $0xb8;
	[tilespmem:$0x13210] =	vst v63  }
0x4c: {  	s8 =	simm.s32 $0x1300;
	s16 =	simm.s32 $0x1F80  }
0x4d: {  	[tilespmem:s16], [sflag:$0x5] =	stream.indirect.gather [hbm4b:s5+s20], $0x1, s8, s20, $0xb8;
	[tilespmem:$0x13210] =	vst v63  }
0x4e: {  	s19 =	simm.s32 $0x680;
	s21 =	simm.s32 $0x2C00  }
0x4f: {  	[tilespmem:s21], [sflag:$0x5] =	stream.indirect.gather [hbm4b:s5+s20], $0x1, s19, s20, $0xb8;
	[tilespmem:$0x13210] =	vst v63  }
0x50: {  	s23 =	simm.s32 $0x1380;
	s31 =	simm.s32 $0x2000  }
0x51: {  	[tilespmem:s31], [sflag:$0x5] =	stream.indirect.gather [hbm4b:s5+s20], $0x1, s23, s20, $0xb8;
	[tilespmem:$0x13210] =	vst v63  }
0x52: {  	s8 =	simm.s32 $0x700;
	s16 =	simm.s32 $0x2C80  }
0x53: {  	[tilespmem:s16], [sflag:$0x5] =	stream.indirect.gather [hbm4b:s5+s20], $0x1, s8, s20, $0xb8;
	[tilespmem:$0x13210] =	vst v63  }
0x54: {  	s19 =	simm.s32 $0x1400;
	s21 =	simm.s32 $0x2080  }
0x55: {  	[tilespmem:s21], [sflag:$0x5] =	stream.indirect.gather [hbm4b:s5+s20], $0x1, s19, s20, $0xb8;
	[tilespmem:$0x13210] =	vst v63  }
0x56: {  	s23 =	simm.s32 $0x780;
	s31 =	simm.s32 $0x2D00  }
0x57: {  	[tilespmem:s31], [sflag:$0x5] =	stream.indirect.gather [hbm4b:s5+s20], $0x1, s23, s20, $0xb8;
	[tilespmem:$0x13210] =	vst v63  }
0x58: {  	s8 =	simm.s32 $0x1480;
	s16 =	simm.s32 $0x2100  }
0x59: {  	[tilespmem:s16], [sflag:$0x5] =	stream.indirect.gather [hbm4b:s5+s20], $0x1, s8, s20, $0xb8;
	[tilespmem:$0x13210] =	vst v63  }
0x5a: {  	s19 =	simm.s32 $0x800;
	s21 =	simm.s32 $0x2D80  }
0x5b: {  	[tilespmem:s21], [sflag:$0x5] =	stream.indirect.gather [hbm4b:s5+s20], $0x1, s19, s20, $0xb8;
	[tilespmem:$0x13210] =	vst v63  }
0x5c: {  	s23 =	simm.s32 $0x1500;
	s31 =	simm.s32 $0x2180  }
0x5d: {  	[tilespmem:s31], [sflag:$0x5] =	stream.indirect.gather [hbm4b:s5+s20], $0x1, s23, s20, $0xb8;
	[tilespmem:$0x13210] =	vst v63  }
0x5e: {  	s8 =	simm.s32 $0x880;
	s16 =	simm.s32 $0x2E00  }
0x5f: {  	[tilespmem:s16], [sflag:$0x5] =	stream.indirect.gather [hbm4b:s5+s20], $0x1, s8, s20, $0xb8;
	[tilespmem:$0x13210] =	vst v63  }
0x60: {  	s19 =	simm.s32 $0x1580;
	s21 =	simm.s32 $0x2200  }
0x61: {  	[tilespmem:s21], [sflag:$0x5] =	stream.indirect.gather [hbm4b:s5+s20], $0x1, s19, s20, $0xb8;
	[tilespmem:$0x13210] =	vst v63  }
0x62: {  	s23 =	simm.s32 $0x900;
	s31 =	simm.s32 $0x2E80  }
0x63: {  	[tilespmem:s31], [sflag:$0x5] =	stream.indirect.gather [hbm4b:s5+s20], $0x1, s23, s20, $0xb8;
	[tilespmem:$0x13210] =	vst v63  }
0x64: {  	s8 =	simm.s32 $0x1600;
	s16 =	simm.s32 $0x2280  }
0x65: {  	[tilespmem:s16], [sflag:$0x5] =	stream.indirect.gather [hbm4b:s5+s20], $0x1, s8, s20, $0xb8;
	[tilespmem:$0x13210] =	vst v63  }
0x66: {  	s19 =	simm.s32 $0x980;
	s21 =	simm.s32 $0x2F00  }
0x67: {  	[tilespmem:s21], [sflag:$0x5] =	stream.indirect.gather [hbm4b:s5+s20], $0x1, s19, s20, $0xb8;
	[tilespmem:$0x13210] =	vst v63  }
0x68: {  	s23 =	simm.s32 $0x1680;
	s31 =	simm.s32 $0x2300  }
0x69: {  	[tilespmem:s31], [sflag:$0x5] =	stream.indirect.gather [hbm4b:s5+s20], $0x1, s23, s20, $0xb8;
	[tilespmem:$0x13210] =	vst v63  }
0x6a: {  	s8 =	simm.s32 $0xA00;
	s16 =	simm.s32 $0x2F80  }
0x6b: {  	[tilespmem:s16], [sflag:$0x5] =	stream.indirect.gather [hbm4b:s5+s20], $0x1, s8, s20, $0xb8;
	[tilespmem:$0x13210] =	vst v63  }
0x6c: {  	s19 =	simm.s32 $0x1700;
	s21 =	simm.s32 $0x2380  }
0x6d: {  	[tilespmem:s21], [sflag:$0x5] =	stream.indirect.gather [hbm4b:s5+s20], $0x1, s19, s20, $0xb8;
	[tilespmem:$0x13210] =	vst v63  }
0x6e: {  	s23 =	simm.s32 $0xA80;
	s31 =	simm.s32 $0x3000  }
0x6f: {  	[tilespmem:s31], [sflag:$0x5] =	stream.indirect.gather [hbm4b:s5+s20], $0x1, s23, s20, $0xb8;
	[tilespmem:$0x13210] =	vst v63  }
0x70: {  	s8 =	simm.s32 $0x1780;
	s16 =	simm.s32 $0x2400  }
0x71: {  	[tilespmem:s16], [sflag:$0x5] =	stream.indirect.gather [hbm4b:s5+s20], $0x1, s8, s20, $0xb8;
	[tilespmem:$0x13210] =	vst v63  }
0x72: {  	s19 =	simm.s32 $0xB00;
	s21 =	simm.s32 $0x3080  }
0x73: {  	[tilespmem:s21], [sflag:$0x5] =	stream.indirect.gather [hbm4b:s5+s20], $0x1, s19, s20, $0xb8;
	[tilespmem:$0x13210] =	vst v63  }
0x74: {  	s23 =	simm.s32 $0x1800;
	s31 =	simm.s32 $0x2480  }
0x75: {  	[tilespmem:s31], [sflag:$0x5] =	stream.indirect.gather [hbm4b:s5+s20], $0x1, s23, s20, $0xb8;
	[tilespmem:$0x13210] =	vst v63  }
0x76: {  	s7 =	simm.s32 $0xB80;
	s8 =	simm.s32 $0x3100  }
0x77: {  	[tilespmem:s8], [sflag:$0x5] =	stream.indirect.gather [hbm4b:s5+s20], $0x1, s7, s20, $0xb8;
	[tilespmem:$0x13210] =	vst v63  }
0x78: {  	s16 =	simm.s32 $0x1880;
	s19 =	simm.s32 $0x2500  }
0x79: {  	[tilespmem:s19], [sflag:$0x5] =	stream.indirect.gather [hbm4b:s5+s20], $0x1, s16, s20, $0xb8;
	[tilespmem:$0x13210] =	vst v63  }
0x7a: {  	s21 =	simm.s32 $0xC00;
	s23 =	simm.s32 $0x3180  }
0x7b: {  	[tilespmem:s23], [sflag:$0x5] =	stream.indirect.gather [hbm4b:s5+s20], $0x1, s21, s20, $0xb8;
	[tilespmem:$0x13210] =	vst v63  }
0x7c: {  	s31 =	simm.s32 $0x3200  }
0x7d: {  	[tilespmem:s31], [sflag:$0x1] =	stream.indirect.gather [hbm4b:s2+s22], $0x400, s3, s22, $0xb8;
	[tilespmem:$0x13210] =	vst v63  }
0x7e: {  	s0 =	simm.s32 $0x0  }
0x7f: {  	[tilespmem:s24], [sflag:$0x2] =	stream.indirect.gather [hbm4b:s2+s22], $0x400, s22, s22, $0xb8;
	[tilespmem:$0x13210] =	vst v63  }
.LBB2_2:
0x80: {  	s23 =	sshll.u32 s0, $0x6  }
0x81: {  	s7 =	sadd.s32 s4, s23  }
0x82: {  	_ =	swait.ge [sflag:s25], $0x8000;
	s31 =	simm.s32 $0x3200;
	s7 =	sshll.u32 s7, $0x4  }
0x83: {  	s19 =	simm.s32 $0x10;
	[sflag:s25] =	ssyncset.done $0x0;
	s21 =	sadd.s32 s6, s7  }
0x84: {  	[sflag:s25] =	ssyncadd.s32 $0xFFFF8000;
	s7 =	simm.s32 $0x3600;
	s8 =	sadd.s32 $0x0, s21  }
.LBB2_3:
0x85: {  	[hbm4b:s8+s3] =	stream.linear.scatter [tilespmem:s31], [sflag:$0x3], $0x80, $0x38;
	[tilespmem:$0x13210] =	vst v63  }
0x86: {  	s8 =	smov.u32 s19;
	s31 =	smov.u32 s7;
	p0 =	sne.s32 s19, $0x1F0  }
.Ltmp0:
0x87: {  	s19 =	sadd.s32 $0x10, s19;
	(pc) =	sbr.rel @p0 .LBB2_3-.Ltmp0, $2  }
0x88: {  	_ =	sdelay $0x2  }
0x89: {  	s7 =	sadd.s32 $0x400, s7;
	s8 =	sadd.s32 s8, s21  }
0x8a: {  	[hbm4b:s8+s3] =	stream.linear.scatter [tilespmem:s31], [sflag:$0x3], $0x80, $0x38;
	[tilespmem:$0x13210] =	vst v63  }
0x8b: {  	s7 =	sadd.s32 s9, s23  }
0x8c: {  	s7 =	sshll.u32 s7, $0x4  }
0x8d: {  	s7 =	sand.u32 $0x1FFFFC00, s7  }
0x8e: {  	s31 =	simm.s32 $0x3280;
	s21 =	sadd.s32 s6, s7  }
0x8f: {  	s19 =	simm.s32 $0x10;
	s7 =	simm.s32 $0x3680;
	s8 =	sadd.s32 $0x0, s21  }
.LBB2_5:
0x90: {  	[hbm4b:s8+s3] =	stream.linear.scatter [tilespmem:s31], [sflag:$0x3], $0x80, $0x38;
	[tilespmem:$0x13210] =	vst v63  }
0x91: {  	s8 =	smov.u32 s19;
	s31 =	smov.u32 s7;
	p0 =	sne.s32 s19, $0x1F0  }
.Ltmp1:
0x92: {  	s19 =	sadd.s32 $0x10, s19;
	(pc) =	sbr.rel @p0 .LBB2_5-.Ltmp1, $2  }
0x93: {  	_ =	sdelay $0x2  }
0x94: {  	s7 =	sadd.s32 $0x400, s7;
	s8 =	sadd.s32 s8, s21  }
0x95: {  	[hbm4b:s8+s3] =	stream.linear.scatter [tilespmem:s31], [sflag:$0x3], $0x80, $0x38;
	[tilespmem:$0x13210] =	vst v63  }
0x96: {  	s7 =	sadd.s32 s10, s23  }
0x97: {  	s7 =	sshll.u32 s7, $0x4  }
0x98: {  	s7 =	sand.u32 $0x1FFFFC00, s7  }
0x99: {  	s31 =	simm.s32 $0x3300;
	s21 =	sadd.s32 s6, s7  }
0x9a: {  	s19 =	simm.s32 $0x10;
	s7 =	simm.s32 $0x3700;
	s8 =	sadd.s32 $0x0, s21  }
.LBB2_7:
0x9b: {  	[hbm4b:s8+s3] =	stream.linear.scatter [tilespmem:s31], [sflag:$0x3], $0x80, $0x38;
	[tilespmem:$0x13210] =	vst v63  }
0x9c: {  	s8 =	smov.u32 s19;
	s31 =	smov.u32 s7;
	p0 =	sne.s32 s19, $0x1F0  }
.Ltmp2:
0x9d: {  	s19 =	sadd.s32 $0x10, s19;
	(pc) =	sbr.rel @p0 .LBB2_7-.Ltmp2, $2  }
0x9e: {  	_ =	sdelay $0x2  }
0x9f: {  	s7 =	sadd.s32 $0x400, s7;
	s8 =	sadd.s32 s8, s21  }
0xa0: {  	[hbm4b:s8+s3] =	stream.linear.scatter [tilespmem:s31], [sflag:$0x3], $0x80, $0x38;
	[tilespmem:$0x13210] =	vst v63  }
0xa1: {  	s7 =	sadd.s32 s11, s23  }
0xa2: {  	s7 =	sshll.u32 s7, $0x4  }
0xa3: {  	s7 =	sand.u32 $0x1FFFFC00, s7  }
0xa4: {  	s31 =	simm.s32 $0x3380;
	s21 =	sadd.s32 s6, s7  }
0xa5: {  	s19 =	simm.s32 $0x10;
	s7 =	simm.s32 $0x3780;
	s8 =	sadd.s32 $0x0, s21  }
.LBB2_9:
0xa6: {  	[hbm4b:s8+s3] =	stream.linear.scatter [tilespmem:s31], [sflag:$0x3], $0x80, $0x38;
	[tilespmem:$0x13210] =	vst v63  }
0xa7: {  	s8 =	smov.u32 s19;
	s31 =	smov.u32 s7;
	p0 =	sne.s32 s19, $0x1F0  }
.Ltmp3:
0xa8: {  	s19 =	sadd.s32 $0x10, s19;
	(pc) =	sbr.rel @p0 .LBB2_9-.Ltmp3, $2  }
0xa9: {  	_ =	sdelay $0x2  }
0xaa: {  	s7 =	sadd.s32 $0x400, s7;
	s8 =	sadd.s32 s8, s21  }
0xab: {  	[hbm4b:s8+s3] =	stream.linear.scatter [tilespmem:s31], [sflag:$0x3], $0x80, $0x38;
	[tilespmem:$0x13210] =	vst v63  }
0xac: {  	s7 =	sadd.s32 s12, s23  }
0xad: {  	s7 =	sshll.u32 s7, $0x4  }
0xae: {  	s7 =	sand.u32 $0x1FFFFC00, s7  }
0xaf: {  	s31 =	simm.s32 $0x3400;
	s21 =	sadd.s32 s6, s7  }
0xb0: {  	s19 =	simm.s32 $0x10;
	s7 =	simm.s32 $0x3800;
	s8 =	sadd.s32 $0x0, s21  }
.LBB2_11:
0xb1: {  	[hbm4b:s8+s3] =	stream.linear.scatter [tilespmem:s31], [sflag:$0x3], $0x80, $0x38;
	[tilespmem:$0x13210] =	vst v63  }
0xb2: {  	s8 =	smov.u32 s19;
	s31 =	smov.u32 s7;
	p0 =	sne.s32 s19, $0x1F0  }
.Ltmp4:
0xb3: {  	s19 =	sadd.s32 $0x10, s19;
	(pc) =	sbr.rel @p0 .LBB2_11-.Ltmp4, $2  }
0xb4: {  	_ =	sdelay $0x2  }
0xb5: {  	s7 =	sadd.s32 $0x400, s7;
	s8 =	sadd.s32 s8, s21  }
0xb6: {  	[hbm4b:s8+s3] =	stream.linear.scatter [tilespmem:s31], [sflag:$0x3], $0x80, $0x38;
	[tilespmem:$0x13210] =	vst v63  }
0xb7: {  	s7 =	sadd.s32 s13, s23  }
0xb8: {  	s7 =	sshll.u32 s7, $0x4  }
0xb9: {  	s7 =	sand.u32 $0x1FFFFC00, s7  }
0xba: {  	s31 =	simm.s32 $0x3480;
	s21 =	sadd.s32 s6, s7  }
0xbb: {  	s19 =	simm.s32 $0x10;
	s7 =	simm.s32 $0x3880;
	s8 =	sadd.s32 $0x0, s21  }
.LBB2_13:
0xbc: {  	[hbm4b:s8+s3] =	stream.linear.scatter [tilespmem:s31], [sflag:$0x3], $0x80, $0x38;
	[tilespmem:$0x13210] =	vst v63  }
0xbd: {  	s8 =	smov.u32 s19;
	s31 =	smov.u32 s7;
	p0 =	sne.s32 s19, $0x1F0  }
.Ltmp5:
0xbe: {  	s19 =	sadd.s32 $0x10, s19;
	(pc) =	sbr.rel @p0 .LBB2_13-.Ltmp5, $2  }
0xbf: {  	_ =	sdelay $0x2  }
0xc0: {  	s7 =	sadd.s32 $0x400, s7;
	s8 =	sadd.s32 s8, s21  }
0xc1: {  	[hbm4b:s8+s3] =	stream.linear.scatter [tilespmem:s31], [sflag:$0x3], $0x80, $0x38;
	[tilespmem:$0x13210] =	vst v63  }
0xc2: {  	s7 =	sadd.s32 s14, s23  }
0xc3: {  	s7 =	sshll.u32 s7, $0x4  }
0xc4: {  	s7 =	sand.u32 $0x1FFFFC00, s7  }
0xc5: {  	s31 =	simm.s32 $0x3500;
	s21 =	sadd.s32 s6, s7  }
0xc6: {  	s19 =	simm.s32 $0x10;
	s7 =	simm.s32 $0x3900;
	s8 =	sadd.s32 $0x0, s21  }
.LBB2_15:
0xc7: {  	[hbm4b:s8+s3] =	stream.linear.scatter [tilespmem:s31], [sflag:$0x3], $0x80, $0x38;
	[tilespmem:$0x13210] =	vst v63  }
0xc8: {  	s8 =	smov.u32 s19;
	s31 =	smov.u32 s7;
	p0 =	sne.s32 s19, $0x1F0  }
.Ltmp6:
0xc9: {  	s19 =	sadd.s32 $0x10, s19;
	(pc) =	sbr.rel @p0 .LBB2_15-.Ltmp6, $2  }
0xca: {  	_ =	sdelay $0x2  }
0xcb: {  	s7 =	sadd.s32 $0x400, s7;
	s8 =	sadd.s32 s8, s21  }
0xcc: {  	[hbm4b:s8+s3] =	stream.linear.scatter [tilespmem:s31], [sflag:$0x3], $0x80, $0x38;
	[tilespmem:$0x13210] =	vst v63  }
0xcd: {  	s7 =	sadd.s32 s15, s23  }
0xce: {  	s7 =	sshll.u32 s7, $0x4  }
0xcf: {  	s7 =	sand.u32 $0x1FFFFC00, s7  }
0xd0: {  	s31 =	simm.s32 $0x3580;
	s21 =	sadd.s32 s6, s7  }
0xd1: {  	s19 =	simm.s32 $0x10;
	s7 =	simm.s32 $0x3980;
	s8 =	sadd.s32 $0x0, s21  }
.LBB2_17:
0xd2: {  	[hbm4b:s8+s3] =	stream.linear.scatter [tilespmem:s31], [sflag:$0x3], $0x80, $0x38;
	[tilespmem:$0x13210] =	vst v63  }
0xd3: {  	s8 =	smov.u32 s19;
	s31 =	smov.u32 s7;
	p0 =	sne.s32 s19, $0x1F0  }
.Ltmp7:
0xd4: {  	s19 =	sadd.s32 $0x10, s19;
	(pc) =	sbr.rel @p0 .LBB2_17-.Ltmp7, $2  }
0xd5: {  	_ =	sdelay $0x2  }
0xd6: {  	s7 =	sadd.s32 $0x400, s7;
	s8 =	sadd.s32 s8, s21  }
0xd7: {  	[hbm4b:s8+s3] =	stream.linear.scatter [tilespmem:s31], [sflag:$0x3], $0x80, $0x38;
	[tilespmem:$0x13210] =	vst v63  }
0xd8: {  	p0 =	seq.s32 s0, $0x31  }
0xd9: {  	s7 =	simm.s32 @!p0 $0x3  }
0xda: {  	_ =	swait.ge @!p0 [sflag:s7], $0x1000  }
0xdb: {  	[sflag:s7] =	ssyncset.done @!p0 $0x0  }
0xdc: {  	[sflag:s7] =	ssyncadd.s32 @!p0 $0xFFFFF000  }
0xdd: {  	_ =	swait.ge @!p0 [sflag:s7], $0x1000  }
0xde: {  	[sflag:s7] =	ssyncset.done @!p0 $0x0  }
0xdf: {  	[sflag:s7] =	ssyncadd.s32 @!p0 $0xFFFFF000  }
0xe0: {  	_ =	swait.ge @!p0 [sflag:s7], $0x1000  }
0xe1: {  	[sflag:s7] =	ssyncset.done @!p0 $0x0  }
0xe2: {  	[sflag:s7] =	ssyncadd.s32 @!p0 $0xFFFFF000  }
0xe3: {  	_ =	swait.ge @!p0 [sflag:s7], $0x1000  }
0xe4: {  	[sflag:s7] =	ssyncset.done @!p0 $0x0  }
0xe5: {  	[sflag:s7] =	ssyncadd.s32 @!p0 $0xFFFFF000  }
0xe6: {  	_ =	swait.ge @!p0 [sflag:s7], $0x1000  }
0xe7: {  	[sflag:s7] =	ssyncset.done @!p0 $0x0  }
0xe8: {  	[sflag:s7] =	ssyncadd.s32 @!p0 $0xFFFFF000  }
0xe9: {  	_ =	swait.ge @!p0 [sflag:s7], $0x1000  }
0xea: {  	[sflag:s7] =	ssyncset.done @!p0 $0x0  }
0xeb: {  	[sflag:s7] =	ssyncadd.s32 @!p0 $0xFFFFF000  }
0xec: {  	_ =	swait.ge @!p0 [sflag:s7], $0x1000  }
0xed: {  	[sflag:s7] =	ssyncset.done @!p0 $0x0  }
0xee: {  	[sflag:s7] =	ssyncadd.s32 @!p0 $0xFFFFF000  }
0xef: {  	_ =	swait.ge @!p0 [sflag:s7], $0x1000  }
0xf0: {  	s21 =	sshll.u32 s0, $0x8;
	s23 =	sor.u32 $0x20, s23;
	[sflag:s7] =	ssyncset.done @!p0 $0x0  }
0xf1: {  	s8 =	simm.s32 @!p0 $0x20;
	[sflag:s7] =	ssyncadd.s32 @!p0 $0xFFFFF000;
	s7 =	sshrl.u32 @!p0 s21, $0x2  }
0xf2: {  	s16 =	simm.s32 @!p0 $0x3200;
	s19 =	sadd.s32 s4, s23;
	s7 =	sadd.s32 @!p0 $0x40, s7  }
0xf3: {  	[tilespmem:s16], [sflag:$0x1] =	stream.indirect.gather @!p0 [hbm4b:s2+s8], $0x400, s7, s8, $0xb8;
	[tilespmem:$0x13210] =	vst v63  }
0xf4: {  	s7 =	sshll.u32 s19, $0x4  }
0xf5: {  	s19 =	simm.s32 $0xB200;
	_ =	swait.ge [sflag:s26], $0x8000;
	s7 =	sand.u32 $0x1FFFFE00, s7  }
0xf6: {  	s8 =	simm.s32 $0xB600;
	[sflag:s26] =	ssyncset.done $0x0;
	s31 =	sadd.s32 s6, s7  }
0xf7: {  	s7 =	simm.s32 $0x10;
	[sflag:s26] =	ssyncadd.s32 $0xFFFF8000;
	s16 =	sadd.s32 $0x0, s31  }
.LBB2_19:
0xf8: {  	[hbm4b:s16+s3] =	stream.linear.scatter [tilespmem:s19], [sflag:$0x4], $0x80, $0x38;
	[tilespmem:$0x13210] =	vst v63  }
0xf9: {  	s16 =	smov.u32 s7;
	s19 =	smov.u32 s8;
	p1 =	sne.s32 s7, $0x1F0  }
.Ltmp8:
0xfa: {  	s7 =	sadd.s32 $0x10, s7;
	(pc) =	sbr.rel @p1 .LBB2_19-.Ltmp8, $2  }
0xfb: {  	_ =	sdelay $0x2  }
0xfc: {  	s8 =	sadd.s32 $0x400, s8;
	s16 =	sadd.s32 s16, s31  }
0xfd: {  	[hbm4b:s16+s3] =	stream.linear.scatter [tilespmem:s19], [sflag:$0x4], $0x80, $0x38;
	[tilespmem:$0x13210] =	vst v63  }
0xfe: {  	s7 =	sadd.s32 s9, s23  }
0xff: {  	s7 =	sshll.u32 s7, $0x4  }
0x100: {  	s7 =	sand.u32 $0x1FFFFE00, s7  }
0x101: {  	s19 =	simm.s32 $0xB280;
	s31 =	sadd.s32 s6, s7  }
0x102: {  	s8 =	simm.s32 $0xB680;
	s7 =	simm.s32 $0x10;
	s16 =	sadd.s32 $0x0, s31  }
.LBB2_21:
0x103: {  	[hbm4b:s16+s3] =	stream.linear.scatter [tilespmem:s19], [sflag:$0x4], $0x80, $0x38;
	[tilespmem:$0x13210] =	vst v63  }
0x104: {  	s16 =	smov.u32 s7;
	s19 =	smov.u32 s8;
	p1 =	sne.s32 s7, $0x1F0  }
.Ltmp9:
0x105: {  	s7 =	sadd.s32 $0x10, s7;
	(pc) =	sbr.rel @p1 .LBB2_21-.Ltmp9, $2  }
0x106: {  	_ =	sdelay $0x2  }
0x107: {  	s8 =	sadd.s32 $0x400, s8;
	s16 =	sadd.s32 s16, s31  }
0x108: {  	[hbm4b:s16+s3] =	stream.linear.scatter [tilespmem:s19], [sflag:$0x4], $0x80, $0x38;
	[tilespmem:$0x13210] =	vst v63  }
0x109: {  	s7 =	sadd.s32 s10, s23  }
0x10a: {  	s7 =	sshll.u32 s7, $0x4  }
0x10b: {  	s7 =	sand.u32 $0x1FFFFE00, s7  }
0x10c: {  	s19 =	simm.s32 $0xB300;
	s31 =	sadd.s32 s6, s7  }
0x10d: {  	s8 =	simm.s32 $0xB700;
	s7 =	simm.s32 $0x10;
	s16 =	sadd.s32 $0x0, s31  }
.LBB2_23:
0x10e: {  	[hbm4b:s16+s3] =	stream.linear.scatter [tilespmem:s19], [sflag:$0x4], $0x80, $0x38;
	[tilespmem:$0x13210] =	vst v63  }
0x10f: {  	s16 =	smov.u32 s7;
	s19 =	smov.u32 s8;
	p1 =	sne.s32 s7, $0x1F0  }
.Ltmp10:
0x110: {  	s7 =	sadd.s32 $0x10, s7;
	(pc) =	sbr.rel @p1 .LBB2_23-.Ltmp10, $2  }
0x111: {  	_ =	sdelay $0x2  }
0x112: {  	s8 =	sadd.s32 $0x400, s8;
	s16 =	sadd.s32 s16, s31  }
0x113: {  	[hbm4b:s16+s3] =	stream.linear.scatter [tilespmem:s19], [sflag:$0x4], $0x80, $0x38;
	[tilespmem:$0x13210] =	vst v63  }
0x114: {  	s7 =	sadd.s32 s11, s23  }
0x115: {  	s7 =	sshll.u32 s7, $0x4  }
0x116: {  	s7 =	sand.u32 $0x1FFFFE00, s7  }
0x117: {  	s19 =	simm.s32 $0xB380;
	s31 =	sadd.s32 s6, s7  }
0x118: {  	s8 =	simm.s32 $0xB780;
	s7 =	simm.s32 $0x10;
	s16 =	sadd.s32 $0x0, s31  }
.LBB2_25:
0x119: {  	[hbm4b:s16+s3] =	stream.linear.scatter [tilespmem:s19], [sflag:$0x4], $0x80, $0x38;
	[tilespmem:$0x13210] =	vst v63  }
0x11a: {  	s16 =	smov.u32 s7;
	s19 =	smov.u32 s8;
	p1 =	sne.s32 s7, $0x1F0  }
.Ltmp11:
0x11b: {  	s7 =	sadd.s32 $0x10, s7;
	(pc) =	sbr.rel @p1 .LBB2_25-.Ltmp11, $2  }
0x11c: {  	_ =	sdelay $0x2  }
0x11d: {  	s8 =	sadd.s32 $0x400, s8;
	s16 =	sadd.s32 s16, s31  }
0x11e: {  	[hbm4b:s16+s3] =	stream.linear.scatter [tilespmem:s19], [sflag:$0x4], $0x80, $0x38;
	[tilespmem:$0x13210] =	vst v63  }
0x11f: {  	s7 =	sadd.s32 s12, s23  }
0x120: {  	s7 =	sshll.u32 s7, $0x4  }
0x121: {  	s7 =	sand.u32 $0x1FFFFE00, s7  }
0x122: {  	s19 =	simm.s32 $0xB400;
	s31 =	sadd.s32 s6, s7  }
0x123: {  	s8 =	simm.s32 $0xB800;
	s7 =	simm.s32 $0x10;
	s16 =	sadd.s32 $0x0, s31  }
.LBB2_27:
0x124: {  	[hbm4b:s16+s3] =	stream.linear.scatter [tilespmem:s19], [sflag:$0x4], $0x80, $0x38;
	[tilespmem:$0x13210] =	vst v63  }
0x125: {  	s16 =	smov.u32 s7;
	s19 =	smov.u32 s8;
	p1 =	sne.s32 s7, $0x1F0  }
.Ltmp12:
0x126: {  	s7 =	sadd.s32 $0x10, s7;
	(pc) =	sbr.rel @p1 .LBB2_27-.Ltmp12, $2  }
0x127: {  	_ =	sdelay $0x2  }
0x128: {  	s8 =	sadd.s32 $0x400, s8;
	s16 =	sadd.s32 s16, s31  }
0x129: {  	[hbm4b:s16+s3] =	stream.linear.scatter [tilespmem:s19], [sflag:$0x4], $0x80, $0x38;
	[tilespmem:$0x13210] =	vst v63  }
0x12a: {  	s7 =	sadd.s32 s13, s23  }
0x12b: {  	s7 =	sshll.u32 s7, $0x4  }
0x12c: {  	s7 =	sand.u32 $0x1FFFFE00, s7  }
0x12d: {  	s19 =	simm.s32 $0xB480;
	s31 =	sadd.s32 s6, s7  }
0x12e: {  	s8 =	simm.s32 $0xB880;
	s7 =	simm.s32 $0x10;
	s16 =	sadd.s32 $0x0, s31  }
.LBB2_29:
0x12f: {  	[hbm4b:s16+s3] =	stream.linear.scatter [tilespmem:s19], [sflag:$0x4], $0x80, $0x38;
	[tilespmem:$0x13210] =	vst v63  }
0x130: {  	s16 =	smov.u32 s7;
	s19 =	smov.u32 s8;
	p1 =	sne.s32 s7, $0x1F0  }
.Ltmp13:
0x131: {  	s7 =	sadd.s32 $0x10, s7;
	(pc) =	sbr.rel @p1 .LBB2_29-.Ltmp13, $2  }
0x132: {  	_ =	sdelay $0x2  }
0x133: {  	s8 =	sadd.s32 $0x400, s8;
	s16 =	sadd.s32 s16, s31  }
0x134: {  	[hbm4b:s16+s3] =	stream.linear.scatter [tilespmem:s19], [sflag:$0x4], $0x80, $0x38;
	[tilespmem:$0x13210] =	vst v63  }
0x135: {  	s7 =	sadd.s32 s14, s23  }
0x136: {  	s7 =	sshll.u32 s7, $0x4  }
0x137: {  	s7 =	sand.u32 $0x1FFFFE00, s7  }
0x138: {  	s19 =	simm.s32 $0xB500;
	s31 =	sadd.s32 s6, s7  }
0x139: {  	s8 =	simm.s32 $0xB900;
	s7 =	simm.s32 $0x10;
	s16 =	sadd.s32 $0x0, s31  }
.LBB2_31:
0x13a: {  	[hbm4b:s16+s3] =	stream.linear.scatter [tilespmem:s19], [sflag:$0x4], $0x80, $0x38;
	[tilespmem:$0x13210] =	vst v63  }
0x13b: {  	s16 =	smov.u32 s7;
	s19 =	smov.u32 s8;
	p1 =	sne.s32 s7, $0x1F0  }
.Ltmp14:
0x13c: {  	s7 =	sadd.s32 $0x10, s7;
	(pc) =	sbr.rel @p1 .LBB2_31-.Ltmp14, $2  }
0x13d: {  	_ =	sdelay $0x2  }
0x13e: {  	s8 =	sadd.s32 $0x400, s8;
	s16 =	sadd.s32 s16, s31  }
0x13f: {  	[hbm4b:s16+s3] =	stream.linear.scatter [tilespmem:s19], [sflag:$0x4], $0x80, $0x38;
	[tilespmem:$0x13210] =	vst v63  }
0x140: {  	s7 =	sadd.s32 s15, s23  }
0x141: {  	s7 =	sshll.u32 s7, $0x4  }
0x142: {  	s7 =	sand.u32 $0x1FFFFE00, s7  }
0x143: {  	s19 =	simm.s32 $0xB580;
	s23 =	sadd.s32 s6, s7  }
0x144: {  	s8 =	simm.s32 $0xB980;
	s7 =	simm.s32 $0x10;
	s16 =	sadd.s32 $0x0, s23  }
.LBB2_33:
0x145: {  	[hbm4b:s16+s3] =	stream.linear.scatter [tilespmem:s19], [sflag:$0x4], $0x80, $0x38;
	[tilespmem:$0x13210] =	vst v63  }
0x146: {  	s16 =	smov.u32 s7;
	s19 =	smov.u32 s8;
	p1 =	sne.s32 s7, $0x1F0  }
.Ltmp15:
0x147: {  	s7 =	sadd.s32 $0x10, s7;
	(pc) =	sbr.rel @p1 .LBB2_33-.Ltmp15, $2  }
0x148: {  	_ =	sdelay $0x2  }
0x149: {  	s8 =	sadd.s32 $0x400, s8;
	s16 =	sadd.s32 s16, s23  }
.Ltmp16:
0x14a: {  	(pc) =	sbr.rel @p0 .LBB2_36-.Ltmp16, $2  }
0x14b: {  	_ =	sdelay $0x2  }
0x14c: {  	[hbm4b:s16+s3] =	stream.linear.scatter [tilespmem:s19], [sflag:$0x4], $0x80, $0x38;
	[tilespmem:$0x13210] =	vst v63  }
0x14d: {  	_ =	swait.ge [sflag:s29], $0x1000  }
0x14e: {  	[sflag:s29] =	ssyncset.done $0x0  }
0x14f: {  	[sflag:s29] =	ssyncadd.s32 $0xFFFFF000  }
0x150: {  	_ =	swait.ge [sflag:s29], $0x1000  }
0x151: {  	[sflag:s29] =	ssyncset.done $0x0  }
0x152: {  	[sflag:s29] =	ssyncadd.s32 $0xFFFFF000  }
0x153: {  	_ =	swait.ge [sflag:s29], $0x1000  }
0x154: {  	[sflag:s29] =	ssyncset.done $0x0  }
0x155: {  	[sflag:s29] =	ssyncadd.s32 $0xFFFFF000  }
0x156: {  	_ =	swait.ge [sflag:s29], $0x1000  }
0x157: {  	[sflag:s29] =	ssyncset.done $0x0  }
0x158: {  	[sflag:s29] =	ssyncadd.s32 $0xFFFFF000  }
0x159: {  	_ =	swait.ge [sflag:s29], $0x1000  }
0x15a: {  	[sflag:s29] =	ssyncset.done $0x0  }
0x15b: {  	[sflag:s29] =	ssyncadd.s32 $0xFFFFF000  }
0x15c: {  	_ =	swait.ge [sflag:s29], $0x1000  }
0x15d: {  	[sflag:s29] =	ssyncset.done $0x0  }
0x15e: {  	[sflag:s29] =	ssyncadd.s32 $0xFFFFF000  }
0x15f: {  	_ =	swait.ge [sflag:s29], $0x1000  }
0x160: {  	[sflag:s29] =	ssyncset.done $0x0  }
.Ltmp17:
0x161: {  	[sflag:s29] =	ssyncadd.s32 $0xFFFFF000;
	(pc) =	sbr.rel .LBB2_2-.Ltmp17, $4  }
0x162: {  	_ =	swait.ge [sflag:s29], $0x1000  }
0x163: {  	s7 =	sshrl.u32 s21, $0x2;
	[sflag:s29] =	ssyncset.done $0x0  }
0x164: {  	s0 =	sadd.s32 $0x1, s0;
	s7 =	sadd.s32 $0x60, s7;
	[sflag:s29] =	ssyncadd.s32 $0xFFFFF000  }
0x165: {  	[tilespmem:s24], [sflag:$0x2] =	stream.indirect.gather [hbm4b:s2+s22], $0x400, s7, s22, $0xb8;
	[tilespmem:$0x13210] =	vst v63  }
.LBB2_36:
0x166: {  	_ =	swait.ge [sflag:s28], $0x1000  }
0x167: {  	[sflag:s28] =	ssyncset.done $0x0  }
0x168: {  	[sflag:s28] =	ssyncadd.s32 $0xFFFFF000  }
0x169: {  	_ =	swait.ge [sflag:s28], $0x1000  }
0x16a: {  	[sflag:s28] =	ssyncset.done $0x0  }
0x16b: {  	[sflag:s28] =	ssyncadd.s32 $0xFFFFF000  }
0x16c: {  	_ =	swait.ge [sflag:s28], $0x1000  }
0x16d: {  	[sflag:s28] =	ssyncset.done $0x0  }
0x16e: {  	[sflag:s28] =	ssyncadd.s32 $0xFFFFF000  }
0x16f: {  	_ =	swait.ge [sflag:s28], $0x1000  }
0x170: {  	[sflag:s28] =	ssyncset.done $0x0  }
0x171: {  	[sflag:s28] =	ssyncadd.s32 $0xFFFFF000  }
0x172: {  	_ =	swait.ge [sflag:s28], $0x1000  }
0x173: {  	[sflag:s28] =	ssyncset.done $0x0  }
0x174: {  	[sflag:s28] =	ssyncadd.s32 $0xFFFFF000  }
0x175: {  	_ =	swait.ge [sflag:s28], $0x1000  }
0x176: {  	[sflag:s28] =	ssyncset.done $0x0  }
0x177: {  	[sflag:s28] =	ssyncadd.s32 $0xFFFFF000  }
0x178: {  	_ =	swait.ge [sflag:s28], $0x1000  }
0x179: {  	[sflag:s28] =	ssyncset.done $0x0  }
0x17a: {  	[sflag:s28] =	ssyncadd.s32 $0xFFFFF000  }
0x17b: {  	_ =	swait.ge [sflag:s28], $0x1000  }
0x17c: {  	[sflag:s28] =	ssyncset.done $0x0  }
0x17d: {  	[sflag:s28] =	ssyncadd.s32 $0xFFFFF000  }
0x17e: {  	_ =	swait.ge [sflag:s29], $0x1000  }
0x17f: {  	[sflag:s29] =	ssyncset.done $0x0  }
0x180: {  	[sflag:s29] =	ssyncadd.s32 $0xFFFFF000  }
0x181: {  	_ =	swait.ge [sflag:s29], $0x1000  }
0x182: {  	[sflag:s29] =	ssyncset.done $0x0  }
0x183: {  	[sflag:s29] =	ssyncadd.s32 $0xFFFFF000  }
0x184: {  	_ =	swait.ge [sflag:s29], $0x1000  }
0x185: {  	[sflag:s29] =	ssyncset.done $0x0  }
0x186: {  	[sflag:s29] =	ssyncadd.s32 $0xFFFFF000  }
0x187: {  	_ =	swait.ge [sflag:s29], $0x1000  }
0x188: {  	[sflag:s29] =	ssyncset.done $0x0  }
0x189: {  	[sflag:s29] =	ssyncadd.s32 $0xFFFFF000  }
0x18a: {  	_ =	swait.ge [sflag:s29], $0x1000  }
0x18b: {  	[sflag:s29] =	ssyncset.done $0x0  }
0x18c: {  	[sflag:s29] =	ssyncadd.s32 $0xFFFFF000  }
0x18d: {  	_ =	swait.ge [sflag:s29], $0x1000  }
0x18e: {  	[sflag:s29] =	ssyncset.done $0x0  }
0x18f: {  	[sflag:s29] =	ssyncadd.s32 $0xFFFFF000  }
0x190: {  	_ =	swait.ge [sflag:s29], $0x1000  }
0x191: {  	[sflag:s29] =	ssyncset.done $0x0  }
0x192: {  	[sflag:s29] =	ssyncadd.s32 $0xFFFFF000  }
0x193: {  	_ =	swait.ge [sflag:s29], $0x1000  }
0x194: {  	[sflag:s29] =	ssyncset.done $0x0  }
0x195: {  	[sflag:s29] =	ssyncadd.s32 $0xFFFFF000  }
0x196: {  	_ =	swait.ge [sflag:s30], $0x80  }
0x197: {  	[sflag:s30] =	ssyncset.done $0x0  }
0x198: {  	[sflag:s30] =	ssyncadd.s32 $0xFFFFFF80  }
0x199: {  	_ =	swait.ge [sflag:s30], $0x80  }
0x19a: {  	[sflag:s30] =	ssyncset.done $0x0  }
0x19b: {  	[sflag:s30] =	ssyncadd.s32 $0xFFFFFF80  }
0x19c: {  	_ =	swait.ge [sflag:s30], $0x80  }
0x19d: {  	[sflag:s30] =	ssyncset.done $0x0  }
0x19e: {  	[sflag:s30] =	ssyncadd.s32 $0xFFFFFF80  }
0x19f: {  	_ =	swait.ge [sflag:s30], $0x80  }
0x1a0: {  	[sflag:s30] =	ssyncset.done $0x0  }
0x1a1: {  	[sflag:s30] =	ssyncadd.s32 $0xFFFFFF80  }
0x1a2: {  	_ =	swait.ge [sflag:s30], $0x80  }
0x1a3: {  	[sflag:s30] =	ssyncset.done $0x0  }
0x1a4: {  	[sflag:s30] =	ssyncadd.s32 $0xFFFFFF80  }
0x1a5: {  	_ =	swait.ge [sflag:s30], $0x80  }
0x1a6: {  	[sflag:s30] =	ssyncset.done $0x0  }
0x1a7: {  	[sflag:s30] =	ssyncadd.s32 $0xFFFFFF80  }
0x1a8: {  	_ =	swait.ge [sflag:s30], $0x80  }
0x1a9: {  	[sflag:s30] =	ssyncset.done $0x0  }
0x1aa: {  	[sflag:s30] =	ssyncadd.s32 $0xFFFFFF80  }
0x1ab: {  	_ =	swait.ge [sflag:s30], $0x80  }
0x1ac: {  	[sflag:s30] =	ssyncset.done $0x0  }
0x1ad: {  	[sflag:s30] =	ssyncadd.s32 $0xFFFFFF80  }
0x1ae: {  	_ =	swait.ge [sflag:s30], $0x80  }
0x1af: {  	[sflag:s30] =	ssyncset.done $0x0  }
0x1b0: {  	[sflag:s30] =	ssyncadd.s32 $0xFFFFFF80  }
0x1b1: {  	_ =	swait.ge [sflag:s30], $0x80  }
0x1b2: {  	[sflag:s30] =	ssyncset.done $0x0  }
0x1b3: {  	[sflag:s30] =	ssyncadd.s32 $0xFFFFFF80  }
0x1b4: {  	_ =	swait.ge [sflag:s30], $0x80  }
0x1b5: {  	[sflag:s30] =	ssyncset.done $0x0  }
0x1b6: {  	[sflag:s30] =	ssyncadd.s32 $0xFFFFFF80  }
0x1b7: {  	_ =	swait.ge [sflag:s30], $0x80  }
0x1b8: {  	[sflag:s30] =	ssyncset.done $0x0  }
0x1b9: {  	[sflag:s30] =	ssyncadd.s32 $0xFFFFFF80  }
0x1ba: {  	_ =	swait.ge [sflag:s30], $0x80  }
0x1bb: {  	[sflag:s30] =	ssyncset.done $0x0  }
0x1bc: {  	[sflag:s30] =	ssyncadd.s32 $0xFFFFFF80  }
0x1bd: {  	_ =	swait.ge [sflag:s30], $0x80  }
0x1be: {  	[sflag:s30] =	ssyncset.done $0x0  }
0x1bf: {  	[sflag:s30] =	ssyncadd.s32 $0xFFFFFF80  }
0x1c0: {  	_ =	swait.ge [sflag:s30], $0x80  }
0x1c1: {  	[sflag:s30] =	ssyncset.done $0x0  }
0x1c2: {  	[sflag:s30] =	ssyncadd.s32 $0xFFFFFF80  }
0x1c3: {  	_ =	swait.ge [sflag:s30], $0x80  }
0x1c4: {  	[sflag:s30] =	ssyncset.done $0x0  }
0x1c5: {  	[sflag:s30] =	ssyncadd.s32 $0xFFFFFF80  }
0x1c6: {  	_ =	swait.ge [sflag:s30], $0x80  }
0x1c7: {  	[sflag:s30] =	ssyncset.done $0x0  }
0x1c8: {  	[sflag:s30] =	ssyncadd.s32 $0xFFFFFF80  }
0x1c9: {  	_ =	swait.ge [sflag:s30], $0x80  }
0x1ca: {  	[sflag:s30] =	ssyncset.done $0x0  }
0x1cb: {  	[sflag:s30] =	ssyncadd.s32 $0xFFFFFF80  }
0x1cc: {  	_ =	swait.ge [sflag:s30], $0x80  }
0x1cd: {  	[sflag:s30] =	ssyncset.done $0x0  }
0x1ce: {  	[sflag:s30] =	ssyncadd.s32 $0xFFFFFF80  }
0x1cf: {  	_ =	swait.ge [sflag:s30], $0x80  }
0x1d0: {  	[sflag:s30] =	ssyncset.done $0x0  }
0x1d1: {  	[sflag:s30] =	ssyncadd.s32 $0xFFFFFF80  }
0x1d2: {  	_ =	swait.ge [sflag:s30], $0x80  }
0x1d3: {  	[sflag:s30] =	ssyncset.done $0x0  }
0x1d4: {  	[sflag:s30] =	ssyncadd.s32 $0xFFFFFF80  }
0x1d5: {  	_ =	swait.ge [sflag:s30], $0x80  }
0x1d6: {  	[sflag:s30] =	ssyncset.done $0x0  }
0x1d7: {  	[sflag:s30] =	ssyncadd.s32 $0xFFFFFF80  }
0x1d8: {  	_ =	swait.ge [sflag:s30], $0x80  }
0x1d9: {  	[sflag:s30] =	ssyncset.done $0x0  }
0x1da: {  	[sflag:s30] =	ssyncadd.s32 $0xFFFFFF80  }
0x1db: {  	_ =	swait.ge [sflag:s30], $0x80  }
0x1dc: {  	[sflag:s30] =	ssyncset.done $0x0  }
0x1dd: {  	[sflag:s30] =	ssyncadd.s32 $0xFFFFFF80  }
0x1de: {  	_ =	swait.ge [sflag:s30], $0x80  }
0x1df: {  	[sflag:s30] =	ssyncset.done $0x0  }
0x1e0: {  	[sflag:s30] =	ssyncadd.s32 $0xFFFFFF80  }
0x1e1: {  	_ =	swait.ge [sflag:s30], $0x80  }
0x1e2: {  	[sflag:s30] =	ssyncset.done $0x0  }
0x1e3: {  	[sflag:s30] =	ssyncadd.s32 $0xFFFFFF80  }
0x1e4: {  	_ =	swait.ge [sflag:s30], $0x80  }
0x1e5: {  	[sflag:s30] =	ssyncset.done $0x0  }
0x1e6: {  	[sflag:s30] =	ssyncadd.s32 $0xFFFFFF80  }
0x1e7: {  	_ =	swait.ge [sflag:s30], $0x80  }
0x1e8: {  	[sflag:s30] =	ssyncset.done $0x0  }
0x1e9: {  	[sflag:s30] =	ssyncadd.s32 $0xFFFFFF80  }
0x1ea: {  	_ =	swait.ge [sflag:s30], $0x80  }
0x1eb: {  	[sflag:s30] =	ssyncset.done $0x0  }
0x1ec: {  	[sflag:s30] =	ssyncadd.s32 $0xFFFFFF80  }
0x1ed: {  	_ =	swait.ge [sflag:s30], $0x80  }
0x1ee: {  	[sflag:s30] =	ssyncset.done $0x0  }
0x1ef: {  	[sflag:s30] =	ssyncadd.s32 $0xFFFFFF80  }
0x1f0: {  	_ =	swait.ge [sflag:s30], $0x80  }
0x1f1: {  	[sflag:s30] =	ssyncset.done $0x0  }
0x1f2: {  	[sflag:s30] =	ssyncadd.s32 $0xFFFFFF80  }
0x1f3: {  	_ =	swait.ge [sflag:s30], $0x80  }
0x1f4: {  	[sflag:s30] =	ssyncset.done $0x0  }
0x1f5: {  	[sflag:s30] =	ssyncadd.s32 $0xFFFFFF80  }
0x1f6: {  	_ =	swait.ge [sflag:s30], $0x80  }
0x1f7: {  	[sflag:s30] =	ssyncset.done $0x0  }
0x1f8: {  	[sflag:s30] =	ssyncadd.s32 $0xFFFFFF80  }
0x1f9: {  	_ =	swait.ge [sflag:s30], $0x80  }
0x1fa: {  	[sflag:s30] =	ssyncset.done $0x0  }
0x1fb: {  	[sflag:s30] =	ssyncadd.s32 $0xFFFFFF80  }
0x1fc: {  	_ =	swait.ge [sflag:s30], $0x80  }
0x1fd: {  	[sflag:s30] =	ssyncset.done $0x0  }
0x1fe: {  	[sflag:s30] =	ssyncadd.s32 $0xFFFFFF80  }
0x1ff: {  	_ =	swait.ge [sflag:s30], $0x80  }
0x200: {  	[sflag:s30] =	ssyncset.done $0x0  }
0x201: {  	[sflag:s30] =	ssyncadd.s32 $0xFFFFFF80  }
0x202: {  	_ =	swait.ge [sflag:s30], $0x80  }
0x203: {  	[sflag:s30] =	ssyncset.done $0x0  }
0x204: {  	[sflag:s30] =	ssyncadd.s32 $0xFFFFFF80  }
0x205: {  	_ =	swait.ge [sflag:s30], $0x80  }
0x206: {  	[sflag:s30] =	ssyncset.done $0x0  }
0x207: {  	[sflag:s30] =	ssyncadd.s32 $0xFFFFFF80  }
0x208: {  	_ =	swait.ge [sflag:s30], $0x80  }
0x209: {  	[sflag:s30] =	ssyncset.done $0x0  }
0x20a: {  	[sflag:s30] =	ssyncadd.s32 $0xFFFFFF80  }
0x20b: {  	_ =	swait.ge [sflag:s30], $0x80  }
0x20c: {  	[sflag:s30] =	ssyncset.done $0x0  }
0x20d: {  	[sflag:s30] =	ssyncadd.s32 $0xFFFFFF80  }
0x20e: {  	_ =	swait.ge [sflag:s30], $0x80  }
0x20f: {  	[sflag:s30] =	ssyncset.done $0x0  }
0x210: {  	[sflag:s30] =	ssyncadd.s32 $0xFFFFFF80  }
0x211: {  	_ =	swait.ge [sflag:s30], $0x80  }
0x212: {  	[sflag:s30] =	ssyncset.done $0x0  }
0x213: {  	[sflag:s30] =	ssyncadd.s32 $0xFFFFFF80  }
0x214: {  	_ =	swait.ge [sflag:s30], $0x80  }
0x215: {  	[sflag:s30] =	ssyncset.done $0x0  }
0x216: {  	[sflag:s30] =	ssyncadd.s32 $0xFFFFFF80  }
0x217: {  	_ =	swait.ge [sflag:s30], $0x80  }
0x218: {  	[sflag:s30] =	ssyncset.done $0x0  }
0x219: {  	[sflag:s30] =	ssyncadd.s32 $0xFFFFFF80  }
0x21a: {  	_ =	swait.ge [sflag:s30], $0x80  }
0x21b: {  	[sflag:s30] =	ssyncset.done $0x0  }
0x21c: {  	[sflag:s30] =	ssyncadd.s32 $0xFFFFFF80  }
0x21d: {  	_ =	swait.ge [sflag:s30], $0x80  }
0x21e: {  	[sflag:s30] =	ssyncset.done $0x0  }
0x21f: {  	[sflag:s30] =	ssyncadd.s32 $0xFFFFFF80  }
0x220: {  	_ =	swait.ge [sflag:s30], $0x80  }
0x221: {  	[sflag:s30] =	ssyncset.done $0x0  }
0x222: {  	[sflag:s30] =	ssyncadd.s32 $0xFFFFFF80  }
0x223: {  	_ =	swait.ge [sflag:s30], $0x80  }
0x224: {  	[sflag:s30] =	ssyncset.done $0x0  }
0x225: {  	[sflag:s30] =	ssyncadd.s32 $0xFFFFFF80  }
0x226: {  	_ =	swait.ge [sflag:s30], $0x80  }
0x227: {  	[sflag:s30] =	ssyncset.done $0x0  }
0x228: {  	[sflag:s30] =	ssyncadd.s32 $0xFFFFFF80  }
0x229: {  	_ =	swait.ge [sflag:s30], $0x80  }
0x22a: {  	[sflag:s30] =	ssyncset.done $0x0  }
0x22b: {  	v0 =	vimm.f32 $0.0e+00;
	[sflag:s30] =	ssyncadd.s32 $0xFFFFFF80  }
0x22c: {  	s7 =	simm.s32 $0x0;
	[tilespmem:$0x13200] =	vst v0  }
0x22d: {  	s0 =	simm.s32 $0x40;
	v1 =	vld [tilespmem:s7+$0x1900]  }
.LBB2_37:
0x22e: {  	p0 =	sne.s32 s0, $0x31C0;
	v2 =	vld [tilespmem:s7+$0x2580];
	_ =	sdelay $0x4  }
0x22f: {  	v1 =	vsub.f32 v2, v1  }
.Ltmp18:
0x230: {  	(pc) =	sbr.rel @p0 .LBB2_37-.Ltmp18, $3  }
0x231: {  	v0 =	vadd.f32 v1, v0;
	_ =	sdelay $0x1  }
0x232: {  	s7 =	sshra.s32 s0, $0x2;
	[tilespmem:$0x13200] =	vst v0  }
0x233: {  	s0 =	sadd.s32 $0x40, s0;
	v1 =	vld [tilespmem:s7+$0x1900]  }
0x234: {  	v2 =	vld [tilespmem:s7+$0x2580];
	_ =	sdelay $0x4  }
0x235: {  	v1 =	vsub.f32 v2, v1;
	_ =	sdelay $0x1  }
0x236: {  	s1 =	sadd.s32 $0x1, s1;
	v0 =	vadd.f32 v1, v0  }
0x237: {  	p0 =	sne.s32 s1, s17  }
.Ltmp19:
0x238: {  	s0 =	rddreg [dreg:$0x5];
	s31 =	simm.s32 $0x13200;
	[tilespmem:$0x13200] =	vst v0;
	(pc) =	sbr.rel @p0 .LBB2_1-.Ltmp19, $4  }
0x239: {  	[hbm4b:s0+s3] =	stream.linear.scatter [tilespmem:s31], [sflag:$0x6], $0x10, $0x38;
	[tilespmem:$0x13210] =	vst v63  }
0x23a: {  	_ =	swait.ge [sflag:s18], $0x10  }
0x23b: {  	[sflag:s18] =	ssyncset.done $0x0  }
0x23c: {  	[sflag:s18] =	ssyncadd.s32 $0xFFFFFFF0  }
0x23d: {  	_ =	sfence.sel $0x180000  }
0x23e: {  	[bflag:$0x0] =	sbarrier.arrive $0xFFFF  }
0x23f: {  	_ =	strace $0x90000047  }
0x240: {  	s0 =	stileid.u32;
	[bflag:$0x2] =	sbarrier.arrive $0xFFFF  }
0x241: {  	p0 =	sne.s32 s0, $0x0;
	s0 =	rddreg [dreg:$0x2]  }
0x242: {  	s0 =	sadd.s32 @!p0 $0x100000, s0  }
0x243: {  	[sflag:s0] =	ssyncadd.tile.s32 @!p0 $0x1;
	_ =	shalt  }
.Lfunc_end2:
_tile_overlayer_lowered:
.L_overlay_start_2:
0x244: {  	(tag) =	ssettag $0x2  }
0x245: {  	s0 =	rddreg [dreg:$0x0];
	s2 =	stileid.u32  }
0x246: {  	s1 =	rddreg [dreg:$0x1];
	p0 =	sne.s32 s2, $0x0  }
0x247: {  	s3 =	rddreg [dreg:$0x2];
	[bflag:$0x3] =	sbarrier.arrive $0xFFFF;
	s2 =	simm.s32 @!p0 $0x1C06  }
0x248: {  	[timem:s3], [sflag:s2] =	dma.local @!p0 [hbm:s0], s1  }
0x249: {  	s0 =	simm.s32 @!p0 $0x6  }
0x24a: {  	_ =	swait.ge @!p0 [sflag:s0], s1  }
0x24b: {  	s1 =	ssub.s32 @!p0 $0x0, s1;
	[sflag:s0] =	ssyncset.done @!p0 $0x0  }
0x24c: {  	[sflag:s0] =	ssyncadd.s32 @!p0 s1  }
0x24d: {  	[bflag:$0x3] =	sbarrier.arrive $0xFFFF  }
0x24e: {  	_ =	shalt  }

// kernel: kernel.7.cloned.1.call-start
scs
__scs_entry_jumppad:
0x0: {  	(pc) =	sbr.rel $0x88, $3  }
0x1: {  	(tag) =	ssettag $0x0;
	lr =	simm.s32 $0x1  }
0x2: {  	[smem:$0x3F9E] =	sst lr;
	_ =	strace $0xD0000000  }
0x3: {  	_ = 	snop  }
0x4: {  	_ = 	snop  }
0x5: {  	_ = 	snop  }
0x6: {  	_ = 	snop  }
0x7: {  	_ = 	snop  }
__scs_overlays_trampoline_lowered:
0x8: {  	[smem:$0x3FAD] =	sst s0  }
0x9: {  	[smem:$0x3FAE] =	sst s1  }
0xa: {  	[smem:$0x3FAF] =	sst s2  }
0xb: {  	[smem:$0x3FB0] =	sst s3  }
0xc: {  	[smem:$0x3FB1] =	sst s4  }
0xd: {  	[smem:$0x3FB2] =	sst s5  }
0xe: {  	[smem:$0x3FB3] =	sst s6  }
0xf: {  	[smem:$0x3FB4] =	sst s7  }
0x10: {  	[smem:$0x3FB5] =	sst s8  }
0x11: {  	[smem:$0x3FB6] =	sst s9;
	s0 =	simm.s32 @!p0 $0x0  }
0x12: {  	s1 =	sld [smem:$0x3F9C];
	s0 =	simm.s32 @p0 $0x1  }
0x13: {  	[smem:$0x3FB7] =	sst s0;
	s0 =	simm.s32 @!p1 $0x0  }
0x14: {  	s2 =	sld [smem:$0x3F9B];
	s0 =	simm.s32 @p1 $0x1  }
0x15: {  	[smem:$0x3FB8] =	sst s0;
	s0 =	simm.s32 @!p2 $0x0  }
0x16: {  	s3 =	sld [smem:$0x3FDB];
	s0 =	simm.s32 @p2 $0x1  }
0x17: {  	s4 =	simm.s32 $0x1BF5;
	[smem:$0x3FBA] =	sst s0  }
0x18: {  	s0 =	sld [smem:$0x3F9D];
	_ =	swait.ge [sflag:s4], $0x0  }
0x19: {  	s7 =	sld [smem:$0x3F9E]  }
0x1a: {  	s8 =	sadd.s32 $0xFFFFE003, lr  }
0x1b: {  	s9 =	sadd.s32 $0xFFFFFEF7, lr;
	s5 =	simm.s32 $0xFFFFFFFF;
	p2 =	slt.u32 s8, $0xFFFFF086  }
0x1c: {  	p1 =	slt.u32 s9, $0xF7A;
	s5 =	simm.s32 @!p2 $0x0  }
0x1d: {  	s5 =	simm.s32 @p1 $0x1;
	p0 =	seq.s32 s7, s2  }
0x1e: {  	s7 =	smul.u32 @!p0 $0xF7A, s2;
	p2 =	seq.s32 @!p0 s5, $0x0  }
0x1f: {  	s9 =	smul.u32 $0xF7A, s1;
	s8 =	simm.s32 @!p0 $0x1BF5;
	p2 =	por !p2, p0  }
0x20: {  	[sflag:s8] =	ssyncset.s32 @!p0 $0xFFFFF086;
	s6 =	sadd.s32 @!p0 s3, s7;
	s7 =	simm.s32 @!p0 $0x108  }
0x21: {  	s3 =	sadd.s32 s3, s9;
	s6 =	sadd.s32 @!p0 $0x88, s6;
	s7 =	simm.s32 @p2 $0x1082  }
0x22: {  	[simem:s7], [sflag:s8] =	dma.local @!p0 [hbm:s6], $0xF7A  }
0x23: {  	s9 =	sor.u32 $0xD0000000, s2;
	s6 =	simm.s32 $0x108;
	_ =	swait.ge @!p0 [sflag:s8], $0x0  }
0x24: {  	s3 =	sadd.s32 $0x88, s3;
	s6 =	simm.s32 @!p1 $0x1082;
	[sflag:s4] =	ssyncset.s32 $0xFFFFF086  }
0x25: {  	[simem:s6], [sflag:s4] =	dma.local [hbm:s3], $0xF7A  }
0x26: {  	[smem:$0x3F9E] =	sst s1;
	(tag) =	ssettag s2;
	_ =	strace s9  }
0x27: {  	s1 =	sld [smem:$0x3FAE]  }
0x28: {  	s2 =	sld [smem:$0x3FAF]  }
0x29: {  	s4 =	sld [smem:$0x3FB1]  }
0x2a: {  	p0 =	seq.s32 s5, $0x0;
	s5 =	sld [smem:$0x3FB2]  }
0x2b: {  	s6 =	sld [smem:$0x3FB3]  }
0x2c: {  	s7 =	sld [smem:$0x3FB4]  }
0x2d: {  	s3 =	simm.s32 $0x108;
	s8 =	sld [smem:$0x3FB5]  }
0x2e: {  	s3 =	simm.s32 @!p0 $0x1082;
	s9 =	sld [smem:$0x3FB6]  }
0x2f: {  	lr =	sadd.s32 s0, s3;
	s0 =	sld [smem:$0x3FAD]  }
0x30: {  	s3 =	sld [smem:$0x3FB0]  }
0x31: {  	[smem:$0x3FB9] =	sst s10  }
0x32: {  	s10 =	sld [smem:$0x3FB7];
	_ =	sdelay $0x3  }
0x33: {  	p0 =	seq.s32 s10, $0x1;
	s10 =	sld [smem:$0x3FB9];
	_ =	sdelay $0x3  }
0x34: {  	[smem:$0x3FB9] =	sst s10  }
0x35: {  	s10 =	sld [smem:$0x3FB8];
	_ =	sdelay $0x3  }
0x36: {  	p1 =	seq.s32 s10, $0x1;
	s10 =	sld [smem:$0x3FB9];
	_ =	sdelay $0x3  }
0x37: {  	[smem:$0x3FB9] =	sst s10  }
0x38: {  	s10 =	sld [smem:$0x3FBA]  }
0x39: {  	_ = 	snop;
	(pc) =	sbr.ind lr, $3  }
0x3a: {  	_ = 	snop  }
0x3b: {  	_ = 	snop  }
0x3c: {  	p2 =	seq.s32 s10, $0x1;
	s10 =	sld [smem:$0x3FB9]  }
0x3d: {  	_ =	shalt  }
0x3e: {  	_ =	shalt  }
0x3f: {  	_ =	shalt  }
0x40: {  	_ =	shalt  }
0x41: {  	_ =	shalt  }
0x42: {  	_ =	shalt  }
0x43: {  	_ =	shalt  }
0x44: {  	_ =	shalt  }
0x45: {  	_ =	shalt  }
0x46: {  	_ =	shalt  }
0x47: {  	_ =	shalt  }
0x48: {  	_ =	shalt  }
0x49: {  	_ =	shalt  }
0x4a: {  	_ =	shalt  }
0x4b: {  	_ =	shalt  }
0x4c: {  	_ =	shalt  }
0x4d: {  	_ =	shalt  }
0x4e: {  	_ =	shalt  }
0x4f: {  	_ =	shalt  }
0x50: {  	_ =	shalt  }
0x51: {  	_ =	shalt  }
0x52: {  	_ =	shalt  }
0x53: {  	_ =	shalt  }
0x54: {  	_ =	shalt  }
0x55: {  	_ =	shalt  }
0x56: {  	_ =	shalt  }
0x57: {  	_ =	shalt  }
0x58: {  	_ =	shalt  }
0x59: {  	_ =	shalt  }
0x5a: {  	_ =	shalt  }
0x5b: {  	_ =	shalt  }
0x5c: {  	_ =	shalt  }
0x5d: {  	_ =	shalt  }
0x5e: {  	_ =	shalt  }
0x5f: {  	_ =	shalt  }
0x60: {  	_ =	shalt  }
0x61: {  	_ =	shalt  }
0x62: {  	_ =	shalt  }
0x63: {  	_ =	shalt  }
0x64: {  	_ =	shalt  }
0x65: {  	_ =	shalt  }
0x66: {  	_ =	shalt  }
0x67: {  	_ =	shalt  }
0x68: {  	_ =	shalt  }
0x69: {  	_ =	shalt  }
0x6a: {  	_ =	shalt  }
0x6b: {  	_ =	shalt  }
0x6c: {  	_ =	shalt  }
0x6d: {  	_ =	shalt  }
0x6e: {  	_ =	shalt  }
0x6f: {  	_ =	shalt  }
0x70: {  	_ =	shalt  }
0x71: {  	_ =	shalt  }
0x72: {  	_ =	shalt  }
0x73: {  	_ =	shalt  }
0x74: {  	_ =	shalt  }
0x75: {  	_ =	shalt  }
0x76: {  	_ =	shalt  }
0x77: {  	_ =	shalt  }
0x78: {  	_ =	shalt  }
0x79: {  	_ =	shalt  }
0x7a: {  	_ =	shalt  }
0x7b: {  	_ =	shalt  }
0x7c: {  	_ =	shalt  }
0x7d: {  	_ =	shalt  }
0x7e: {  	_ =	shalt  }
0x7f: {  	_ =	shalt  }
0x80: {  	_ =	shalt  }
0x81: {  	_ =	shalt  }
0x82: {  	_ =	shalt  }
0x83: {  	_ =	shalt  }
0x84: {  	_ =	shalt  }
0x85: {  	_ =	shalt  }
0x86: {  	_ =	shalt  }
0x87: {  	_ =	shalt  }
.Lfunc_end0:
.L_simem_size_0:
called_computation_lowered:
.L_overlay_start_0:
0x88: {  	s2 =	sld [smem:$0x3FD9]  }
0x89: {  	s3 =	sld [smem:$0x3FFE];
	_ =	sdelay $0x1  }
0x8a: {  	s1 =	srdreg.scid  }
0x8b: {  	s0 =	sand.u32 $0x1, s1  }
0x8c: {  	s15 =	sshll.u32 s0, $0xA;
	s2 =	sadd.s32 s3, s2  }
0x8d: {  	s2 =	sadd.s32 s2, s15  }
0x8e: {  	[smem:$0x3FC5] =	sst s2  }
0x8f: {  	_ = 	snop  }
0x90: {  	s2 =	sld [smem:$0x3FD0];
	_ =	sdelay $0x2  }
0x91: {  	s16 =	simm.s32 $0xB;
	s4 =	simm.s32 $0x10  }
0x92: {  	[smem:s4], [sflag:s16] =	dma.local [hbm:s2], $0x1  }
0x93: {  	_ =	swait.eq [sflag:s16], $0x1  }
0x94: {  	[sflag:s16] =	ssyncset.done $0x0  }
0x95: {  	[sflag:s16] =	ssyncadd.s32 $0xFFFFFFFF  }
0x96: {  	s17 =	sld [smem:$0x10];
	(tm) =	ssettm $0x1  }
0x97: {  	s18 =	sld [smem:$0x3FFB];
	_ =	sdelay $0x3  }
0x98: {  	_ =	strace s18  }
0x99: {  	s2 =	sld [smem:$0x3FFC];
	_ =	sdelay $0x3  }
0x9a: {  	_ =	strace s2  }
0x9b: {  	s2 =	sld [smem:$0x3FFD];
	_ =	sdelay $0x3  }
0x9c: {  	_ =	strace s2  }
0x9d: {  	_ =	strace $0x8FFFFFFF  }
0x9e: {  	s19 =	sld [smem:$0x3FDB];
	_ =	sdelay $0x1  }
0x9f: {  	s20 =	simm.s32 $_scs_section_size  }
0xa0: {  	s5 =	simm.s32 $_size__tile_overlayer_lowered;
	s6 =	simm.s32 $_tile_overlayer_lowered  }
0xa1: {  	s7 =	simm.s32 $0x1BFF;
	s21 =	sshll.u32 s6, $0x1;
	s4 =	sadd.s32 s20, s19  }
0xa2: {  	s22 =	simm.s32 $0x0;
	s5 =	sshll.u32 s5, $0x1;
	s6 =	sadd.s32 s21, s4  }
0xa3: {  	[timem:s22], [sflag:s7] =	dma.local [hbm:s6], s5  }
0xa4: {  	_ =	swait.ge [sflag:s7], s5  }
0xa5: {  	s5 =	ssub.s32 $0x0, s5;
	[sflag:s7] =	ssyncset.done $0x0  }
0xa6: {  	[sflag:s7] =	ssyncadd.s32 s5;
	_ =	sdelay $0x1  }
0xa7: {  	s23 =	simm.s32 $0x1B8B  }
0xa8: {  	_ =	swait.ge [sflag:s23], $0x1  }
0xa9: {  	[sflag:s23] =	ssyncset.done $0x0  }
0xaa: {  	[sflag:s23] =	ssyncadd.s32 $0xFFFFFFFF  }
0xab: {  	s5 =	sld [smem:$0x0]  }
0xac: {  	s6 =	sand.u32 $0xFFFFFFFE, s1  }
0xad: {  	p0 =	sne.s32 s1, s6  }
0xae: {  	s6 =	sshll.u32 @p0 s6, $0xE  }
0xaf: {  	s6 =	sadd.s32 @p0 $0x11B8D, s6;
	s7 =	sshll.u32 @p0 s5, $0x11  }
0xb0: {  	s6 =	sor.u32 @p0 s7, s6  }
0xb1: {  	[sflag:s6] =	ssyncadd.remote.s32 @p0 $0x1;
	_ =	sdelay $0x1  }
0xb2: {  	s6 =	simm.s32 @p0 $0x1B8D  }
0xb3: {  	_ =	swait.eq @p0 [sflag:s6], $0x1  }
0xb4: {  	[sflag:s6] =	ssyncadd.s32 @p0 $0xFFFFFFFF  }
0xb5: {  	s7 =	sshll.u32 @!p0 s1, $0xE  }
0xb6: {  	s7 =	sor.u32 @!p0 $0x4000, s7;
	s6 =	simm.s32 @!p0 $0x1B8D  }
0xb7: {  	s5 =	sshll.u32 @!p0 s5, $0x11;
	s7 =	sadd.s32 @!p0 $0x11B8D, s7;
	_ =	swait.eq @!p0 [sflag:s6], $0x1  }
0xb8: {  	s5 =	sor.u32 @!p0 s5, s7;
	[sflag:s6] =	ssyncadd.s32 @!p0 $0xFFFFFFFF  }
0xb9: {  	s25 =	simm.s32 $0x1B8E;
	s24 =	sld [smem:$0x3FFE];
	[sflag:s5] =	ssyncadd.remote.s32 @!p0 $0x1  }
0xba: {  	s26 =	simm.s32 $execute0_lowered;
	[smem:$0x3FD2] =	sst s25  }
0xbb: {  	s6 =	sshll.u32 s26, $0x1;
	_ =	strace $0x80000049;
	[dreg:$0x1] =	wrdreg $0xFFFFFFFF  }
0xbc: {  	s28 =	simm.s32 $_size_execute0_lowered;
	s4 =	sadd.s32 s4, s6;
	[dreg:$0x0] =	wrdreg $0x0  }
0xbd: {  	s6 =	sshll.u32 s28, $0x1;
	[dreg:$0x2] =	wrdreg s4  }
0xbe: {  	[dreg:$0x3] =	wrdreg s6  }
0xbf: {  	[dreg:$0x4] =	wrdreg $0xC0  }
0xc0: {  	_ =	task [dreg:s22], $0x5FFFF  }
0xc1: {  	[dreg:$0x1] =	wrdreg $0xFFFFFFFF  }
0xc2: {  	[dreg:$0x0] =	wrdreg $0x60  }
0xc3: {  	[dreg:$0x2] =	wrdreg s17  }
0xc4: {  	[dreg:$0x3] =	wrdreg s24  }
0xc5: {  	[dreg:$0x4] =	wrdreg $0x9  }
0xc6: {  	_ =	task.clear_ibuf [dreg:s22], $0x5FFFF;
	_ =	strace $0x90000049  }
0xc7: {  	s29 =	simm.s32 $0x9;
	_ =	strace $0x8000004B  }
0xc8: {  	_ =	swait.ge [sflag:s29], $0x1  }
0xc9: {  	[sflag:s29] =	ssyncadd.s32 $0xFFFFFFFF  }
0xca: {  	_ =	strace $0x9000004B  }
0xcb: {  	_ =	sfence  }
0xcc: {  	s30 =	sld [smem:$0x0];
	_ =	sdelay $0x2  }
0xcd: {  	s31 =	sshll.u32 s1, $0xD;
	s1 =	sshrl.u32 s1, $0x2  }
0xce: {  	s4 =	sand.u32 $0x4000, s31;
	s1 =	sadd.s32 s1, s30  }
0xcf: {  	s0 =	sor.u32 s4, s0;
	s1 =	sshll.u32 s1, $0x11  }
0xd0: {  	s0 =	sor.u32 s1, s0  }
0xd1: {  	s0 =	sadd.s32 $0x8F2B, s0  }
0xd2: {  	[sflag:s0] =	ssyncadd.remote.s32 $0x1  }
0xd3: {  	_ =	sfence.sel $0xFFFF  }
0xd4: {  	[dreg:$0x0] =	wrdreg $0xFFFFFFFF;
	(pc) =	sbr.abs _section_cstart, $3  }
0xd5: {  	[dreg:$0x1] =	wrdreg $0xFFFFFFFF  }
0xd6: {  	_ =	task.clear_ibuf [dreg:s22], $0x2FFFF;
	_ =	strace $0x9FFFFFFF  }
0xd7: {  	(tm) =	ssettm $0x7FFFFFFF  }
tec
execute0_lowered:
.L_overlay_start_1:
0x0: {  	(tag) =	ssettag $0x1  }
0x1: {  	s0 =	srdreg.scid;
	s2 =	rddreg [dreg:$0x0]  }
0x2: {  	s1 =	stileid.u32;
	s7 =	rddreg [dreg:$0x1];
	s3 =	simm.s32 $0x0  }
0x3: {  	s18 =	simm.s32 $0x6;
	s20 =	simm.s32 $0x80;
	s22 =	simm.s32 $0x20  }
0x4: {  	s24 =	simm.s32 $0xB200;
	s25 =	simm.s32 $0x1;
	s28 =	simm.s32 $0x3  }
0x5: {  	s29 =	simm.s32 $0x4;
	s0 =	sand.u32 $0x1, s0;
	s1 =	sshll.u32 s1, $0x1  }
0x6: {  	s30 =	simm.s32 $0x5;
	[smem:$0x7FF] =	sst s3;
	s1 =	sor.u32 s0, s1  }
0x7: {  	s5 =	sadd.s32 $0x9E00, s7;
	s0 =	ssub.s32 $0x2, s0;
	s4 =	smul.u32 $0xC80, s1  }
0x8: {  	_ =	strace $0x8000004A;
	s1 =	sshll.u32 s1, $0x1;
	s9 =	sshrl.u32 s0, $0x1  }
0x9: {  	s1 =	sadd.s32 s1, s7;
	s0 =	ssub.s32 s0, s9;
	s6 =	sshrl.u32 s4, $0x3  }
0xa: {  	s9 =	sadd.s32 $0x19000, s4;
	s10 =	sadd.s32 $0x32000, s4;
	s11 =	sadd.s32 $0x4B000, s4  }
0xb: {  	s12 =	sadd.s32 $0x64000, s4;
	s13 =	sadd.s32 $0x7D000, s4;
	s14 =	sadd.s32 $0x96000, s4  }
0xc: {  	s15 =	sadd.s32 $0xAF000, s4;
	s1 =	sadd.s32 $0xCABC00, s1;
	s8 =	sadd.s32 s6, s7  }
0xd: {  	s17 =	smax.u32 s0, $0x1;
	[dreg:$0x5] =	wrdreg s1;
	s26 =	sadd.s32 $0xCA8A00, s8  }
0xe: {  	s6 =	sadd.s32 $0xCABE00, s7;
	s31 =	sadd.s32 $0x6C00, s8;
	[dreg:$0x3] =	wrdreg s26  }
0xf: {  	s1 =	simm.s32 $0x0;
	[dreg:$0x4] =	wrdreg s31;
	s26 =	simm.s32 $0x2  }
.LBB2_1:
0x10: {  	s0 =	rddreg [dreg:$0x3]  }
0x11: {  	[tilespmem:s3], [sflag:$0x6] =	stream.linear.gather [hbm4b:s0+s3], $0xC80, $0x38;
	[tilespmem:$0x13210] =	vst v63  }
0x12: {  	_ =	swait.ge [sflag:s18], $0xC80  }
0x13: {  	[sflag:s18] =	ssyncset.done $0x0  }
0x14: {  	s7 =	simm.s32 $0xC80;
	s23 =	rddreg [dreg:$0x4];
	[sflag:s18] =	ssyncadd.s32 $0xFFFFF380  }
0x15: {  	[tilespmem:s7], [sflag:$0x6] =	stream.linear.gather [hbm4b:s23+s3], $0xC80, $0x38;
	[tilespmem:$0x13210] =	vst v63  }
0x16: {  	_ =	swait.ge [sflag:s18], $0xC80  }
0x17: {  	[sflag:s18] =	ssyncset.done $0x0  }
0x18: {  	s31 =	simm.s32 $0x1900;
	[sflag:s18] =	ssyncadd.s32 $0xFFFFF380  }
0x19: {  	[tilespmem:s31], [sflag:$0x5] =	stream.indirect.gather [hbm4b:s5+s20], $0x1, s7, s20, $0xb8;
	[tilespmem:$0x13210] =	vst v63  }
0x1a: {  	s8 =	simm.s32 $0x2580  }
0x1b: {  	[tilespmem:s8], [sflag:$0x5] =	stream.indirect.gather [hbm4b:s5+s20], $0x1, s3, s20, $0xb8;
	[tilespmem:$0x13210] =	vst v63  }
0x1c: {  	s16 =	simm.s32 $0xD00;
	s19 =	simm.s32 $0x1980  }
0x1d: {  	[tilespmem:s19], [sflag:$0x5] =	stream.indirect.gather [hbm4b:s5+s20], $0x1, s16, s20, $0xb8;
	[tilespmem:$0x13210] =	vst v63  }
0x1e: {  	s21 =	simm.s32 $0x2600  }
0x1f: {  	[tilespmem:s21], [sflag:$0x5] =	stream.indirect.gather [hbm4b:s5+s20], $0x1, s20, s20, $0xb8;
	[tilespmem:$0x13210] =	vst v63  }
0x20: {  	s23 =	simm.s32 $0xD80;
	s31 =	simm.s32 $0x1A00  }
0x21: {  	[tilespmem:s31], [sflag:$0x5] =	stream.indirect.gather [hbm4b:s5+s20], $0x1, s23, s20, $0xb8;
	[tilespmem:$0x13210] =	vst v63  }
0x22: {  	s8 =	simm.s32 $0x100;
	s16 =	simm.s32 $0x2680  }
0x23: {  	[tilespmem:s16], [sflag:$0x5] =	stream.indirect.gather [hbm4b:s5+s20], $0x1, s8, s20, $0xb8;
	[tilespmem:$0x13210] =	vst v63  }
0x24: {  	s19 =	simm.s32 $0xE00;
	s21 =	simm.s32 $0x1A80  }
0x25: {  	[tilespmem:s21], [sflag:$0x5] =	stream.indirect.gather [hbm4b:s5+s20], $0x1, s19, s20, $0xb8;
	[tilespmem:$0x13210] =	vst v63  }
0x26: {  	s23 =	simm.s32 $0x180;
	s31 =	simm.s32 $0x2700  }
0x27: {  	[tilespmem:s31], [sflag:$0x5] =	stream.indirect.gather [hbm4b:s5+s20], $0x1, s23, s20, $0xb8;
	[tilespmem:$0x13210] =	vst v63  }
0x28: {  	s8 =	simm.s32 $0xE80;
	s16 =	simm.s32 $0x1B00  }
0x29: {  	[tilespmem:s16], [sflag:$0x5] =	stream.indirect.gather [hbm4b:s5+s20], $0x1, s8, s20, $0xb8;
	[tilespmem:$0x13210] =	vst v63  }
0x2a: {  	s19 =	simm.s32 $0x200;
	s21 =	simm.s32 $0x2780  }
0x2b: {  	[tilespmem:s21], [sflag:$0x5] =	stream.indirect.gather [hbm4b:s5+s20], $0x1, s19, s20, $0xb8;
	[tilespmem:$0x13210] =	vst v63  }
0x2c: {  	s23 =	simm.s32 $0xF00;
	s31 =	simm.s32 $0x1B80  }
0x2d: {  	[tilespmem:s31], [sflag:$0x5] =	stream.indirect.gather [hbm4b:s5+s20], $0x1, s23, s20, $0xb8;
	[tilespmem:$0x13210] =	vst v63  }
0x2e: {  	s8 =	simm.s32 $0x280;
	s16 =	simm.s32 $0x2800  }
0x2f: {  	[tilespmem:s16], [sflag:$0x5] =	stream.indirect.gather [hbm4b:s5+s20], $0x1, s8, s20, $0xb8;
	[tilespmem:$0x13210] =	vst v63  }
0x30: {  	s19 =	simm.s32 $0xF80;
	s21 =	simm.s32 $0x1C00  }
0x31: {  	[tilespmem:s21], [sflag:$0x5] =	stream.indirect.gather [hbm4b:s5+s20], $0x1, s19, s20, $0xb8;
	[tilespmem:$0x13210] =	vst v63  }
0x32: {  	s23 =	simm.s32 $0x300;
	s31 =	simm.s32 $0x2880  }
0x33: {  	[tilespmem:s31], [sflag:$0x5] =	stream.indirect.gather [hbm4b:s5+s20], $0x1, s23, s20, $0xb8;
	[tilespmem:$0x13210] =	vst v63  }
0x34: {  	s8 =	simm.s32 $0x1000;
	s16 =	simm.s32 $0x1C80  }
0x35: {  	[tilespmem:s16], [sflag:$0x5] =	stream.indirect.gather [hbm4b:s5+s20], $0x1, s8, s20, $0xb8;
	[tilespmem:$0x13210] =	vst v63  }
0x36: {  	s19 =	simm.s32 $0x380;
	s21 =	simm.s32 $0x2900  }
0x37: {  	[tilespmem:s21], [sflag:$0x5] =	stream.indirect.gather [hbm4b:s5+s20], $0x1, s19, s20, $0xb8;
	[tilespmem:$0x13210] =	vst v63  }
0x38: {  	s23 =	simm.s32 $0x1080;
	s31 =	simm.s32 $0x1D00  }
0x39: {  	[tilespmem:s31], [sflag:$0x5] =	stream.indirect.gather [hbm4b:s5+s20], $0x1, s23, s20, $0xb8;
	[tilespmem:$0x13210] =	vst v63  }
0x3a: {  	s8 =	simm.s32 $0x400;
	s16 =	simm.s32 $0x2980  }
0x3b: {  	[tilespmem:s16], [sflag:$0x5] =	stream.indirect.gather [hbm4b:s5+s20], $0x1, s8, s20, $0xb8;
	[tilespmem:$0x13210] =	vst v63  }
0x3c: {  	s19 =	simm.s32 $0x1100;
	s21 =	simm.s32 $0x1D80  }
0x3d: {  	[tilespmem:s21], [sflag:$0x5] =	stream.indirect.gather [hbm4b:s5+s20], $0x1, s19, s20, $0xb8;
	[tilespmem:$0x13210] =	vst v63  }
0x3e: {  	s23 =	simm.s32 $0x480;
	s31 =	simm.s32 $0x2A00  }
0x3f: {  	[tilespmem:s31], [sflag:$0x5] =	stream.indirect.gather [hbm4b:s5+s20], $0x1, s23, s20, $0xb8;
	[tilespmem:$0x13210] =	vst v63  }
0x40: {  	s8 =	simm.s32 $0x1180;
	s16 =	simm.s32 $0x1E00  }
0x41: {  	[tilespmem:s16], [sflag:$0x5] =	stream.indirect.gather [hbm4b:s5+s20], $0x1, s8, s20, $0xb8;
	[tilespmem:$0x13210] =	vst v63  }
0x42: {  	s19 =	simm.s32 $0x500;
	s21 =	simm.s32 $0x2A80  }
0x43: {  	[tilespmem:s21], [sflag:$0x5] =	stream.indirect.gather [hbm4b:s5+s20], $0x1, s19, s20, $0xb8;
	[tilespmem:$0x13210] =	vst v63  }
0x44: {  	s23 =	simm.s32 $0x1200;
	s31 =	simm.s32 $0x1E80  }
0x45: {  	[tilespmem:s31], [sflag:$0x5] =	stream.indirect.gather [hbm4b:s5+s20], $0x1, s23, s20, $0xb8;
	[tilespmem:$0x13210] =	vst v63  }
0x46: {  	s8 =	simm.s32 $0x580;
	s16 =	simm.s32 $0x2B00  }
0x47: {  	[tilespmem:s16], [sflag:$0x5] =	stream.indirect.gather [hbm4b:s5+s20], $0x1, s8, s20, $0xb8;
	[tilespmem:$0x13210] =	vst v63  }
0x48: {  	s19 =	simm.s32 $0x1280;
	s21 =	simm.s32 $0x1F00  }
0x49: {  	[tilespmem:s21], [sflag:$0x5] =	stream.indirect.gather [hbm4b:s5+s20], $0x1, s19, s20, $0xb8;
	[tilespmem:$0x13210] =	vst v63  }
0x4a: {  	s23 =	simm.s32 $0x600;
	s31 =	simm.s32 $0x2B80  }
0x4b: {  	[tilespmem:s31], [sflag:$0x5] =	stream.indirect.gather [hbm4b:s5+s20], $0x1, s23, s20, $0xb8;
	[tilespmem:$0x13210] =	vst v63  }
0x4c: {  	s8 =	simm.s32 $0x1300;
	s16 =	simm.s32 $0x1F80  }
0x4d: {  	[tilespmem:s16], [sflag:$0x5] =	stream.indirect.gather [hbm4b:s5+s20], $0x1, s8, s20, $0xb8;
	[tilespmem:$0x13210] =	vst v63  }
0x4e: {  	s19 =	simm.s32 $0x680;
	s21 =	simm.s32 $0x2C00  }
0x4f: {  	[tilespmem:s21], [sflag:$0x5] =	stream.indirect.gather [hbm4b:s5+s20], $0x1, s19, s20, $0xb8;
	[tilespmem:$0x13210] =	vst v63  }
0x50: {  	s23 =	simm.s32 $0x1380;
	s31 =	simm.s32 $0x2000  }
0x51: {  	[tilespmem:s31], [sflag:$0x5] =	stream.indirect.gather [hbm4b:s5+s20], $0x1, s23, s20, $0xb8;
	[tilespmem:$0x13210] =	vst v63  }
0x52: {  	s8 =	simm.s32 $0x700;
	s16 =	simm.s32 $0x2C80  }
0x53: {  	[tilespmem:s16], [sflag:$0x5] =	stream.indirect.gather [hbm4b:s5+s20], $0x1, s8, s20, $0xb8;
	[tilespmem:$0x13210] =	vst v63  }
0x54: {  	s19 =	simm.s32 $0x1400;
	s21 =	simm.s32 $0x2080  }
0x55: {  	[tilespmem:s21], [sflag:$0x5] =	stream.indirect.gather [hbm4b:s5+s20], $0x1, s19, s20, $0xb8;
	[tilespmem:$0x13210] =	vst v63  }
0x56: {  	s23 =	simm.s32 $0x780;
	s31 =	simm.s32 $0x2D00  }
0x57: {  	[tilespmem:s31], [sflag:$0x5] =	stream.indirect.gather [hbm4b:s5+s20], $0x1, s23, s20, $0xb8;
	[tilespmem:$0x13210] =	vst v63  }
0x58: {  	s8 =	simm.s32 $0x1480;
	s16 =	simm.s32 $0x2100  }
0x59: {  	[tilespmem:s16], [sflag:$0x5] =	stream.indirect.gather [hbm4b:s5+s20], $0x1, s8, s20, $0xb8;
	[tilespmem:$0x13210] =	vst v63  }
0x5a: {  	s19 =	simm.s32 $0x800;
	s21 =	simm.s32 $0x2D80  }
0x5b: {  	[tilespmem:s21], [sflag:$0x5] =	stream.indirect.gather [hbm4b:s5+s20], $0x1, s19, s20, $0xb8;
	[tilespmem:$0x13210] =	vst v63  }
0x5c: {  	s23 =	simm.s32 $0x1500;
	s31 =	simm.s32 $0x2180  }
0x5d: {  	[tilespmem:s31], [sflag:$0x5] =	stream.indirect.gather [hbm4b:s5+s20], $0x1, s23, s20, $0xb8;
	[tilespmem:$0x13210] =	vst v63  }
0x5e: {  	s8 =	simm.s32 $0x880;
	s16 =	simm.s32 $0x2E00  }
0x5f: {  	[tilespmem:s16], [sflag:$0x5] =	stream.indirect.gather [hbm4b:s5+s20], $0x1, s8, s20, $0xb8;
	[tilespmem:$0x13210] =	vst v63  }
0x60: {  	s19 =	simm.s32 $0x1580;
	s21 =	simm.s32 $0x2200  }
0x61: {  	[tilespmem:s21], [sflag:$0x5] =	stream.indirect.gather [hbm4b:s5+s20], $0x1, s19, s20, $0xb8;
	[tilespmem:$0x13210] =	vst v63  }
0x62: {  	s23 =	simm.s32 $0x900;
	s31 =	simm.s32 $0x2E80  }
0x63: {  	[tilespmem:s31], [sflag:$0x5] =	stream.indirect.gather [hbm4b:s5+s20], $0x1, s23, s20, $0xb8;
	[tilespmem:$0x13210] =	vst v63  }
0x64: {  	s8 =	simm.s32 $0x1600;
	s16 =	simm.s32 $0x2280  }
0x65: {  	[tilespmem:s16], [sflag:$0x5] =	stream.indirect.gather [hbm4b:s5+s20], $0x1, s8, s20, $0xb8;
	[tilespmem:$0x13210] =	vst v63  }
0x66: {  	s19 =	simm.s32 $0x980;
	s21 =	simm.s32 $0x2F00  }
0x67: {  	[tilespmem:s21], [sflag:$0x5] =	stream.indirect.gather [hbm4b:s5+s20], $0x1, s19, s20, $0xb8;
	[tilespmem:$0x13210] =	vst v63  }
0x68: {  	s23 =	simm.s32 $0x1680;
	s31 =	simm.s32 $0x2300  }
0x69: {  	[tilespmem:s31], [sflag:$0x5] =	stream.indirect.gather [hbm4b:s5+s20], $0x1, s23, s20, $0xb8;
	[tilespmem:$0x13210] =	vst v63  }
0x6a: {  	s8 =	simm.s32 $0xA00;
	s16 =	simm.s32 $0x2F80  }
0x6b: {  	[tilespmem:s16], [sflag:$0x5] =	stream.indirect.gather [hbm4b:s5+s20], $0x1, s8, s20, $0xb8;
	[tilespmem:$0x13210] =	vst v63  }
0x6c: {  	s19 =	simm.s32 $0x1700;
	s21 =	simm.s32 $0x2380  }
0x6d: {  	[tilespmem:s21], [sflag:$0x5] =	stream.indirect.gather [hbm4b:s5+s20], $0x1, s19, s20, $0xb8;
	[tilespmem:$0x13210] =	vst v63  }
0x6e: {  	s23 =	simm.s32 $0xA80;
	s31 =	simm.s32 $0x3000  }
0x6f: {  	[tilespmem:s31], [sflag:$0x5] =	stream.indirect.gather [hbm4b:s5+s20], $0x1, s23, s20, $0xb8;
	[tilespmem:$0x13210] =	vst v63  }
0x70: {  	s8 =	simm.s32 $0x1780;
	s16 =	simm.s32 $0x2400  }
0x71: {  	[tilespmem:s16], [sflag:$0x5] =	stream.indirect.gather [hbm4b:s5+s20], $0x1, s8, s20, $0xb8;
	[tilespmem:$0x13210] =	vst v63  }
0x72: {  	s19 =	simm.s32 $0xB00;
	s21 =	simm.s32 $0x3080  }
0x73: {  	[tilespmem:s21], [sflag:$0x5] =	stream.indirect.gather [hbm4b:s5+s20], $0x1, s19, s20, $0xb8;
	[tilespmem:$0x13210] =	vst v63  }
0x74: {  	s23 =	simm.s32 $0x1800;
	s31 =	simm.s32 $0x2480  }
0x75: {  	[tilespmem:s31], [sflag:$0x5] =	stream.indirect.gather [hbm4b:s5+s20], $0x1, s23, s20, $0xb8;
	[tilespmem:$0x13210] =	vst v63  }
0x76: {  	s7 =	simm.s32 $0xB80;
	s8 =	simm.s32 $0x3100  }
0x77: {  	[tilespmem:s8], [sflag:$0x5] =	stream.indirect.gather [hbm4b:s5+s20], $0x1, s7, s20, $0xb8;
	[tilespmem:$0x13210] =	vst v63  }
0x78: {  	s16 =	simm.s32 $0x1880;
	s19 =	simm.s32 $0x2500  }
0x79: {  	[tilespmem:s19], [sflag:$0x5] =	stream.indirect.gather [hbm4b:s5+s20], $0x1, s16, s20, $0xb8;
	[tilespmem:$0x13210] =	vst v63  }
0x7a: {  	s21 =	simm.s32 $0xC00;
	s23 =	simm.s32 $0x3180  }
0x7b: {  	[tilespmem:s23], [sflag:$0x5] =	stream.indirect.gather [hbm4b:s5+s20], $0x1, s21, s20, $0xb8;
	[tilespmem:$0x13210] =	vst v63  }
0x7c: {  	s31 =	simm.s32 $0x3200  }
0x7d: {  	[tilespmem:s31], [sflag:$0x1] =	stream.indirect.gather [hbm4b:s2+s22], $0x400, s3, s22, $0xb8;
	[tilespmem:$0x13210] =	vst v63  }
0x7e: {  	s0 =	simm.s32 $0x0  }
0x7f: {  	[tilespmem:s24], [sflag:$0x2] =	stream.indirect.gather [hbm4b:s2+s22], $0x400, s22, s22, $0xb8;
	[tilespmem:$0x13210] =	vst v63  }
.LBB2_2:
0x80: {  	s23 =	sshll.u32 s0, $0x6  }
0x81: {  	s7 =	sadd.s32 s4, s23  }
0x82: {  	_ =	swait.ge [sflag:s25], $0x8000;
	s31 =	simm.s32 $0x3200;
	s7 =	sshll.u32 s7, $0x4  }
0x83: {  	s19 =	simm.s32 $0x10;
	[sflag:s25] =	ssyncset.done $0x0;
	s21 =	sadd.s32 s6, s7  }
0x84: {  	[sflag:s25] =	ssyncadd.s32 $0xFFFF8000;
	s7 =	simm.s32 $0x3600;
	s8 =	sadd.s32 $0x0, s21  }
.LBB2_3:
0x85: {  	[hbm4b:s8+s3] =	stream.linear.scatter [tilespmem:s31], [sflag:$0x3], $0x80, $0x38;
	[tilespmem:$0x13210] =	vst v63  }
0x86: {  	s8 =	smov.u32 s19;
	s31 =	smov.u32 s7;
	p0 =	sne.s32 s19, $0x1F0  }
.Ltmp0:
0x87: {  	s19 =	sadd.s32 $0x10, s19;
	(pc) =	sbr.rel @p0 .LBB2_3-.Ltmp0, $2  }
0x88: {  	_ =	sdelay $0x2  }
0x89: {  	s7 =	sadd.s32 $0x400, s7;
	s8 =	sadd.s32 s8, s21  }
0x8a: {  	[hbm4b:s8+s3] =	stream.linear.scatter [tilespmem:s31], [sflag:$0x3], $0x80, $0x38;
	[tilespmem:$0x13210] =	vst v63  }
0x8b: {  	s7 =	sadd.s32 s9, s23  }
0x8c: {  	s7 =	sshll.u32 s7, $0x4  }
0x8d: {  	s7 =	sand.u32 $0x1FFFFC00, s7  }
0x8e: {  	s31 =	simm.s32 $0x3280;
	s21 =	sadd.s32 s6, s7  }
0x8f: {  	s19 =	simm.s32 $0x10;
	s7 =	simm.s32 $0x3680;
	s8 =	sadd.s32 $0x0, s21  }
.LBB2_5:
0x90: {  	[hbm4b:s8+s3] =	stream.linear.scatter [tilespmem:s31], [sflag:$0x3], $0x80, $0x38;
	[tilespmem:$0x13210] =	vst v63  }
0x91: {  	s8 =	smov.u32 s19;
	s31 =	smov.u32 s7;
	p0 =	sne.s32 s19, $0x1F0  }
.Ltmp1:
0x92: {  	s19 =	sadd.s32 $0x10, s19;
	(pc) =	sbr.rel @p0 .LBB2_5-.Ltmp1, $2  }
0x93: {  	_ =	sdelay $0x2  }
0x94: {  	s7 =	sadd.s32 $0x400, s7;
	s8 =	sadd.s32 s8, s21  }
0x95: {  	[hbm4b:s8+s3] =	stream.linear.scatter [tilespmem:s31], [sflag:$0x3], $0x80, $0x38;
	[tilespmem:$0x13210] =	vst v63  }
0x96: {  	s7 =	sadd.s32 s10, s23  }
0x97: {  	s7 =	sshll.u32 s7, $0x4  }
0x98: {  	s7 =	sand.u32 $0x1FFFFC00, s7  }
0x99: {  	s31 =	simm.s32 $0x3300;
	s21 =	sadd.s32 s6, s7  }
0x9a: {  	s19 =	simm.s32 $0x10;
	s7 =	simm.s32 $0x3700;
	s8 =	sadd.s32 $0x0, s21  }
.LBB2_7:
0x9b: {  	[hbm4b:s8+s3] =	stream.linear.scatter [tilespmem:s31], [sflag:$0x3], $0x80, $0x38;
	[tilespmem:$0x13210] =	vst v63  }
0x9c: {  	s8 =	smov.u32 s19;
	s31 =	smov.u32 s7;
	p0 =	sne.s32 s19, $0x1F0  }
.Ltmp2:
0x9d: {  	s19 =	sadd.s32 $0x10, s19;
	(pc) =	sbr.rel @p0 .LBB2_7-.Ltmp2, $2  }
0x9e: {  	_ =	sdelay $0x2  }
0x9f: {  	s7 =	sadd.s32 $0x400, s7;
	s8 =	sadd.s32 s8, s21  }
0xa0: {  	[hbm4b:s8+s3] =	stream.linear.scatter [tilespmem:s31], [sflag:$0x3], $0x80, $0x38;
	[tilespmem:$0x13210] =	vst v63  }
0xa1: {  	s7 =	sadd.s32 s11, s23  }
0xa2: {  	s7 =	sshll.u32 s7, $0x4  }
0xa3: {  	s7 =	sand.u32 $0x1FFFFC00, s7  }
0xa4: {  	s31 =	simm.s32 $0x3380;
	s21 =	sadd.s32 s6, s7  }
0xa5: {  	s19 =	simm.s32 $0x10;
	s7 =	simm.s32 $0x3780;
	s8 =	sadd.s32 $0x0, s21  }
.LBB2_9:
0xa6: {  	[hbm4b:s8+s3] =	stream.linear.scatter [tilespmem:s31], [sflag:$0x3], $0x80, $0x38;
	[tilespmem:$0x13210] =	vst v63  }
0xa7: {  	s8 =	smov.u32 s19;
	s31 =	smov.u32 s7;
	p0 =	sne.s32 s19, $0x1F0  }
.Ltmp3:
0xa8: {  	s19 =	sadd.s32 $0x10, s19;
	(pc) =	sbr.rel @p0 .LBB2_9-.Ltmp3, $2  }
0xa9: {  	_ =	sdelay $0x2  }
0xaa: {  	s7 =	sadd.s32 $0x400, s7;
	s8 =	sadd.s32 s8, s21  }
0xab: {  	[hbm4b:s8+s3] =	stream.linear.scatter [tilespmem:s31], [sflag:$0x3], $0x80, $0x38;
	[tilespmem:$0x13210] =	vst v63  }
0xac: {  	s7 =	sadd.s32 s12, s23  }
0xad: {  	s7 =	sshll.u32 s7, $0x4  }
0xae: {  	s7 =	sand.u32 $0x1FFFFC00, s7  }
0xaf: {  	s31 =	simm.s32 $0x3400;
	s21 =	sadd.s32 s6, s7  }
0xb0: {  	s19 =	simm.s32 $0x10;
	s7 =	simm.s32 $0x3800;
	s8 =	sadd.s32 $0x0, s21  }
.LBB2_11:
0xb1: {  	[hbm4b:s8+s3] =	stream.linear.scatter [tilespmem:s31], [sflag:$0x3], $0x80, $0x38;
	[tilespmem:$0x13210] =	vst v63  }
0xb2: {  	s8 =	smov.u32 s19;
	s31 =	smov.u32 s7;
	p0 =	sne.s32 s19, $0x1F0  }
.Ltmp4:
0xb3: {  	s19 =	sadd.s32 $0x10, s19;
	(pc) =	sbr.rel @p0 .LBB2_11-.Ltmp4, $2  }
0xb4: {  	_ =	sdelay $0x2  }
0xb5: {  	s7 =	sadd.s32 $0x400, s7;
	s8 =	sadd.s32 s8, s21  }
0xb6: {  	[hbm4b:s8+s3] =	stream.linear.scatter [tilespmem:s31], [sflag:$0x3], $0x80, $0x38;
	[tilespmem:$0x13210] =	vst v63  }
0xb7: {  	s7 =	sadd.s32 s13, s23  }
0xb8: {  	s7 =	sshll.u32 s7, $0x4  }
0xb9: {  	s7 =	sand.u32 $0x1FFFFC00, s7  }
0xba: {  	s31 =	simm.s32 $0x3480;
	s21 =	sadd.s32 s6, s7  }
0xbb: {  	s19 =	simm.s32 $0x10;
	s7 =	simm.s32 $0x3880;
	s8 =	sadd.s32 $0x0, s21  }
.LBB2_13:
0xbc: {  	[hbm4b:s8+s3] =	stream.linear.scatter [tilespmem:s31], [sflag:$0x3], $0x80, $0x38;
	[tilespmem:$0x13210] =	vst v63  }
0xbd: {  	s8 =	smov.u32 s19;
	s31 =	smov.u32 s7;
	p0 =	sne.s32 s19, $0x1F0  }
.Ltmp5:
0xbe: {  	s19 =	sadd.s32 $0x10, s19;
	(pc) =	sbr.rel @p0 .LBB2_13-.Ltmp5, $2  }
0xbf: {  	_ =	sdelay $0x2  }
0xc0: {  	s7 =	sadd.s32 $0x400, s7;
	s8 =	sadd.s32 s8, s21  }
0xc1: {  	[hbm4b:s8+s3] =	stream.linear.scatter [tilespmem:s31], [sflag:$0x3], $0x80, $0x38;
	[tilespmem:$0x13210] =	vst v63  }
0xc2: {  	s7 =	sadd.s32 s14, s23  }
0xc3: {  	s7 =	sshll.u32 s7, $0x4  }
0xc4: {  	s7 =	sand.u32 $0x1FFFFC00, s7  }
0xc5: {  	s31 =	simm.s32 $0x3500;
	s21 =	sadd.s32 s6, s7  }
0xc6: {  	s19 =	simm.s32 $0x10;
	s7 =	simm.s32 $0x3900;
	s8 =	sadd.s32 $0x0, s21  }
.LBB2_15:
0xc7: {  	[hbm4b:s8+s3] =	stream.linear.scatter [tilespmem:s31], [sflag:$0x3], $0x80, $0x38;
	[tilespmem:$0x13210] =	vst v63  }
0xc8: {  	s8 =	smov.u32 s19;
	s31 =	smov.u32 s7;
	p0 =	sne.s32 s19, $0x1F0  }
.Ltmp6:
0xc9: {  	s19 =	sadd.s32 $0x10, s19;
	(pc) =	sbr.rel @p0 .LBB2_15-.Ltmp6, $2  }
0xca: {  	_ =	sdelay $0x2  }
0xcb: {  	s7 =	sadd.s32 $0x400, s7;
	s8 =	sadd.s32 s8, s21  }
0xcc: {  	[hbm4b:s8+s3] =	stream.linear.scatter [tilespmem:s31], [sflag:$0x3], $0x80, $0x38;
	[tilespmem:$0x13210] =	vst v63  }
0xcd: {  	s7 =	sadd.s32 s15, s23  }
0xce: {  	s7 =	sshll.u32 s7, $0x4  }
0xcf: {  	s7 =	sand.u32 $0x1FFFFC00, s7  }
0xd0: {  	s31 =	simm.s32 $0x3580;
	s21 =	sadd.s32 s6, s7  }
0xd1: {  	s19 =	simm.s32 $0x10;
	s7 =	simm.s32 $0x3980;
	s8 =	sadd.s32 $0x0, s21  }
.LBB2_17:
0xd2: {  	[hbm4b:s8+s3] =	stream.linear.scatter [tilespmem:s31], [sflag:$0x3], $0x80, $0x38;
	[tilespmem:$0x13210] =	vst v63  }
0xd3: {  	s8 =	smov.u32 s19;
	s31 =	smov.u32 s7;
	p0 =	sne.s32 s19, $0x1F0  }
.Ltmp7:
0xd4: {  	s19 =	sadd.s32 $0x10, s19;
	(pc) =	sbr.rel @p0 .LBB2_17-.Ltmp7, $2  }
0xd5: {  	_ =	sdelay $0x2  }
0xd6: {  	s7 =	sadd.s32 $0x400, s7;
	s8 =	sadd.s32 s8, s21  }
0xd7: {  	[hbm4b:s8+s3] =	stream.linear.scatter [tilespmem:s31], [sflag:$0x3], $0x80, $0x38;
	[tilespmem:$0x13210] =	vst v63  }
0xd8: {  	p0 =	seq.s32 s0, $0x31  }
0xd9: {  	s7 =	simm.s32 @!p0 $0x3  }
0xda: {  	_ =	swait.ge @!p0 [sflag:s7], $0x1000  }
0xdb: {  	[sflag:s7] =	ssyncset.done @!p0 $0x0  }
0xdc: {  	[sflag:s7] =	ssyncadd.s32 @!p0 $0xFFFFF000  }
0xdd: {  	_ =	swait.ge @!p0 [sflag:s7], $0x1000  }
0xde: {  	[sflag:s7] =	ssyncset.done @!p0 $0x0  }
0xdf: {  	[sflag:s7] =	ssyncadd.s32 @!p0 $0xFFFFF000  }
0xe0: {  	_ =	swait.ge @!p0 [sflag:s7], $0x1000  }
0xe1: {  	[sflag:s7] =	ssyncset.done @!p0 $0x0  }
0xe2: {  	[sflag:s7] =	ssyncadd.s32 @!p0 $0xFFFFF000  }
0xe3: {  	_ =	swait.ge @!p0 [sflag:s7], $0x1000  }
0xe4: {  	[sflag:s7] =	ssyncset.done @!p0 $0x0  }
0xe5: {  	[sflag:s7] =	ssyncadd.s32 @!p0 $0xFFFFF000  }
0xe6: {  	_ =	swait.ge @!p0 [sflag:s7], $0x1000  }
0xe7: {  	[sflag:s7] =	ssyncset.done @!p0 $0x0  }
0xe8: {  	[sflag:s7] =	ssyncadd.s32 @!p0 $0xFFFFF000  }
0xe9: {  	_ =	swait.ge @!p0 [sflag:s7], $0x1000  }
0xea: {  	[sflag:s7] =	ssyncset.done @!p0 $0x0  }
0xeb: {  	[sflag:s7] =	ssyncadd.s32 @!p0 $0xFFFFF000  }
0xec: {  	_ =	swait.ge @!p0 [sflag:s7], $0x1000  }
0xed: {  	[sflag:s7] =	ssyncset.done @!p0 $0x0  }
0xee: {  	[sflag:s7] =	ssyncadd.s32 @!p0 $0xFFFFF000  }
0xef: {  	_ =	swait.ge @!p0 [sflag:s7], $0x1000  }
0xf0: {  	s21 =	sshll.u32 s0, $0x8;
	s23 =	sor.u32 $0x20, s23;
	[sflag:s7] =	ssyncset.done @!p0 $0x0  }
0xf1: {  	s8 =	simm.s32 @!p0 $0x20;
	[sflag:s7] =	ssyncadd.s32 @!p0 $0xFFFFF000;
	s7 =	sshrl.u32 @!p0 s21, $0x2  }
0xf2: {  	s16 =	simm.s32 @!p0 $0x3200;
	s19 =	sadd.s32 s4, s23;
	s7 =	sadd.s32 @!p0 $0x40, s7  }
0xf3: {  	[tilespmem:s16], [sflag:$0x1] =	stream.indirect.gather @!p0 [hbm4b:s2+s8], $0x400, s7, s8, $0xb8;
	[tilespmem:$0x13210] =	vst v63  }
0xf4: {  	s7 =	sshll.u32 s19, $0x4  }
0xf5: {  	s19 =	simm.s32 $0xB200;
	_ =	swait.ge [sflag:s26], $0x8000;
	s7 =	sand.u32 $0x1FFFFE00, s7  }
0xf6: {  	s8 =	simm.s32 $0xB600;
	[sflag:s26] =	ssyncset.done $0x0;
	s31 =	sadd.s32 s6, s7  }
0xf7: {  	s7 =	simm.s32 $0x10;
	[sflag:s26] =	ssyncadd.s32 $0xFFFF8000;
	s16 =	sadd.s32 $0x0, s31  }
.LBB2_19:
0xf8: {  	[hbm4b:s16+s3] =	stream.linear.scatter [tilespmem:s19], [sflag:$0x4], $0x80, $0x38;
	[tilespmem:$0x13210] =	vst v63  }
0xf9: {  	s16 =	smov.u32 s7;
	s19 =	smov.u32 s8;
	p1 =	sne.s32 s7, $0x1F0  }
.Ltmp8:
0xfa: {  	s7 =	sadd.s32 $0x10, s7;
	(pc) =	sbr.rel @p1 .LBB2_19-.Ltmp8, $2  }
0xfb: {  	_ =	sdelay $0x2  }
0xfc: {  	s8 =	sadd.s32 $0x400, s8;
	s16 =	sadd.s32 s16, s31  }
0xfd: {  	[hbm4b:s16+s3] =	stream.linear.scatter [tilespmem:s19], [sflag:$0x4], $0x80, $0x38;
	[tilespmem:$0x13210] =	vst v63  }
0xfe: {  	s7 =	sadd.s32 s9, s23  }
0xff: {  	s7 =	sshll.u32 s7, $0x4  }
0x100: {  	s7 =	sand.u32 $0x1FFFFE00, s7  }
0x101: {  	s19 =	simm.s32 $0xB280;
	s31 =	sadd.s32 s6, s7  }
0x102: {  	s8 =	simm.s32 $0xB680;
	s7 =	simm.s32 $0x10;
	s16 =	sadd.s32 $0x0, s31  }
.LBB2_21:
0x103: {  	[hbm4b:s16+s3] =	stream.linear.scatter [tilespmem:s19], [sflag:$0x4], $0x80, $0x38;
	[tilespmem:$0x13210] =	vst v63  }
0x104: {  	s16 =	smov.u32 s7;
	s19 =	smov.u32 s8;
	p1 =	sne.s32 s7, $0x1F0  }
.Ltmp9:
0x105: {  	s7 =	sadd.s32 $0x10, s7;
	(pc) =	sbr.rel @p1 .LBB2_21-.Ltmp9, $2  }
0x106: {  	_ =	sdelay $0x2  }
0x107: {  	s8 =	sadd.s32 $0x400, s8;
	s16 =	sadd.s32 s16, s31  }
0x108: {  	[hbm4b:s16+s3] =	stream.linear.scatter [tilespmem:s19], [sflag:$0x4], $0x80, $0x38;
	[tilespmem:$0x13210] =	vst v63  }
0x109: {  	s7 =	sadd.s32 s10, s23  }
0x10a: {  	s7 =	sshll.u32 s7, $0x4  }
0x10b: {  	s7 =	sand.u32 $0x1FFFFE00, s7  }
0x10c: {  	s19 =	simm.s32 $0xB300;
	s31 =	sadd.s32 s6, s7  }
0x10d: {  	s8 =	simm.s32 $0xB700;
	s7 =	simm.s32 $0x10;
	s16 =	sadd.s32 $0x0, s31  }
.LBB2_23:
0x10e: {  	[hbm4b:s16+s3] =	stream.linear.scatter [tilespmem:s19], [sflag:$0x4], $0x80, $0x38;
	[tilespmem:$0x13210] =	vst v63  }
0x10f: {  	s16 =	smov.u32 s7;
	s19 =	smov.u32 s8;
	p1 =	sne.s32 s7, $0x1F0  }
.Ltmp10:
0x110: {  	s7 =	sadd.s32 $0x10, s7;
	(pc) =	sbr.rel @p1 .LBB2_23-.Ltmp10, $2  }
0x111: {  	_ =	sdelay $0x2  }
0x112: {  	s8 =	sadd.s32 $0x400, s8;
	s16 =	sadd.s32 s16, s31  }
0x113: {  	[hbm4b:s16+s3] =	stream.linear.scatter [tilespmem:s19], [sflag:$0x4], $0x80, $0x38;
	[tilespmem:$0x13210] =	vst v63  }
0x114: {  	s7 =	sadd.s32 s11, s23  }
0x115: {  	s7 =	sshll.u32 s7, $0x4  }
0x116: {  	s7 =	sand.u32 $0x1FFFFE00, s7  }
0x117: {  	s19 =	simm.s32 $0xB380;
	s31 =	sadd.s32 s6, s7  }
0x118: {  	s8 =	simm.s32 $0xB780;
	s7 =	simm.s32 $0x10;
	s16 =	sadd.s32 $0x0, s31  }
.LBB2_25:
0x119: {  	[hbm4b:s16+s3] =	stream.linear.scatter [tilespmem:s19], [sflag:$0x4], $0x80, $0x38;
	[tilespmem:$0x13210] =	vst v63  }
0x11a: {  	s16 =	smov.u32 s7;
	s19 =	smov.u32 s8;
	p1 =	sne.s32 s7, $0x1F0  }
.Ltmp11:
0x11b: {  	s7 =	sadd.s32 $0x10, s7;
	(pc) =	sbr.rel @p1 .LBB2_25-.Ltmp11, $2  }
0x11c: {  	_ =	sdelay $0x2  }
0x11d: {  	s8 =	sadd.s32 $0x400, s8;
	s16 =	sadd.s32 s16, s31  }
0x11e: {  	[hbm4b:s16+s3] =	stream.linear.scatter [tilespmem:s19], [sflag:$0x4], $0x80, $0x38;
	[tilespmem:$0x13210] =	vst v63  }
0x11f: {  	s7 =	sadd.s32 s12, s23  }
0x120: {  	s7 =	sshll.u32 s7, $0x4  }
0x121: {  	s7 =	sand.u32 $0x1FFFFE00, s7  }
0x122: {  	s19 =	simm.s32 $0xB400;
	s31 =	sadd.s32 s6, s7  }
0x123: {  	s8 =	simm.s32 $0xB800;
	s7 =	simm.s32 $0x10;
	s16 =	sadd.s32 $0x0, s31  }
.LBB2_27:
0x124: {  	[hbm4b:s16+s3] =	stream.linear.scatter [tilespmem:s19], [sflag:$0x4], $0x80, $0x38;
	[tilespmem:$0x13210] =	vst v63  }
0x125: {  	s16 =	smov.u32 s7;
	s19 =	smov.u32 s8;
	p1 =	sne.s32 s7, $0x1F0  }
.Ltmp12:
0x126: {  	s7 =	sadd.s32 $0x10, s7;
	(pc) =	sbr.rel @p1 .LBB2_27-.Ltmp12, $2  }
0x127: {  	_ =	sdelay $0x2  }
0x128: {  	s8 =	sadd.s32 $0x400, s8;
	s16 =	sadd.s32 s16, s31  }
0x129: {  	[hbm4b:s16+s3] =	stream.linear.scatter [tilespmem:s19], [sflag:$0x4], $0x80, $0x38;
	[tilespmem:$0x13210] =	vst v63  }
0x12a: {  	s7 =	sadd.s32 s13, s23  }
0x12b: {  	s7 =	sshll.u32 s7, $0x4  }
0x12c: {  	s7 =	sand.u32 $0x1FFFFE00, s7  }
0x12d: {  	s19 =	simm.s32 $0xB480;
	s31 =	sadd.s32 s6, s7  }
0x12e: {  	s8 =	simm.s32 $0xB880;
	s7 =	simm.s32 $0x10;
	s16 =	sadd.s32 $0x0, s31  }
.LBB2_29:
0x12f: {  	[hbm4b:s16+s3] =	stream.linear.scatter [tilespmem:s19], [sflag:$0x4], $0x80, $0x38;
	[tilespmem:$0x13210] =	vst v63  }
0x130: {  	s16 =	smov.u32 s7;
	s19 =	smov.u32 s8;
	p1 =	sne.s32 s7, $0x1F0  }
.Ltmp13:
0x131: {  	s7 =	sadd.s32 $0x10, s7;
	(pc) =	sbr.rel @p1 .LBB2_29-.Ltmp13, $2  }
0x132: {  	_ =	sdelay $0x2  }
0x133: {  	s8 =	sadd.s32 $0x400, s8;
	s16 =	sadd.s32 s16, s31  }
0x134: {  	[hbm4b:s16+s3] =	stream.linear.scatter [tilespmem:s19], [sflag:$0x4], $0x80, $0x38;
	[tilespmem:$0x13210] =	vst v63  }
0x135: {  	s7 =	sadd.s32 s14, s23  }
0x136: {  	s7 =	sshll.u32 s7, $0x4  }
0x137: {  	s7 =	sand.u32 $0x1FFFFE00, s7  }
0x138: {  	s19 =	simm.s32 $0xB500;
	s31 =	sadd.s32 s6, s7  }
0x139: {  	s8 =	simm.s32 $0xB900;
	s7 =	simm.s32 $0x10;
	s16 =	sadd.s32 $0x0, s31  }
.LBB2_31:
0x13a: {  	[hbm4b:s16+s3] =	stream.linear.scatter [tilespmem:s19], [sflag:$0x4], $0x80, $0x38;
	[tilespmem:$0x13210] =	vst v63  }
0x13b: {  	s16 =	smov.u32 s7;
	s19 =	smov.u32 s8;
	p1 =	sne.s32 s7, $0x1F0  }
.Ltmp14:
0x13c: {  	s7 =	sadd.s32 $0x10, s7;
	(pc) =	sbr.rel @p1 .LBB2_31-.Ltmp14, $2  }
0x13d: {  	_ =	sdelay $0x2  }
0x13e: {  	s8 =	sadd.s32 $0x400, s8;
	s16 =	sadd.s32 s16, s31  }
0x13f: {  	[hbm4b:s16+s3] =	stream.linear.scatter [tilespmem:s19], [sflag:$0x4], $0x80, $0x38;
	[tilespmem:$0x13210] =	vst v63  }
0x140: {  	s7 =	sadd.s32 s15, s23  }
0x141: {  	s7 =	sshll.u32 s7, $0x4  }
0x142: {  	s7 =	sand.u32 $0x1FFFFE00, s7  }
0x143: {  	s19 =	simm.s32 $0xB580;
	s23 =	sadd.s32 s6, s7  }
0x144: {  	s8 =	simm.s32 $0xB980;
	s7 =	simm.s32 $0x10;
	s16 =	sadd.s32 $0x0, s23  }
.LBB2_33:
0x145: {  	[hbm4b:s16+s3] =	stream.linear.scatter [tilespmem:s19], [sflag:$0x4], $0x80, $0x38;
	[tilespmem:$0x13210] =	vst v63  }
0x146: {  	s16 =	smov.u32 s7;
	s19 =	smov.u32 s8;
	p1 =	sne.s32 s7, $0x1F0  }
.Ltmp15:
0x147: {  	s7 =	sadd.s32 $0x10, s7;
	(pc) =	sbr.rel @p1 .LBB2_33-.Ltmp15, $2  }
0x148: {  	_ =	sdelay $0x2  }
0x149: {  	s8 =	sadd.s32 $0x400, s8;
	s16 =	sadd.s32 s16, s23  }
.Ltmp16:
0x14a: {  	(pc) =	sbr.rel @p0 .LBB2_36-.Ltmp16, $2  }
0x14b: {  	_ =	sdelay $0x2  }
0x14c: {  	[hbm4b:s16+s3] =	stream.linear.scatter [tilespmem:s19], [sflag:$0x4], $0x80, $0x38;
	[tilespmem:$0x13210] =	vst v63  }
0x14d: {  	_ =	swait.ge [sflag:s29], $0x1000  }
0x14e: {  	[sflag:s29] =	ssyncset.done $0x0  }
0x14f: {  	[sflag:s29] =	ssyncadd.s32 $0xFFFFF000  }
0x150: {  	_ =	swait.ge [sflag:s29], $0x1000  }
0x151: {  	[sflag:s29] =	ssyncset.done $0x0  }
0x152: {  	[sflag:s29] =	ssyncadd.s32 $0xFFFFF000  }
0x153: {  	_ =	swait.ge [sflag:s29], $0x1000  }
0x154: {  	[sflag:s29] =	ssyncset.done $0x0  }
0x155: {  	[sflag:s29] =	ssyncadd.s32 $0xFFFFF000  }
0x156: {  	_ =	swait.ge [sflag:s29], $0x1000  }
0x157: {  	[sflag:s29] =	ssyncset.done $0x0  }
0x158: {  	[sflag:s29] =	ssyncadd.s32 $0xFFFFF000  }
0x159: {  	_ =	swait.ge [sflag:s29], $0x1000  }
0x15a: {  	[sflag:s29] =	ssyncset.done $0x0  }
0x15b: {  	[sflag:s29] =	ssyncadd.s32 $0xFFFFF000  }
0x15c: {  	_ =	swait.ge [sflag:s29], $0x1000  }
0x15d: {  	[sflag:s29] =	ssyncset.done $0x0  }
0x15e: {  	[sflag:s29] =	ssyncadd.s32 $0xFFFFF000  }
0x15f: {  	_ =	swait.ge [sflag:s29], $0x1000  }
0x160: {  	[sflag:s29] =	ssyncset.done $0x0  }
.Ltmp17:
0x161: {  	[sflag:s29] =	ssyncadd.s32 $0xFFFFF000;
	(pc) =	sbr.rel .LBB2_2-.Ltmp17, $4  }
0x162: {  	_ =	swait.ge [sflag:s29], $0x1000  }
0x163: {  	s7 =	sshrl.u32 s21, $0x2;
	[sflag:s29] =	ssyncset.done $0x0  }
0x164: {  	s0 =	sadd.s32 $0x1, s0;
	s7 =	sadd.s32 $0x60, s7;
	[sflag:s29] =	ssyncadd.s32 $0xFFFFF000  }
0x165: {  	[tilespmem:s24], [sflag:$0x2] =	stream.indirect.gather [hbm4b:s2+s22], $0x400, s7, s22, $0xb8;
	[tilespmem:$0x13210] =	vst v63  }
.LBB2_36:
0x166: {  	_ =	swait.ge [sflag:s28], $0x1000  }
0x167: {  	[sflag:s28] =	ssyncset.done $0x0  }
0x168: {  	[sflag:s28] =	ssyncadd.s32 $0xFFFFF000  }
0x169: {  	_ =	swait.ge [sflag:s28], $0x1000  }
0x16a: {  	[sflag:s28] =	ssyncset.done $0x0  }
0x16b: {  	[sflag:s28] =	ssyncadd.s32 $0xFFFFF000  }
0x16c: {  	_ =	swait.ge [sflag:s28], $0x1000  }
0x16d: {  	[sflag:s28] =	ssyncset.done $0x0  }
0x16e: {  	[sflag:s28] =	ssyncadd.s32 $0xFFFFF000  }
0x16f: {  	_ =	swait.ge [sflag:s28], $0x1000  }
0x170: {  	[sflag:s28] =	ssyncset.done $0x0  }
0x171: {  	[sflag:s28] =	ssyncadd.s32 $0xFFFFF000  }
0x172: {  	_ =	swait.ge [sflag:s28], $0x1000  }
0x173: {  	[sflag:s28] =	ssyncset.done $0x0  }
0x174: {  	[sflag:s28] =	ssyncadd.s32 $0xFFFFF000  }
0x175: {  	_ =	swait.ge [sflag:s28], $0x1000  }
0x176: {  	[sflag:s28] =	ssyncset.done $0x0  }
0x177: {  	[sflag:s28] =	ssyncadd.s32 $0xFFFFF000  }
0x178: {  	_ =	swait.ge [sflag:s28], $0x1000  }
0x179: {  	[sflag:s28] =	ssyncset.done $0x0  }
0x17a: {  	[sflag:s28] =	ssyncadd.s32 $0xFFFFF000  }
0x17b: {  	_ =	swait.ge [sflag:s28], $0x1000  }
0x17c: {  	[sflag:s28] =	ssyncset.done $0x0  }
0x17d: {  	[sflag:s28] =	ssyncadd.s32 $0xFFFFF000  }
0x17e: {  	_ =	swait.ge [sflag:s29], $0x1000  }
0x17f: {  	[sflag:s29] =	ssyncset.done $0x0  }
0x180: {  	[sflag:s29] =	ssyncadd.s32 $0xFFFFF000  }
0x181: {  	_ =	swait.ge [sflag:s29], $0x1000  }
0x182: {  	[sflag:s29] =	ssyncset.done $0x0  }
0x183: {  	[sflag:s29] =	ssyncadd.s32 $0xFFFFF000  }
0x184: {  	_ =	swait.ge [sflag:s29], $0x1000  }
0x185: {  	[sflag:s29] =	ssyncset.done $0x0  }
0x186: {  	[sflag:s29] =	ssyncadd.s32 $0xFFFFF000  }
0x187: {  	_ =	swait.ge [sflag:s29], $0x1000  }
0x188: {  	[sflag:s29] =	ssyncset.done $0x0  }
0x189: {  	[sflag:s29] =	ssyncadd.s32 $0xFFFFF000  }
0x18a: {  	_ =	swait.ge [sflag:s29], $0x1000  }
0x18b: {  	[sflag:s29] =	ssyncset.done $0x0  }
0x18c: {  	[sflag:s29] =	ssyncadd.s32 $0xFFFFF000  }
0x18d: {  	_ =	swait.ge [sflag:s29], $0x1000  }
0x18e: {  	[sflag:s29] =	ssyncset.done $0x0  }
0x18f: {  	[sflag:s29] =	ssyncadd.s32 $0xFFFFF000  }
0x190: {  	_ =	swait.ge [sflag:s29], $0x1000  }
0x191: {  	[sflag:s29] =	ssyncset.done $0x0  }
0x192: {  	[sflag:s29] =	ssyncadd.s32 $0xFFFFF000  }
0x193: {  	_ =	swait.ge [sflag:s29], $0x1000  }
0x194: {  	[sflag:s29] =	ssyncset.done $0x0  }
0x195: {  	[sflag:s29] =	ssyncadd.s32 $0xFFFFF000  }
0x196: {  	_ =	swait.ge [sflag:s30], $0x80  }
0x197: {  	[sflag:s30] =	ssyncset.done $0x0  }
0x198: {  	[sflag:s30] =	ssyncadd.s32 $0xFFFFFF80  }
0x199: {  	_ =	swait.ge [sflag:s30], $0x80  }
0x19a: {  	[sflag:s30] =	ssyncset.done $0x0  }
0x19b: {  	[sflag:s30] =	ssyncadd.s32 $0xFFFFFF80  }
0x19c: {  	_ =	swait.ge [sflag:s30], $0x80  }
0x19d: {  	[sflag:s30] =	ssyncset.done $0x0  }
0x19e: {  	[sflag:s30] =	ssyncadd.s32 $0xFFFFFF80  }
0x19f: {  	_ =	swait.ge [sflag:s30], $0x80  }
0x1a0: {  	[sflag:s30] =	ssyncset.done $0x0  }
0x1a1: {  	[sflag:s30] =	ssyncadd.s32 $0xFFFFFF80  }
0x1a2: {  	_ =	swait.ge [sflag:s30], $0x80  }
0x1a3: {  	[sflag:s30] =	ssyncset.done $0x0  }
0x1a4: {  	[sflag:s30] =	ssyncadd.s32 $0xFFFFFF80  }
0x1a5: {  	_ =	swait.ge [sflag:s30], $0x80  }
0x1a6: {  	[sflag:s30] =	ssyncset.done $0x0  }
0x1a7: {  	[sflag:s30] =	ssyncadd.s32 $0xFFFFFF80  }
0x1a8: {  	_ =	swait.ge [sflag:s30], $0x80  }
0x1a9: {  	[sflag:s30] =	ssyncset.done $0x0  }
0x1aa: {  	[sflag:s30] =	ssyncadd.s32 $0xFFFFFF80  }
0x1ab: {  	_ =	swait.ge [sflag:s30], $0x80  }
0x1ac: {  	[sflag:s30] =	ssyncset.done $0x0  }
0x1ad: {  	[sflag:s30] =	ssyncadd.s32 $0xFFFFFF80  }
0x1ae: {  	_ =	swait.ge [sflag:s30], $0x80  }
0x1af: {  	[sflag:s30] =	ssyncset.done $0x0  }
0x1b0: {  	[sflag:s30] =	ssyncadd.s32 $0xFFFFFF80  }
0x1b1: {  	_ =	swait.ge [sflag:s30], $0x80  }
0x1b2: {  	[sflag:s30] =	ssyncset.done $0x0  }
0x1b3: {  	[sflag:s30] =	ssyncadd.s32 $0xFFFFFF80  }
0x1b4: {  	_ =	swait.ge [sflag:s30], $0x80  }
0x1b5: {  	[sflag:s30] =	ssyncset.done $0x0  }
0x1b6: {  	[sflag:s30] =	ssyncadd.s32 $0xFFFFFF80  }
0x1b7: {  	_ =	swait.ge [sflag:s30], $0x80  }
0x1b8: {  	[sflag:s30] =	ssyncset.done $0x0  }
0x1b9: {  	[sflag:s30] =	ssyncadd.s32 $0xFFFFFF80  }
0x1ba: {  	_ =	swait.ge [sflag:s30], $0x80  }
0x1bb: {  	[sflag:s30] =	ssyncset.done $0x0  }
0x1bc: {  	[sflag:s30] =	ssyncadd.s32 $0xFFFFFF80  }
0x1bd: {  	_ =	swait.ge [sflag:s30], $0x80  }
0x1be: {  	[sflag:s30] =	ssyncset.done $0x0  }
0x1bf: {  	[sflag:s30] =	ssyncadd.s32 $0xFFFFFF80  }
0x1c0: {  	_ =	swait.ge [sflag:s30], $0x80  }
0x1c1: {  	[sflag:s30] =	ssyncset.done $0x0  }
0x1c2: {  	[sflag:s30] =	ssyncadd.s32 $0xFFFFFF80  }
0x1c3: {  	_ =	swait.ge [sflag:s30], $0x80  }
0x1c4: {  	[sflag:s30] =	ssyncset.done $0x0  }
0x1c5: {  	[sflag:s30] =	ssyncadd.s32 $0xFFFFFF80  }
0x1c6: {  	_ =	swait.ge [sflag:s30], $0x80  }
0x1c7: {  	[sflag:s30] =	ssyncset.done $0x0  }
0x1c8: {  	[sflag:s30] =	ssyncadd.s32 $0xFFFFFF80  }
0x1c9: {  	_ =	swait.ge [sflag:s30], $0x80  }
0x1ca: {  	[sflag:s30] =	ssyncset.done $0x0  }
0x1cb: {  	[sflag:s30] =	ssyncadd.s32 $0xFFFFFF80  }
0x1cc: {  	_ =	swait.ge [sflag:s30], $0x80  }
0x1cd: {  	[sflag:s30] =	ssyncset.done $0x0  }
0x1ce: {  	[sflag:s30] =	ssyncadd.s32 $0xFFFFFF80  }
0x1cf: {  	_ =	swait.ge [sflag:s30], $0x80  }
0x1d0: {  	[sflag:s30] =	ssyncset.done $0x0  }
0x1d1: {  	[sflag:s30] =	ssyncadd.s32 $0xFFFFFF80  }
0x1d2: {  	_ =	swait.ge [sflag:s30], $0x80  }
0x1d3: {  	[sflag:s30] =	ssyncset.done $0x0  }
0x1d4: {  	[sflag:s30] =	ssyncadd.s32 $0xFFFFFF80  }
0x1d5: {  	_ =	swait.ge [sflag:s30], $0x80  }
0x1d6: {  	[sflag:s30] =	ssyncset.done $0x0  }
0x1d7: {  	[sflag:s30] =	ssyncadd.s32 $0xFFFFFF80  }
0x1d8: {  	_ =	swait.ge [sflag:s30], $0x80  }
0x1d9: {  	[sflag:s30] =	ssyncset.done $0x0  }
0x1da: {  	[sflag:s30] =	ssyncadd.s32 $0xFFFFFF80  }
0x1db: {  	_ =	swait.ge [sflag:s30], $0x80  }
0x1dc: {  	[sflag:s30] =	ssyncset.done $0x0  }
0x1dd: {  	[sflag:s30] =	ssyncadd.s32 $0xFFFFFF80  }
0x1de: {  	_ =	swait.ge [sflag:s30], $0x80  }
0x1df: {  	[sflag:s30] =	ssyncset.done $0x0  }
0x1e0: {  	[sflag:s30] =	ssyncadd.s32 $0xFFFFFF80  }
0x1e1: {  	_ =	swait.ge [sflag:s30], $0x80  }
0x1e2: {  	[sflag:s30] =	ssyncset.done $0x0  }
0x1e3: {  	[sflag:s30] =	ssyncadd.s32 $0xFFFFFF80  }
0x1e4: {  	_ =	swait.ge [sflag:s30], $0x80  }
0x1e5: {  	[sflag:s30] =	ssyncset.done $0x0  }
0x1e6: {  	[sflag:s30] =	ssyncadd.s32 $0xFFFFFF80  }
0x1e7: {  	_ =	swait.ge [sflag:s30], $0x80  }
0x1e8: {  	[sflag:s30] =	ssyncset.done $0x0  }
0x1e9: {  	[sflag:s30] =	ssyncadd.s32 $0xFFFFFF80  }
0x1ea: {  	_ =	swait.ge [sflag:s30], $0x80  }
0x1eb: {  	[sflag:s30] =	ssyncset.done $0x0  }
0x1ec: {  	[sflag:s30] =	ssyncadd.s32 $0xFFFFFF80  }
0x1ed: {  	_ =	swait.ge [sflag:s30], $0x80  }
0x1ee: {  	[sflag:s30] =	ssyncset.done $0x0  }
0x1ef: {  	[sflag:s30] =	ssyncadd.s32 $0xFFFFFF80  }
0x1f0: {  	_ =	swait.ge [sflag:s30], $0x80  }
0x1f1: {  	[sflag:s30] =	ssyncset.done $0x0  }
0x1f2: {  	[sflag:s30] =	ssyncadd.s32 $0xFFFFFF80  }
0x1f3: {  	_ =	swait.ge [sflag:s30], $0x80  }
0x1f4: {  	[sflag:s30] =	ssyncset.done $0x0  }
0x1f5: {  	[sflag:s30] =	ssyncadd.s32 $0xFFFFFF80  }
0x1f6: {  	_ =	swait.ge [sflag:s30], $0x80  }
0x1f7: {  	[sflag:s30] =	ssyncset.done $0x0  }
0x1f8: {  	[sflag:s30] =	ssyncadd.s32 $0xFFFFFF80  }
0x1f9: {  	_ =	swait.ge [sflag:s30], $0x80  }
0x1fa: {  	[sflag:s30] =	ssyncset.done $0x0  }
0x1fb: {  	[sflag:s30] =	ssyncadd.s32 $0xFFFFFF80  }
0x1fc: {  	_ =	swait.ge [sflag:s30], $0x80  }
0x1fd: {  	[sflag:s30] =	ssyncset.done $0x0  }
0x1fe: {  	[sflag:s30] =	ssyncadd.s32 $0xFFFFFF80  }
0x1ff: {  	_ =	swait.ge [sflag:s30], $0x80  }
0x200: {  	[sflag:s30] =	ssyncset.done $0x0  }
0x201: {  	[sflag:s30] =	ssyncadd.s32 $0xFFFFFF80  }
0x202: {  	_ =	swait.ge [sflag:s30], $0x80  }
0x203: {  	[sflag:s30] =	ssyncset.done $0x0  }
0x204: {  	[sflag:s30] =	ssyncadd.s32 $0xFFFFFF80  }
0x205: {  	_ =	swait.ge [sflag:s30], $0x80  }
0x206: {  	[sflag:s30] =	ssyncset.done $0x0  }
0x207: {  	[sflag:s30] =	ssyncadd.s32 $0xFFFFFF80  }
0x208: {  	_ =	swait.ge [sflag:s30], $0x80  }
0x209: {  	[sflag:s30] =	ssyncset.done $0x0  }
0x20a: {  	[sflag:s30] =	ssyncadd.s32 $0xFFFFFF80  }
0x20b: {  	_ =	swait.ge [sflag:s30], $0x80  }
0x20c: {  	[sflag:s30] =	ssyncset.done $0x0  }
0x20d: {  	[sflag:s30] =	ssyncadd.s32 $0xFFFFFF80  }
0x20e: {  	_ =	swait.ge [sflag:s30], $0x80  }
0x20f: {  	[sflag:s30] =	ssyncset.done $0x0  }
0x210: {  	[sflag:s30] =	ssyncadd.s32 $0xFFFFFF80  }
0x211: {  	_ =	swait.ge [sflag:s30], $0x80  }
0x212: {  	[sflag:s30] =	ssyncset.done $0x0  }
0x213: {  	[sflag:s30] =	ssyncadd.s32 $0xFFFFFF80  }
0x214: {  	_ =	swait.ge [sflag:s30], $0x80  }
0x215: {  	[sflag:s30] =	ssyncset.done $0x0  }
0x216: {  	[sflag:s30] =	ssyncadd.s32 $0xFFFFFF80  }
0x217: {  	_ =	swait.ge [sflag:s30], $0x80  }
0x218: {  	[sflag:s30] =	ssyncset.done $0x0  }
0x219: {  	[sflag:s30] =	ssyncadd.s32 $0xFFFFFF80  }
0x21a: {  	_ =	swait.ge [sflag:s30], $0x80  }
0x21b: {  	[sflag:s30] =	ssyncset.done $0x0  }
0x21c: {  	[sflag:s30] =	ssyncadd.s32 $0xFFFFFF80  }
0x21d: {  	_ =	swait.ge [sflag:s30], $0x80  }
0x21e: {  	[sflag:s30] =	ssyncset.done $0x0  }
0x21f: {  	[sflag:s30] =	ssyncadd.s32 $0xFFFFFF80  }
0x220: {  	_ =	swait.ge [sflag:s30], $0x80  }
0x221: {  	[sflag:s30] =	ssyncset.done $0x0  }
0x222: {  	[sflag:s30] =	ssyncadd.s32 $0xFFFFFF80  }
0x223: {  	_ =	swait.ge [sflag:s30], $0x80  }
0x224: {  	[sflag:s30] =	ssyncset.done $0x0  }
0x225: {  	[sflag:s30] =	ssyncadd.s32 $0xFFFFFF80  }
0x226: {  	_ =	swait.ge [sflag:s30], $0x80  }
0x227: {  	[sflag:s30] =	ssyncset.done $0x0  }
0x228: {  	[sflag:s30] =	ssyncadd.s32 $0xFFFFFF80  }
0x229: {  	_ =	swait.ge [sflag:s30], $0x80  }
0x22a: {  	[sflag:s30] =	ssyncset.done $0x0  }
0x22b: {  	v0 =	vimm.f32 $0.0e+00;
	[sflag:s30] =	ssyncadd.s32 $0xFFFFFF80  }
0x22c: {  	s7 =	simm.s32 $0x0;
	[tilespmem:$0x13200] =	vst v0  }
0x22d: {  	s0 =	simm.s32 $0x40;
	v1 =	vld [tilespmem:s7+$0x1900]  }
.LBB2_37:
0x22e: {  	p0 =	sne.s32 s0, $0x31C0;
	v2 =	vld [tilespmem:s7+$0x2580];
	_ =	sdelay $0x4  }
0x22f: {  	v1 =	vsub.f32 v2, v1  }
.Ltmp18:
0x230: {  	(pc) =	sbr.rel @p0 .LBB2_37-.Ltmp18, $3  }
0x231: {  	v0 =	vadd.f32 v1, v0;
	_ =	sdelay $0x1  }
0x232: {  	s7 =	sshra.s32 s0, $0x2;
	[tilespmem:$0x13200] =	vst v0  }
0x233: {  	s0 =	sadd.s32 $0x40, s0;
	v1 =	vld [tilespmem:s7+$0x1900]  }
0x234: {  	v2 =	vld [tilespmem:s7+$0x2580];
	_ =	sdelay $0x4  }
0x235: {  	v1 =	vsub.f32 v2, v1;
	_ =	sdelay $0x1  }
0x236: {  	s1 =	sadd.s32 $0x1, s1;
	v0 =	vadd.f32 v1, v0  }
0x237: {  	p0 =	sne.s32 s1, s17  }
.Ltmp19:
0x238: {  	s0 =	rddreg [dreg:$0x5];
	s31 =	simm.s32 $0x13200;
	[tilespmem:$0x13200] =	vst v0;
	(pc) =	sbr.rel @p0 .LBB2_1-.Ltmp19, $4  }
0x239: {  	[hbm4b:s0+s3] =	stream.linear.scatter [tilespmem:s31], [sflag:$0x6], $0x10, $0x38;
	[tilespmem:$0x13210] =	vst v63  }
0x23a: {  	_ =	swait.ge [sflag:s18], $0x10  }
0x23b: {  	[sflag:s18] =	ssyncset.done $0x0  }
0x23c: {  	[sflag:s18] =	ssyncadd.s32 $0xFFFFFFF0  }
0x23d: {  	_ =	sfence.sel $0x180000  }
0x23e: {  	[bflag:$0x0] =	sbarrier.arrive $0xFFFF  }
0x23f: {  	_ =	strace $0x9000004A  }
0x240: {  	s0 =	stileid.u32;
	[bflag:$0x2] =	sbarrier.arrive $0xFFFF  }
0x241: {  	p0 =	sne.s32 s0, $0x0;
	s0 =	rddreg [dreg:$0x2]  }
0x242: {  	s0 =	sadd.s32 @!p0 $0x100000, s0  }
0x243: {  	[sflag:s0] =	ssyncadd.tile.s32 @!p0 $0x1;
	_ =	shalt  }
.Lfunc_end2:
_tile_overlayer_lowered:
.L_overlay_start_2:
0x244: {  	(tag) =	ssettag $0x2  }
0x245: {  	s0 =	rddreg [dreg:$0x0];
	s2 =	stileid.u32  }
0x246: {  	s1 =	rddreg [dreg:$0x1];
	p0 =	sne.s32 s2, $0x0  }
0x247: {  	s3 =	rddreg [dreg:$0x2];
	[bflag:$0x3] =	sbarrier.arrive $0xFFFF;
	s2 =	simm.s32 @!p0 $0x1C06  }
0x248: {  	[timem:s3], [sflag:s2] =	dma.local @!p0 [hbm:s0], s1  }
0x249: {  	s0 =	simm.s32 @!p0 $0x6  }
0x24a: {  	_ =	swait.ge @!p0 [sflag:s0], s1  }
0x24b: {  	s1 =	ssub.s32 @!p0 $0x0, s1;
	[sflag:s0] =	ssyncset.done @!p0 $0x0  }
0x24c: {  	[sflag:s0] =	ssyncadd.s32 @!p0 s1  }
0x24d: {  	[bflag:$0x3] =	sbarrier.arrive $0xFFFF  }
0x24e: {  	_ =	shalt  }

</sc_bundles>
